<compile_context>
chip_gen: v7x
topology: tpu7x:2x2x1
jax: 0.10.2.dev20260603
libtpu: 0.0.44.dev20260713+nightly
codegen_flags: <defaults>
</compile_context>

<pallas_src>
import functools

import jax
import jax.numpy as jnp
from jax import lax
from jax.experimental import pallas as pl
from jax.experimental.pallas import tpu as pltpu
from jax.experimental.pallas import tpu_sc as plsc

B = 8
N = 511
N1 = 512
H = 8
V = 512
L = 16
NC, NS = 2, 16
NW = NC * NS
ROWS_PER_W = (B * N1) // NW
TILES_PER_B = N1 // ROWS_PER_W
G = 32
NGROUPS = ROWS_PER_W // G
GROUP_WORDS = G * N1


SUB = 8


def _gather_row(src_buf, rowv, emb_v, iota, emb1, out_bufs, buf, lr):
    im1 = iota - 1

    @pl.loop(0, N1 // L // SUB)
    def _sub(sb):
        cb = sb * (SUB * L)
        pvs = []
        for k in range(SUB):
            col = jnp.maximum(im1 + (cb + k * L), 0)
            pvs.append(plsc.load_gather(src_buf, [rowv, col]))
        for k in range(SUB):
            out_bufs[buf, lr, pl.ds(cb + k * L, L)] = plsc.load_gather(
                emb_v, [pvs[k]]
            )

    v = out_bufs[buf, lr, pl.ds(0, L)]
    out_bufs[buf, lr, pl.ds(0, L)] = jnp.where(iota == 0, emb1, v)


def _tile_body(pl_hbm, emb_hbm, out_hbm, idx_buf, out_bufs, emb_v,
               sem0, sem1, sem_stage):
    wid = lax.axis_index("s") * NC + lax.axis_index("c")
    b = wid // TILES_PER_B
    i_start = (wid % TILES_PER_B) * ROWS_PER_W
    start_p = jnp.maximum(i_start - 1, 0)

    pltpu.sync_copy(emb_hbm, emb_v)
    stage_head = 24
    pltpu.sync_copy(pl_hbm.at[pl.ds(start_p, stage_head), b, :],
                    idx_buf.at[pl.ds(0, stage_head), :])
    stage_rest = pltpu.async_copy(
        pl_hbm.at[pl.ds(start_p + stage_head, ROWS_PER_W - stage_head), b, :],
        idx_buf.at[pl.ds(stage_head, ROWS_PER_W - stage_head), :],
        sem_stage,
    )

    iota = lax.iota(jnp.int32, L)
    ones = jnp.full((L,), 1, jnp.int32)
    emb1 = plsc.load_gather(emb_v, [ones])

    @pl.when(i_start == 0)
    def _():
        for j in range(N1 // L):
            out_bufs[0, 0, pl.ds(j * L, L)] = emb1

    descs = [None] * NGROUPS
    for g in range(NGROUPS):
        buf = g & 1
        if g == 1:
            stage_rest.wait()
        if g >= 2:
            for d in descs[g - 2]:
                d.wait()
        lo = jnp.where(i_start == 0, 1, 0) if g == 0 else 0

        @pl.loop(lo, G)
        def _row(lr):
            i = i_start + g * G + lr
            rowv = jnp.full((L,), i - 1 - start_p, jnp.int32)
            _gather_row(idx_buf, rowv, emb_v, iota, emb1, out_bufs, buf, lr)

        row0 = i_start + g * G
        descs[g] = [
            pltpu.async_copy(
                out_bufs.at[buf],
                out_hbm.at[b * H + h, pl.ds(row0, G), :],
                sem0 if buf == 0 else sem1,
            )
            for h in range(H)
        ]
    for g in (NGROUPS - 2, NGROUPS - 1):
        for d in descs[g]:
            d.wait()


def kernel(X, mask, path_lengths, path_length_embedding):
    del X, mask
    emb_flat = path_length_embedding.reshape(-1)

    mesh = plsc.VectorSubcoreMesh(
        core_axis_name="c", subcore_axis_name="s", num_cores=NC, num_subcores=NS
    )
    run = functools.partial(
        pl.kernel,
        out_type=jax.ShapeDtypeStruct((B * H, N1, N1), jnp.float32),
        mesh=mesh,
        scratch_types=[
            pltpu.VMEM((ROWS_PER_W, N), jnp.int32),
            pltpu.VMEM((2, G, N1), jnp.float32),
            pltpu.VMEM((V,), jnp.float32),
            pltpu.SemaphoreType.DMA,
            pltpu.SemaphoreType.DMA,
            pltpu.SemaphoreType.DMA,
        ],
        compiler_params=pltpu.CompilerParams(needs_layout_passes=False),
    )(_tile_body)
    return run(jnp.transpose(path_lengths, (1, 0, 2)), emb_flat)

# --- scband reference (transcript-rebuilt; emitter-appended) ---
"""Pipeline reference for scband-shifter-46385646797251 (READ-ONLY COPY).

The authoritative reference and input builder live on the scoring server;
editing this copy changes nothing except your own understanding.
"""

import jax, jax.numpy as jnp
import numpy as np

NUM_HEADS = 8

def setup_inputs(seed: int = 0) -> dict:
    key = jax.random.key(seed)
    k1, k2, k3 = jax.random.split(key, 3)
    X = jax.random.normal(k1, (8, 512, 64), dtype=jnp.float32)
    mask = jnp.ones((8, 512), dtype=bool)
    path_lengths = jax.random.randint(k2, (8, 511, 511), 0, 512).astype(jnp.int32)
    # learned parameter: nn.Embedding(512, 1) weight
    path_length_embedding = jax.random.normal(k3, (512, 1), dtype=jnp.float32) * 0.02
    return {"X": X, "mask": mask, "path_lengths": path_lengths,
            "path_length_embedding": path_length_embedding}

def reference(X, mask, path_lengths, path_length_embedding):
    # Faithful translation of Shifter.forward (active branch)
    B = path_lengths.shape[0]
    N = path_lengths.shape[1]
    distance_mat = jnp.zeros((B, N + 1, N + 1), dtype=jnp.float32)
    distance_mat = distance_mat.at[:, 1:, 1:].set(path_lengths.astype(jnp.float32))
    distance_mat = distance_mat.at[:, 0, :].set(1.0)
    distance_mat = distance_mat.at[:, :, 0].set(1.0)
    idx = distance_mat.astype(jnp.int32)  # .long() cast
    # embedding lookup: gather rows of [512, 1] table, squeeze last dim
    result = jnp.take(path_length_embedding, idx, axis=0).squeeze(-1)  # [B, N+1, N+1]
    # repeat_interleave(num_heads, 0)
    result = jnp.repeat(result, NUM_HEADS, axis=0)  # [B*H, N+1, N+1]
    return result

if __name__ == "__main__":
    import jax
    _d = setup_inputs()
    print(jax.jit(kernel)(*tuple(_d.values())))

</pallas_src>

<mosaic_0001>
#map = affine_map<(d0, d1) -> (0, 0, 0)>
#map1 = affine_map<(d0, d1) -> (0)>
module attributes {stable_mosaic.version = 14 : i64} {
  func.func @_tile_body(%arg0: i32, %arg1: i32, %arg2: memref<511x8x511xi32, #tpu.memory_space<hbm>>, %arg3: memref<512xf32, #tpu.memory_space<hbm>>, %arg4: memref<64x512x512xf32, #tpu.memory_space<hbm>>, %arg5: memref<128x511xi32, #tpu.memory_space<vmem>>, %arg6: memref<2x32x512xf32, #tpu.memory_space<vmem>>, %arg7: memref<512xf32, #tpu.memory_space<vmem>>, %arg8: memref<!tpu.dma_semaphore, #tpu.memory_space<semaphore_mem>>, %arg9: memref<!tpu.dma_semaphore, #tpu.memory_space<semaphore_mem>>, %arg10: memref<!tpu.dma_semaphore, #tpu.memory_space<semaphore_mem>>) attributes {dimension_semantics = [#tpu.dimension_semantics<core_parallel>, #tpu.dimension_semantics<subcore_parallel>], iteration_bounds = array<i64: 2, 16>, scalar_prefetch = 0 : i64, scratch_operands = 6 : i64, tpu.core_type = #tpu.core_type<sc_vector_subcore>, window_params = [{transform_indices = #map}, {transform_indices = #map1}, {transform_indices = #map}]} {
    %mul3A = arith.constant 2 : i32
    %mul3A_0 = arith.muli %arg1, %mul3A : i32
    %add3A = arith.addi %mul3A_0, %arg0 : i32
    %jit3A = arith.constant 4 : i32
    %div3A = arith.divsi %add3A, %jit3A : i32
    %sign3A = arith.constant 0 : i32
    %sign3A_1 = arith.cmpi sgt, %add3A, %sign3A : i32
    %sign3A_2 = arith.extui %sign3A_1 : i1 to i32
    %sign3A_3 = arith.constant 0 : i32
    %sign3A_4 = arith.cmpi slt, %add3A, %sign3A_3 : i32
    %sign3A_5 = arith.extui %sign3A_4 : i1 to i32
    %sign3A_6 = arith.subi %sign3A_2, %sign3A_5 : i32
    %sign3A_7 = arith.constant 0 : i32
    %sign3A_8 = arith.cmpi sgt, %jit3A, %sign3A_7 : i32
    %sign3A_9 = arith.extui %sign3A_8 : i1 to i32
    %sign3A_10 = arith.constant 0 : i32
    %sign3A_11 = arith.cmpi slt, %jit3A, %sign3A_10 : i32
    %sign3A_12 = arith.extui %sign3A_11 : i1 to i32
    %sign3A_13 = arith.subi %sign3A_9, %sign3A_12 : i32
    %ne3A = arith.cmpi ne, %sign3A_6, %sign3A_13 : i32
    %rem3A = arith.remsi %add3A, %jit3A : i32
    %ne3A_14 = arith.constant 0 : i32
    %ne3A_15 = arith.cmpi ne, %rem3A, %ne3A_14 : i32
    %and3A = arith.andi %ne3A, %ne3A_15 : i1
    %sub3A = arith.constant 1 : i32
    %sub3A_16 = arith.subi %div3A, %sub3A : i32
    %select_n3A = arith.select %and3A, %sub3A_16, %div3A : i32
    %jit3A_17 = arith.constant 4 : i32
    %eq3A = arith.constant 0 : i32
    %eq3A_18 = arith.cmpi eq, %jit3A_17, %eq3A : i32
    %jit3A_19 = arith.constant 1 : i32
    %select_n3A_20 = arith.select %eq3A_18, %jit3A_19, %jit3A_17 : i32
    %rem3A_21 = arith.remsi %add3A, %select_n3A_20 : i32
    %ne3A_22 = arith.constant 0 : i32
    %ne3A_23 = arith.cmpi ne, %rem3A_21, %ne3A_22 : i32
    %lt3A = arith.constant 0 : i32
    %lt3A_24 = arith.cmpi slt, %rem3A_21, %lt3A : i32
    %lt3A_25 = arith.constant 0 : i32
    %lt3A_26 = arith.cmpi slt, %select_n3A_20, %lt3A_25 : i32
    %ne3A_27 = arith.xori %lt3A_24, %lt3A_26 : i1
    %and3A_28 = arith.andi %ne3A_27, %ne3A_23 : i1
    %add3A_29 = arith.addi %rem3A_21, %select_n3A_20 : i32
    %select_n3A_30 = arith.select %and3A_28, %add3A_29, %rem3A_21 : i32
    %mul3A_31 = arith.constant 128 : i32
    %mul3A_32 = arith.muli %select_n3A_30, %mul3A_31 : i32
    %sub3A_33 = arith.constant 1 : i32
    %sub3A_34 = arith.subi %mul3A_32, %sub3A_33 : i32
    %max3A = arith.constant 0 : i32
    %max3A_35 = arith.maxsi %sub3A_34, %max3A : i32
    "tpu.region"() ({
      %run_scoped3A = tpu.sem_alloc : memref<!tpu.dma_semaphore, #tpu.memory_space<semaphore_mem>>
      tpu.enqueue_dma source(%arg3 : memref<512xf32, #tpu.memory_space<hbm>>) target(%arg7 : memref<512xf32, #tpu.memory_space<vmem>>) target_semaphore(%run_scoped3A : memref<!tpu.dma_semaphore, #tpu.memory_space<semaphore_mem>>)
      tpu.wait_dma2 semaphore(%run_scoped3A : memref<!tpu.dma_semaphore, #tpu.memory_space<semaphore_mem>>) src(%arg3 : memref<512xf32, #tpu.memory_space<hbm>>) dst(%arg7 : memref<512xf32, #tpu.memory_space<vmem>>)
      tpu.yield
    }) : () -> ()
    "tpu.region"() ({
      %run_scoped3A = tpu.sem_alloc : memref<!tpu.dma_semaphore, #tpu.memory_space<semaphore_mem>>
      %dma_start3A_1196 = arith.constant 0 : i32
      %dma_start3A_1197 = arith.constant 0 : i32
      %dma_start3A_1198 = tpu.memref_slice %arg5[%dma_start3A_1196, %dma_start3A_1197] : memref<128x511xi32, #tpu.memory_space<vmem>> -> memref<24x511xi32, #tpu.memory_space<vmem>>
      %dma_start3A_1199 = arith.constant 0 : i32
      %dma_start3A_1200 = tpu.memref_slice %arg2[%max3A_35, %select_n3A, %dma_start3A_1199] : memref<511x8x511xi32, #tpu.memory_space<hbm>> -> memref<24x1x511xi32, #tpu.memory_space<hbm>>
      %dma_start3A_1201 = tpu.memref_squeeze %dma_start3A_1200 : memref<24x1x511xi32, #tpu.memory_space<hbm>> -> memref<24x511xi32, #tpu.memory_space<hbm>>
      %dma_start3A_1202 = arith.constant 0 : i32
      %dma_start3A_1203 = arith.constant 0 : i32
      %dma_start3A_1204 = tpu.memref_slice %arg5[%dma_start3A_1202, %dma_start3A_1203] : memref<128x511xi32, #tpu.memory_space<vmem>> -> memref<24x511xi32, #tpu.memory_space<vmem>>
      %dma_start3A_1205 = arith.constant 0 : i32
      %dma_start3A_1206 = tpu.memref_slice %arg2[%max3A_35, %select_n3A, %dma_start3A_1205] : memref<511x8x511xi32, #tpu.memory_space<hbm>> -> memref<24x1x511xi32, #tpu.memory_space<hbm>>
      %dma_start3A_1207 = tpu.memref_squeeze %dma_start3A_1206 : memref<24x1x511xi32, #tpu.memory_space<hbm>> -> memref<24x511xi32, #tpu.memory_space<hbm>>
      tpu.enqueue_dma source(%dma_start3A_1207 : memref<24x511xi32, #tpu.memory_space<hbm>>) target(%dma_start3A_1204 : memref<24x511xi32, #tpu.memory_space<vmem>>) target_semaphore(%run_scoped3A : memref<!tpu.dma_semaphore, #tpu.memory_space<semaphore_mem>>)
      %dma_wait3A_1208 = arith.constant 0 : i32
      %dma_wait3A_1209 = arith.constant 0 : i32
      %dma_wait3A_1210 = tpu.memref_slice %arg5[%dma_wait3A_1208, %dma_wait3A_1209] : memref<128x511xi32, #tpu.memory_space<vmem>> -> memref<24x511xi32, #tpu.memory_space<vmem>>
      %dma_wait3A_1211 = arith.constant 0 : i32
      %dma_wait3A_1212 = tpu.memref_slice %arg2[%max3A_35, %select_n3A, %dma_wait3A_1211] : memref<511x8x511xi32, #tpu.memory_space<hbm>> -> memref<24x1x511xi32, #tpu.memory_space<hbm>>
      %dma_wait3A_1213 = tpu.memref_squeeze %dma_wait3A_1212 : memref<24x1x511xi32, #tpu.memory_space<hbm>> -> memref<24x511xi32, #tpu.memory_space<hbm>>
      %dma_wait3A_1214 = arith.constant 0 : i32
      %dma_wait3A_1215 = arith.constant 0 : i32
      %dma_wait3A_1216 = tpu.memref_slice %arg5[%dma_wait3A_1214, %dma_wait3A_1215] : memref<128x511xi32, #tpu.memory_space<vmem>> -> memref<24x511xi32, #tpu.memory_space<vmem>>
      %dma_wait3A_1217 = arith.constant 0 : i32
      %dma_wait3A_1218 = tpu.memref_slice %arg2[%max3A_35, %select_n3A, %dma_wait3A_1217] : memref<511x8x511xi32, #tpu.memory_space<hbm>> -> memref<24x1x511xi32, #tpu.memory_space<hbm>>
      %dma_wait3A_1219 = tpu.memref_squeeze %dma_wait3A_1218 : memref<24x1x511xi32, #tpu.memory_space<hbm>> -> memref<24x511xi32, #tpu.memory_space<hbm>>
      tpu.wait_dma2 semaphore(%run_scoped3A : memref<!tpu.dma_semaphore, #tpu.memory_space<semaphore_mem>>) src(%dma_wait3A_1219 : memref<24x511xi32, #tpu.memory_space<hbm>>) dst(%dma_wait3A_1216 : memref<24x511xi32, #tpu.memory_space<vmem>>)
      tpu.yield
    }) : () -> ()
    %add3A_36 = arith.constant 24 : i32
    %add3A_37 = arith.addi %max3A_35, %add3A_36 : i32
    %dma_start3A = arith.constant 24 : i32
    %dma_start3A_38 = arith.constant 0 : i32
    %dma_start3A_39 = tpu.memref_slice %arg5[%dma_start3A, %dma_start3A_38] : memref<128x511xi32, #tpu.memory_space<vmem>> -> memref<104x511xi32, #tpu.memory_space<vmem>>
    %dma_start3A_40 = arith.constant 0 : i32
    %dma_start3A_41 = tpu.memref_slice %arg2[%add3A_37, %select_n3A, %dma_start3A_40] : memref<511x8x511xi32, #tpu.memory_space<hbm>> -> memref<104x1x511xi32, #tpu.memory_space<hbm>>
    %dma_start3A_42 = tpu.memref_squeeze %dma_start3A_41 : memref<104x1x511xi32, #tpu.memory_space<hbm>> -> memref<104x511xi32, #tpu.memory_space<hbm>>
    %dma_start3A_43 = arith.constant 24 : i32
    %dma_start3A_44 = arith.constant 0 : i32
    %dma_start3A_45 = tpu.memref_slice %arg5[%dma_start3A_43, %dma_start3A_44] : memref<128x511xi32, #tpu.memory_space<vmem>> -> memref<104x511xi32, #tpu.memory_space<vmem>>
    %dma_start3A_46 = arith.constant 0 : i32
    %dma_start3A_47 = tpu.memref_slice %arg2[%add3A_37, %select_n3A, %dma_start3A_46] : memref<511x8x511xi32, #tpu.memory_space<hbm>> -> memref<104x1x511xi32, #tpu.memory_space<hbm>>
    %dma_start3A_48 = tpu.memref_squeeze %dma_start3A_47 : memref<104x1x511xi32, #tpu.memory_space<hbm>> -> memref<104x511xi32, #tpu.memory_space<hbm>>
    tpu.enqueue_dma source(%dma_start3A_48 : memref<104x511xi32, #tpu.memory_space<hbm>>) target(%dma_start3A_45 : memref<104x511xi32, #tpu.memory_space<vmem>>) target_semaphore(%arg10 : memref<!tpu.dma_semaphore, #tpu.memory_space<semaphore_mem>>)
    %iota3A = tpu.iota {dimensions = array<i32: 0>} : vector<16xi32>
    %broadcast_in_dim3A = arith.constant 1 : i32
    %broadcast_in_dim3A_49 = vector.broadcast %broadcast_in_dim3A : i32 to vector<16xi32>
    %gather3A = tpu.vector_load_idx %arg7[%broadcast_in_dim3A_49] : memref<512xf32, #tpu.memory_space<vmem>>[vector<16xi32>], vector<16xf32>,
    %eq3A_50 = arith.constant 0 : i32
    %eq3A_51 = arith.cmpi eq, %mul3A_32, %eq3A_50 : i32
    %convert_element_type3A = arith.extui %eq3A_51 : i1 to i32
    %cond3A = arith.constant 0 : i32
    %cond3A_52 = arith.cmpi ne, %convert_element_type3A, %cond3A : i32
    scf.if %cond3A_52 {
      %swap3A = arith.constant 0 : i32
      %swap3A_1196 = arith.constant 0 : i32
      %swap3A_1197 = arith.index_cast %swap3A : i32 to index
      %swap3A_1198 = arith.index_cast %swap3A_1196 : i32 to index
      %swap3A_1199 = arith.constant 0 : index
      %swap3A_1200 = tpu.vector_load %arg6[%swap3A_1197, %swap3A_1198, %swap3A_1199] {strides = array<i32>} : memref<2x32x512xf32, #tpu.memory_space<vmem>>, vector<16xf32>,
      tpu.vector_store %arg6[%swap3A_1197, %swap3A_1198, %swap3A_1199], %gather3A {strides = array<i32>} : memref<2x32x512xf32, #tpu.memory_space<vmem>>, vector<16xf32>,
      %swap3A_1201 = arith.constant 0 : i32
      %swap3A_1202 = arith.constant 0 : i32
      %swap3A_1203 = arith.index_cast %swap3A_1201 : i32 to index
      %swap3A_1204 = arith.index_cast %swap3A_1202 : i32 to index
      %swap3A_1205 = arith.constant 16 : index
      %swap3A_1206 = tpu.vector_load %arg6[%swap3A_1203, %swap3A_1204, %swap3A_1205] {strides = array<i32>} : memref<2x32x512xf32, #tpu.memory_space<vmem>>, vector<16xf32>,
      tpu.vector_store %arg6[%swap3A_1203, %swap3A_1204, %swap3A_1205], %gather3A {strides = array<i32>} : memref<2x32x512xf32, #tpu.memory_space<vmem>>, vector<16xf32>,
      %swap3A_1207 = arith.constant 0 : i32
      %swap3A_1208 = arith.constant 0 : i32
      %swap3A_1209 = arith.index_cast %swap3A_1207 : i32 to index
      %swap3A_1210 = arith.index_cast %swap3A_1208 : i32 to index
      %swap3A_1211 = arith.constant 32 : index
      %swap3A_1212 = tpu.vector_load %arg6[%swap3A_1209, %swap3A_1210, %swap3A_1211] {strides = array<i32>} : memref<2x32x512xf32, #tpu.memory_space<vmem>>, vector<16xf32>,
      tpu.vector_store %arg6[%swap3A_1209, %swap3A_1210, %swap3A_1211], %gather3A {strides = array<i32>} : memref<2x32x512xf32, #tpu.memory_space<vmem>>, vector<16xf32>,
      %swap3A_1213 = arith.constant 0 : i32
      %swap3A_1214 = arith.constant 0 : i32
      %swap3A_1215 = arith.index_cast %swap3A_1213 : i32 to index
      %swap3A_1216 = arith.index_cast %swap3A_1214 : i32 to index
      %swap3A_1217 = arith.constant 48 : index
      %swap3A_1218 = tpu.vector_load %arg6[%swap3A_1215, %swap3A_1216, %swap3A_1217] {strides = array<i32>} : memref<2x32x512xf32, #tpu.memory_space<vmem>>, vector<16xf32>,
      tpu.vector_store %arg6[%swap3A_1215, %swap3A_1216, %swap3A_1217], %gather3A {strides = array<i32>} : memref<2x32x512xf32, #tpu.memory_space<vmem>>, vector<16xf32>,
      %swap3A_1219 = arith.constant 0 : i32
      %swap3A_1220 = arith.constant 0 : i32
      %swap3A_1221 = arith.index_cast %swap3A_1219 : i32 to index
      %swap3A_1222 = arith.index_cast %swap3A_1220 : i32 to index
      %swap3A_1223 = arith.constant 64 : index
      %swap3A_1224 = tpu.vector_load %arg6[%swap3A_1221, %swap3A_1222, %swap3A_1223] {strides = array<i32>} : memref<2x32x512xf32, #tpu.memory_space<vmem>>, vector<16xf32>,
      tpu.vector_store %arg6[%swap3A_1221, %swap3A_1222, %swap3A_1223], %gather3A {strides = array<i32>} : memref<2x32x512xf32, #tpu.memory_space<vmem>>, vector<16xf32>,
      %swap3A_1225 = arith.constant 0 : i32
      %swap3A_1226 = arith.constant 0 : i32
      %swap3A_1227 = arith.index_cast %swap3A_1225 : i32 to index
      %swap3A_1228 = arith.index_cast %swap3A_1226 : i32 to index
      %swap3A_1229 = arith.constant 80 : index
      %swap3A_1230 = tpu.vector_load %arg6[%swap3A_1227, %swap3A_1228, %swap3A_1229] {strides = array<i32>} : memref<2x32x512xf32, #tpu.memory_space<vmem>>, vector<16xf32>,
      tpu.vector_store %arg6[%swap3A_1227, %swap3A_1228, %swap3A_1229], %gather3A {strides = array<i32>} : memref<2x32x512xf32, #tpu.memory_space<vmem>>, vector<16xf32>,
      %swap3A_1231 = arith.constant 0 : i32
      %swap3A_1232 = arith.constant 0 : i32
      %swap3A_1233 = arith.index_cast %swap3A_1231 : i32 to index
      %swap3A_1234 = arith.index_cast %swap3A_1232 : i32 to index
      %swap3A_1235 = arith.constant 96 : index
      %swap3A_1236 = tpu.vector_load %arg6[%swap3A_1233, %swap3A_1234, %swap3A_1235] {strides = array<i32>} : memref<2x32x512xf32, #tpu.memory_space<vmem>>, vector<16xf32>,
      tpu.vector_store %arg6[%swap3A_1233, %swap3A_1234, %swap3A_1235], %gather3A {strides = array<i32>} : memref<2x32x512xf32, #tpu.memory_space<vmem>>, vector<16xf32>,
      %swap3A_1237 = arith.constant 0 : i32
      %swap3A_1238 = arith.constant 0 : i32
      %swap3A_1239 = arith.index_cast %swap3A_1237 : i32 to index
      %swap3A_1240 = arith.index_cast %swap3A_1238 : i32 to index
      %swap3A_1241 = arith.constant 112 : index
      %swap3A_1242 = tpu.vector_load %arg6[%swap3A_1239, %swap3A_1240, %swap3A_1241] {strides = array<i32>} : memref<2x32x512xf32, #tpu.memory_space<vmem>>, vector<16xf32>,
      tpu.vector_store %arg6[%swap3A_1239, %swap3A_1240, %swap3A_1241], %gather3A {strides = array<i32>} : memref<2x32x512xf32, #tpu.memory_space<vmem>>, vector<16xf32>,
      %swap3A_1243 = arith.constant 0 : i32
      %swap3A_1244 = arith.constant 0 : i32
      %swap3A_1245 = arith.index_cast %swap3A_1243 : i32 to index
      %swap3A_1246 = arith.index_cast %swap3A_1244 : i32 to index
      %swap3A_1247 = arith.constant 128 : index
      %swap3A_1248 = tpu.vector_load %arg6[%swap3A_1245, %swap3A_1246, %swap3A_1247] {strides = array<i32>} : memref<2x32x512xf32, #tpu.memory_space<vmem>>, vector<16xf32>,
      tpu.vector_store %arg6[%swap3A_1245, %swap3A_1246, %swap3A_1247], %gather3A {strides = array<i32>} : memref<2x32x512xf32, #tpu.memory_space<vmem>>, vector<16xf32>,
      %swap3A_1249 = arith.constant 0 : i32
      %swap3A_1250 = arith.constant 0 : i32
      %swap3A_1251 = arith.index_cast %swap3A_1249 : i32 to index
      %swap3A_1252 = arith.index_cast %swap3A_1250 : i32 to index
      %swap3A_1253 = arith.constant 144 : index
      %swap3A_1254 = tpu.vector_load %arg6[%swap3A_1251, %swap3A_1252, %swap3A_1253] {strides = array<i32>} : memref<2x32x512xf32, #tpu.memory_space<vmem>>, vector<16xf32>,
      tpu.vector_store %arg6[%swap3A_1251, %swap3A_1252, %swap3A_1253], %gather3A {strides = array<i32>} : memref<2x32x512xf32, #tpu.memory_space<vmem>>, vector<16xf32>,
      %swap3A_1255 = arith.constant 0 : i32
      %swap3A_1256 = arith.constant 0 : i32
      %swap3A_1257 = arith.index_cast %swap3A_1255 : i32 to index
      %swap3A_1258 = arith.index_cast %swap3A_1256 : i32 to index
      %swap3A_1259 = arith.constant 160 : index
      %swap3A_1260 = tpu.vector_load %arg6[%swap3A_1257, %swap3A_1258, %swap3A_1259] {strides = array<i32>} : memref<2x32x512xf32, #tpu.memory_space<vmem>>, vector<16xf32>,
      tpu.vector_store %arg6[%swap3A_1257, %swap3A_1258, %swap3A_1259], %gather3A {strides = array<i32>} : memref<2x32x512xf32, #tpu.memory_space<vmem>>, vector<16xf32>,
      %swap3A_1261 = arith.constant 0 : i32
      %swap3A_1262 = arith.constant 0 : i32
      %swap3A_1263 = arith.index_cast %swap3A_1261 : i32 to index
      %swap3A_1264 = arith.index_cast %swap3A_1262 : i32 to index
      %swap3A_1265 = arith.constant 176 : index
      %swap3A_1266 = tpu.vector_load %arg6[%swap3A_1263, %swap3A_1264, %swap3A_1265] {strides = array<i32>} : memref<2x32x512xf32, #tpu.memory_space<vmem>>, vector<16xf32>,
      tpu.vector_store %arg6[%swap3A_1263, %swap3A_1264, %swap3A_1265], %gather3A {strides = array<i32>} : memref<2x32x512xf32, #tpu.memory_space<vmem>>, vector<16xf32>,
      %swap3A_1267 = arith.constant 0 : i32
      %swap3A_1268 = arith.constant 0 : i32
      %swap3A_1269 = arith.index_cast %swap3A_1267 : i32 to index
      %swap3A_1270 = arith.index_cast %swap3A_1268 : i32 to index
      %swap3A_1271 = arith.constant 192 : index
      %swap3A_1272 = tpu.vector_load %arg6[%swap3A_1269, %swap3A_1270, %swap3A_1271] {strides = array<i32>} : memref<2x32x512xf32, #tpu.memory_space<vmem>>, vector<16xf32>,
      tpu.vector_store %arg6[%swap3A_1269, %swap3A_1270, %swap3A_1271], %gather3A {strides = array<i32>} : memref<2x32x512xf32, #tpu.memory_space<vmem>>, vector<16xf32>,
      %swap3A_1273 = arith.constant 0 : i32
      %swap3A_1274 = arith.constant 0 : i32
      %swap3A_1275 = arith.index_cast %swap3A_1273 : i32 to index
      %swap3A_1276 = arith.index_cast %swap3A_1274 : i32 to index
      %swap3A_1277 = arith.constant 208 : index
      %swap3A_1278 = tpu.vector_load %arg6[%swap3A_1275, %swap3A_1276, %swap3A_1277] {strides = array<i32>} : memref<2x32x512xf32, #tpu.memory_space<vmem>>, vector<16xf32>,
      tpu.vector_store %arg6[%swap3A_1275, %swap3A_1276, %swap3A_1277], %gather3A {strides = array<i32>} : memref<2x32x512xf32, #tpu.memory_space<vmem>>, vector<16xf32>,
      %swap3A_1279 = arith.constant 0 : i32
      %swap3A_1280 = arith.constant 0 : i32
      %swap3A_1281 = arith.index_cast %swap3A_1279 : i32 to index
      %swap3A_1282 = arith.index_cast %swap3A_1280 : i32 to index
      %swap3A_1283 = arith.constant 224 : index
      %swap3A_1284 = tpu.vector_load %arg6[%swap3A_1281, %swap3A_1282, %swap3A_1283] {strides = array<i32>} : memref<2x32x512xf32, #tpu.memory_space<vmem>>, vector<16xf32>,
      tpu.vector_store %arg6[%swap3A_1281, %swap3A_1282, %swap3A_1283], %gather3A {strides = array<i32>} : memref<2x32x512xf32, #tpu.memory_space<vmem>>, vector<16xf32>,
      %swap3A_1285 = arith.constant 0 : i32
      %swap3A_1286 = arith.constant 0 : i32
      %swap3A_1287 = arith.index_cast %swap3A_1285 : i32 to index
      %swap3A_1288 = arith.index_cast %swap3A_1286 : i32 to index
      %swap3A_1289 = arith.constant 240 : index
      %swap3A_1290 = tpu.vector_load %arg6[%swap3A_1287, %swap3A_1288, %swap3A_1289] {strides = array<i32>} : memref<2x32x512xf32, #tpu.memory_space<vmem>>, vector<16xf32>,
      tpu.vector_store %arg6[%swap3A_1287, %swap3A_1288, %swap3A_1289], %gather3A {strides = array<i32>} : memref<2x32x512xf32, #tpu.memory_space<vmem>>, vector<16xf32>,
      %swap3A_1291 = arith.constant 0 : i32
      %swap3A_1292 = arith.constant 0 : i32
      %swap3A_1293 = arith.index_cast %swap3A_1291 : i32 to index
      %swap3A_1294 = arith.index_cast %swap3A_1292 : i32 to index
      %swap3A_1295 = arith.constant 256 : index
      %swap3A_1296 = tpu.vector_load %arg6[%swap3A_1293, %swap3A_1294, %swap3A_1295] {strides = array<i32>} : memref<2x32x512xf32, #tpu.memory_space<vmem>>, vector<16xf32>,
      tpu.vector_store %arg6[%swap3A_1293, %swap3A_1294, %swap3A_1295], %gather3A {strides = array<i32>} : memref<2x32x512xf32, #tpu.memory_space<vmem>>, vector<16xf32>,
      %swap3A_1297 = arith.constant 0 : i32
      %swap3A_1298 = arith.constant 0 : i32
      %swap3A_1299 = arith.index_cast %swap3A_1297 : i32 to index
      %swap3A_1300 = arith.index_cast %swap3A_1298 : i32 to index
      %swap3A_1301 = arith.constant 272 : index
      %swap3A_1302 = tpu.vector_load %arg6[%swap3A_1299, %swap3A_1300, %swap3A_1301] {strides = array<i32>} : memref<2x32x512xf32, #tpu.memory_space<vmem>>, vector<16xf32>,
      tpu.vector_store %arg6[%swap3A_1299, %swap3A_1300, %swap3A_1301], %gather3A {strides = array<i32>} : memref<2x32x512xf32, #tpu.memory_space<vmem>>, vector<16xf32>,
      %swap3A_1303 = arith.constant 0 : i32
      %swap3A_1304 = arith.constant 0 : i32
      %swap3A_1305 = arith.index_cast %swap3A_1303 : i32 to index
      %swap3A_1306 = arith.index_cast %swap3A_1304 : i32 to index
      %swap3A_1307 = arith.constant 288 : index
      %swap3A_1308 = tpu.vector_load %arg6[%swap3A_1305, %swap3A_1306, %swap3A_1307] {strides = array<i32>} : memref<2x32x512xf32, #tpu.memory_space<vmem>>, vector<16xf32>,
      tpu.vector_store %arg6[%swap3A_1305, %swap3A_1306, %swap3A_1307], %gather3A {strides = array<i32>} : memref<2x32x512xf32, #tpu.memory_space<vmem>>, vector<16xf32>,
      %swap3A_1309 = arith.constant 0 : i32
      %swap3A_1310 = arith.constant 0 : i32
      %swap3A_1311 = arith.index_cast %swap3A_1309 : i32 to index
      %swap3A_1312 = arith.index_cast %swap3A_1310 : i32 to index
      %swap3A_1313 = arith.constant 304 : index
      %swap3A_1314 = tpu.vector_load %arg6[%swap3A_1311, %swap3A_1312, %swap3A_1313] {strides = array<i32>} : memref<2x32x512xf32, #tpu.memory_space<vmem>>, vector<16xf32>,
      tpu.vector_store %arg6[%swap3A_1311, %swap3A_1312, %swap3A_1313], %gather3A {strides = array<i32>} : memref<2x32x512xf32, #tpu.memory_space<vmem>>, vector<16xf32>,
      %swap3A_1315 = arith.constant 0 : i32
      %swap3A_1316 = arith.constant 0 : i32
      %swap3A_1317 = arith.index_cast %swap3A_1315 : i32 to index
      %swap3A_1318 = arith.index_cast %swap3A_1316 : i32 to index
      %swap3A_1319 = arith.constant 320 : index
      %swap3A_1320 = tpu.vector_load %arg6[%swap3A_1317, %swap3A_1318, %swap3A_1319] {strides = array<i32>} : memref<2x32x512xf32, #tpu.memory_space<vmem>>, vector<16xf32>,
      tpu.vector_store %arg6[%swap3A_1317, %swap3A_1318, %swap3A_1319], %gather3A {strides = array<i32>} : memref<2x32x512xf32, #tpu.memory_space<vmem>>, vector<16xf32>,
      %swap3A_1321 = arith.constant 0 : i32
      %swap3A_1322 = arith.constant 0 : i32
      %swap3A_1323 = arith.index_cast %swap3A_1321 : i32 to index
      %swap3A_1324 = arith.index_cast %swap3A_1322 : i32 to index
      %swap3A_1325 = arith.constant 336 : index
      %swap3A_1326 = tpu.vector_load %arg6[%swap3A_1323, %swap3A_1324, %swap3A_1325] {strides = array<i32>} : memref<2x32x512xf32, #tpu.memory_space<vmem>>, vector<16xf32>,
      tpu.vector_store %arg6[%swap3A_1323, %swap3A_1324, %swap3A_1325], %gather3A {strides = array<i32>} : memref<2x32x512xf32, #tpu.memory_space<vmem>>, vector<16xf32>,
      %swap3A_1327 = arith.constant 0 : i32
      %swap3A_1328 = arith.constant 0 : i32
      %swap3A_1329 = arith.index_cast %swap3A_1327 : i32 to index
      %swap3A_1330 = arith.index_cast %swap3A_1328 : i32 to index
      %swap3A_1331 = arith.constant 352 : index
      %swap3A_1332 = tpu.vector_load %arg6[%swap3A_1329, %swap3A_1330, %swap3A_1331] {strides = array<i32>} : memref<2x32x512xf32, #tpu.memory_space<vmem>>, vector<16xf32>,
      tpu.vector_store %arg6[%swap3A_1329, %swap3A_1330, %swap3A_1331], %gather3A {strides = array<i32>} : memref<2x32x512xf32, #tpu.memory_space<vmem>>, vector<16xf32>,
      %swap3A_1333 = arith.constant 0 : i32
      %swap3A_1334 = arith.constant 0 : i32
      %swap3A_1335 = arith.index_cast %swap3A_1333 : i32 to index
      %swap3A_1336 = arith.index_cast %swap3A_1334 : i32 to index
      %swap3A_1337 = arith.constant 368 : index
      %swap3A_1338 = tpu.vector_load %arg6[%swap3A_1335, %swap3A_1336, %swap3A_1337] {strides = array<i32>} : memref<2x32x512xf32, #tpu.memory_space<vmem>>, vector<16xf32>,
      tpu.vector_store %arg6[%swap3A_1335, %swap3A_1336, %swap3A_1337], %gather3A {strides = array<i32>} : memref<2x32x512xf32, #tpu.memory_space<vmem>>, vector<16xf32>,
      %swap3A_1339 = arith.constant 0 : i32
      %swap3A_1340 = arith.constant 0 : i32
      %swap3A_1341 = arith.index_cast %swap3A_1339 : i32 to index
      %swap3A_1342 = arith.index_cast %swap3A_1340 : i32 to index
      %swap3A_1343 = arith.constant 384 : index
      %swap3A_1344 = tpu.vector_load %arg6[%swap3A_1341, %swap3A_1342, %swap3A_1343] {strides = array<i32>} : memref<2x32x512xf32, #tpu.memory_space<vmem>>, vector<16xf32>,
      tpu.vector_store %arg6[%swap3A_1341, %swap3A_1342, %swap3A_1343], %gather3A {strides = array<i32>} : memref<2x32x512xf32, #tpu.memory_space<vmem>>, vector<16xf32>,
      %swap3A_1345 = arith.constant 0 : i32
      %swap3A_1346 = arith.constant 0 : i32
      %swap3A_1347 = arith.index_cast %swap3A_1345 : i32 to index
      %swap3A_1348 = arith.index_cast %swap3A_1346 : i32 to index
      %swap3A_1349 = arith.constant 400 : index
      %swap3A_1350 = tpu.vector_load %arg6[%swap3A_1347, %swap3A_1348, %swap3A_1349] {strides = array<i32>} : memref<2x32x512xf32, #tpu.memory_space<vmem>>, vector<16xf32>,
      tpu.vector_store %arg6[%swap3A_1347, %swap3A_1348, %swap3A_1349], %gather3A {strides = array<i32>} : memref<2x32x512xf32, #tpu.memory_space<vmem>>, vector<16xf32>,
      %swap3A_1351 = arith.constant 0 : i32
      %swap3A_1352 = arith.constant 0 : i32
      %swap3A_1353 = arith.index_cast %swap3A_1351 : i32 to index
      %swap3A_1354 = arith.index_cast %swap3A_1352 : i32 to index
      %swap3A_1355 = arith.constant 416 : index
      %swap3A_1356 = tpu.vector_load %arg6[%swap3A_1353, %swap3A_1354, %swap3A_1355] {strides = array<i32>} : memref<2x32x512xf32, #tpu.memory_space<vmem>>, vector<16xf32>,
      tpu.vector_store %arg6[%swap3A_1353, %swap3A_1354, %swap3A_1355], %gather3A {strides = array<i32>} : memref<2x32x512xf32, #tpu.memory_space<vmem>>, vector<16xf32>,
      %swap3A_1357 = arith.constant 0 : i32
      %swap3A_1358 = arith.constant 0 : i32
      %swap3A_1359 = arith.index_cast %swap3A_1357 : i32 to index
      %swap3A_1360 = arith.index_cast %swap3A_1358 : i32 to index
      %swap3A_1361 = arith.constant 432 : index
      %swap3A_1362 = tpu.vector_load %arg6[%swap3A_1359, %swap3A_1360, %swap3A_1361] {strides = array<i32>} : memref<2x32x512xf32, #tpu.memory_space<vmem>>, vector<16xf32>,
      tpu.vector_store %arg6[%swap3A_1359, %swap3A_1360, %swap3A_1361], %gather3A {strides = array<i32>} : memref<2x32x512xf32, #tpu.memory_space<vmem>>, vector<16xf32>,
      %swap3A_1363 = arith.constant 0 : i32
      %swap3A_1364 = arith.constant 0 : i32
      %swap3A_1365 = arith.index_cast %swap3A_1363 : i32 to index
      %swap3A_1366 = arith.index_cast %swap3A_1364 : i32 to index
      %swap3A_1367 = arith.constant 448 : index
      %swap3A_1368 = tpu.vector_load %arg6[%swap3A_1365, %swap3A_1366, %swap3A_1367] {strides = array<i32>} : memref<2x32x512xf32, #tpu.memory_space<vmem>>, vector<16xf32>,
      tpu.vector_store %arg6[%swap3A_1365, %swap3A_1366, %swap3A_1367], %gather3A {strides = array<i32>} : memref<2x32x512xf32, #tpu.memory_space<vmem>>, vector<16xf32>,
      %swap3A_1369 = arith.constant 0 : i32
      %swap3A_1370 = arith.constant 0 : i32
      %swap3A_1371 = arith.index_cast %swap3A_1369 : i32 to index
      %swap3A_1372 = arith.index_cast %swap3A_1370 : i32 to index
      %swap3A_1373 = arith.constant 464 : index
      %swap3A_1374 = tpu.vector_load %arg6[%swap3A_1371, %swap3A_1372, %swap3A_1373] {strides = array<i32>} : memref<2x32x512xf32, #tpu.memory_space<vmem>>, vector<16xf32>,
      tpu.vector_store %arg6[%swap3A_1371, %swap3A_1372, %swap3A_1373], %gather3A {strides = array<i32>} : memref<2x32x512xf32, #tpu.memory_space<vmem>>, vector<16xf32>,
      %swap3A_1375 = arith.constant 0 : i32
      %swap3A_1376 = arith.constant 0 : i32
      %swap3A_1377 = arith.index_cast %swap3A_1375 : i32 to index
      %swap3A_1378 = arith.index_cast %swap3A_1376 : i32 to index
      %swap3A_1379 = arith.constant 480 : index
      %swap3A_1380 = tpu.vector_load %arg6[%swap3A_1377, %swap3A_1378, %swap3A_1379] {strides = array<i32>} : memref<2x32x512xf32, #tpu.memory_space<vmem>>, vector<16xf32>,
      tpu.vector_store %arg6[%swap3A_1377, %swap3A_1378, %swap3A_1379], %gather3A {strides = array<i32>} : memref<2x32x512xf32, #tpu.memory_space<vmem>>, vector<16xf32>,
      %swap3A_1381 = arith.constant 0 : i32
      %swap3A_1382 = arith.constant 0 : i32
      %swap3A_1383 = arith.index_cast %swap3A_1381 : i32 to index
      %swap3A_1384 = arith.index_cast %swap3A_1382 : i32 to index
      %swap3A_1385 = arith.constant 496 : index
      %swap3A_1386 = tpu.vector_load %arg6[%swap3A_1383, %swap3A_1384, %swap3A_1385] {strides = array<i32>} : memref<2x32x512xf32, #tpu.memory_space<vmem>>, vector<16xf32>,
      tpu.vector_store %arg6[%swap3A_1383, %swap3A_1384, %swap3A_1385], %gather3A {strides = array<i32>} : memref<2x32x512xf32, #tpu.memory_space<vmem>>, vector<16xf32>,
    } else {
    }
    %eq3A_53 = arith.constant 0 : i32
    %eq3A_54 = arith.cmpi eq, %mul3A_32, %eq3A_53 : i32
    %jit3A_55 = arith.constant 1 : i32
    %jit3A_56 = arith.constant 0 : i32
    %select_n3A_57 = arith.select %eq3A_54, %jit3A_55, %jit3A_56 : i32
    %sub3A_58 = arith.constant 32 : i32
    %sub3A_59 = arith.subi %sub3A_58, %select_n3A_57 : i32
    %sub3A_60 = arith.constant 1 : i32
    %sub3A_61 = arith.constant 1 : i32
    %sub3A_62 = arith.subi %sub3A_60, %sub3A_61 : i32
    %add3A_63 = arith.addi %sub3A_59, %sub3A_62 : i32
    %div3A_64 = arith.constant 1 : i32
    %div3A_65 = arith.divsi %add3A_63, %div3A_64 : i32
    %while3A = arith.constant 1 : i32
    %while3A_66 = arith.constant 0 : i32
    %while3A_67 = arith.subi %div3A_65, %while3A_66 : i32
    %while3A_68 = arith.addi %while3A_66, %while3A_67 : i32
    %while3A_69 = arith.constant 1 : i32
    %while3A_70 = arith.divsi %while3A_67, %while3A_69 : i32
    %while3A_71 = arith.muli %while3A_70, %while3A_69 : i32
    %while3A_72 = arith.addi %while3A_66, %while3A_71 : i32
    %while3A_73 = arith.constant 1 : i32
    scf.for %while3A_1196 = %while3A_66 to %while3A_72 step %while3A_73  : i32 {
      %mul3A_1197 = arith.muli %while3A_1196, %while3A : i32
      %add3A_1198 = arith.addi %select_n3A_57, %mul3A_1197 : i32
      %add3A_1199 = arith.constant 0 : i32
      %add3A_1200 = arith.addi %mul3A_32, %add3A_1199 : i32
      %add3A_1201 = arith.addi %add3A_1200, %add3A_1198 : i32
      %sub3A_1202 = arith.constant 1 : i32
      %sub3A_1203 = arith.subi %add3A_1201, %sub3A_1202 : i32
      %sub3A_1204 = arith.subi %sub3A_1203, %max3A_35 : i32
      %broadcast_in_dim3A_1205 = vector.broadcast %sub3A_1204 : i32 to vector<16xi32>
      %sub3A_1206 = arith.constant 1 : i32
      %sub3A_1207 = vector.broadcast %sub3A_1206 : i32 to vector<16xi32>
      %sub3A_1208 = arith.subi %iota3A, %sub3A_1207 : vector<16xi32>
      %scan3A_1209 = arith.constant 0 : i32
      %scan3A_1210 = arith.constant 4 : i32
      %scan3A_1211 = arith.addi %scan3A_1209, %scan3A_1210 : i32
      %scan3A_1212 = arith.constant 1 : i32
      scf.for %scan3A_1226 = %scan3A_1209 to %scan3A_1211 step %scan3A_1212  : i32 {
        %mul3A_1227 = arith.constant 1 : i32
        %mul3A_1228 = arith.muli %scan3A_1226, %mul3A_1227 : i32
        %add3A_1229 = arith.constant 0 : i32
        %add3A_1230 = arith.addi %add3A_1229, %mul3A_1228 : i32
        %mul3A_1231 = arith.constant 128 : i32
        %mul3A_1232 = arith.muli %add3A_1230, %mul3A_1231 : i32
        %add3A_1233 = arith.constant 0 : i32
        %add3A_1234 = arith.addi %mul3A_1232, %add3A_1233 : i32
        %add3A_1235 = vector.broadcast %add3A_1234 : i32 to vector<16xi32>
        %add3A_1236 = arith.addi %sub3A_1208, %add3A_1235 : vector<16xi32>
        %max3A_1237 = arith.constant 0 : i32
        %max3A_1238 = vector.broadcast %max3A_1237 : i32 to vector<16xi32>
        %max3A_1239 = arith.maxsi %add3A_1236, %max3A_1238 : vector<16xi32>
        %gather3A_1240 = tpu.vector_load_idx %arg5[%broadcast_in_dim3A_1205, %max3A_1239] : memref<128x511xi32, #tpu.memory_space<vmem>>[vector<16xi32>, vector<16xi32>], vector<16xi32>,
        %add3A_1241 = arith.constant 16 : i32
        %add3A_1242 = arith.addi %mul3A_1232, %add3A_1241 : i32
        %add3A_1243 = vector.broadcast %add3A_1242 : i32 to vector<16xi32>
        %add3A_1244 = arith.addi %sub3A_1208, %add3A_1243 : vector<16xi32>
        %max3A_1245 = arith.constant 0 : i32
        %max3A_1246 = vector.broadcast %max3A_1245 : i32 to vector<16xi32>
        %max3A_1247 = arith.maxsi %add3A_1244, %max3A_1246 : vector<16xi32>
        %gather3A_1248 = tpu.vector_load_idx %arg5[%broadcast_in_dim3A_1205, %max3A_1247] : memref<128x511xi32, #tpu.memory_space<vmem>>[vector<16xi32>, vector<16xi32>], vector<16xi32>,
        %add3A_1249 = arith.constant 32 : i32
        %add3A_1250 = arith.addi %mul3A_1232, %add3A_1249 : i32
        %add3A_1251 = vector.broadcast %add3A_1250 : i32 to vector<16xi32>
        %add3A_1252 = arith.addi %sub3A_1208, %add3A_1251 : vector<16xi32>
        %max3A_1253 = arith.constant 0 : i32
        %max3A_1254 = vector.broadcast %max3A_1253 : i32 to vector<16xi32>
        %max3A_1255 = arith.maxsi %add3A_1252, %max3A_1254 : vector<16xi32>
        %gather3A_1256 = tpu.vector_load_idx %arg5[%broadcast_in_dim3A_1205, %max3A_1255] : memref<128x511xi32, #tpu.memory_space<vmem>>[vector<16xi32>, vector<16xi32>], vector<16xi32>,
        %add3A_1257 = arith.constant 48 : i32
        %add3A_1258 = arith.addi %mul3A_1232, %add3A_1257 : i32
        %add3A_1259 = vector.broadcast %add3A_1258 : i32 to vector<16xi32>
        %add3A_1260 = arith.addi %sub3A_1208, %add3A_1259 : vector<16xi32>
        %max3A_1261 = arith.constant 0 : i32
        %max3A_1262 = vector.broadcast %max3A_1261 : i32 to vector<16xi32>
        %max3A_1263 = arith.maxsi %add3A_1260, %max3A_1262 : vector<16xi32>
        %gather3A_1264 = tpu.vector_load_idx %arg5[%broadcast_in_dim3A_1205, %max3A_1263] : memref<128x511xi32, #tpu.memory_space<vmem>>[vector<16xi32>, vector<16xi32>], vector<16xi32>,
        %add3A_1265 = arith.constant 64 : i32
        %add3A_1266 = arith.addi %mul3A_1232, %add3A_1265 : i32
        %add3A_1267 = vector.broadcast %add3A_1266 : i32 to vector<16xi32>
        %add3A_1268 = arith.addi %sub3A_1208, %add3A_1267 : vector<16xi32>
        %max3A_1269 = arith.constant 0 : i32
        %max3A_1270 = vector.broadcast %max3A_1269 : i32 to vector<16xi32>
        %max3A_1271 = arith.maxsi %add3A_1268, %max3A_1270 : vector<16xi32>
        %gather3A_1272 = tpu.vector_load_idx %arg5[%broadcast_in_dim3A_1205, %max3A_1271] : memref<128x511xi32, #tpu.memory_space<vmem>>[vector<16xi32>, vector<16xi32>], vector<16xi32>,
        %add3A_1273 = arith.constant 80 : i32
        %add3A_1274 = arith.addi %mul3A_1232, %add3A_1273 : i32
        %add3A_1275 = vector.broadcast %add3A_1274 : i32 to vector<16xi32>
        %add3A_1276 = arith.addi %sub3A_1208, %add3A_1275 : vector<16xi32>
        %max3A_1277 = arith.constant 0 : i32
        %max3A_1278 = vector.broadcast %max3A_1277 : i32 to vector<16xi32>
        %max3A_1279 = arith.maxsi %add3A_1276, %max3A_1278 : vector<16xi32>
        %gather3A_1280 = tpu.vector_load_idx %arg5[%broadcast_in_dim3A_1205, %max3A_1279] : memref<128x511xi32, #tpu.memory_space<vmem>>[vector<16xi32>, vector<16xi32>], vector<16xi32>,
        %add3A_1281 = arith.constant 96 : i32
        %add3A_1282 = arith.addi %mul3A_1232, %add3A_1281 : i32
        %add3A_1283 = vector.broadcast %add3A_1282 : i32 to vector<16xi32>
        %add3A_1284 = arith.addi %sub3A_1208, %add3A_1283 : vector<16xi32>
        %max3A_1285 = arith.constant 0 : i32
        %max3A_1286 = vector.broadcast %max3A_1285 : i32 to vector<16xi32>
        %max3A_1287 = arith.maxsi %add3A_1284, %max3A_1286 : vector<16xi32>
        %gather3A_1288 = tpu.vector_load_idx %arg5[%broadcast_in_dim3A_1205, %max3A_1287] : memref<128x511xi32, #tpu.memory_space<vmem>>[vector<16xi32>, vector<16xi32>], vector<16xi32>,
        %add3A_1289 = arith.constant 112 : i32
        %add3A_1290 = arith.addi %mul3A_1232, %add3A_1289 : i32
        %add3A_1291 = vector.broadcast %add3A_1290 : i32 to vector<16xi32>
        %add3A_1292 = arith.addi %sub3A_1208, %add3A_1291 : vector<16xi32>
        %max3A_1293 = arith.constant 0 : i32
        %max3A_1294 = vector.broadcast %max3A_1293 : i32 to vector<16xi32>
        %max3A_1295 = arith.maxsi %add3A_1292, %max3A_1294 : vector<16xi32>
        %gather3A_1296 = tpu.vector_load_idx %arg5[%broadcast_in_dim3A_1205, %max3A_1295] : memref<128x511xi32, #tpu.memory_space<vmem>>[vector<16xi32>, vector<16xi32>], vector<16xi32>,
        %gather3A_1297 = tpu.vector_load_idx %arg7[%gather3A_1240] : memref<512xf32, #tpu.memory_space<vmem>>[vector<16xi32>], vector<16xf32>,
        %add3A_1298 = arith.constant 0 : i32
        %add3A_1299 = arith.addi %mul3A_1232, %add3A_1298 : i32
        %swap3A_1300 = arith.constant 0 : i32
        %swap3A_1301 = arith.index_cast %swap3A_1300 : i32 to index
        %swap3A_1302 = arith.index_cast %add3A_1198 : i32 to index
        %swap3A_1303 = arith.index_cast %add3A_1299 : i32 to index
        %swap3A_1304 = tpu.vector_load %arg6[%swap3A_1301, %swap3A_1302, %swap3A_1303] {strides = array<i32>} : memref<2x32x512xf32, #tpu.memory_space<vmem>>, vector<16xf32>,
        tpu.vector_store %arg6[%swap3A_1301, %swap3A_1302, %swap3A_1303], %gather3A_1297 {strides = array<i32>} : memref<2x32x512xf32, #tpu.memory_space<vmem>>, vector<16xf32>,
        %gather3A_1305 = tpu.vector_load_idx %arg7[%gather3A_1248] : memref<512xf32, #tpu.memory_space<vmem>>[vector<16xi32>], vector<16xf32>,
        %add3A_1306 = arith.constant 16 : i32
        %add3A_1307 = arith.addi %mul3A_1232, %add3A_1306 : i32
        %swap3A_1308 = arith.constant 0 : i32
        %swap3A_1309 = arith.index_cast %swap3A_1308 : i32 to index
        %swap3A_1310 = arith.index_cast %add3A_1198 : i32 to index
        %swap3A_1311 = arith.index_cast %add3A_1307 : i32 to index
        %swap3A_1312 = tpu.vector_load %arg6[%swap3A_1309, %swap3A_1310, %swap3A_1311] {strides = array<i32>} : memref<2x32x512xf32, #tpu.memory_space<vmem>>, vector<16xf32>,
        tpu.vector_store %arg6[%swap3A_1309, %swap3A_1310, %swap3A_1311], %gather3A_1305 {strides = array<i32>} : memref<2x32x512xf32, #tpu.memory_space<vmem>>, vector<16xf32>,
        %gather3A_1313 = tpu.vector_load_idx %arg7[%gather3A_1256] : memref<512xf32, #tpu.memory_space<vmem>>[vector<16xi32>], vector<16xf32>,
        %add3A_1314 = arith.constant 32 : i32
        %add3A_1315 = arith.addi %mul3A_1232, %add3A_1314 : i32
        %swap3A_1316 = arith.constant 0 : i32
        %swap3A_1317 = arith.index_cast %swap3A_1316 : i32 to index
        %swap3A_1318 = arith.index_cast %add3A_1198 : i32 to index
        %swap3A_1319 = arith.index_cast %add3A_1315 : i32 to index
        %swap3A_1320 = tpu.vector_load %arg6[%swap3A_1317, %swap3A_1318, %swap3A_1319] {strides = array<i32>} : memref<2x32x512xf32, #tpu.memory_space<vmem>>, vector<16xf32>,
        tpu.vector_store %arg6[%swap3A_1317, %swap3A_1318, %swap3A_1319], %gather3A_1313 {strides = array<i32>} : memref<2x32x512xf32, #tpu.memory_space<vmem>>, vector<16xf32>,
        %gather3A_1321 = tpu.vector_load_idx %arg7[%gather3A_1264] : memref<512xf32, #tpu.memory_space<vmem>>[vector<16xi32>], vector<16xf32>,
        %add3A_1322 = arith.constant 48 : i32
        %add3A_1323 = arith.addi %mul3A_1232, %add3A_1322 : i32
        %swap3A_1324 = arith.constant 0 : i32
        %swap3A_1325 = arith.index_cast %swap3A_1324 : i32 to index
        %swap3A_1326 = arith.index_cast %add3A_1198 : i32 to index
        %swap3A_1327 = arith.index_cast %add3A_1323 : i32 to index
        %swap3A_1328 = tpu.vector_load %arg6[%swap3A_1325, %swap3A_1326, %swap3A_1327] {strides = array<i32>} : memref<2x32x512xf32, #tpu.memory_space<vmem>>, vector<16xf32>,
        tpu.vector_store %arg6[%swap3A_1325, %swap3A_1326, %swap3A_1327], %gather3A_1321 {strides = array<i32>} : memref<2x32x512xf32, #tpu.memory_space<vmem>>, vector<16xf32>,
        %gather3A_1329 = tpu.vector_load_idx %arg7[%gather3A_1272] : memref<512xf32, #tpu.memory_space<vmem>>[vector<16xi32>], vector<16xf32>,
        %add3A_1330 = arith.constant 64 : i32
        %add3A_1331 = arith.addi %mul3A_1232, %add3A_1330 : i32
        %swap3A_1332 = arith.constant 0 : i32
        %swap3A_1333 = arith.index_cast %swap3A_1332 : i32 to index
        %swap3A_1334 = arith.index_cast %add3A_1198 : i32 to index
        %swap3A_1335 = arith.index_cast %add3A_1331 : i32 to index
        %swap3A_1336 = tpu.vector_load %arg6[%swap3A_1333, %swap3A_1334, %swap3A_1335] {strides = array<i32>} : memref<2x32x512xf32, #tpu.memory_space<vmem>>, vector<16xf32>,
        tpu.vector_store %arg6[%swap3A_1333, %swap3A_1334, %swap3A_1335], %gather3A_1329 {strides = array<i32>} : memref<2x32x512xf32, #tpu.memory_space<vmem>>, vector<16xf32>,
        %gather3A_1337 = tpu.vector_load_idx %arg7[%gather3A_1280] : memref<512xf32, #tpu.memory_space<vmem>>[vector<16xi32>], vector<16xf32>,
        %add3A_1338 = arith.constant 80 : i32
        %add3A_1339 = arith.addi %mul3A_1232, %add3A_1338 : i32
        %swap3A_1340 = arith.constant 0 : i32
        %swap3A_1341 = arith.index_cast %swap3A_1340 : i32 to index
        %swap3A_1342 = arith.index_cast %add3A_1198 : i32 to index
        %swap3A_1343 = arith.index_cast %add3A_1339 : i32 to index
        %swap3A_1344 = tpu.vector_load %arg6[%swap3A_1341, %swap3A_1342, %swap3A_1343] {strides = array<i32>} : memref<2x32x512xf32, #tpu.memory_space<vmem>>, vector<16xf32>,
        tpu.vector_store %arg6[%swap3A_1341, %swap3A_1342, %swap3A_1343], %gather3A_1337 {strides = array<i32>} : memref<2x32x512xf32, #tpu.memory_space<vmem>>, vector<16xf32>,
        %gather3A_1345 = tpu.vector_load_idx %arg7[%gather3A_1288] : memref<512xf32, #tpu.memory_space<vmem>>[vector<16xi32>], vector<16xf32>,
        %add3A_1346 = arith.constant 96 : i32
        %add3A_1347 = arith.addi %mul3A_1232, %add3A_1346 : i32
        %swap3A_1348 = arith.constant 0 : i32
        %swap3A_1349 = arith.index_cast %swap3A_1348 : i32 to index
        %swap3A_1350 = arith.index_cast %add3A_1198 : i32 to index
        %swap3A_1351 = arith.index_cast %add3A_1347 : i32 to index
        %swap3A_1352 = tpu.vector_load %arg6[%swap3A_1349, %swap3A_1350, %swap3A_1351] {strides = array<i32>} : memref<2x32x512xf32, #tpu.memory_space<vmem>>, vector<16xf32>,
        tpu.vector_store %arg6[%swap3A_1349, %swap3A_1350, %swap3A_1351], %gather3A_1345 {strides = array<i32>} : memref<2x32x512xf32, #tpu.memory_space<vmem>>, vector<16xf32>,
        %gather3A_1353 = tpu.vector_load_idx %arg7[%gather3A_1296] : memref<512xf32, #tpu.memory_space<vmem>>[vector<16xi32>], vector<16xf32>,
        %add3A_1354 = arith.constant 112 : i32
        %add3A_1355 = arith.addi %mul3A_1232, %add3A_1354 : i32
        %swap3A_1356 = arith.constant 0 : i32
        %swap3A_1357 = arith.index_cast %swap3A_1356 : i32 to index
        %swap3A_1358 = arith.index_cast %add3A_1198 : i32 to index
        %swap3A_1359 = arith.index_cast %add3A_1355 : i32 to index
        %swap3A_1360 = tpu.vector_load %arg6[%swap3A_1357, %swap3A_1358, %swap3A_1359] {strides = array<i32>} : memref<2x32x512xf32, #tpu.memory_space<vmem>>, vector<16xf32>,
        tpu.vector_store %arg6[%swap3A_1357, %swap3A_1358, %swap3A_1359], %gather3A_1353 {strides = array<i32>} : memref<2x32x512xf32, #tpu.memory_space<vmem>>, vector<16xf32>,
      }
      %scan3A_1213 = arith.constant 4 : i32
      %get3A = arith.constant 0 : i32
      %get3A_1214 = arith.index_cast %get3A : i32 to index
      %get3A_1215 = arith.index_cast %add3A_1198 : i32 to index
      %get3A_1216 = arith.constant 0 : index
      %get3A_1217 = tpu.vector_load %arg6[%get3A_1214, %get3A_1215, %get3A_1216] {strides = array<i32>} : memref<2x32x512xf32, #tpu.memory_space<vmem>>, vector<16xf32>,
      %eq3A_1218 = arith.constant 0 : i32
      %eq3A_1219 = vector.broadcast %eq3A_1218 : i32 to vector<16xi32>
      %eq3A_1220 = arith.cmpi eq, %iota3A, %eq3A_1219 : vector<16xi32>
      %select_n3A_1221 = arith.select %eq3A_1220, %gather3A, %get3A_1217 : vector<16xi1>, vector<16xf32>
      %swap3A = arith.constant 0 : i32
      %swap3A_1222 = arith.index_cast %swap3A : i32 to index
      %swap3A_1223 = arith.index_cast %add3A_1198 : i32 to index
      %swap3A_1224 = arith.constant 0 : index
      %swap3A_1225 = tpu.vector_load %arg6[%swap3A_1222, %swap3A_1223, %swap3A_1224] {strides = array<i32>} : memref<2x32x512xf32, #tpu.memory_space<vmem>>, vector<16xf32>,
      tpu.vector_store %arg6[%swap3A_1222, %swap3A_1223, %swap3A_1224], %select_n3A_1221 {strides = array<i32>} : memref<2x32x512xf32, #tpu.memory_space<vmem>>, vector<16xf32>,
    }
    %while3A_74 = arith.constant 1 : i32
    scf.for %while3A_1196 = %while3A_72 to %while3A_68 step %while3A_74  : i32 {
      %mul3A_1197 = arith.muli %while3A_1196, %while3A : i32
      %add3A_1198 = arith.addi %select_n3A_57, %mul3A_1197 : i32
      %add3A_1199 = arith.constant 0 : i32
      %add3A_1200 = arith.addi %mul3A_32, %add3A_1199 : i32
      %add3A_1201 = arith.addi %add3A_1200, %add3A_1198 : i32
      %sub3A_1202 = arith.constant 1 : i32
      %sub3A_1203 = arith.subi %add3A_1201, %sub3A_1202 : i32
      %sub3A_1204 = arith.subi %sub3A_1203, %max3A_35 : i32
      %broadcast_in_dim3A_1205 = vector.broadcast %sub3A_1204 : i32 to vector<16xi32>
      %sub3A_1206 = arith.constant 1 : i32
      %sub3A_1207 = vector.broadcast %sub3A_1206 : i32 to vector<16xi32>
      %sub3A_1208 = arith.subi %iota3A, %sub3A_1207 : vector<16xi32>
      %scan3A_1209 = arith.constant 0 : i32
      %scan3A_1210 = arith.constant 4 : i32
      %scan3A_1211 = arith.addi %scan3A_1209, %scan3A_1210 : i32
      %scan3A_1212 = arith.constant 1 : i32
      scf.for %scan3A_1226 = %scan3A_1209 to %scan3A_1211 step %scan3A_1212  : i32 {
        %mul3A_1227 = arith.constant 1 : i32
        %mul3A_1228 = arith.muli %scan3A_1226, %mul3A_1227 : i32
        %add3A_1229 = arith.constant 0 : i32
        %add3A_1230 = arith.addi %add3A_1229, %mul3A_1228 : i32
        %mul3A_1231 = arith.constant 128 : i32
        %mul3A_1232 = arith.muli %add3A_1230, %mul3A_1231 : i32
        %add3A_1233 = arith.constant 0 : i32
        %add3A_1234 = arith.addi %mul3A_1232, %add3A_1233 : i32
        %add3A_1235 = vector.broadcast %add3A_1234 : i32 to vector<16xi32>
        %add3A_1236 = arith.addi %sub3A_1208, %add3A_1235 : vector<16xi32>
        %max3A_1237 = arith.constant 0 : i32
        %max3A_1238 = vector.broadcast %max3A_1237 : i32 to vector<16xi32>
        %max3A_1239 = arith.maxsi %add3A_1236, %max3A_1238 : vector<16xi32>
        %gather3A_1240 = tpu.vector_load_idx %arg5[%broadcast_in_dim3A_1205, %max3A_1239] : memref<128x511xi32, #tpu.memory_space<vmem>>[vector<16xi32>, vector<16xi32>], vector<16xi32>,
        %add3A_1241 = arith.constant 16 : i32
        %add3A_1242 = arith.addi %mul3A_1232, %add3A_1241 : i32
        %add3A_1243 = vector.broadcast %add3A_1242 : i32 to vector<16xi32>
        %add3A_1244 = arith.addi %sub3A_1208, %add3A_1243 : vector<16xi32>
        %max3A_1245 = arith.constant 0 : i32
        %max3A_1246 = vector.broadcast %max3A_1245 : i32 to vector<16xi32>
        %max3A_1247 = arith.maxsi %add3A_1244, %max3A_1246 : vector<16xi32>
        %gather3A_1248 = tpu.vector_load_idx %arg5[%broadcast_in_dim3A_1205, %max3A_1247] : memref<128x511xi32, #tpu.memory_space<vmem>>[vector<16xi32>, vector<16xi32>], vector<16xi32>,
        %add3A_1249 = arith.constant 32 : i32
        %add3A_1250 = arith.addi %mul3A_1232, %add3A_1249 : i32
        %add3A_1251 = vector.broadcast %add3A_1250 : i32 to vector<16xi32>
        %add3A_1252 = arith.addi %sub3A_1208, %add3A_1251 : vector<16xi32>
        %max3A_1253 = arith.constant 0 : i32
        %max3A_1254 = vector.broadcast %max3A_1253 : i32 to vector<16xi32>
        %max3A_1255 = arith.maxsi %add3A_1252, %max3A_1254 : vector<16xi32>
        %gather3A_1256 = tpu.vector_load_idx %arg5[%broadcast_in_dim3A_1205, %max3A_1255] : memref<128x511xi32, #tpu.memory_space<vmem>>[vector<16xi32>, vector<16xi32>], vector<16xi32>,
        %add3A_1257 = arith.constant 48 : i32
        %add3A_1258 = arith.addi %mul3A_1232, %add3A_1257 : i32
        %add3A_1259 = vector.broadcast %add3A_1258 : i32 to vector<16xi32>
        %add3A_1260 = arith.addi %sub3A_1208, %add3A_1259 : vector<16xi32>
        %max3A_1261 = arith.constant 0 : i32
        %max3A_1262 = vector.broadcast %max3A_1261 : i32 to vector<16xi32>
        %max3A_1263 = arith.maxsi %add3A_1260, %max3A_1262 : vector<16xi32>
        %gather3A_1264 = tpu.vector_load_idx %arg5[%broadcast_in_dim3A_1205, %max3A_1263] : memref<128x511xi32, #tpu.memory_space<vmem>>[vector<16xi32>, vector<16xi32>], vector<16xi32>,
        %add3A_1265 = arith.constant 64 : i32
        %add3A_1266 = arith.addi %mul3A_1232, %add3A_1265 : i32
        %add3A_1267 = vector.broadcast %add3A_1266 : i32 to vector<16xi32>
        %add3A_1268 = arith.addi %sub3A_1208, %add3A_1267 : vector<16xi32>
        %max3A_1269 = arith.constant 0 : i32
        %max3A_1270 = vector.broadcast %max3A_1269 : i32 to vector<16xi32>
        %max3A_1271 = arith.maxsi %add3A_1268, %max3A_1270 : vector<16xi32>
        %gather3A_1272 = tpu.vector_load_idx %arg5[%broadcast_in_dim3A_1205, %max3A_1271] : memref<128x511xi32, #tpu.memory_space<vmem>>[vector<16xi32>, vector<16xi32>], vector<16xi32>,
        %add3A_1273 = arith.constant 80 : i32
        %add3A_1274 = arith.addi %mul3A_1232, %add3A_1273 : i32
        %add3A_1275 = vector.broadcast %add3A_1274 : i32 to vector<16xi32>
        %add3A_1276 = arith.addi %sub3A_1208, %add3A_1275 : vector<16xi32>
        %max3A_1277 = arith.constant 0 : i32
        %max3A_1278 = vector.broadcast %max3A_1277 : i32 to vector<16xi32>
        %max3A_1279 = arith.maxsi %add3A_1276, %max3A_1278 : vector<16xi32>
        %gather3A_1280 = tpu.vector_load_idx %arg5[%broadcast_in_dim3A_1205, %max3A_1279] : memref<128x511xi32, #tpu.memory_space<vmem>>[vector<16xi32>, vector<16xi32>], vector<16xi32>,
        %add3A_1281 = arith.constant 96 : i32
        %add3A_1282 = arith.addi %mul3A_1232, %add3A_1281 : i32
        %add3A_1283 = vector.broadcast %add3A_1282 : i32 to vector<16xi32>
        %add3A_1284 = arith.addi %sub3A_1208, %add3A_1283 : vector<16xi32>
        %max3A_1285 = arith.constant 0 : i32
        %max3A_1286 = vector.broadcast %max3A_1285 : i32 to vector<16xi32>
        %max3A_1287 = arith.maxsi %add3A_1284, %max3A_1286 : vector<16xi32>
        %gather3A_1288 = tpu.vector_load_idx %arg5[%broadcast_in_dim3A_1205, %max3A_1287] : memref<128x511xi32, #tpu.memory_space<vmem>>[vector<16xi32>, vector<16xi32>], vector<16xi32>,
        %add3A_1289 = arith.constant 112 : i32
        %add3A_1290 = arith.addi %mul3A_1232, %add3A_1289 : i32
        %add3A_1291 = vector.broadcast %add3A_1290 : i32 to vector<16xi32>
        %add3A_1292 = arith.addi %sub3A_1208, %add3A_1291 : vector<16xi32>
        %max3A_1293 = arith.constant 0 : i32
        %max3A_1294 = vector.broadcast %max3A_1293 : i32 to vector<16xi32>
        %max3A_1295 = arith.maxsi %add3A_1292, %max3A_1294 : vector<16xi32>
        %gather3A_1296 = tpu.vector_load_idx %arg5[%broadcast_in_dim3A_1205, %max3A_1295] : memref<128x511xi32, #tpu.memory_space<vmem>>[vector<16xi32>, vector<16xi32>], vector<16xi32>,
        %gather3A_1297 = tpu.vector_load_idx %arg7[%gather3A_1240] : memref<512xf32, #tpu.memory_space<vmem>>[vector<16xi32>], vector<16xf32>,
        %add3A_1298 = arith.constant 0 : i32
        %add3A_1299 = arith.addi %mul3A_1232, %add3A_1298 : i32
        %swap3A_1300 = arith.constant 0 : i32
        %swap3A_1301 = arith.index_cast %swap3A_1300 : i32 to index
        %swap3A_1302 = arith.index_cast %add3A_1198 : i32 to index
        %swap3A_1303 = arith.index_cast %add3A_1299 : i32 to index
        %swap3A_1304 = tpu.vector_load %arg6[%swap3A_1301, %swap3A_1302, %swap3A_1303] {strides = array<i32>} : memref<2x32x512xf32, #tpu.memory_space<vmem>>, vector<16xf32>,
        tpu.vector_store %arg6[%swap3A_1301, %swap3A_1302, %swap3A_1303], %gather3A_1297 {strides = array<i32>} : memref<2x32x512xf32, #tpu.memory_space<vmem>>, vector<16xf32>,
        %gather3A_1305 = tpu.vector_load_idx %arg7[%gather3A_1248] : memref<512xf32, #tpu.memory_space<vmem>>[vector<16xi32>], vector<16xf32>,
        %add3A_1306 = arith.constant 16 : i32
        %add3A_1307 = arith.addi %mul3A_1232, %add3A_1306 : i32
        %swap3A_1308 = arith.constant 0 : i32
        %swap3A_1309 = arith.index_cast %swap3A_1308 : i32 to index
        %swap3A_1310 = arith.index_cast %add3A_1198 : i32 to index
        %swap3A_1311 = arith.index_cast %add3A_1307 : i32 to index
        %swap3A_1312 = tpu.vector_load %arg6[%swap3A_1309, %swap3A_1310, %swap3A_1311] {strides = array<i32>} : memref<2x32x512xf32, #tpu.memory_space<vmem>>, vector<16xf32>,
        tpu.vector_store %arg6[%swap3A_1309, %swap3A_1310, %swap3A_1311], %gather3A_1305 {strides = array<i32>} : memref<2x32x512xf32, #tpu.memory_space<vmem>>, vector<16xf32>,
        %gather3A_1313 = tpu.vector_load_idx %arg7[%gather3A_1256] : memref<512xf32, #tpu.memory_space<vmem>>[vector<16xi32>], vector<16xf32>,
        %add3A_1314 = arith.constant 32 : i32
        %add3A_1315 = arith.addi %mul3A_1232, %add3A_1314 : i32
        %swap3A_1316 = arith.constant 0 : i32
        %swap3A_1317 = arith.index_cast %swap3A_1316 : i32 to index
        %swap3A_1318 = arith.index_cast %add3A_1198 : i32 to index
        %swap3A_1319 = arith.index_cast %add3A_1315 : i32 to index
        %swap3A_1320 = tpu.vector_load %arg6[%swap3A_1317, %swap3A_1318, %swap3A_1319] {strides = array<i32>} : memref<2x32x512xf32, #tpu.memory_space<vmem>>, vector<16xf32>,
        tpu.vector_store %arg6[%swap3A_1317, %swap3A_1318, %swap3A_1319], %gather3A_1313 {strides = array<i32>} : memref<2x32x512xf32, #tpu.memory_space<vmem>>, vector<16xf32>,
        %gather3A_1321 = tpu.vector_load_idx %arg7[%gather3A_1264] : memref<512xf32, #tpu.memory_space<vmem>>[vector<16xi32>], vector<16xf32>,
        %add3A_1322 = arith.constant 48 : i32
        %add3A_1323 = arith.addi %mul3A_1232, %add3A_1322 : i32
        %swap3A_1324 = arith.constant 0 : i32
        %swap3A_1325 = arith.index_cast %swap3A_1324 : i32 to index
        %swap3A_1326 = arith.index_cast %add3A_1198 : i32 to index
        %swap3A_1327 = arith.index_cast %add3A_1323 : i32 to index
        %swap3A_1328 = tpu.vector_load %arg6[%swap3A_1325, %swap3A_1326, %swap3A_1327] {strides = array<i32>} : memref<2x32x512xf32, #tpu.memory_space<vmem>>, vector<16xf32>,
        tpu.vector_store %arg6[%swap3A_1325, %swap3A_1326, %swap3A_1327], %gather3A_1321 {strides = array<i32>} : memref<2x32x512xf32, #tpu.memory_space<vmem>>, vector<16xf32>,
        %gather3A_1329 = tpu.vector_load_idx %arg7[%gather3A_1272] : memref<512xf32, #tpu.memory_space<vmem>>[vector<16xi32>], vector<16xf32>,
        %add3A_1330 = arith.constant 64 : i32
        %add3A_1331 = arith.addi %mul3A_1232, %add3A_1330 : i32
        %swap3A_1332 = arith.constant 0 : i32
        %swap3A_1333 = arith.index_cast %swap3A_1332 : i32 to index
        %swap3A_1334 = arith.index_cast %add3A_1198 : i32 to index
        %swap3A_1335 = arith.index_cast %add3A_1331 : i32 to index
        %swap3A_1336 = tpu.vector_load %arg6[%swap3A_1333, %swap3A_1334, %swap3A_1335] {strides = array<i32>} : memref<2x32x512xf32, #tpu.memory_space<vmem>>, vector<16xf32>,
        tpu.vector_store %arg6[%swap3A_1333, %swap3A_1334, %swap3A_1335], %gather3A_1329 {strides = array<i32>} : memref<2x32x512xf32, #tpu.memory_space<vmem>>, vector<16xf32>,
        %gather3A_1337 = tpu.vector_load_idx %arg7[%gather3A_1280] : memref<512xf32, #tpu.memory_space<vmem>>[vector<16xi32>], vector<16xf32>,
        %add3A_1338 = arith.constant 80 : i32
        %add3A_1339 = arith.addi %mul3A_1232, %add3A_1338 : i32
        %swap3A_1340 = arith.constant 0 : i32
        %swap3A_1341 = arith.index_cast %swap3A_1340 : i32 to index
        %swap3A_1342 = arith.index_cast %add3A_1198 : i32 to index
        %swap3A_1343 = arith.index_cast %add3A_1339 : i32 to index
        %swap3A_1344 = tpu.vector_load %arg6[%swap3A_1341, %swap3A_1342, %swap3A_1343] {strides = array<i32>} : memref<2x32x512xf32, #tpu.memory_space<vmem>>, vector<16xf32>,
        tpu.vector_store %arg6[%swap3A_1341, %swap3A_1342, %swap3A_1343], %gather3A_1337 {strides = array<i32>} : memref<2x32x512xf32, #tpu.memory_space<vmem>>, vector<16xf32>,
        %gather3A_1345 = tpu.vector_load_idx %arg7[%gather3A_1288] : memref<512xf32, #tpu.memory_space<vmem>>[vector<16xi32>], vector<16xf32>,
        %add3A_1346 = arith.constant 96 : i32
        %add3A_1347 = arith.addi %mul3A_1232, %add3A_1346 : i32
        %swap3A_1348 = arith.constant 0 : i32
        %swap3A_1349 = arith.index_cast %swap3A_1348 : i32 to index
        %swap3A_1350 = arith.index_cast %add3A_1198 : i32 to index
        %swap3A_1351 = arith.index_cast %add3A_1347 : i32 to index
        %swap3A_1352 = tpu.vector_load %arg6[%swap3A_1349, %swap3A_1350, %swap3A_1351] {strides = array<i32>} : memref<2x32x512xf32, #tpu.memory_space<vmem>>, vector<16xf32>,
        tpu.vector_store %arg6[%swap3A_1349, %swap3A_1350, %swap3A_1351], %gather3A_1345 {strides = array<i32>} : memref<2x32x512xf32, #tpu.memory_space<vmem>>, vector<16xf32>,
        %gather3A_1353 = tpu.vector_load_idx %arg7[%gather3A_1296] : memref<512xf32, #tpu.memory_space<vmem>>[vector<16xi32>], vector<16xf32>,
        %add3A_1354 = arith.constant 112 : i32
        %add3A_1355 = arith.addi %mul3A_1232, %add3A_1354 : i32
        %swap3A_1356 = arith.constant 0 : i32
        %swap3A_1357 = arith.index_cast %swap3A_1356 : i32 to index
        %swap3A_1358 = arith.index_cast %add3A_1198 : i32 to index
        %swap3A_1359 = arith.index_cast %add3A_1355 : i32 to index
        %swap3A_1360 = tpu.vector_load %arg6[%swap3A_1357, %swap3A_1358, %swap3A_1359] {strides = array<i32>} : memref<2x32x512xf32, #tpu.memory_space<vmem>>, vector<16xf32>,
        tpu.vector_store %arg6[%swap3A_1357, %swap3A_1358, %swap3A_1359], %gather3A_1353 {strides = array<i32>} : memref<2x32x512xf32, #tpu.memory_space<vmem>>, vector<16xf32>,
      }
      %scan3A_1213 = arith.constant 4 : i32
      %get3A = arith.constant 0 : i32
      %get3A_1214 = arith.index_cast %get3A : i32 to index
      %get3A_1215 = arith.index_cast %add3A_1198 : i32 to index
      %get3A_1216 = arith.constant 0 : index
      %get3A_1217 = tpu.vector_load %arg6[%get3A_1214, %get3A_1215, %get3A_1216] {strides = array<i32>} : memref<2x32x512xf32, #tpu.memory_space<vmem>>, vector<16xf32>,
      %eq3A_1218 = arith.constant 0 : i32
      %eq3A_1219 = vector.broadcast %eq3A_1218 : i32 to vector<16xi32>
      %eq3A_1220 = arith.cmpi eq, %iota3A, %eq3A_1219 : vector<16xi32>
      %select_n3A_1221 = arith.select %eq3A_1220, %gather3A, %get3A_1217 : vector<16xi1>, vector<16xf32>
      %swap3A = arith.constant 0 : i32
      %swap3A_1222 = arith.index_cast %swap3A : i32 to index
      %swap3A_1223 = arith.index_cast %add3A_1198 : i32 to index
      %swap3A_1224 = arith.constant 0 : index
      %swap3A_1225 = tpu.vector_load %arg6[%swap3A_1222, %swap3A_1223, %swap3A_1224] {strides = array<i32>} : memref<2x32x512xf32, #tpu.memory_space<vmem>>, vector<16xf32>,
      tpu.vector_store %arg6[%swap3A_1222, %swap3A_1223, %swap3A_1224], %select_n3A_1221 {strides = array<i32>} : memref<2x32x512xf32, #tpu.memory_space<vmem>>, vector<16xf32>,
    }
    %add3A_75 = arith.constant 0 : i32
    %add3A_76 = arith.addi %mul3A_32, %add3A_75 : i32
    %mul3A_77 = arith.constant 8 : i32
    %mul3A_78 = arith.muli %select_n3A, %mul3A_77 : i32
    %add3A_79 = arith.constant 0 : i32
    %add3A_80 = arith.addi %mul3A_78, %add3A_79 : i32
    %dma_start3A_81 = arith.constant 0 : i32
    %dma_start3A_82 = arith.constant 0 : i32
    %dma_start3A_83 = arith.constant 0 : i32
    %dma_start3A_84 = tpu.memref_slice %arg6[%dma_start3A_81, %dma_start3A_82, %dma_start3A_83] : memref<2x32x512xf32, #tpu.memory_space<vmem>> -> memref<1x32x512xf32, #tpu.memory_space<vmem>>
    %dma_start3A_85 = tpu.memref_squeeze %dma_start3A_84 : memref<1x32x512xf32, #tpu.memory_space<vmem>> -> memref<32x512xf32, #tpu.memory_space<vmem>>
    %dma_start3A_86 = arith.constant 0 : i32
    %dma_start3A_87 = tpu.memref_slice %arg4[%add3A_80, %add3A_76, %dma_start3A_86] : memref<64x512x512xf32, #tpu.memory_space<hbm>> -> memref<1x32x512xf32, #tpu.memory_space<hbm>>
    %dma_start3A_88 = tpu.memref_squeeze %dma_start3A_87 : memref<1x32x512xf32, #tpu.memory_space<hbm>> -> memref<32x512xf32, #tpu.memory_space<hbm>>
    %dma_start3A_89 = arith.constant 0 : i32
    %dma_start3A_90 = tpu.memref_slice %arg4[%add3A_80, %add3A_76, %dma_start3A_89] : memref<64x512x512xf32, #tpu.memory_space<hbm>> -> memref<1x32x512xf32, #tpu.memory_space<hbm>>
    %dma_start3A_91 = tpu.memref_squeeze %dma_start3A_90 : memref<1x32x512xf32, #tpu.memory_space<hbm>> -> memref<32x512xf32, #tpu.memory_space<hbm>>
    %dma_start3A_92 = arith.constant 0 : i32
    %dma_start3A_93 = arith.constant 0 : i32
    %dma_start3A_94 = tpu.memref_slice %arg6[%dma_start3A_81, %dma_start3A_92, %dma_start3A_93] : memref<2x32x512xf32, #tpu.memory_space<vmem>> -> memref<1x32x512xf32, #tpu.memory_space<vmem>>
    %dma_start3A_95 = tpu.memref_squeeze %dma_start3A_94 : memref<1x32x512xf32, #tpu.memory_space<vmem>> -> memref<32x512xf32, #tpu.memory_space<vmem>>
    tpu.enqueue_dma source(%dma_start3A_95 : memref<32x512xf32, #tpu.memory_space<vmem>>) target(%dma_start3A_91 : memref<32x512xf32, #tpu.memory_space<hbm>>) target_semaphore(%arg8 : memref<!tpu.dma_semaphore, #tpu.memory_space<semaphore_mem>>)
    %mul3A_96 = arith.constant 8 : i32
    %mul3A_97 = arith.muli %select_n3A, %mul3A_96 : i32
    %add3A_98 = arith.constant 1 : i32
    %add3A_99 = arith.addi %mul3A_97, %add3A_98 : i32
    %dma_start3A_100 = arith.constant 0 : i32
    %dma_start3A_101 = arith.constant 0 : i32
    %dma_start3A_102 = arith.constant 0 : i32
    %dma_start3A_103 = tpu.memref_slice %arg6[%dma_start3A_100, %dma_start3A_101, %dma_start3A_102] : memref<2x32x512xf32, #tpu.memory_space<vmem>> -> memref<1x32x512xf32, #tpu.memory_space<vmem>>
    %dma_start3A_104 = tpu.memref_squeeze %dma_start3A_103 : memref<1x32x512xf32, #tpu.memory_space<vmem>> -> memref<32x512xf32, #tpu.memory_space<vmem>>
    %dma_start3A_105 = arith.constant 0 : i32
    %dma_start3A_106 = tpu.memref_slice %arg4[%add3A_99, %add3A_76, %dma_start3A_105] : memref<64x512x512xf32, #tpu.memory_space<hbm>> -> memref<1x32x512xf32, #tpu.memory_space<hbm>>
    %dma_start3A_107 = tpu.memref_squeeze %dma_start3A_106 : memref<1x32x512xf32, #tpu.memory_space<hbm>> -> memref<32x512xf32, #tpu.memory_space<hbm>>
    %dma_start3A_108 = arith.constant 0 : i32
    %dma_start3A_109 = tpu.memref_slice %arg4[%add3A_99, %add3A_76, %dma_start3A_108] : memref<64x512x512xf32, #tpu.memory_space<hbm>> -> memref<1x32x512xf32, #tpu.memory_space<hbm>>
    %dma_start3A_110 = tpu.memref_squeeze %dma_start3A_109 : memref<1x32x512xf32, #tpu.memory_space<hbm>> -> memref<32x512xf32, #tpu.memory_space<hbm>>
    %dma_start3A_111 = arith.constant 0 : i32
    %dma_start3A_112 = arith.constant 0 : i32
    %dma_start3A_113 = tpu.memref_slice %arg6[%dma_start3A_100, %dma_start3A_111, %dma_start3A_112] : memref<2x32x512xf32, #tpu.memory_space<vmem>> -> memref<1x32x512xf32, #tpu.memory_space<vmem>>
    %dma_start3A_114 = tpu.memref_squeeze %dma_start3A_113 : memref<1x32x512xf32, #tpu.memory_space<vmem>> -> memref<32x512xf32, #tpu.memory_space<vmem>>
    tpu.enqueue_dma source(%dma_start3A_114 : memref<32x512xf32, #tpu.memory_space<vmem>>) target(%dma_start3A_110 : memref<32x512xf32, #tpu.memory_space<hbm>>) target_semaphore(%arg8 : memref<!tpu.dma_semaphore, #tpu.memory_space<semaphore_mem>>)
    %mul3A_115 = arith.constant 8 : i32
    %mul3A_116 = arith.muli %select_n3A, %mul3A_115 : i32
    %add3A_117 = arith.constant 2 : i32
    %add3A_118 = arith.addi %mul3A_116, %add3A_117 : i32
    %dma_start3A_119 = arith.constant 0 : i32
    %dma_start3A_120 = arith.constant 0 : i32
    %dma_start3A_121 = arith.constant 0 : i32
    %dma_start3A_122 = tpu.memref_slice %arg6[%dma_start3A_119, %dma_start3A_120, %dma_start3A_121] : memref<2x32x512xf32, #tpu.memory_space<vmem>> -> memref<1x32x512xf32, #tpu.memory_space<vmem>>
    %dma_start3A_123 = tpu.memref_squeeze %dma_start3A_122 : memref<1x32x512xf32, #tpu.memory_space<vmem>> -> memref<32x512xf32, #tpu.memory_space<vmem>>
    %dma_start3A_124 = arith.constant 0 : i32
    %dma_start3A_125 = tpu.memref_slice %arg4[%add3A_118, %add3A_76, %dma_start3A_124] : memref<64x512x512xf32, #tpu.memory_space<hbm>> -> memref<1x32x512xf32, #tpu.memory_space<hbm>>
    %dma_start3A_126 = tpu.memref_squeeze %dma_start3A_125 : memref<1x32x512xf32, #tpu.memory_space<hbm>> -> memref<32x512xf32, #tpu.memory_space<hbm>>
    %dma_start3A_127 = arith.constant 0 : i32
    %dma_start3A_128 = tpu.memref_slice %arg4[%add3A_118, %add3A_76, %dma_start3A_127] : memref<64x512x512xf32, #tpu.memory_space<hbm>> -> memref<1x32x512xf32, #tpu.memory_space<hbm>>
    %dma_start3A_129 = tpu.memref_squeeze %dma_start3A_128 : memref<1x32x512xf32, #tpu.memory_space<hbm>> -> memref<32x512xf32, #tpu.memory_space<hbm>>
    %dma_start3A_130 = arith.constant 0 : i32
    %dma_start3A_131 = arith.constant 0 : i32
    %dma_start3A_132 = tpu.memref_slice %arg6[%dma_start3A_119, %dma_start3A_130, %dma_start3A_131] : memref<2x32x512xf32, #tpu.memory_space<vmem>> -> memref<1x32x512xf32, #tpu.memory_space<vmem>>
    %dma_start3A_133 = tpu.memref_squeeze %dma_start3A_132 : memref<1x32x512xf32, #tpu.memory_space<vmem>> -> memref<32x512xf32, #tpu.memory_space<vmem>>
    tpu.enqueue_dma source(%dma_start3A_133 : memref<32x512xf32, #tpu.memory_space<vmem>>) target(%dma_start3A_129 : memref<32x512xf32, #tpu.memory_space<hbm>>) target_semaphore(%arg8 : memref<!tpu.dma_semaphore, #tpu.memory_space<semaphore_mem>>)
    %mul3A_134 = arith.constant 8 : i32
    %mul3A_135 = arith.muli %select_n3A, %mul3A_134 : i32
    %add3A_136 = arith.constant 3 : i32
    %add3A_137 = arith.addi %mul3A_135, %add3A_136 : i32
    %dma_start3A_138 = arith.constant 0 : i32
    %dma_start3A_139 = arith.constant 0 : i32
    %dma_start3A_140 = arith.constant 0 : i32
    %dma_start3A_141 = tpu.memref_slice %arg6[%dma_start3A_138, %dma_start3A_139, %dma_start3A_140] : memref<2x32x512xf32, #tpu.memory_space<vmem>> -> memref<1x32x512xf32, #tpu.memory_space<vmem>>
    %dma_start3A_142 = tpu.memref_squeeze %dma_start3A_141 : memref<1x32x512xf32, #tpu.memory_space<vmem>> -> memref<32x512xf32, #tpu.memory_space<vmem>>
    %dma_start3A_143 = arith.constant 0 : i32
    %dma_start3A_144 = tpu.memref_slice %arg4[%add3A_137, %add3A_76, %dma_start3A_143] : memref<64x512x512xf32, #tpu.memory_space<hbm>> -> memref<1x32x512xf32, #tpu.memory_space<hbm>>
    %dma_start3A_145 = tpu.memref_squeeze %dma_start3A_144 : memref<1x32x512xf32, #tpu.memory_space<hbm>> -> memref<32x512xf32, #tpu.memory_space<hbm>>
    %dma_start3A_146 = arith.constant 0 : i32
    %dma_start3A_147 = tpu.memref_slice %arg4[%add3A_137, %add3A_76, %dma_start3A_146] : memref<64x512x512xf32, #tpu.memory_space<hbm>> -> memref<1x32x512xf32, #tpu.memory_space<hbm>>
    %dma_start3A_148 = tpu.memref_squeeze %dma_start3A_147 : memref<1x32x512xf32, #tpu.memory_space<hbm>> -> memref<32x512xf32, #tpu.memory_space<hbm>>
    %dma_start3A_149 = arith.constant 0 : i32
    %dma_start3A_150 = arith.constant 0 : i32
    %dma_start3A_151 = tpu.memref_slice %arg6[%dma_start3A_138, %dma_start3A_149, %dma_start3A_150] : memref<2x32x512xf32, #tpu.memory_space<vmem>> -> memref<1x32x512xf32, #tpu.memory_space<vmem>>
    %dma_start3A_152 = tpu.memref_squeeze %dma_start3A_151 : memref<1x32x512xf32, #tpu.memory_space<vmem>> -> memref<32x512xf32, #tpu.memory_space<vmem>>
    tpu.enqueue_dma source(%dma_start3A_152 : memref<32x512xf32, #tpu.memory_space<vmem>>) target(%dma_start3A_148 : memref<32x512xf32, #tpu.memory_space<hbm>>) target_semaphore(%arg8 : memref<!tpu.dma_semaphore, #tpu.memory_space<semaphore_mem>>)
    %mul3A_153 = arith.constant 8 : i32
    %mul3A_154 = arith.muli %select_n3A, %mul3A_153 : i32
    %add3A_155 = arith.constant 4 : i32
    %add3A_156 = arith.addi %mul3A_154, %add3A_155 : i32
    %dma_start3A_157 = arith.constant 0 : i32
    %dma_start3A_158 = arith.constant 0 : i32
    %dma_start3A_159 = arith.constant 0 : i32
    %dma_start3A_160 = tpu.memref_slice %arg6[%dma_start3A_157, %dma_start3A_158, %dma_start3A_159] : memref<2x32x512xf32, #tpu.memory_space<vmem>> -> memref<1x32x512xf32, #tpu.memory_space<vmem>>
    %dma_start3A_161 = tpu.memref_squeeze %dma_start3A_160 : memref<1x32x512xf32, #tpu.memory_space<vmem>> -> memref<32x512xf32, #tpu.memory_space<vmem>>
    %dma_start3A_162 = arith.constant 0 : i32
    %dma_start3A_163 = tpu.memref_slice %arg4[%add3A_156, %add3A_76, %dma_start3A_162] : memref<64x512x512xf32, #tpu.memory_space<hbm>> -> memref<1x32x512xf32, #tpu.memory_space<hbm>>
    %dma_start3A_164 = tpu.memref_squeeze %dma_start3A_163 : memref<1x32x512xf32, #tpu.memory_space<hbm>> -> memref<32x512xf32, #tpu.memory_space<hbm>>
    %dma_start3A_165 = arith.constant 0 : i32
    %dma_start3A_166 = tpu.memref_slice %arg4[%add3A_156, %add3A_76, %dma_start3A_165] : memref<64x512x512xf32, #tpu.memory_space<hbm>> -> memref<1x32x512xf32, #tpu.memory_space<hbm>>
    %dma_start3A_167 = tpu.memref_squeeze %dma_start3A_166 : memref<1x32x512xf32, #tpu.memory_space<hbm>> -> memref<32x512xf32, #tpu.memory_space<hbm>>
    %dma_start3A_168 = arith.constant 0 : i32
    %dma_start3A_169 = arith.constant 0 : i32
    %dma_start3A_170 = tpu.memref_slice %arg6[%dma_start3A_157, %dma_start3A_168, %dma_start3A_169] : memref<2x32x512xf32, #tpu.memory_space<vmem>> -> memref<1x32x512xf32, #tpu.memory_space<vmem>>
    %dma_start3A_171 = tpu.memref_squeeze %dma_start3A_170 : memref<1x32x512xf32, #tpu.memory_space<vmem>> -> memref<32x512xf32, #tpu.memory_space<vmem>>
    tpu.enqueue_dma source(%dma_start3A_171 : memref<32x512xf32, #tpu.memory_space<vmem>>) target(%dma_start3A_167 : memref<32x512xf32, #tpu.memory_space<hbm>>) target_semaphore(%arg8 : memref<!tpu.dma_semaphore, #tpu.memory_space<semaphore_mem>>)
    %mul3A_172 = arith.constant 8 : i32
    %mul3A_173 = arith.muli %select_n3A, %mul3A_172 : i32
    %add3A_174 = arith.constant 5 : i32
    %add3A_175 = arith.addi %mul3A_173, %add3A_174 : i32
    %dma_start3A_176 = arith.constant 0 : i32
    %dma_start3A_177 = arith.constant 0 : i32
    %dma_start3A_178 = arith.constant 0 : i32
    %dma_start3A_179 = tpu.memref_slice %arg6[%dma_start3A_176, %dma_start3A_177, %dma_start3A_178] : memref<2x32x512xf32, #tpu.memory_space<vmem>> -> memref<1x32x512xf32, #tpu.memory_space<vmem>>
    %dma_start3A_180 = tpu.memref_squeeze %dma_start3A_179 : memref<1x32x512xf32, #tpu.memory_space<vmem>> -> memref<32x512xf32, #tpu.memory_space<vmem>>
    %dma_start3A_181 = arith.constant 0 : i32
    %dma_start3A_182 = tpu.memref_slice %arg4[%add3A_175, %add3A_76, %dma_start3A_181] : memref<64x512x512xf32, #tpu.memory_space<hbm>> -> memref<1x32x512xf32, #tpu.memory_space<hbm>>
    %dma_start3A_183 = tpu.memref_squeeze %dma_start3A_182 : memref<1x32x512xf32, #tpu.memory_space<hbm>> -> memref<32x512xf32, #tpu.memory_space<hbm>>
    %dma_start3A_184 = arith.constant 0 : i32
    %dma_start3A_185 = tpu.memref_slice %arg4[%add3A_175, %add3A_76, %dma_start3A_184] : memref<64x512x512xf32, #tpu.memory_space<hbm>> -> memref<1x32x512xf32, #tpu.memory_space<hbm>>
    %dma_start3A_186 = tpu.memref_squeeze %dma_start3A_185 : memref<1x32x512xf32, #tpu.memory_space<hbm>> -> memref<32x512xf32, #tpu.memory_space<hbm>>
    %dma_start3A_187 = arith.constant 0 : i32
    %dma_start3A_188 = arith.constant 0 : i32
    %dma_start3A_189 = tpu.memref_slice %arg6[%dma_start3A_176, %dma_start3A_187, %dma_start3A_188] : memref<2x32x512xf32, #tpu.memory_space<vmem>> -> memref<1x32x512xf32, #tpu.memory_space<vmem>>
    %dma_start3A_190 = tpu.memref_squeeze %dma_start3A_189 : memref<1x32x512xf32, #tpu.memory_space<vmem>> -> memref<32x512xf32, #tpu.memory_space<vmem>>
    tpu.enqueue_dma source(%dma_start3A_190 : memref<32x512xf32, #tpu.memory_space<vmem>>) target(%dma_start3A_186 : memref<32x512xf32, #tpu.memory_space<hbm>>) target_semaphore(%arg8 : memref<!tpu.dma_semaphore, #tpu.memory_space<semaphore_mem>>)
    %mul3A_191 = arith.constant 8 : i32
    %mul3A_192 = arith.muli %select_n3A, %mul3A_191 : i32
    %add3A_193 = arith.constant 6 : i32
    %add3A_194 = arith.addi %mul3A_192, %add3A_193 : i32
    %dma_start3A_195 = arith.constant 0 : i32
    %dma_start3A_196 = arith.constant 0 : i32
    %dma_start3A_197 = arith.constant 0 : i32
    %dma_start3A_198 = tpu.memref_slice %arg6[%dma_start3A_195, %dma_start3A_196, %dma_start3A_197] : memref<2x32x512xf32, #tpu.memory_space<vmem>> -> memref<1x32x512xf32, #tpu.memory_space<vmem>>
    %dma_start3A_199 = tpu.memref_squeeze %dma_start3A_198 : memref<1x32x512xf32, #tpu.memory_space<vmem>> -> memref<32x512xf32, #tpu.memory_space<vmem>>
    %dma_start3A_200 = arith.constant 0 : i32
    %dma_start3A_201 = tpu.memref_slice %arg4[%add3A_194, %add3A_76, %dma_start3A_200] : memref<64x512x512xf32, #tpu.memory_space<hbm>> -> memref<1x32x512xf32, #tpu.memory_space<hbm>>
    %dma_start3A_202 = tpu.memref_squeeze %dma_start3A_201 : memref<1x32x512xf32, #tpu.memory_space<hbm>> -> memref<32x512xf32, #tpu.memory_space<hbm>>
    %dma_start3A_203 = arith.constant 0 : i32
    %dma_start3A_204 = tpu.memref_slice %arg4[%add3A_194, %add3A_76, %dma_start3A_203] : memref<64x512x512xf32, #tpu.memory_space<hbm>> -> memref<1x32x512xf32, #tpu.memory_space<hbm>>
    %dma_start3A_205 = tpu.memref_squeeze %dma_start3A_204 : memref<1x32x512xf32, #tpu.memory_space<hbm>> -> memref<32x512xf32, #tpu.memory_space<hbm>>
    %dma_start3A_206 = arith.constant 0 : i32
    %dma_start3A_207 = arith.constant 0 : i32
    %dma_start3A_208 = tpu.memref_slice %arg6[%dma_start3A_195, %dma_start3A_206, %dma_start3A_207] : memref<2x32x512xf32, #tpu.memory_space<vmem>> -> memref<1x32x512xf32, #tpu.memory_space<vmem>>
    %dma_start3A_209 = tpu.memref_squeeze %dma_start3A_208 : memref<1x32x512xf32, #tpu.memory_space<vmem>> -> memref<32x512xf32, #tpu.memory_space<vmem>>
    tpu.enqueue_dma source(%dma_start3A_209 : memref<32x512xf32, #tpu.memory_space<vmem>>) target(%dma_start3A_205 : memref<32x512xf32, #tpu.memory_space<hbm>>) target_semaphore(%arg8 : memref<!tpu.dma_semaphore, #tpu.memory_space<semaphore_mem>>)
    %mul3A_210 = arith.constant 8 : i32
    %mul3A_211 = arith.muli %select_n3A, %mul3A_210 : i32
    %add3A_212 = arith.constant 7 : i32
    %add3A_213 = arith.addi %mul3A_211, %add3A_212 : i32
    %dma_start3A_214 = arith.constant 0 : i32
    %dma_start3A_215 = arith.constant 0 : i32
    %dma_start3A_216 = arith.constant 0 : i32
    %dma_start3A_217 = tpu.memref_slice %arg6[%dma_start3A_214, %dma_start3A_215, %dma_start3A_216] : memref<2x32x512xf32, #tpu.memory_space<vmem>> -> memref<1x32x512xf32, #tpu.memory_space<vmem>>
    %dma_start3A_218 = tpu.memref_squeeze %dma_start3A_217 : memref<1x32x512xf32, #tpu.memory_space<vmem>> -> memref<32x512xf32, #tpu.memory_space<vmem>>
    %dma_start3A_219 = arith.constant 0 : i32
    %dma_start3A_220 = tpu.memref_slice %arg4[%add3A_213, %add3A_76, %dma_start3A_219] : memref<64x512x512xf32, #tpu.memory_space<hbm>> -> memref<1x32x512xf32, #tpu.memory_space<hbm>>
    %dma_start3A_221 = tpu.memref_squeeze %dma_start3A_220 : memref<1x32x512xf32, #tpu.memory_space<hbm>> -> memref<32x512xf32, #tpu.memory_space<hbm>>
    %dma_start3A_222 = arith.constant 0 : i32
    %dma_start3A_223 = tpu.memref_slice %arg4[%add3A_213, %add3A_76, %dma_start3A_222] : memref<64x512x512xf32, #tpu.memory_space<hbm>> -> memref<1x32x512xf32, #tpu.memory_space<hbm>>
    %dma_start3A_224 = tpu.memref_squeeze %dma_start3A_223 : memref<1x32x512xf32, #tpu.memory_space<hbm>> -> memref<32x512xf32, #tpu.memory_space<hbm>>
    %dma_start3A_225 = arith.constant 0 : i32
    %dma_start3A_226 = arith.constant 0 : i32
    %dma_start3A_227 = tpu.memref_slice %arg6[%dma_start3A_214, %dma_start3A_225, %dma_start3A_226] : memref<2x32x512xf32, #tpu.memory_space<vmem>> -> memref<1x32x512xf32, #tpu.memory_space<vmem>>
    %dma_start3A_228 = tpu.memref_squeeze %dma_start3A_227 : memref<1x32x512xf32, #tpu.memory_space<vmem>> -> memref<32x512xf32, #tpu.memory_space<vmem>>
    tpu.enqueue_dma source(%dma_start3A_228 : memref<32x512xf32, #tpu.memory_space<vmem>>) target(%dma_start3A_224 : memref<32x512xf32, #tpu.memory_space<hbm>>) target_semaphore(%arg8 : memref<!tpu.dma_semaphore, #tpu.memory_space<semaphore_mem>>)
    %dma_wait3A = arith.constant 24 : i32
    %dma_wait3A_229 = arith.constant 0 : i32
    %dma_wait3A_230 = tpu.memref_slice %arg5[%dma_wait3A, %dma_wait3A_229] : memref<128x511xi32, #tpu.memory_space<vmem>> -> memref<104x511xi32, #tpu.memory_space<vmem>>
    %dma_wait3A_231 = arith.constant 0 : i32
    %dma_wait3A_232 = tpu.memref_slice %arg2[%add3A_37, %select_n3A, %dma_wait3A_231] : memref<511x8x511xi32, #tpu.memory_space<hbm>> -> memref<104x1x511xi32, #tpu.memory_space<hbm>>
    %dma_wait3A_233 = tpu.memref_squeeze %dma_wait3A_232 : memref<104x1x511xi32, #tpu.memory_space<hbm>> -> memref<104x511xi32, #tpu.memory_space<hbm>>
    %dma_wait3A_234 = arith.constant 24 : i32
    %dma_wait3A_235 = arith.constant 0 : i32
    %dma_wait3A_236 = tpu.memref_slice %arg5[%dma_wait3A_234, %dma_wait3A_235] : memref<128x511xi32, #tpu.memory_space<vmem>> -> memref<104x511xi32, #tpu.memory_space<vmem>>
    %dma_wait3A_237 = arith.constant 0 : i32
    %dma_wait3A_238 = tpu.memref_slice %arg2[%add3A_37, %select_n3A, %dma_wait3A_237] : memref<511x8x511xi32, #tpu.memory_space<hbm>> -> memref<104x1x511xi32, #tpu.memory_space<hbm>>
    %dma_wait3A_239 = tpu.memref_squeeze %dma_wait3A_238 : memref<104x1x511xi32, #tpu.memory_space<hbm>> -> memref<104x511xi32, #tpu.memory_space<hbm>>
    tpu.wait_dma2 semaphore(%arg10 : memref<!tpu.dma_semaphore, #tpu.memory_space<semaphore_mem>>) src(%dma_wait3A_239 : memref<104x511xi32, #tpu.memory_space<hbm>>) dst(%dma_wait3A_236 : memref<104x511xi32, #tpu.memory_space<vmem>>)
    %scan3A = arith.constant 0 : i32
    %scan3A_240 = arith.constant 32 : i32
    %scan3A_241 = arith.addi %scan3A, %scan3A_240 : i32
    %scan3A_242 = arith.constant 1 : i32
    scf.for %scan3A_1196 = %scan3A to %scan3A_241 step %scan3A_242  : i32 {
      %mul3A_1197 = arith.constant 1 : i32
      %mul3A_1198 = arith.muli %scan3A_1196, %mul3A_1197 : i32
      %add3A_1199 = arith.constant 0 : i32
      %add3A_1200 = arith.addi %add3A_1199, %mul3A_1198 : i32
      %add3A_1201 = arith.constant 32 : i32
      %add3A_1202 = arith.addi %mul3A_32, %add3A_1201 : i32
      %add3A_1203 = arith.addi %add3A_1202, %add3A_1200 : i32
      %sub3A_1204 = arith.constant 1 : i32
      %sub3A_1205 = arith.subi %add3A_1203, %sub3A_1204 : i32
      %sub3A_1206 = arith.subi %sub3A_1205, %max3A_35 : i32
      %broadcast_in_dim3A_1207 = vector.broadcast %sub3A_1206 : i32 to vector<16xi32>
      %sub3A_1208 = arith.constant 1 : i32
      %sub3A_1209 = vector.broadcast %sub3A_1208 : i32 to vector<16xi32>
      %sub3A_1210 = arith.subi %iota3A, %sub3A_1209 : vector<16xi32>
      %scan3A_1211 = arith.constant 0 : i32
      %scan3A_1212 = arith.constant 4 : i32
      %scan3A_1213 = arith.addi %scan3A_1211, %scan3A_1212 : i32
      %scan3A_1214 = arith.constant 1 : i32
      scf.for %scan3A_1228 = %scan3A_1211 to %scan3A_1213 step %scan3A_1214  : i32 {
        %mul3A_1229 = arith.constant 1 : i32
        %mul3A_1230 = arith.muli %scan3A_1228, %mul3A_1229 : i32
        %add3A_1231 = arith.constant 0 : i32
        %add3A_1232 = arith.addi %add3A_1231, %mul3A_1230 : i32
        %mul3A_1233 = arith.constant 128 : i32
        %mul3A_1234 = arith.muli %add3A_1232, %mul3A_1233 : i32
        %add3A_1235 = arith.constant 0 : i32
        %add3A_1236 = arith.addi %mul3A_1234, %add3A_1235 : i32
        %add3A_1237 = vector.broadcast %add3A_1236 : i32 to vector<16xi32>
        %add3A_1238 = arith.addi %sub3A_1210, %add3A_1237 : vector<16xi32>
        %max3A_1239 = arith.constant 0 : i32
        %max3A_1240 = vector.broadcast %max3A_1239 : i32 to vector<16xi32>
        %max3A_1241 = arith.maxsi %add3A_1238, %max3A_1240 : vector<16xi32>
        %gather3A_1242 = tpu.vector_load_idx %arg5[%broadcast_in_dim3A_1207, %max3A_1241] : memref<128x511xi32, #tpu.memory_space<vmem>>[vector<16xi32>, vector<16xi32>], vector<16xi32>,
        %add3A_1243 = arith.constant 16 : i32
        %add3A_1244 = arith.addi %mul3A_1234, %add3A_1243 : i32
        %add3A_1245 = vector.broadcast %add3A_1244 : i32 to vector<16xi32>
        %add3A_1246 = arith.addi %sub3A_1210, %add3A_1245 : vector<16xi32>
        %max3A_1247 = arith.constant 0 : i32
        %max3A_1248 = vector.broadcast %max3A_1247 : i32 to vector<16xi32>
        %max3A_1249 = arith.maxsi %add3A_1246, %max3A_1248 : vector<16xi32>
        %gather3A_1250 = tpu.vector_load_idx %arg5[%broadcast_in_dim3A_1207, %max3A_1249] : memref<128x511xi32, #tpu.memory_space<vmem>>[vector<16xi32>, vector<16xi32>], vector<16xi32>,
        %add3A_1251 = arith.constant 32 : i32
        %add3A_1252 = arith.addi %mul3A_1234, %add3A_1251 : i32
        %add3A_1253 = vector.broadcast %add3A_1252 : i32 to vector<16xi32>
        %add3A_1254 = arith.addi %sub3A_1210, %add3A_1253 : vector<16xi32>
        %max3A_1255 = arith.constant 0 : i32
        %max3A_1256 = vector.broadcast %max3A_1255 : i32 to vector<16xi32>
        %max3A_1257 = arith.maxsi %add3A_1254, %max3A_1256 : vector<16xi32>
        %gather3A_1258 = tpu.vector_load_idx %arg5[%broadcast_in_dim3A_1207, %max3A_1257] : memref<128x511xi32, #tpu.memory_space<vmem>>[vector<16xi32>, vector<16xi32>], vector<16xi32>,
        %add3A_1259 = arith.constant 48 : i32
        %add3A_1260 = arith.addi %mul3A_1234, %add3A_1259 : i32
        %add3A_1261 = vector.broadcast %add3A_1260 : i32 to vector<16xi32>
        %add3A_1262 = arith.addi %sub3A_1210, %add3A_1261 : vector<16xi32>
        %max3A_1263 = arith.constant 0 : i32
        %max3A_1264 = vector.broadcast %max3A_1263 : i32 to vector<16xi32>
        %max3A_1265 = arith.maxsi %add3A_1262, %max3A_1264 : vector<16xi32>
        %gather3A_1266 = tpu.vector_load_idx %arg5[%broadcast_in_dim3A_1207, %max3A_1265] : memref<128x511xi32, #tpu.memory_space<vmem>>[vector<16xi32>, vector<16xi32>], vector<16xi32>,
        %add3A_1267 = arith.constant 64 : i32
        %add3A_1268 = arith.addi %mul3A_1234, %add3A_1267 : i32
        %add3A_1269 = vector.broadcast %add3A_1268 : i32 to vector<16xi32>
        %add3A_1270 = arith.addi %sub3A_1210, %add3A_1269 : vector<16xi32>
        %max3A_1271 = arith.constant 0 : i32
        %max3A_1272 = vector.broadcast %max3A_1271 : i32 to vector<16xi32>
        %max3A_1273 = arith.maxsi %add3A_1270, %max3A_1272 : vector<16xi32>
        %gather3A_1274 = tpu.vector_load_idx %arg5[%broadcast_in_dim3A_1207, %max3A_1273] : memref<128x511xi32, #tpu.memory_space<vmem>>[vector<16xi32>, vector<16xi32>], vector<16xi32>,
        %add3A_1275 = arith.constant 80 : i32
        %add3A_1276 = arith.addi %mul3A_1234, %add3A_1275 : i32
        %add3A_1277 = vector.broadcast %add3A_1276 : i32 to vector<16xi32>
        %add3A_1278 = arith.addi %sub3A_1210, %add3A_1277 : vector<16xi32>
        %max3A_1279 = arith.constant 0 : i32
        %max3A_1280 = vector.broadcast %max3A_1279 : i32 to vector<16xi32>
        %max3A_1281 = arith.maxsi %add3A_1278, %max3A_1280 : vector<16xi32>
        %gather3A_1282 = tpu.vector_load_idx %arg5[%broadcast_in_dim3A_1207, %max3A_1281] : memref<128x511xi32, #tpu.memory_space<vmem>>[vector<16xi32>, vector<16xi32>], vector<16xi32>,
        %add3A_1283 = arith.constant 96 : i32
        %add3A_1284 = arith.addi %mul3A_1234, %add3A_1283 : i32
        %add3A_1285 = vector.broadcast %add3A_1284 : i32 to vector<16xi32>
        %add3A_1286 = arith.addi %sub3A_1210, %add3A_1285 : vector<16xi32>
        %max3A_1287 = arith.constant 0 : i32
        %max3A_1288 = vector.broadcast %max3A_1287 : i32 to vector<16xi32>
        %max3A_1289 = arith.maxsi %add3A_1286, %max3A_1288 : vector<16xi32>
        %gather3A_1290 = tpu.vector_load_idx %arg5[%broadcast_in_dim3A_1207, %max3A_1289] : memref<128x511xi32, #tpu.memory_space<vmem>>[vector<16xi32>, vector<16xi32>], vector<16xi32>,
        %add3A_1291 = arith.constant 112 : i32
        %add3A_1292 = arith.addi %mul3A_1234, %add3A_1291 : i32
        %add3A_1293 = vector.broadcast %add3A_1292 : i32 to vector<16xi32>
        %add3A_1294 = arith.addi %sub3A_1210, %add3A_1293 : vector<16xi32>
        %max3A_1295 = arith.constant 0 : i32
        %max3A_1296 = vector.broadcast %max3A_1295 : i32 to vector<16xi32>
        %max3A_1297 = arith.maxsi %add3A_1294, %max3A_1296 : vector<16xi32>
        %gather3A_1298 = tpu.vector_load_idx %arg5[%broadcast_in_dim3A_1207, %max3A_1297] : memref<128x511xi32, #tpu.memory_space<vmem>>[vector<16xi32>, vector<16xi32>], vector<16xi32>,
        %gather3A_1299 = tpu.vector_load_idx %arg7[%gather3A_1242] : memref<512xf32, #tpu.memory_space<vmem>>[vector<16xi32>], vector<16xf32>,
        %add3A_1300 = arith.constant 0 : i32
        %add3A_1301 = arith.addi %mul3A_1234, %add3A_1300 : i32
        %swap3A_1302 = arith.constant 1 : i32
        %swap3A_1303 = arith.index_cast %swap3A_1302 : i32 to index
        %swap3A_1304 = arith.index_cast %add3A_1200 : i32 to index
        %swap3A_1305 = arith.index_cast %add3A_1301 : i32 to index
        %swap3A_1306 = tpu.vector_load %arg6[%swap3A_1303, %swap3A_1304, %swap3A_1305] {strides = array<i32>} : memref<2x32x512xf32, #tpu.memory_space<vmem>>, vector<16xf32>,
        tpu.vector_store %arg6[%swap3A_1303, %swap3A_1304, %swap3A_1305], %gather3A_1299 {strides = array<i32>} : memref<2x32x512xf32, #tpu.memory_space<vmem>>, vector<16xf32>,
        %gather3A_1307 = tpu.vector_load_idx %arg7[%gather3A_1250] : memref<512xf32, #tpu.memory_space<vmem>>[vector<16xi32>], vector<16xf32>,
        %add3A_1308 = arith.constant 16 : i32
        %add3A_1309 = arith.addi %mul3A_1234, %add3A_1308 : i32
        %swap3A_1310 = arith.constant 1 : i32
        %swap3A_1311 = arith.index_cast %swap3A_1310 : i32 to index
        %swap3A_1312 = arith.index_cast %add3A_1200 : i32 to index
        %swap3A_1313 = arith.index_cast %add3A_1309 : i32 to index
        %swap3A_1314 = tpu.vector_load %arg6[%swap3A_1311, %swap3A_1312, %swap3A_1313] {strides = array<i32>} : memref<2x32x512xf32, #tpu.memory_space<vmem>>, vector<16xf32>,
        tpu.vector_store %arg6[%swap3A_1311, %swap3A_1312, %swap3A_1313], %gather3A_1307 {strides = array<i32>} : memref<2x32x512xf32, #tpu.memory_space<vmem>>, vector<16xf32>,
        %gather3A_1315 = tpu.vector_load_idx %arg7[%gather3A_1258] : memref<512xf32, #tpu.memory_space<vmem>>[vector<16xi32>], vector<16xf32>,
        %add3A_1316 = arith.constant 32 : i32
        %add3A_1317 = arith.addi %mul3A_1234, %add3A_1316 : i32
        %swap3A_1318 = arith.constant 1 : i32
        %swap3A_1319 = arith.index_cast %swap3A_1318 : i32 to index
        %swap3A_1320 = arith.index_cast %add3A_1200 : i32 to index
        %swap3A_1321 = arith.index_cast %add3A_1317 : i32 to index
        %swap3A_1322 = tpu.vector_load %arg6[%swap3A_1319, %swap3A_1320, %swap3A_1321] {strides = array<i32>} : memref<2x32x512xf32, #tpu.memory_space<vmem>>, vector<16xf32>,
        tpu.vector_store %arg6[%swap3A_1319, %swap3A_1320, %swap3A_1321], %gather3A_1315 {strides = array<i32>} : memref<2x32x512xf32, #tpu.memory_space<vmem>>, vector<16xf32>,
        %gather3A_1323 = tpu.vector_load_idx %arg7[%gather3A_1266] : memref<512xf32, #tpu.memory_space<vmem>>[vector<16xi32>], vector<16xf32>,
        %add3A_1324 = arith.constant 48 : i32
        %add3A_1325 = arith.addi %mul3A_1234, %add3A_1324 : i32
        %swap3A_1326 = arith.constant 1 : i32
        %swap3A_1327 = arith.index_cast %swap3A_1326 : i32 to index
        %swap3A_1328 = arith.index_cast %add3A_1200 : i32 to index
        %swap3A_1329 = arith.index_cast %add3A_1325 : i32 to index
        %swap3A_1330 = tpu.vector_load %arg6[%swap3A_1327, %swap3A_1328, %swap3A_1329] {strides = array<i32>} : memref<2x32x512xf32, #tpu.memory_space<vmem>>, vector<16xf32>,
        tpu.vector_store %arg6[%swap3A_1327, %swap3A_1328, %swap3A_1329], %gather3A_1323 {strides = array<i32>} : memref<2x32x512xf32, #tpu.memory_space<vmem>>, vector<16xf32>,
        %gather3A_1331 = tpu.vector_load_idx %arg7[%gather3A_1274] : memref<512xf32, #tpu.memory_space<vmem>>[vector<16xi32>], vector<16xf32>,
        %add3A_1332 = arith.constant 64 : i32
        %add3A_1333 = arith.addi %mul3A_1234, %add3A_1332 : i32
        %swap3A_1334 = arith.constant 1 : i32
        %swap3A_1335 = arith.index_cast %swap3A_1334 : i32 to index
        %swap3A_1336 = arith.index_cast %add3A_1200 : i32 to index
        %swap3A_1337 = arith.index_cast %add3A_1333 : i32 to index
        %swap3A_1338 = tpu.vector_load %arg6[%swap3A_1335, %swap3A_1336, %swap3A_1337] {strides = array<i32>} : memref<2x32x512xf32, #tpu.memory_space<vmem>>, vector<16xf32>,
        tpu.vector_store %arg6[%swap3A_1335, %swap3A_1336, %swap3A_1337], %gather3A_1331 {strides = array<i32>} : memref<2x32x512xf32, #tpu.memory_space<vmem>>, vector<16xf32>,
        %gather3A_1339 = tpu.vector_load_idx %arg7[%gather3A_1282] : memref<512xf32, #tpu.memory_space<vmem>>[vector<16xi32>], vector<16xf32>,
        %add3A_1340 = arith.constant 80 : i32
        %add3A_1341 = arith.addi %mul3A_1234, %add3A_1340 : i32
        %swap3A_1342 = arith.constant 1 : i32
        %swap3A_1343 = arith.index_cast %swap3A_1342 : i32 to index
        %swap3A_1344 = arith.index_cast %add3A_1200 : i32 to index
        %swap3A_1345 = arith.index_cast %add3A_1341 : i32 to index
        %swap3A_1346 = tpu.vector_load %arg6[%swap3A_1343, %swap3A_1344, %swap3A_1345] {strides = array<i32>} : memref<2x32x512xf32, #tpu.memory_space<vmem>>, vector<16xf32>,
        tpu.vector_store %arg6[%swap3A_1343, %swap3A_1344, %swap3A_1345], %gather3A_1339 {strides = array<i32>} : memref<2x32x512xf32, #tpu.memory_space<vmem>>, vector<16xf32>,
        %gather3A_1347 = tpu.vector_load_idx %arg7[%gather3A_1290] : memref<512xf32, #tpu.memory_space<vmem>>[vector<16xi32>], vector<16xf32>,
        %add3A_1348 = arith.constant 96 : i32
        %add3A_1349 = arith.addi %mul3A_1234, %add3A_1348 : i32
        %swap3A_1350 = arith.constant 1 : i32
        %swap3A_1351 = arith.index_cast %swap3A_1350 : i32 to index
        %swap3A_1352 = arith.index_cast %add3A_1200 : i32 to index
        %swap3A_1353 = arith.index_cast %add3A_1349 : i32 to index
        %swap3A_1354 = tpu.vector_load %arg6[%swap3A_1351, %swap3A_1352, %swap3A_1353] {strides = array<i32>} : memref<2x32x512xf32, #tpu.memory_space<vmem>>, vector<16xf32>,
        tpu.vector_store %arg6[%swap3A_1351, %swap3A_1352, %swap3A_1353], %gather3A_1347 {strides = array<i32>} : memref<2x32x512xf32, #tpu.memory_space<vmem>>, vector<16xf32>,
        %gather3A_1355 = tpu.vector_load_idx %arg7[%gather3A_1298] : memref<512xf32, #tpu.memory_space<vmem>>[vector<16xi32>], vector<16xf32>,
        %add3A_1356 = arith.constant 112 : i32
        %add3A_1357 = arith.addi %mul3A_1234, %add3A_1356 : i32
        %swap3A_1358 = arith.constant 1 : i32
        %swap3A_1359 = arith.index_cast %swap3A_1358 : i32 to index
        %swap3A_1360 = arith.index_cast %add3A_1200 : i32 to index
        %swap3A_1361 = arith.index_cast %add3A_1357 : i32 to index
        %swap3A_1362 = tpu.vector_load %arg6[%swap3A_1359, %swap3A_1360, %swap3A_1361] {strides = array<i32>} : memref<2x32x512xf32, #tpu.memory_space<vmem>>, vector<16xf32>,
        tpu.vector_store %arg6[%swap3A_1359, %swap3A_1360, %swap3A_1361], %gather3A_1355 {strides = array<i32>} : memref<2x32x512xf32, #tpu.memory_space<vmem>>, vector<16xf32>,
      }
      %scan3A_1215 = arith.constant 4 : i32
      %get3A = arith.constant 1 : i32
      %get3A_1216 = arith.index_cast %get3A : i32 to index
      %get3A_1217 = arith.index_cast %add3A_1200 : i32 to index
      %get3A_1218 = arith.constant 0 : index
      %get3A_1219 = tpu.vector_load %arg6[%get3A_1216, %get3A_1217, %get3A_1218] {strides = array<i32>} : memref<2x32x512xf32, #tpu.memory_space<vmem>>, vector<16xf32>,
      %eq3A_1220 = arith.constant 0 : i32
      %eq3A_1221 = vector.broadcast %eq3A_1220 : i32 to vector<16xi32>
      %eq3A_1222 = arith.cmpi eq, %iota3A, %eq3A_1221 : vector<16xi32>
      %select_n3A_1223 = arith.select %eq3A_1222, %gather3A, %get3A_1219 : vector<16xi1>, vector<16xf32>
      %swap3A = arith.constant 1 : i32
      %swap3A_1224 = arith.index_cast %swap3A : i32 to index
      %swap3A_1225 = arith.index_cast %add3A_1200 : i32 to index
      %swap3A_1226 = arith.constant 0 : index
      %swap3A_1227 = tpu.vector_load %arg6[%swap3A_1224, %swap3A_1225, %swap3A_1226] {strides = array<i32>} : memref<2x32x512xf32, #tpu.memory_space<vmem>>, vector<16xf32>,
      tpu.vector_store %arg6[%swap3A_1224, %swap3A_1225, %swap3A_1226], %select_n3A_1223 {strides = array<i32>} : memref<2x32x512xf32, #tpu.memory_space<vmem>>, vector<16xf32>,
    }
    %scan3A_243 = arith.constant 32 : i32
    %add3A_244 = arith.constant 32 : i32
    %add3A_245 = arith.addi %mul3A_32, %add3A_244 : i32
    %mul3A_246 = arith.constant 8 : i32
    %mul3A_247 = arith.muli %select_n3A, %mul3A_246 : i32
    %add3A_248 = arith.constant 0 : i32
    %add3A_249 = arith.addi %mul3A_247, %add3A_248 : i32
    %dma_start3A_250 = arith.constant 1 : i32
    %dma_start3A_251 = arith.constant 0 : i32
    %dma_start3A_252 = arith.constant 0 : i32
    %dma_start3A_253 = tpu.memref_slice %arg6[%dma_start3A_250, %dma_start3A_251, %dma_start3A_252] : memref<2x32x512xf32, #tpu.memory_space<vmem>> -> memref<1x32x512xf32, #tpu.memory_space<vmem>>
    %dma_start3A_254 = tpu.memref_squeeze %dma_start3A_253 : memref<1x32x512xf32, #tpu.memory_space<vmem>> -> memref<32x512xf32, #tpu.memory_space<vmem>>
    %dma_start3A_255 = arith.constant 0 : i32
    %dma_start3A_256 = tpu.memref_slice %arg4[%add3A_249, %add3A_245, %dma_start3A_255] : memref<64x512x512xf32, #tpu.memory_space<hbm>> -> memref<1x32x512xf32, #tpu.memory_space<hbm>>
    %dma_start3A_257 = tpu.memref_squeeze %dma_start3A_256 : memref<1x32x512xf32, #tpu.memory_space<hbm>> -> memref<32x512xf32, #tpu.memory_space<hbm>>
    %dma_start3A_258 = arith.constant 0 : i32
    %dma_start3A_259 = tpu.memref_slice %arg4[%add3A_249, %add3A_245, %dma_start3A_258] : memref<64x512x512xf32, #tpu.memory_space<hbm>> -> memref<1x32x512xf32, #tpu.memory_space<hbm>>
    %dma_start3A_260 = tpu.memref_squeeze %dma_start3A_259 : memref<1x32x512xf32, #tpu.memory_space<hbm>> -> memref<32x512xf32, #tpu.memory_space<hbm>>
    %dma_start3A_261 = arith.constant 0 : i32
    %dma_start3A_262 = arith.constant 0 : i32
    %dma_start3A_263 = tpu.memref_slice %arg6[%dma_start3A_250, %dma_start3A_261, %dma_start3A_262] : memref<2x32x512xf32, #tpu.memory_space<vmem>> -> memref<1x32x512xf32, #tpu.memory_space<vmem>>
    %dma_start3A_264 = tpu.memref_squeeze %dma_start3A_263 : memref<1x32x512xf32, #tpu.memory_space<vmem>> -> memref<32x512xf32, #tpu.memory_space<vmem>>
    tpu.enqueue_dma source(%dma_start3A_264 : memref<32x512xf32, #tpu.memory_space<vmem>>) target(%dma_start3A_260 : memref<32x512xf32, #tpu.memory_space<hbm>>) target_semaphore(%arg9 : memref<!tpu.dma_semaphore, #tpu.memory_space<semaphore_mem>>)
    %mul3A_265 = arith.constant 8 : i32
    %mul3A_266 = arith.muli %select_n3A, %mul3A_265 : i32
    %add3A_267 = arith.constant 1 : i32
    %add3A_268 = arith.addi %mul3A_266, %add3A_267 : i32
    %dma_start3A_269 = arith.constant 1 : i32
    %dma_start3A_270 = arith.constant 0 : i32
    %dma_start3A_271 = arith.constant 0 : i32
    %dma_start3A_272 = tpu.memref_slice %arg6[%dma_start3A_269, %dma_start3A_270, %dma_start3A_271] : memref<2x32x512xf32, #tpu.memory_space<vmem>> -> memref<1x32x512xf32, #tpu.memory_space<vmem>>
    %dma_start3A_273 = tpu.memref_squeeze %dma_start3A_272 : memref<1x32x512xf32, #tpu.memory_space<vmem>> -> memref<32x512xf32, #tpu.memory_space<vmem>>
    %dma_start3A_274 = arith.constant 0 : i32
    %dma_start3A_275 = tpu.memref_slice %arg4[%add3A_268, %add3A_245, %dma_start3A_274] : memref<64x512x512xf32, #tpu.memory_space<hbm>> -> memref<1x32x512xf32, #tpu.memory_space<hbm>>
    %dma_start3A_276 = tpu.memref_squeeze %dma_start3A_275 : memref<1x32x512xf32, #tpu.memory_space<hbm>> -> memref<32x512xf32, #tpu.memory_space<hbm>>
    %dma_start3A_277 = arith.constant 0 : i32
    %dma_start3A_278 = tpu.memref_slice %arg4[%add3A_268, %add3A_245, %dma_start3A_277] : memref<64x512x512xf32, #tpu.memory_space<hbm>> -> memref<1x32x512xf32, #tpu.memory_space<hbm>>
    %dma_start3A_279 = tpu.memref_squeeze %dma_start3A_278 : memref<1x32x512xf32, #tpu.memory_space<hbm>> -> memref<32x512xf32, #tpu.memory_space<hbm>>
    %dma_start3A_280 = arith.constant 0 : i32
    %dma_start3A_281 = arith.constant 0 : i32
    %dma_start3A_282 = tpu.memref_slice %arg6[%dma_start3A_269, %dma_start3A_280, %dma_start3A_281] : memref<2x32x512xf32, #tpu.memory_space<vmem>> -> memref<1x32x512xf32, #tpu.memory_space<vmem>>
    %dma_start3A_283 = tpu.memref_squeeze %dma_start3A_282 : memref<1x32x512xf32, #tpu.memory_space<vmem>> -> memref<32x512xf32, #tpu.memory_space<vmem>>
    tpu.enqueue_dma source(%dma_start3A_283 : memref<32x512xf32, #tpu.memory_space<vmem>>) target(%dma_start3A_279 : memref<32x512xf32, #tpu.memory_space<hbm>>) target_semaphore(%arg9 : memref<!tpu.dma_semaphore, #tpu.memory_space<semaphore_mem>>)
    %mul3A_284 = arith.constant 8 : i32
    %mul3A_285 = arith.muli %select_n3A, %mul3A_284 : i32
    %add3A_286 = arith.constant 2 : i32
    %add3A_287 = arith.addi %mul3A_285, %add3A_286 : i32
    %dma_start3A_288 = arith.constant 1 : i32
    %dma_start3A_289 = arith.constant 0 : i32
    %dma_start3A_290 = arith.constant 0 : i32
    %dma_start3A_291 = tpu.memref_slice %arg6[%dma_start3A_288, %dma_start3A_289, %dma_start3A_290] : memref<2x32x512xf32, #tpu.memory_space<vmem>> -> memref<1x32x512xf32, #tpu.memory_space<vmem>>
    %dma_start3A_292 = tpu.memref_squeeze %dma_start3A_291 : memref<1x32x512xf32, #tpu.memory_space<vmem>> -> memref<32x512xf32, #tpu.memory_space<vmem>>
    %dma_start3A_293 = arith.constant 0 : i32
    %dma_start3A_294 = tpu.memref_slice %arg4[%add3A_287, %add3A_245, %dma_start3A_293] : memref<64x512x512xf32, #tpu.memory_space<hbm>> -> memref<1x32x512xf32, #tpu.memory_space<hbm>>
    %dma_start3A_295 = tpu.memref_squeeze %dma_start3A_294 : memref<1x32x512xf32, #tpu.memory_space<hbm>> -> memref<32x512xf32, #tpu.memory_space<hbm>>
    %dma_start3A_296 = arith.constant 0 : i32
    %dma_start3A_297 = tpu.memref_slice %arg4[%add3A_287, %add3A_245, %dma_start3A_296] : memref<64x512x512xf32, #tpu.memory_space<hbm>> -> memref<1x32x512xf32, #tpu.memory_space<hbm>>
    %dma_start3A_298 = tpu.memref_squeeze %dma_start3A_297 : memref<1x32x512xf32, #tpu.memory_space<hbm>> -> memref<32x512xf32, #tpu.memory_space<hbm>>
    %dma_start3A_299 = arith.constant 0 : i32
    %dma_start3A_300 = arith.constant 0 : i32
    %dma_start3A_301 = tpu.memref_slice %arg6[%dma_start3A_288, %dma_start3A_299, %dma_start3A_300] : memref<2x32x512xf32, #tpu.memory_space<vmem>> -> memref<1x32x512xf32, #tpu.memory_space<vmem>>
    %dma_start3A_302 = tpu.memref_squeeze %dma_start3A_301 : memref<1x32x512xf32, #tpu.memory_space<vmem>> -> memref<32x512xf32, #tpu.memory_space<vmem>>
    tpu.enqueue_dma source(%dma_start3A_302 : memref<32x512xf32, #tpu.memory_space<vmem>>) target(%dma_start3A_298 : memref<32x512xf32, #tpu.memory_space<hbm>>) target_semaphore(%arg9 : memref<!tpu.dma_semaphore, #tpu.memory_space<semaphore_mem>>)
    %mul3A_303 = arith.constant 8 : i32
    %mul3A_304 = arith.muli %select_n3A, %mul3A_303 : i32
    %add3A_305 = arith.constant 3 : i32
    %add3A_306 = arith.addi %mul3A_304, %add3A_305 : i32
    %dma_start3A_307 = arith.constant 1 : i32
    %dma_start3A_308 = arith.constant 0 : i32
    %dma_start3A_309 = arith.constant 0 : i32
    %dma_start3A_310 = tpu.memref_slice %arg6[%dma_start3A_307, %dma_start3A_308, %dma_start3A_309] : memref<2x32x512xf32, #tpu.memory_space<vmem>> -> memref<1x32x512xf32, #tpu.memory_space<vmem>>
    %dma_start3A_311 = tpu.memref_squeeze %dma_start3A_310 : memref<1x32x512xf32, #tpu.memory_space<vmem>> -> memref<32x512xf32, #tpu.memory_space<vmem>>
    %dma_start3A_312 = arith.constant 0 : i32
    %dma_start3A_313 = tpu.memref_slice %arg4[%add3A_306, %add3A_245, %dma_start3A_312] : memref<64x512x512xf32, #tpu.memory_space<hbm>> -> memref<1x32x512xf32, #tpu.memory_space<hbm>>
    %dma_start3A_314 = tpu.memref_squeeze %dma_start3A_313 : memref<1x32x512xf32, #tpu.memory_space<hbm>> -> memref<32x512xf32, #tpu.memory_space<hbm>>
    %dma_start3A_315 = arith.constant 0 : i32
    %dma_start3A_316 = tpu.memref_slice %arg4[%add3A_306, %add3A_245, %dma_start3A_315] : memref<64x512x512xf32, #tpu.memory_space<hbm>> -> memref<1x32x512xf32, #tpu.memory_space<hbm>>
    %dma_start3A_317 = tpu.memref_squeeze %dma_start3A_316 : memref<1x32x512xf32, #tpu.memory_space<hbm>> -> memref<32x512xf32, #tpu.memory_space<hbm>>
    %dma_start3A_318 = arith.constant 0 : i32
    %dma_start3A_319 = arith.constant 0 : i32
    %dma_start3A_320 = tpu.memref_slice %arg6[%dma_start3A_307, %dma_start3A_318, %dma_start3A_319] : memref<2x32x512xf32, #tpu.memory_space<vmem>> -> memref<1x32x512xf32, #tpu.memory_space<vmem>>
    %dma_start3A_321 = tpu.memref_squeeze %dma_start3A_320 : memref<1x32x512xf32, #tpu.memory_space<vmem>> -> memref<32x512xf32, #tpu.memory_space<vmem>>
    tpu.enqueue_dma source(%dma_start3A_321 : memref<32x512xf32, #tpu.memory_space<vmem>>) target(%dma_start3A_317 : memref<32x512xf32, #tpu.memory_space<hbm>>) target_semaphore(%arg9 : memref<!tpu.dma_semaphore, #tpu.memory_space<semaphore_mem>>)
    %mul3A_322 = arith.constant 8 : i32
    %mul3A_323 = arith.muli %select_n3A, %mul3A_322 : i32
    %add3A_324 = arith.constant 4 : i32
    %add3A_325 = arith.addi %mul3A_323, %add3A_324 : i32
    %dma_start3A_326 = arith.constant 1 : i32
    %dma_start3A_327 = arith.constant 0 : i32
    %dma_start3A_328 = arith.constant 0 : i32
    %dma_start3A_329 = tpu.memref_slice %arg6[%dma_start3A_326, %dma_start3A_327, %dma_start3A_328] : memref<2x32x512xf32, #tpu.memory_space<vmem>> -> memref<1x32x512xf32, #tpu.memory_space<vmem>>
    %dma_start3A_330 = tpu.memref_squeeze %dma_start3A_329 : memref<1x32x512xf32, #tpu.memory_space<vmem>> -> memref<32x512xf32, #tpu.memory_space<vmem>>
    %dma_start3A_331 = arith.constant 0 : i32
    %dma_start3A_332 = tpu.memref_slice %arg4[%add3A_325, %add3A_245, %dma_start3A_331] : memref<64x512x512xf32, #tpu.memory_space<hbm>> -> memref<1x32x512xf32, #tpu.memory_space<hbm>>
    %dma_start3A_333 = tpu.memref_squeeze %dma_start3A_332 : memref<1x32x512xf32, #tpu.memory_space<hbm>> -> memref<32x512xf32, #tpu.memory_space<hbm>>
    %dma_start3A_334 = arith.constant 0 : i32
    %dma_start3A_335 = tpu.memref_slice %arg4[%add3A_325, %add3A_245, %dma_start3A_334] : memref<64x512x512xf32, #tpu.memory_space<hbm>> -> memref<1x32x512xf32, #tpu.memory_space<hbm>>
    %dma_start3A_336 = tpu.memref_squeeze %dma_start3A_335 : memref<1x32x512xf32, #tpu.memory_space<hbm>> -> memref<32x512xf32, #tpu.memory_space<hbm>>
    %dma_start3A_337 = arith.constant 0 : i32
    %dma_start3A_338 = arith.constant 0 : i32
    %dma_start3A_339 = tpu.memref_slice %arg6[%dma_start3A_326, %dma_start3A_337, %dma_start3A_338] : memref<2x32x512xf32, #tpu.memory_space<vmem>> -> memref<1x32x512xf32, #tpu.memory_space<vmem>>
    %dma_start3A_340 = tpu.memref_squeeze %dma_start3A_339 : memref<1x32x512xf32, #tpu.memory_space<vmem>> -> memref<32x512xf32, #tpu.memory_space<vmem>>
    tpu.enqueue_dma source(%dma_start3A_340 : memref<32x512xf32, #tpu.memory_space<vmem>>) target(%dma_start3A_336 : memref<32x512xf32, #tpu.memory_space<hbm>>) target_semaphore(%arg9 : memref<!tpu.dma_semaphore, #tpu.memory_space<semaphore_mem>>)
    %mul3A_341 = arith.constant 8 : i32
    %mul3A_342 = arith.muli %select_n3A, %mul3A_341 : i32
    %add3A_343 = arith.constant 5 : i32
    %add3A_344 = arith.addi %mul3A_342, %add3A_343 : i32
    %dma_start3A_345 = arith.constant 1 : i32
    %dma_start3A_346 = arith.constant 0 : i32
    %dma_start3A_347 = arith.constant 0 : i32
    %dma_start3A_348 = tpu.memref_slice %arg6[%dma_start3A_345, %dma_start3A_346, %dma_start3A_347] : memref<2x32x512xf32, #tpu.memory_space<vmem>> -> memref<1x32x512xf32, #tpu.memory_space<vmem>>
    %dma_start3A_349 = tpu.memref_squeeze %dma_start3A_348 : memref<1x32x512xf32, #tpu.memory_space<vmem>> -> memref<32x512xf32, #tpu.memory_space<vmem>>
    %dma_start3A_350 = arith.constant 0 : i32
    %dma_start3A_351 = tpu.memref_slice %arg4[%add3A_344, %add3A_245, %dma_start3A_350] : memref<64x512x512xf32, #tpu.memory_space<hbm>> -> memref<1x32x512xf32, #tpu.memory_space<hbm>>
    %dma_start3A_352 = tpu.memref_squeeze %dma_start3A_351 : memref<1x32x512xf32, #tpu.memory_space<hbm>> -> memref<32x512xf32, #tpu.memory_space<hbm>>
    %dma_start3A_353 = arith.constant 0 : i32
    %dma_start3A_354 = tpu.memref_slice %arg4[%add3A_344, %add3A_245, %dma_start3A_353] : memref<64x512x512xf32, #tpu.memory_space<hbm>> -> memref<1x32x512xf32, #tpu.memory_space<hbm>>
    %dma_start3A_355 = tpu.memref_squeeze %dma_start3A_354 : memref<1x32x512xf32, #tpu.memory_space<hbm>> -> memref<32x512xf32, #tpu.memory_space<hbm>>
    %dma_start3A_356 = arith.constant 0 : i32
    %dma_start3A_357 = arith.constant 0 : i32
    %dma_start3A_358 = tpu.memref_slice %arg6[%dma_start3A_345, %dma_start3A_356, %dma_start3A_357] : memref<2x32x512xf32, #tpu.memory_space<vmem>> -> memref<1x32x512xf32, #tpu.memory_space<vmem>>
    %dma_start3A_359 = tpu.memref_squeeze %dma_start3A_358 : memref<1x32x512xf32, #tpu.memory_space<vmem>> -> memref<32x512xf32, #tpu.memory_space<vmem>>
    tpu.enqueue_dma source(%dma_start3A_359 : memref<32x512xf32, #tpu.memory_space<vmem>>) target(%dma_start3A_355 : memref<32x512xf32, #tpu.memory_space<hbm>>) target_semaphore(%arg9 : memref<!tpu.dma_semaphore, #tpu.memory_space<semaphore_mem>>)
    %mul3A_360 = arith.constant 8 : i32
    %mul3A_361 = arith.muli %select_n3A, %mul3A_360 : i32
    %add3A_362 = arith.constant 6 : i32
    %add3A_363 = arith.addi %mul3A_361, %add3A_362 : i32
    %dma_start3A_364 = arith.constant 1 : i32
    %dma_start3A_365 = arith.constant 0 : i32
    %dma_start3A_366 = arith.constant 0 : i32
    %dma_start3A_367 = tpu.memref_slice %arg6[%dma_start3A_364, %dma_start3A_365, %dma_start3A_366] : memref<2x32x512xf32, #tpu.memory_space<vmem>> -> memref<1x32x512xf32, #tpu.memory_space<vmem>>
    %dma_start3A_368 = tpu.memref_squeeze %dma_start3A_367 : memref<1x32x512xf32, #tpu.memory_space<vmem>> -> memref<32x512xf32, #tpu.memory_space<vmem>>
    %dma_start3A_369 = arith.constant 0 : i32
    %dma_start3A_370 = tpu.memref_slice %arg4[%add3A_363, %add3A_245, %dma_start3A_369] : memref<64x512x512xf32, #tpu.memory_space<hbm>> -> memref<1x32x512xf32, #tpu.memory_space<hbm>>
    %dma_start3A_371 = tpu.memref_squeeze %dma_start3A_370 : memref<1x32x512xf32, #tpu.memory_space<hbm>> -> memref<32x512xf32, #tpu.memory_space<hbm>>
    %dma_start3A_372 = arith.constant 0 : i32
    %dma_start3A_373 = tpu.memref_slice %arg4[%add3A_363, %add3A_245, %dma_start3A_372] : memref<64x512x512xf32, #tpu.memory_space<hbm>> -> memref<1x32x512xf32, #tpu.memory_space<hbm>>
    %dma_start3A_374 = tpu.memref_squeeze %dma_start3A_373 : memref<1x32x512xf32, #tpu.memory_space<hbm>> -> memref<32x512xf32, #tpu.memory_space<hbm>>
    %dma_start3A_375 = arith.constant 0 : i32
    %dma_start3A_376 = arith.constant 0 : i32
    %dma_start3A_377 = tpu.memref_slice %arg6[%dma_start3A_364, %dma_start3A_375, %dma_start3A_376] : memref<2x32x512xf32, #tpu.memory_space<vmem>> -> memref<1x32x512xf32, #tpu.memory_space<vmem>>
    %dma_start3A_378 = tpu.memref_squeeze %dma_start3A_377 : memref<1x32x512xf32, #tpu.memory_space<vmem>> -> memref<32x512xf32, #tpu.memory_space<vmem>>
    tpu.enqueue_dma source(%dma_start3A_378 : memref<32x512xf32, #tpu.memory_space<vmem>>) target(%dma_start3A_374 : memref<32x512xf32, #tpu.memory_space<hbm>>) target_semaphore(%arg9 : memref<!tpu.dma_semaphore, #tpu.memory_space<semaphore_mem>>)
    %mul3A_379 = arith.constant 8 : i32
    %mul3A_380 = arith.muli %select_n3A, %mul3A_379 : i32
    %add3A_381 = arith.constant 7 : i32
    %add3A_382 = arith.addi %mul3A_380, %add3A_381 : i32
    %dma_start3A_383 = arith.constant 1 : i32
    %dma_start3A_384 = arith.constant 0 : i32
    %dma_start3A_385 = arith.constant 0 : i32
    %dma_start3A_386 = tpu.memref_slice %arg6[%dma_start3A_383, %dma_start3A_384, %dma_start3A_385] : memref<2x32x512xf32, #tpu.memory_space<vmem>> -> memref<1x32x512xf32, #tpu.memory_space<vmem>>
    %dma_start3A_387 = tpu.memref_squeeze %dma_start3A_386 : memref<1x32x512xf32, #tpu.memory_space<vmem>> -> memref<32x512xf32, #tpu.memory_space<vmem>>
    %dma_start3A_388 = arith.constant 0 : i32
    %dma_start3A_389 = tpu.memref_slice %arg4[%add3A_382, %add3A_245, %dma_start3A_388] : memref<64x512x512xf32, #tpu.memory_space<hbm>> -> memref<1x32x512xf32, #tpu.memory_space<hbm>>
    %dma_start3A_390 = tpu.memref_squeeze %dma_start3A_389 : memref<1x32x512xf32, #tpu.memory_space<hbm>> -> memref<32x512xf32, #tpu.memory_space<hbm>>
    %dma_start3A_391 = arith.constant 0 : i32
    %dma_start3A_392 = tpu.memref_slice %arg4[%add3A_382, %add3A_245, %dma_start3A_391] : memref<64x512x512xf32, #tpu.memory_space<hbm>> -> memref<1x32x512xf32, #tpu.memory_space<hbm>>
    %dma_start3A_393 = tpu.memref_squeeze %dma_start3A_392 : memref<1x32x512xf32, #tpu.memory_space<hbm>> -> memref<32x512xf32, #tpu.memory_space<hbm>>
    %dma_start3A_394 = arith.constant 0 : i32
    %dma_start3A_395 = arith.constant 0 : i32
    %dma_start3A_396 = tpu.memref_slice %arg6[%dma_start3A_383, %dma_start3A_394, %dma_start3A_395] : memref<2x32x512xf32, #tpu.memory_space<vmem>> -> memref<1x32x512xf32, #tpu.memory_space<vmem>>
    %dma_start3A_397 = tpu.memref_squeeze %dma_start3A_396 : memref<1x32x512xf32, #tpu.memory_space<vmem>> -> memref<32x512xf32, #tpu.memory_space<vmem>>
    tpu.enqueue_dma source(%dma_start3A_397 : memref<32x512xf32, #tpu.memory_space<vmem>>) target(%dma_start3A_393 : memref<32x512xf32, #tpu.memory_space<hbm>>) target_semaphore(%arg9 : memref<!tpu.dma_semaphore, #tpu.memory_space<semaphore_mem>>)
    %dma_wait3A_398 = arith.constant 0 : i32
    %dma_wait3A_399 = arith.constant 0 : i32
    %dma_wait3A_400 = arith.constant 0 : i32
    %dma_wait3A_401 = tpu.memref_slice %arg6[%dma_wait3A_398, %dma_wait3A_399, %dma_wait3A_400] : memref<2x32x512xf32, #tpu.memory_space<vmem>> -> memref<1x32x512xf32, #tpu.memory_space<vmem>>
    %dma_wait3A_402 = tpu.memref_squeeze %dma_wait3A_401 : memref<1x32x512xf32, #tpu.memory_space<vmem>> -> memref<32x512xf32, #tpu.memory_space<vmem>>
    %dma_wait3A_403 = arith.constant 0 : i32
    %dma_wait3A_404 = tpu.memref_slice %arg4[%add3A_80, %add3A_76, %dma_wait3A_403] : memref<64x512x512xf32, #tpu.memory_space<hbm>> -> memref<1x32x512xf32, #tpu.memory_space<hbm>>
    %dma_wait3A_405 = tpu.memref_squeeze %dma_wait3A_404 : memref<1x32x512xf32, #tpu.memory_space<hbm>> -> memref<32x512xf32, #tpu.memory_space<hbm>>
    %dma_wait3A_406 = arith.constant 0 : i32
    %dma_wait3A_407 = tpu.memref_slice %arg4[%add3A_80, %add3A_76, %dma_wait3A_406] : memref<64x512x512xf32, #tpu.memory_space<hbm>> -> memref<1x32x512xf32, #tpu.memory_space<hbm>>
    %dma_wait3A_408 = tpu.memref_squeeze %dma_wait3A_407 : memref<1x32x512xf32, #tpu.memory_space<hbm>> -> memref<32x512xf32, #tpu.memory_space<hbm>>
    %dma_wait3A_409 = arith.constant 0 : i32
    %dma_wait3A_410 = arith.constant 0 : i32
    %dma_wait3A_411 = tpu.memref_slice %arg6[%dma_wait3A_398, %dma_wait3A_409, %dma_wait3A_410] : memref<2x32x512xf32, #tpu.memory_space<vmem>> -> memref<1x32x512xf32, #tpu.memory_space<vmem>>
    %dma_wait3A_412 = tpu.memref_squeeze %dma_wait3A_411 : memref<1x32x512xf32, #tpu.memory_space<vmem>> -> memref<32x512xf32, #tpu.memory_space<vmem>>
    tpu.wait_dma2 semaphore(%arg8 : memref<!tpu.dma_semaphore, #tpu.memory_space<semaphore_mem>>) src(%dma_wait3A_412 : memref<32x512xf32, #tpu.memory_space<vmem>>) dst(%dma_wait3A_408 : memref<32x512xf32, #tpu.memory_space<hbm>>)
    %dma_wait3A_413 = arith.constant 0 : i32
    %dma_wait3A_414 = arith.constant 0 : i32
    %dma_wait3A_415 = arith.constant 0 : i32
    %dma_wait3A_416 = tpu.memref_slice %arg6[%dma_wait3A_413, %dma_wait3A_414, %dma_wait3A_415] : memref<2x32x512xf32, #tpu.memory_space<vmem>> -> memref<1x32x512xf32, #tpu.memory_space<vmem>>
    %dma_wait3A_417 = tpu.memref_squeeze %dma_wait3A_416 : memref<1x32x512xf32, #tpu.memory_space<vmem>> -> memref<32x512xf32, #tpu.memory_space<vmem>>
    %dma_wait3A_418 = arith.constant 0 : i32
    %dma_wait3A_419 = tpu.memref_slice %arg4[%add3A_99, %add3A_76, %dma_wait3A_418] : memref<64x512x512xf32, #tpu.memory_space<hbm>> -> memref<1x32x512xf32, #tpu.memory_space<hbm>>
    %dma_wait3A_420 = tpu.memref_squeeze %dma_wait3A_419 : memref<1x32x512xf32, #tpu.memory_space<hbm>> -> memref<32x512xf32, #tpu.memory_space<hbm>>
    %dma_wait3A_421 = arith.constant 0 : i32
    %dma_wait3A_422 = tpu.memref_slice %arg4[%add3A_99, %add3A_76, %dma_wait3A_421] : memref<64x512x512xf32, #tpu.memory_space<hbm>> -> memref<1x32x512xf32, #tpu.memory_space<hbm>>
    %dma_wait3A_423 = tpu.memref_squeeze %dma_wait3A_422 : memref<1x32x512xf32, #tpu.memory_space<hbm>> -> memref<32x512xf32, #tpu.memory_space<hbm>>
    %dma_wait3A_424 = arith.constant 0 : i32
    %dma_wait3A_425 = arith.constant 0 : i32
    %dma_wait3A_426 = tpu.memref_slice %arg6[%dma_wait3A_413, %dma_wait3A_424, %dma_wait3A_425] : memref<2x32x512xf32, #tpu.memory_space<vmem>> -> memref<1x32x512xf32, #tpu.memory_space<vmem>>
    %dma_wait3A_427 = tpu.memref_squeeze %dma_wait3A_426 : memref<1x32x512xf32, #tpu.memory_space<vmem>> -> memref<32x512xf32, #tpu.memory_space<vmem>>
    tpu.wait_dma2 semaphore(%arg8 : memref<!tpu.dma_semaphore, #tpu.memory_space<semaphore_mem>>) src(%dma_wait3A_427 : memref<32x512xf32, #tpu.memory_space<vmem>>) dst(%dma_wait3A_423 : memref<32x512xf32, #tpu.memory_space<hbm>>)
    %dma_wait3A_428 = arith.constant 0 : i32
    %dma_wait3A_429 = arith.constant 0 : i32
    %dma_wait3A_430 = arith.constant 0 : i32
    %dma_wait3A_431 = tpu.memref_slice %arg6[%dma_wait3A_428, %dma_wait3A_429, %dma_wait3A_430] : memref<2x32x512xf32, #tpu.memory_space<vmem>> -> memref<1x32x512xf32, #tpu.memory_space<vmem>>
    %dma_wait3A_432 = tpu.memref_squeeze %dma_wait3A_431 : memref<1x32x512xf32, #tpu.memory_space<vmem>> -> memref<32x512xf32, #tpu.memory_space<vmem>>
    %dma_wait3A_433 = arith.constant 0 : i32
    %dma_wait3A_434 = tpu.memref_slice %arg4[%add3A_118, %add3A_76, %dma_wait3A_433] : memref<64x512x512xf32, #tpu.memory_space<hbm>> -> memref<1x32x512xf32, #tpu.memory_space<hbm>>
    %dma_wait3A_435 = tpu.memref_squeeze %dma_wait3A_434 : memref<1x32x512xf32, #tpu.memory_space<hbm>> -> memref<32x512xf32, #tpu.memory_space<hbm>>
    %dma_wait3A_436 = arith.constant 0 : i32
    %dma_wait3A_437 = tpu.memref_slice %arg4[%add3A_118, %add3A_76, %dma_wait3A_436] : memref<64x512x512xf32, #tpu.memory_space<hbm>> -> memref<1x32x512xf32, #tpu.memory_space<hbm>>
    %dma_wait3A_438 = tpu.memref_squeeze %dma_wait3A_437 : memref<1x32x512xf32, #tpu.memory_space<hbm>> -> memref<32x512xf32, #tpu.memory_space<hbm>>
    %dma_wait3A_439 = arith.constant 0 : i32
    %dma_wait3A_440 = arith.constant 0 : i32
    %dma_wait3A_441 = tpu.memref_slice %arg6[%dma_wait3A_428, %dma_wait3A_439, %dma_wait3A_440] : memref<2x32x512xf32, #tpu.memory_space<vmem>> -> memref<1x32x512xf32, #tpu.memory_space<vmem>>
    %dma_wait3A_442 = tpu.memref_squeeze %dma_wait3A_441 : memref<1x32x512xf32, #tpu.memory_space<vmem>> -> memref<32x512xf32, #tpu.memory_space<vmem>>
    tpu.wait_dma2 semaphore(%arg8 : memref<!tpu.dma_semaphore, #tpu.memory_space<semaphore_mem>>) src(%dma_wait3A_442 : memref<32x512xf32, #tpu.memory_space<vmem>>) dst(%dma_wait3A_438 : memref<32x512xf32, #tpu.memory_space<hbm>>)
    %dma_wait3A_443 = arith.constant 0 : i32
    %dma_wait3A_444 = arith.constant 0 : i32
    %dma_wait3A_445 = arith.constant 0 : i32
    %dma_wait3A_446 = tpu.memref_slice %arg6[%dma_wait3A_443, %dma_wait3A_444, %dma_wait3A_445] : memref<2x32x512xf32, #tpu.memory_space<vmem>> -> memref<1x32x512xf32, #tpu.memory_space<vmem>>
    %dma_wait3A_447 = tpu.memref_squeeze %dma_wait3A_446 : memref<1x32x512xf32, #tpu.memory_space<vmem>> -> memref<32x512xf32, #tpu.memory_space<vmem>>
    %dma_wait3A_448 = arith.constant 0 : i32
    %dma_wait3A_449 = tpu.memref_slice %arg4[%add3A_137, %add3A_76, %dma_wait3A_448] : memref<64x512x512xf32, #tpu.memory_space<hbm>> -> memref<1x32x512xf32, #tpu.memory_space<hbm>>
    %dma_wait3A_450 = tpu.memref_squeeze %dma_wait3A_449 : memref<1x32x512xf32, #tpu.memory_space<hbm>> -> memref<32x512xf32, #tpu.memory_space<hbm>>
    %dma_wait3A_451 = arith.constant 0 : i32
    %dma_wait3A_452 = tpu.memref_slice %arg4[%add3A_137, %add3A_76, %dma_wait3A_451] : memref<64x512x512xf32, #tpu.memory_space<hbm>> -> memref<1x32x512xf32, #tpu.memory_space<hbm>>
    %dma_wait3A_453 = tpu.memref_squeeze %dma_wait3A_452 : memref<1x32x512xf32, #tpu.memory_space<hbm>> -> memref<32x512xf32, #tpu.memory_space<hbm>>
    %dma_wait3A_454 = arith.constant 0 : i32
    %dma_wait3A_455 = arith.constant 0 : i32
    %dma_wait3A_456 = tpu.memref_slice %arg6[%dma_wait3A_443, %dma_wait3A_454, %dma_wait3A_455] : memref<2x32x512xf32, #tpu.memory_space<vmem>> -> memref<1x32x512xf32, #tpu.memory_space<vmem>>
    %dma_wait3A_457 = tpu.memref_squeeze %dma_wait3A_456 : memref<1x32x512xf32, #tpu.memory_space<vmem>> -> memref<32x512xf32, #tpu.memory_space<vmem>>
    tpu.wait_dma2 semaphore(%arg8 : memref<!tpu.dma_semaphore, #tpu.memory_space<semaphore_mem>>) src(%dma_wait3A_457 : memref<32x512xf32, #tpu.memory_space<vmem>>) dst(%dma_wait3A_453 : memref<32x512xf32, #tpu.memory_space<hbm>>)
    %dma_wait3A_458 = arith.constant 0 : i32
    %dma_wait3A_459 = arith.constant 0 : i32
    %dma_wait3A_460 = arith.constant 0 : i32
    %dma_wait3A_461 = tpu.memref_slice %arg6[%dma_wait3A_458, %dma_wait3A_459, %dma_wait3A_460] : memref<2x32x512xf32, #tpu.memory_space<vmem>> -> memref<1x32x512xf32, #tpu.memory_space<vmem>>
    %dma_wait3A_462 = tpu.memref_squeeze %dma_wait3A_461 : memref<1x32x512xf32, #tpu.memory_space<vmem>> -> memref<32x512xf32, #tpu.memory_space<vmem>>
    %dma_wait3A_463 = arith.constant 0 : i32
    %dma_wait3A_464 = tpu.memref_slice %arg4[%add3A_156, %add3A_76, %dma_wait3A_463] : memref<64x512x512xf32, #tpu.memory_space<hbm>> -> memref<1x32x512xf32, #tpu.memory_space<hbm>>
    %dma_wait3A_465 = tpu.memref_squeeze %dma_wait3A_464 : memref<1x32x512xf32, #tpu.memory_space<hbm>> -> memref<32x512xf32, #tpu.memory_space<hbm>>
    %dma_wait3A_466 = arith.constant 0 : i32
    %dma_wait3A_467 = tpu.memref_slice %arg4[%add3A_156, %add3A_76, %dma_wait3A_466] : memref<64x512x512xf32, #tpu.memory_space<hbm>> -> memref<1x32x512xf32, #tpu.memory_space<hbm>>
    %dma_wait3A_468 = tpu.memref_squeeze %dma_wait3A_467 : memref<1x32x512xf32, #tpu.memory_space<hbm>> -> memref<32x512xf32, #tpu.memory_space<hbm>>
    %dma_wait3A_469 = arith.constant 0 : i32
    %dma_wait3A_470 = arith.constant 0 : i32
    %dma_wait3A_471 = tpu.memref_slice %arg6[%dma_wait3A_458, %dma_wait3A_469, %dma_wait3A_470] : memref<2x32x512xf32, #tpu.memory_space<vmem>> -> memref<1x32x512xf32, #tpu.memory_space<vmem>>
    %dma_wait3A_472 = tpu.memref_squeeze %dma_wait3A_471 : memref<1x32x512xf32, #tpu.memory_space<vmem>> -> memref<32x512xf32, #tpu.memory_space<vmem>>
    tpu.wait_dma2 semaphore(%arg8 : memref<!tpu.dma_semaphore, #tpu.memory_space<semaphore_mem>>) src(%dma_wait3A_472 : memref<32x512xf32, #tpu.memory_space<vmem>>) dst(%dma_wait3A_468 : memref<32x512xf32, #tpu.memory_space<hbm>>)
    %dma_wait3A_473 = arith.constant 0 : i32
    %dma_wait3A_474 = arith.constant 0 : i32
    %dma_wait3A_475 = arith.constant 0 : i32
    %dma_wait3A_476 = tpu.memref_slice %arg6[%dma_wait3A_473, %dma_wait3A_474, %dma_wait3A_475] : memref<2x32x512xf32, #tpu.memory_space<vmem>> -> memref<1x32x512xf32, #tpu.memory_space<vmem>>
    %dma_wait3A_477 = tpu.memref_squeeze %dma_wait3A_476 : memref<1x32x512xf32, #tpu.memory_space<vmem>> -> memref<32x512xf32, #tpu.memory_space<vmem>>
    %dma_wait3A_478 = arith.constant 0 : i32
    %dma_wait3A_479 = tpu.memref_slice %arg4[%add3A_175, %add3A_76, %dma_wait3A_478] : memref<64x512x512xf32, #tpu.memory_space<hbm>> -> memref<1x32x512xf32, #tpu.memory_space<hbm>>
    %dma_wait3A_480 = tpu.memref_squeeze %dma_wait3A_479 : memref<1x32x512xf32, #tpu.memory_space<hbm>> -> memref<32x512xf32, #tpu.memory_space<hbm>>
    %dma_wait3A_481 = arith.constant 0 : i32
    %dma_wait3A_482 = tpu.memref_slice %arg4[%add3A_175, %add3A_76, %dma_wait3A_481] : memref<64x512x512xf32, #tpu.memory_space<hbm>> -> memref<1x32x512xf32, #tpu.memory_space<hbm>>
    %dma_wait3A_483 = tpu.memref_squeeze %dma_wait3A_482 : memref<1x32x512xf32, #tpu.memory_space<hbm>> -> memref<32x512xf32, #tpu.memory_space<hbm>>
    %dma_wait3A_484 = arith.constant 0 : i32
    %dma_wait3A_485 = arith.constant 0 : i32
    %dma_wait3A_486 = tpu.memref_slice %arg6[%dma_wait3A_473, %dma_wait3A_484, %dma_wait3A_485] : memref<2x32x512xf32, #tpu.memory_space<vmem>> -> memref<1x32x512xf32, #tpu.memory_space<vmem>>
    %dma_wait3A_487 = tpu.memref_squeeze %dma_wait3A_486 : memref<1x32x512xf32, #tpu.memory_space<vmem>> -> memref<32x512xf32, #tpu.memory_space<vmem>>
    tpu.wait_dma2 semaphore(%arg8 : memref<!tpu.dma_semaphore, #tpu.memory_space<semaphore_mem>>) src(%dma_wait3A_487 : memref<32x512xf32, #tpu.memory_space<vmem>>) dst(%dma_wait3A_483 : memref<32x512xf32, #tpu.memory_space<hbm>>)
    %dma_wait3A_488 = arith.constant 0 : i32
    %dma_wait3A_489 = arith.constant 0 : i32
    %dma_wait3A_490 = arith.constant 0 : i32
    %dma_wait3A_491 = tpu.memref_slice %arg6[%dma_wait3A_488, %dma_wait3A_489, %dma_wait3A_490] : memref<2x32x512xf32, #tpu.memory_space<vmem>> -> memref<1x32x512xf32, #tpu.memory_space<vmem>>
    %dma_wait3A_492 = tpu.memref_squeeze %dma_wait3A_491 : memref<1x32x512xf32, #tpu.memory_space<vmem>> -> memref<32x512xf32, #tpu.memory_space<vmem>>
    %dma_wait3A_493 = arith.constant 0 : i32
    %dma_wait3A_494 = tpu.memref_slice %arg4[%add3A_194, %add3A_76, %dma_wait3A_493] : memref<64x512x512xf32, #tpu.memory_space<hbm>> -> memref<1x32x512xf32, #tpu.memory_space<hbm>>
    %dma_wait3A_495 = tpu.memref_squeeze %dma_wait3A_494 : memref<1x32x512xf32, #tpu.memory_space<hbm>> -> memref<32x512xf32, #tpu.memory_space<hbm>>
    %dma_wait3A_496 = arith.constant 0 : i32
    %dma_wait3A_497 = tpu.memref_slice %arg4[%add3A_194, %add3A_76, %dma_wait3A_496] : memref<64x512x512xf32, #tpu.memory_space<hbm>> -> memref<1x32x512xf32, #tpu.memory_space<hbm>>
    %dma_wait3A_498 = tpu.memref_squeeze %dma_wait3A_497 : memref<1x32x512xf32, #tpu.memory_space<hbm>> -> memref<32x512xf32, #tpu.memory_space<hbm>>
    %dma_wait3A_499 = arith.constant 0 : i32
    %dma_wait3A_500 = arith.constant 0 : i32
    %dma_wait3A_501 = tpu.memref_slice %arg6[%dma_wait3A_488, %dma_wait3A_499, %dma_wait3A_500] : memref<2x32x512xf32, #tpu.memory_space<vmem>> -> memref<1x32x512xf32, #tpu.memory_space<vmem>>
    %dma_wait3A_502 = tpu.memref_squeeze %dma_wait3A_501 : memref<1x32x512xf32, #tpu.memory_space<vmem>> -> memref<32x512xf32, #tpu.memory_space<vmem>>
    tpu.wait_dma2 semaphore(%arg8 : memref<!tpu.dma_semaphore, #tpu.memory_space<semaphore_mem>>) src(%dma_wait3A_502 : memref<32x512xf32, #tpu.memory_space<vmem>>) dst(%dma_wait3A_498 : memref<32x512xf32, #tpu.memory_space<hbm>>)
    %dma_wait3A_503 = arith.constant 0 : i32
    %dma_wait3A_504 = arith.constant 0 : i32
    %dma_wait3A_505 = arith.constant 0 : i32
    %dma_wait3A_506 = tpu.memref_slice %arg6[%dma_wait3A_503, %dma_wait3A_504, %dma_wait3A_505] : memref<2x32x512xf32, #tpu.memory_space<vmem>> -> memref<1x32x512xf32, #tpu.memory_space<vmem>>
    %dma_wait3A_507 = tpu.memref_squeeze %dma_wait3A_506 : memref<1x32x512xf32, #tpu.memory_space<vmem>> -> memref<32x512xf32, #tpu.memory_space<vmem>>
    %dma_wait3A_508 = arith.constant 0 : i32
    %dma_wait3A_509 = tpu.memref_slice %arg4[%add3A_213, %add3A_76, %dma_wait3A_508] : memref<64x512x512xf32, #tpu.memory_space<hbm>> -> memref<1x32x512xf32, #tpu.memory_space<hbm>>
    %dma_wait3A_510 = tpu.memref_squeeze %dma_wait3A_509 : memref<1x32x512xf32, #tpu.memory_space<hbm>> -> memref<32x512xf32, #tpu.memory_space<hbm>>
    %dma_wait3A_511 = arith.constant 0 : i32
    %dma_wait3A_512 = tpu.memref_slice %arg4[%add3A_213, %add3A_76, %dma_wait3A_511] : memref<64x512x512xf32, #tpu.memory_space<hbm>> -> memref<1x32x512xf32, #tpu.memory_space<hbm>>
    %dma_wait3A_513 = tpu.memref_squeeze %dma_wait3A_512 : memref<1x32x512xf32, #tpu.memory_space<hbm>> -> memref<32x512xf32, #tpu.memory_space<hbm>>
    %dma_wait3A_514 = arith.constant 0 : i32
    %dma_wait3A_515 = arith.constant 0 : i32
    %dma_wait3A_516 = tpu.memref_slice %arg6[%dma_wait3A_503, %dma_wait3A_514, %dma_wait3A_515] : memref<2x32x512xf32, #tpu.memory_space<vmem>> -> memref<1x32x512xf32, #tpu.memory_space<vmem>>
    %dma_wait3A_517 = tpu.memref_squeeze %dma_wait3A_516 : memref<1x32x512xf32, #tpu.memory_space<vmem>> -> memref<32x512xf32, #tpu.memory_space<vmem>>
    tpu.wait_dma2 semaphore(%arg8 : memref<!tpu.dma_semaphore, #tpu.memory_space<semaphore_mem>>) src(%dma_wait3A_517 : memref<32x512xf32, #tpu.memory_space<vmem>>) dst(%dma_wait3A_513 : memref<32x512xf32, #tpu.memory_space<hbm>>)
    %scan3A_518 = arith.constant 0 : i32
    %scan3A_519 = arith.constant 32 : i32
    %scan3A_520 = arith.addi %scan3A_518, %scan3A_519 : i32
    %scan3A_521 = arith.constant 1 : i32
    scf.for %scan3A_1196 = %scan3A_518 to %scan3A_520 step %scan3A_521  : i32 {
      %mul3A_1197 = arith.constant 1 : i32
      %mul3A_1198 = arith.muli %scan3A_1196, %mul3A_1197 : i32
      %add3A_1199 = arith.constant 0 : i32
      %add3A_1200 = arith.addi %add3A_1199, %mul3A_1198 : i32
      %add3A_1201 = arith.constant 64 : i32
      %add3A_1202 = arith.addi %mul3A_32, %add3A_1201 : i32
      %add3A_1203 = arith.addi %add3A_1202, %add3A_1200 : i32
      %sub3A_1204 = arith.constant 1 : i32
      %sub3A_1205 = arith.subi %add3A_1203, %sub3A_1204 : i32
      %sub3A_1206 = arith.subi %sub3A_1205, %max3A_35 : i32
      %broadcast_in_dim3A_1207 = vector.broadcast %sub3A_1206 : i32 to vector<16xi32>
      %sub3A_1208 = arith.constant 1 : i32
      %sub3A_1209 = vector.broadcast %sub3A_1208 : i32 to vector<16xi32>
      %sub3A_1210 = arith.subi %iota3A, %sub3A_1209 : vector<16xi32>
      %scan3A_1211 = arith.constant 0 : i32
      %scan3A_1212 = arith.constant 4 : i32
      %scan3A_1213 = arith.addi %scan3A_1211, %scan3A_1212 : i32
      %scan3A_1214 = arith.constant 1 : i32
      scf.for %scan3A_1228 = %scan3A_1211 to %scan3A_1213 step %scan3A_1214  : i32 {
        %mul3A_1229 = arith.constant 1 : i32
        %mul3A_1230 = arith.muli %scan3A_1228, %mul3A_1229 : i32
        %add3A_1231 = arith.constant 0 : i32
        %add3A_1232 = arith.addi %add3A_1231, %mul3A_1230 : i32
        %mul3A_1233 = arith.constant 128 : i32
        %mul3A_1234 = arith.muli %add3A_1232, %mul3A_1233 : i32
        %add3A_1235 = arith.constant 0 : i32
        %add3A_1236 = arith.addi %mul3A_1234, %add3A_1235 : i32
        %add3A_1237 = vector.broadcast %add3A_1236 : i32 to vector<16xi32>
        %add3A_1238 = arith.addi %sub3A_1210, %add3A_1237 : vector<16xi32>
        %max3A_1239 = arith.constant 0 : i32
        %max3A_1240 = vector.broadcast %max3A_1239 : i32 to vector<16xi32>
        %max3A_1241 = arith.maxsi %add3A_1238, %max3A_1240 : vector<16xi32>
        %gather3A_1242 = tpu.vector_load_idx %arg5[%broadcast_in_dim3A_1207, %max3A_1241] : memref<128x511xi32, #tpu.memory_space<vmem>>[vector<16xi32>, vector<16xi32>], vector<16xi32>,
        %add3A_1243 = arith.constant 16 : i32
        %add3A_1244 = arith.addi %mul3A_1234, %add3A_1243 : i32
        %add3A_1245 = vector.broadcast %add3A_1244 : i32 to vector<16xi32>
        %add3A_1246 = arith.addi %sub3A_1210, %add3A_1245 : vector<16xi32>
        %max3A_1247 = arith.constant 0 : i32
        %max3A_1248 = vector.broadcast %max3A_1247 : i32 to vector<16xi32>
        %max3A_1249 = arith.maxsi %add3A_1246, %max3A_1248 : vector<16xi32>
        %gather3A_1250 = tpu.vector_load_idx %arg5[%broadcast_in_dim3A_1207, %max3A_1249] : memref<128x511xi32, #tpu.memory_space<vmem>>[vector<16xi32>, vector<16xi32>], vector<16xi32>,
        %add3A_1251 = arith.constant 32 : i32
        %add3A_1252 = arith.addi %mul3A_1234, %add3A_1251 : i32
        %add3A_1253 = vector.broadcast %add3A_1252 : i32 to vector<16xi32>
        %add3A_1254 = arith.addi %sub3A_1210, %add3A_1253 : vector<16xi32>
        %max3A_1255 = arith.constant 0 : i32
        %max3A_1256 = vector.broadcast %max3A_1255 : i32 to vector<16xi32>
        %max3A_1257 = arith.maxsi %add3A_1254, %max3A_1256 : vector<16xi32>
        %gather3A_1258 = tpu.vector_load_idx %arg5[%broadcast_in_dim3A_1207, %max3A_1257] : memref<128x511xi32, #tpu.memory_space<vmem>>[vector<16xi32>, vector<16xi32>], vector<16xi32>,
        %add3A_1259 = arith.constant 48 : i32
        %add3A_1260 = arith.addi %mul3A_1234, %add3A_1259 : i32
        %add3A_1261 = vector.broadcast %add3A_1260 : i32 to vector<16xi32>
        %add3A_1262 = arith.addi %sub3A_1210, %add3A_1261 : vector<16xi32>
        %max3A_1263 = arith.constant 0 : i32
        %max3A_1264 = vector.broadcast %max3A_1263 : i32 to vector<16xi32>
        %max3A_1265 = arith.maxsi %add3A_1262, %max3A_1264 : vector<16xi32>
        %gather3A_1266 = tpu.vector_load_idx %arg5[%broadcast_in_dim3A_1207, %max3A_1265] : memref<128x511xi32, #tpu.memory_space<vmem>>[vector<16xi32>, vector<16xi32>], vector<16xi32>,
        %add3A_1267 = arith.constant 64 : i32
        %add3A_1268 = arith.addi %mul3A_1234, %add3A_1267 : i32
        %add3A_1269 = vector.broadcast %add3A_1268 : i32 to vector<16xi32>
        %add3A_1270 = arith.addi %sub3A_1210, %add3A_1269 : vector<16xi32>
        %max3A_1271 = arith.constant 0 : i32
        %max3A_1272 = vector.broadcast %max3A_1271 : i32 to vector<16xi32>
        %max3A_1273 = arith.maxsi %add3A_1270, %max3A_1272 : vector<16xi32>
        %gather3A_1274 = tpu.vector_load_idx %arg5[%broadcast_in_dim3A_1207, %max3A_1273] : memref<128x511xi32, #tpu.memory_space<vmem>>[vector<16xi32>, vector<16xi32>], vector<16xi32>,
        %add3A_1275 = arith.constant 80 : i32
        %add3A_1276 = arith.addi %mul3A_1234, %add3A_1275 : i32
        %add3A_1277 = vector.broadcast %add3A_1276 : i32 to vector<16xi32>
        %add3A_1278 = arith.addi %sub3A_1210, %add3A_1277 : vector<16xi32>
        %max3A_1279 = arith.constant 0 : i32
        %max3A_1280 = vector.broadcast %max3A_1279 : i32 to vector<16xi32>
        %max3A_1281 = arith.maxsi %add3A_1278, %max3A_1280 : vector<16xi32>
        %gather3A_1282 = tpu.vector_load_idx %arg5[%broadcast_in_dim3A_1207, %max3A_1281] : memref<128x511xi32, #tpu.memory_space<vmem>>[vector<16xi32>, vector<16xi32>], vector<16xi32>,
        %add3A_1283 = arith.constant 96 : i32
        %add3A_1284 = arith.addi %mul3A_1234, %add3A_1283 : i32
        %add3A_1285 = vector.broadcast %add3A_1284 : i32 to vector<16xi32>
        %add3A_1286 = arith.addi %sub3A_1210, %add3A_1285 : vector<16xi32>
        %max3A_1287 = arith.constant 0 : i32
        %max3A_1288 = vector.broadcast %max3A_1287 : i32 to vector<16xi32>
        %max3A_1289 = arith.maxsi %add3A_1286, %max3A_1288 : vector<16xi32>
        %gather3A_1290 = tpu.vector_load_idx %arg5[%broadcast_in_dim3A_1207, %max3A_1289] : memref<128x511xi32, #tpu.memory_space<vmem>>[vector<16xi32>, vector<16xi32>], vector<16xi32>,
        %add3A_1291 = arith.constant 112 : i32
        %add3A_1292 = arith.addi %mul3A_1234, %add3A_1291 : i32
        %add3A_1293 = vector.broadcast %add3A_1292 : i32 to vector<16xi32>
        %add3A_1294 = arith.addi %sub3A_1210, %add3A_1293 : vector<16xi32>
        %max3A_1295 = arith.constant 0 : i32
        %max3A_1296 = vector.broadcast %max3A_1295 : i32 to vector<16xi32>
        %max3A_1297 = arith.maxsi %add3A_1294, %max3A_1296 : vector<16xi32>
        %gather3A_1298 = tpu.vector_load_idx %arg5[%broadcast_in_dim3A_1207, %max3A_1297] : memref<128x511xi32, #tpu.memory_space<vmem>>[vector<16xi32>, vector<16xi32>], vector<16xi32>,
        %gather3A_1299 = tpu.vector_load_idx %arg7[%gather3A_1242] : memref<512xf32, #tpu.memory_space<vmem>>[vector<16xi32>], vector<16xf32>,
        %add3A_1300 = arith.constant 0 : i32
        %add3A_1301 = arith.addi %mul3A_1234, %add3A_1300 : i32
        %swap3A_1302 = arith.constant 0 : i32
        %swap3A_1303 = arith.index_cast %swap3A_1302 : i32 to index
        %swap3A_1304 = arith.index_cast %add3A_1200 : i32 to index
        %swap3A_1305 = arith.index_cast %add3A_1301 : i32 to index
        %swap3A_1306 = tpu.vector_load %arg6[%swap3A_1303, %swap3A_1304, %swap3A_1305] {strides = array<i32>} : memref<2x32x512xf32, #tpu.memory_space<vmem>>, vector<16xf32>,
        tpu.vector_store %arg6[%swap3A_1303, %swap3A_1304, %swap3A_1305], %gather3A_1299 {strides = array<i32>} : memref<2x32x512xf32, #tpu.memory_space<vmem>>, vector<16xf32>,
        %gather3A_1307 = tpu.vector_load_idx %arg7[%gather3A_1250] : memref<512xf32, #tpu.memory_space<vmem>>[vector<16xi32>], vector<16xf32>,
        %add3A_1308 = arith.constant 16 : i32
        %add3A_1309 = arith.addi %mul3A_1234, %add3A_1308 : i32
        %swap3A_1310 = arith.constant 0 : i32
        %swap3A_1311 = arith.index_cast %swap3A_1310 : i32 to index
        %swap3A_1312 = arith.index_cast %add3A_1200 : i32 to index
        %swap3A_1313 = arith.index_cast %add3A_1309 : i32 to index
        %swap3A_1314 = tpu.vector_load %arg6[%swap3A_1311, %swap3A_1312, %swap3A_1313] {strides = array<i32>} : memref<2x32x512xf32, #tpu.memory_space<vmem>>, vector<16xf32>,
        tpu.vector_store %arg6[%swap3A_1311, %swap3A_1312, %swap3A_1313], %gather3A_1307 {strides = array<i32>} : memref<2x32x512xf32, #tpu.memory_space<vmem>>, vector<16xf32>,
        %gather3A_1315 = tpu.vector_load_idx %arg7[%gather3A_1258] : memref<512xf32, #tpu.memory_space<vmem>>[vector<16xi32>], vector<16xf32>,
        %add3A_1316 = arith.constant 32 : i32
        %add3A_1317 = arith.addi %mul3A_1234, %add3A_1316 : i32
        %swap3A_1318 = arith.constant 0 : i32
        %swap3A_1319 = arith.index_cast %swap3A_1318 : i32 to index
        %swap3A_1320 = arith.index_cast %add3A_1200 : i32 to index
        %swap3A_1321 = arith.index_cast %add3A_1317 : i32 to index
        %swap3A_1322 = tpu.vector_load %arg6[%swap3A_1319, %swap3A_1320, %swap3A_1321] {strides = array<i32>} : memref<2x32x512xf32, #tpu.memory_space<vmem>>, vector<16xf32>,
        tpu.vector_store %arg6[%swap3A_1319, %swap3A_1320, %swap3A_1321], %gather3A_1315 {strides = array<i32>} : memref<2x32x512xf32, #tpu.memory_space<vmem>>, vector<16xf32>,
        %gather3A_1323 = tpu.vector_load_idx %arg7[%gather3A_1266] : memref<512xf32, #tpu.memory_space<vmem>>[vector<16xi32>], vector<16xf32>,
        %add3A_1324 = arith.constant 48 : i32
        %add3A_1325 = arith.addi %mul3A_1234, %add3A_1324 : i32
        %swap3A_1326 = arith.constant 0 : i32
        %swap3A_1327 = arith.index_cast %swap3A_1326 : i32 to index
        %swap3A_1328 = arith.index_cast %add3A_1200 : i32 to index
        %swap3A_1329 = arith.index_cast %add3A_1325 : i32 to index
        %swap3A_1330 = tpu.vector_load %arg6[%swap3A_1327, %swap3A_1328, %swap3A_1329] {strides = array<i32>} : memref<2x32x512xf32, #tpu.memory_space<vmem>>, vector<16xf32>,
        tpu.vector_store %arg6[%swap3A_1327, %swap3A_1328, %swap3A_1329], %gather3A_1323 {strides = array<i32>} : memref<2x32x512xf32, #tpu.memory_space<vmem>>, vector<16xf32>,
        %gather3A_1331 = tpu.vector_load_idx %arg7[%gather3A_1274] : memref<512xf32, #tpu.memory_space<vmem>>[vector<16xi32>], vector<16xf32>,
        %add3A_1332 = arith.constant 64 : i32
        %add3A_1333 = arith.addi %mul3A_1234, %add3A_1332 : i32
        %swap3A_1334 = arith.constant 0 : i32
        %swap3A_1335 = arith.index_cast %swap3A_1334 : i32 to index
        %swap3A_1336 = arith.index_cast %add3A_1200 : i32 to index
        %swap3A_1337 = arith.index_cast %add3A_1333 : i32 to index
        %swap3A_1338 = tpu.vector_load %arg6[%swap3A_1335, %swap3A_1336, %swap3A_1337] {strides = array<i32>} : memref<2x32x512xf32, #tpu.memory_space<vmem>>, vector<16xf32>,
        tpu.vector_store %arg6[%swap3A_1335, %swap3A_1336, %swap3A_1337], %gather3A_1331 {strides = array<i32>} : memref<2x32x512xf32, #tpu.memory_space<vmem>>, vector<16xf32>,
        %gather3A_1339 = tpu.vector_load_idx %arg7[%gather3A_1282] : memref<512xf32, #tpu.memory_space<vmem>>[vector<16xi32>], vector<16xf32>,
        %add3A_1340 = arith.constant 80 : i32
        %add3A_1341 = arith.addi %mul3A_1234, %add3A_1340 : i32
        %swap3A_1342 = arith.constant 0 : i32
        %swap3A_1343 = arith.index_cast %swap3A_1342 : i32 to index
        %swap3A_1344 = arith.index_cast %add3A_1200 : i32 to index
        %swap3A_1345 = arith.index_cast %add3A_1341 : i32 to index
        %swap3A_1346 = tpu.vector_load %arg6[%swap3A_1343, %swap3A_1344, %swap3A_1345] {strides = array<i32>} : memref<2x32x512xf32, #tpu.memory_space<vmem>>, vector<16xf32>,
        tpu.vector_store %arg6[%swap3A_1343, %swap3A_1344, %swap3A_1345], %gather3A_1339 {strides = array<i32>} : memref<2x32x512xf32, #tpu.memory_space<vmem>>, vector<16xf32>,
        %gather3A_1347 = tpu.vector_load_idx %arg7[%gather3A_1290] : memref<512xf32, #tpu.memory_space<vmem>>[vector<16xi32>], vector<16xf32>,
        %add3A_1348 = arith.constant 96 : i32
        %add3A_1349 = arith.addi %mul3A_1234, %add3A_1348 : i32
        %swap3A_1350 = arith.constant 0 : i32
        %swap3A_1351 = arith.index_cast %swap3A_1350 : i32 to index
        %swap3A_1352 = arith.index_cast %add3A_1200 : i32 to index
        %swap3A_1353 = arith.index_cast %add3A_1349 : i32 to index
        %swap3A_1354 = tpu.vector_load %arg6[%swap3A_1351, %swap3A_1352, %swap3A_1353] {strides = array<i32>} : memref<2x32x512xf32, #tpu.memory_space<vmem>>, vector<16xf32>,
        tpu.vector_store %arg6[%swap3A_1351, %swap3A_1352, %swap3A_1353], %gather3A_1347 {strides = array<i32>} : memref<2x32x512xf32, #tpu.memory_space<vmem>>, vector<16xf32>,
        %gather3A_1355 = tpu.vector_load_idx %arg7[%gather3A_1298] : memref<512xf32, #tpu.memory_space<vmem>>[vector<16xi32>], vector<16xf32>,
        %add3A_1356 = arith.constant 112 : i32
        %add3A_1357 = arith.addi %mul3A_1234, %add3A_1356 : i32
        %swap3A_1358 = arith.constant 0 : i32
        %swap3A_1359 = arith.index_cast %swap3A_1358 : i32 to index
        %swap3A_1360 = arith.index_cast %add3A_1200 : i32 to index
        %swap3A_1361 = arith.index_cast %add3A_1357 : i32 to index
        %swap3A_1362 = tpu.vector_load %arg6[%swap3A_1359, %swap3A_1360, %swap3A_1361] {strides = array<i32>} : memref<2x32x512xf32, #tpu.memory_space<vmem>>, vector<16xf32>,
        tpu.vector_store %arg6[%swap3A_1359, %swap3A_1360, %swap3A_1361], %gather3A_1355 {strides = array<i32>} : memref<2x32x512xf32, #tpu.memory_space<vmem>>, vector<16xf32>,
      }
      %scan3A_1215 = arith.constant 4 : i32
      %get3A = arith.constant 0 : i32
      %get3A_1216 = arith.index_cast %get3A : i32 to index
      %get3A_1217 = arith.index_cast %add3A_1200 : i32 to index
      %get3A_1218 = arith.constant 0 : index
      %get3A_1219 = tpu.vector_load %arg6[%get3A_1216, %get3A_1217, %get3A_1218] {strides = array<i32>} : memref<2x32x512xf32, #tpu.memory_space<vmem>>, vector<16xf32>,
      %eq3A_1220 = arith.constant 0 : i32
      %eq3A_1221 = vector.broadcast %eq3A_1220 : i32 to vector<16xi32>
      %eq3A_1222 = arith.cmpi eq, %iota3A, %eq3A_1221 : vector<16xi32>
      %select_n3A_1223 = arith.select %eq3A_1222, %gather3A, %get3A_1219 : vector<16xi1>, vector<16xf32>
      %swap3A = arith.constant 0 : i32
      %swap3A_1224 = arith.index_cast %swap3A : i32 to index
      %swap3A_1225 = arith.index_cast %add3A_1200 : i32 to index
      %swap3A_1226 = arith.constant 0 : index
      %swap3A_1227 = tpu.vector_load %arg6[%swap3A_1224, %swap3A_1225, %swap3A_1226] {strides = array<i32>} : memref<2x32x512xf32, #tpu.memory_space<vmem>>, vector<16xf32>,
      tpu.vector_store %arg6[%swap3A_1224, %swap3A_1225, %swap3A_1226], %select_n3A_1223 {strides = array<i32>} : memref<2x32x512xf32, #tpu.memory_space<vmem>>, vector<16xf32>,
    }
    %scan3A_522 = arith.constant 32 : i32
    %add3A_523 = arith.constant 64 : i32
    %add3A_524 = arith.addi %mul3A_32, %add3A_523 : i32
    %mul3A_525 = arith.constant 8 : i32
    %mul3A_526 = arith.muli %select_n3A, %mul3A_525 : i32
    %add3A_527 = arith.constant 0 : i32
    %add3A_528 = arith.addi %mul3A_526, %add3A_527 : i32
    %dma_start3A_529 = arith.constant 0 : i32
    %dma_start3A_530 = arith.constant 0 : i32
    %dma_start3A_531 = arith.constant 0 : i32
    %dma_start3A_532 = tpu.memref_slice %arg6[%dma_start3A_529, %dma_start3A_530, %dma_start3A_531] : memref<2x32x512xf32, #tpu.memory_space<vmem>> -> memref<1x32x512xf32, #tpu.memory_space<vmem>>
    %dma_start3A_533 = tpu.memref_squeeze %dma_start3A_532 : memref<1x32x512xf32, #tpu.memory_space<vmem>> -> memref<32x512xf32, #tpu.memory_space<vmem>>
    %dma_start3A_534 = arith.constant 0 : i32
    %dma_start3A_535 = tpu.memref_slice %arg4[%add3A_528, %add3A_524, %dma_start3A_534] : memref<64x512x512xf32, #tpu.memory_space<hbm>> -> memref<1x32x512xf32, #tpu.memory_space<hbm>>
    %dma_start3A_536 = tpu.memref_squeeze %dma_start3A_535 : memref<1x32x512xf32, #tpu.memory_space<hbm>> -> memref<32x512xf32, #tpu.memory_space<hbm>>
    %dma_start3A_537 = arith.constant 0 : i32
    %dma_start3A_538 = tpu.memref_slice %arg4[%add3A_528, %add3A_524, %dma_start3A_537] : memref<64x512x512xf32, #tpu.memory_space<hbm>> -> memref<1x32x512xf32, #tpu.memory_space<hbm>>
    %dma_start3A_539 = tpu.memref_squeeze %dma_start3A_538 : memref<1x32x512xf32, #tpu.memory_space<hbm>> -> memref<32x512xf32, #tpu.memory_space<hbm>>
    %dma_start3A_540 = arith.constant 0 : i32
    %dma_start3A_541 = arith.constant 0 : i32
    %dma_start3A_542 = tpu.memref_slice %arg6[%dma_start3A_529, %dma_start3A_540, %dma_start3A_541] : memref<2x32x512xf32, #tpu.memory_space<vmem>> -> memref<1x32x512xf32, #tpu.memory_space<vmem>>
    %dma_start3A_543 = tpu.memref_squeeze %dma_start3A_542 : memref<1x32x512xf32, #tpu.memory_space<vmem>> -> memref<32x512xf32, #tpu.memory_space<vmem>>
    tpu.enqueue_dma source(%dma_start3A_543 : memref<32x512xf32, #tpu.memory_space<vmem>>) target(%dma_start3A_539 : memref<32x512xf32, #tpu.memory_space<hbm>>) target_semaphore(%arg8 : memref<!tpu.dma_semaphore, #tpu.memory_space<semaphore_mem>>)
    %mul3A_544 = arith.constant 8 : i32
    %mul3A_545 = arith.muli %select_n3A, %mul3A_544 : i32
    %add3A_546 = arith.constant 1 : i32
    %add3A_547 = arith.addi %mul3A_545, %add3A_546 : i32
    %dma_start3A_548 = arith.constant 0 : i32
    %dma_start3A_549 = arith.constant 0 : i32
    %dma_start3A_550 = arith.constant 0 : i32
    %dma_start3A_551 = tpu.memref_slice %arg6[%dma_start3A_548, %dma_start3A_549, %dma_start3A_550] : memref<2x32x512xf32, #tpu.memory_space<vmem>> -> memref<1x32x512xf32, #tpu.memory_space<vmem>>
    %dma_start3A_552 = tpu.memref_squeeze %dma_start3A_551 : memref<1x32x512xf32, #tpu.memory_space<vmem>> -> memref<32x512xf32, #tpu.memory_space<vmem>>
    %dma_start3A_553 = arith.constant 0 : i32
    %dma_start3A_554 = tpu.memref_slice %arg4[%add3A_547, %add3A_524, %dma_start3A_553] : memref<64x512x512xf32, #tpu.memory_space<hbm>> -> memref<1x32x512xf32, #tpu.memory_space<hbm>>
    %dma_start3A_555 = tpu.memref_squeeze %dma_start3A_554 : memref<1x32x512xf32, #tpu.memory_space<hbm>> -> memref<32x512xf32, #tpu.memory_space<hbm>>
    %dma_start3A_556 = arith.constant 0 : i32
    %dma_start3A_557 = tpu.memref_slice %arg4[%add3A_547, %add3A_524, %dma_start3A_556] : memref<64x512x512xf32, #tpu.memory_space<hbm>> -> memref<1x32x512xf32, #tpu.memory_space<hbm>>
    %dma_start3A_558 = tpu.memref_squeeze %dma_start3A_557 : memref<1x32x512xf32, #tpu.memory_space<hbm>> -> memref<32x512xf32, #tpu.memory_space<hbm>>
    %dma_start3A_559 = arith.constant 0 : i32
    %dma_start3A_560 = arith.constant 0 : i32
    %dma_start3A_561 = tpu.memref_slice %arg6[%dma_start3A_548, %dma_start3A_559, %dma_start3A_560] : memref<2x32x512xf32, #tpu.memory_space<vmem>> -> memref<1x32x512xf32, #tpu.memory_space<vmem>>
    %dma_start3A_562 = tpu.memref_squeeze %dma_start3A_561 : memref<1x32x512xf32, #tpu.memory_space<vmem>> -> memref<32x512xf32, #tpu.memory_space<vmem>>
    tpu.enqueue_dma source(%dma_start3A_562 : memref<32x512xf32, #tpu.memory_space<vmem>>) target(%dma_start3A_558 : memref<32x512xf32, #tpu.memory_space<hbm>>) target_semaphore(%arg8 : memref<!tpu.dma_semaphore, #tpu.memory_space<semaphore_mem>>)
    %mul3A_563 = arith.constant 8 : i32
    %mul3A_564 = arith.muli %select_n3A, %mul3A_563 : i32
    %add3A_565 = arith.constant 2 : i32
    %add3A_566 = arith.addi %mul3A_564, %add3A_565 : i32
    %dma_start3A_567 = arith.constant 0 : i32
    %dma_start3A_568 = arith.constant 0 : i32
    %dma_start3A_569 = arith.constant 0 : i32
    %dma_start3A_570 = tpu.memref_slice %arg6[%dma_start3A_567, %dma_start3A_568, %dma_start3A_569] : memref<2x32x512xf32, #tpu.memory_space<vmem>> -> memref<1x32x512xf32, #tpu.memory_space<vmem>>
    %dma_start3A_571 = tpu.memref_squeeze %dma_start3A_570 : memref<1x32x512xf32, #tpu.memory_space<vmem>> -> memref<32x512xf32, #tpu.memory_space<vmem>>
    %dma_start3A_572 = arith.constant 0 : i32
    %dma_start3A_573 = tpu.memref_slice %arg4[%add3A_566, %add3A_524, %dma_start3A_572] : memref<64x512x512xf32, #tpu.memory_space<hbm>> -> memref<1x32x512xf32, #tpu.memory_space<hbm>>
    %dma_start3A_574 = tpu.memref_squeeze %dma_start3A_573 : memref<1x32x512xf32, #tpu.memory_space<hbm>> -> memref<32x512xf32, #tpu.memory_space<hbm>>
    %dma_start3A_575 = arith.constant 0 : i32
    %dma_start3A_576 = tpu.memref_slice %arg4[%add3A_566, %add3A_524, %dma_start3A_575] : memref<64x512x512xf32, #tpu.memory_space<hbm>> -> memref<1x32x512xf32, #tpu.memory_space<hbm>>
    %dma_start3A_577 = tpu.memref_squeeze %dma_start3A_576 : memref<1x32x512xf32, #tpu.memory_space<hbm>> -> memref<32x512xf32, #tpu.memory_space<hbm>>
    %dma_start3A_578 = arith.constant 0 : i32
    %dma_start3A_579 = arith.constant 0 : i32
    %dma_start3A_580 = tpu.memref_slice %arg6[%dma_start3A_567, %dma_start3A_578, %dma_start3A_579] : memref<2x32x512xf32, #tpu.memory_space<vmem>> -> memref<1x32x512xf32, #tpu.memory_space<vmem>>
    %dma_start3A_581 = tpu.memref_squeeze %dma_start3A_580 : memref<1x32x512xf32, #tpu.memory_space<vmem>> -> memref<32x512xf32, #tpu.memory_space<vmem>>
    tpu.enqueue_dma source(%dma_start3A_581 : memref<32x512xf32, #tpu.memory_space<vmem>>) target(%dma_start3A_577 : memref<32x512xf32, #tpu.memory_space<hbm>>) target_semaphore(%arg8 : memref<!tpu.dma_semaphore, #tpu.memory_space<semaphore_mem>>)
    %mul3A_582 = arith.constant 8 : i32
    %mul3A_583 = arith.muli %select_n3A, %mul3A_582 : i32
    %add3A_584 = arith.constant 3 : i32
    %add3A_585 = arith.addi %mul3A_583, %add3A_584 : i32
    %dma_start3A_586 = arith.constant 0 : i32
    %dma_start3A_587 = arith.constant 0 : i32
    %dma_start3A_588 = arith.constant 0 : i32
    %dma_start3A_589 = tpu.memref_slice %arg6[%dma_start3A_586, %dma_start3A_587, %dma_start3A_588] : memref<2x32x512xf32, #tpu.memory_space<vmem>> -> memref<1x32x512xf32, #tpu.memory_space<vmem>>
    %dma_start3A_590 = tpu.memref_squeeze %dma_start3A_589 : memref<1x32x512xf32, #tpu.memory_space<vmem>> -> memref<32x512xf32, #tpu.memory_space<vmem>>
    %dma_start3A_591 = arith.constant 0 : i32
    %dma_start3A_592 = tpu.memref_slice %arg4[%add3A_585, %add3A_524, %dma_start3A_591] : memref<64x512x512xf32, #tpu.memory_space<hbm>> -> memref<1x32x512xf32, #tpu.memory_space<hbm>>
    %dma_start3A_593 = tpu.memref_squeeze %dma_start3A_592 : memref<1x32x512xf32, #tpu.memory_space<hbm>> -> memref<32x512xf32, #tpu.memory_space<hbm>>
    %dma_start3A_594 = arith.constant 0 : i32
    %dma_start3A_595 = tpu.memref_slice %arg4[%add3A_585, %add3A_524, %dma_start3A_594] : memref<64x512x512xf32, #tpu.memory_space<hbm>> -> memref<1x32x512xf32, #tpu.memory_space<hbm>>
    %dma_start3A_596 = tpu.memref_squeeze %dma_start3A_595 : memref<1x32x512xf32, #tpu.memory_space<hbm>> -> memref<32x512xf32, #tpu.memory_space<hbm>>
    %dma_start3A_597 = arith.constant 0 : i32
    %dma_start3A_598 = arith.constant 0 : i32
    %dma_start3A_599 = tpu.memref_slice %arg6[%dma_start3A_586, %dma_start3A_597, %dma_start3A_598] : memref<2x32x512xf32, #tpu.memory_space<vmem>> -> memref<1x32x512xf32, #tpu.memory_space<vmem>>
    %dma_start3A_600 = tpu.memref_squeeze %dma_start3A_599 : memref<1x32x512xf32, #tpu.memory_space<vmem>> -> memref<32x512xf32, #tpu.memory_space<vmem>>
    tpu.enqueue_dma source(%dma_start3A_600 : memref<32x512xf32, #tpu.memory_space<vmem>>) target(%dma_start3A_596 : memref<32x512xf32, #tpu.memory_space<hbm>>) target_semaphore(%arg8 : memref<!tpu.dma_semaphore, #tpu.memory_space<semaphore_mem>>)
    %mul3A_601 = arith.constant 8 : i32
    %mul3A_602 = arith.muli %select_n3A, %mul3A_601 : i32
    %add3A_603 = arith.constant 4 : i32
    %add3A_604 = arith.addi %mul3A_602, %add3A_603 : i32
    %dma_start3A_605 = arith.constant 0 : i32
    %dma_start3A_606 = arith.constant 0 : i32
    %dma_start3A_607 = arith.constant 0 : i32
    %dma_start3A_608 = tpu.memref_slice %arg6[%dma_start3A_605, %dma_start3A_606, %dma_start3A_607] : memref<2x32x512xf32, #tpu.memory_space<vmem>> -> memref<1x32x512xf32, #tpu.memory_space<vmem>>
    %dma_start3A_609 = tpu.memref_squeeze %dma_start3A_608 : memref<1x32x512xf32, #tpu.memory_space<vmem>> -> memref<32x512xf32, #tpu.memory_space<vmem>>
    %dma_start3A_610 = arith.constant 0 : i32
    %dma_start3A_611 = tpu.memref_slice %arg4[%add3A_604, %add3A_524, %dma_start3A_610] : memref<64x512x512xf32, #tpu.memory_space<hbm>> -> memref<1x32x512xf32, #tpu.memory_space<hbm>>
    %dma_start3A_612 = tpu.memref_squeeze %dma_start3A_611 : memref<1x32x512xf32, #tpu.memory_space<hbm>> -> memref<32x512xf32, #tpu.memory_space<hbm>>
    %dma_start3A_613 = arith.constant 0 : i32
    %dma_start3A_614 = tpu.memref_slice %arg4[%add3A_604, %add3A_524, %dma_start3A_613] : memref<64x512x512xf32, #tpu.memory_space<hbm>> -> memref<1x32x512xf32, #tpu.memory_space<hbm>>
    %dma_start3A_615 = tpu.memref_squeeze %dma_start3A_614 : memref<1x32x512xf32, #tpu.memory_space<hbm>> -> memref<32x512xf32, #tpu.memory_space<hbm>>
    %dma_start3A_616 = arith.constant 0 : i32
    %dma_start3A_617 = arith.constant 0 : i32
    %dma_start3A_618 = tpu.memref_slice %arg6[%dma_start3A_605, %dma_start3A_616, %dma_start3A_617] : memref<2x32x512xf32, #tpu.memory_space<vmem>> -> memref<1x32x512xf32, #tpu.memory_space<vmem>>
    %dma_start3A_619 = tpu.memref_squeeze %dma_start3A_618 : memref<1x32x512xf32, #tpu.memory_space<vmem>> -> memref<32x512xf32, #tpu.memory_space<vmem>>
    tpu.enqueue_dma source(%dma_start3A_619 : memref<32x512xf32, #tpu.memory_space<vmem>>) target(%dma_start3A_615 : memref<32x512xf32, #tpu.memory_space<hbm>>) target_semaphore(%arg8 : memref<!tpu.dma_semaphore, #tpu.memory_space<semaphore_mem>>)
    %mul3A_620 = arith.constant 8 : i32
    %mul3A_621 = arith.muli %select_n3A, %mul3A_620 : i32
    %add3A_622 = arith.constant 5 : i32
    %add3A_623 = arith.addi %mul3A_621, %add3A_622 : i32
    %dma_start3A_624 = arith.constant 0 : i32
    %dma_start3A_625 = arith.constant 0 : i32
    %dma_start3A_626 = arith.constant 0 : i32
    %dma_start3A_627 = tpu.memref_slice %arg6[%dma_start3A_624, %dma_start3A_625, %dma_start3A_626] : memref<2x32x512xf32, #tpu.memory_space<vmem>> -> memref<1x32x512xf32, #tpu.memory_space<vmem>>
    %dma_start3A_628 = tpu.memref_squeeze %dma_start3A_627 : memref<1x32x512xf32, #tpu.memory_space<vmem>> -> memref<32x512xf32, #tpu.memory_space<vmem>>
    %dma_start3A_629 = arith.constant 0 : i32
    %dma_start3A_630 = tpu.memref_slice %arg4[%add3A_623, %add3A_524, %dma_start3A_629] : memref<64x512x512xf32, #tpu.memory_space<hbm>> -> memref<1x32x512xf32, #tpu.memory_space<hbm>>
    %dma_start3A_631 = tpu.memref_squeeze %dma_start3A_630 : memref<1x32x512xf32, #tpu.memory_space<hbm>> -> memref<32x512xf32, #tpu.memory_space<hbm>>
    %dma_start3A_632 = arith.constant 0 : i32
    %dma_start3A_633 = tpu.memref_slice %arg4[%add3A_623, %add3A_524, %dma_start3A_632] : memref<64x512x512xf32, #tpu.memory_space<hbm>> -> memref<1x32x512xf32, #tpu.memory_space<hbm>>
    %dma_start3A_634 = tpu.memref_squeeze %dma_start3A_633 : memref<1x32x512xf32, #tpu.memory_space<hbm>> -> memref<32x512xf32, #tpu.memory_space<hbm>>
    %dma_start3A_635 = arith.constant 0 : i32
    %dma_start3A_636 = arith.constant 0 : i32
    %dma_start3A_637 = tpu.memref_slice %arg6[%dma_start3A_624, %dma_start3A_635, %dma_start3A_636] : memref<2x32x512xf32, #tpu.memory_space<vmem>> -> memref<1x32x512xf32, #tpu.memory_space<vmem>>
    %dma_start3A_638 = tpu.memref_squeeze %dma_start3A_637 : memref<1x32x512xf32, #tpu.memory_space<vmem>> -> memref<32x512xf32, #tpu.memory_space<vmem>>
    tpu.enqueue_dma source(%dma_start3A_638 : memref<32x512xf32, #tpu.memory_space<vmem>>) target(%dma_start3A_634 : memref<32x512xf32, #tpu.memory_space<hbm>>) target_semaphore(%arg8 : memref<!tpu.dma_semaphore, #tpu.memory_space<semaphore_mem>>)
    %mul3A_639 = arith.constant 8 : i32
    %mul3A_640 = arith.muli %select_n3A, %mul3A_639 : i32
    %add3A_641 = arith.constant 6 : i32
    %add3A_642 = arith.addi %mul3A_640, %add3A_641 : i32
    %dma_start3A_643 = arith.constant 0 : i32
    %dma_start3A_644 = arith.constant 0 : i32
    %dma_start3A_645 = arith.constant 0 : i32
    %dma_start3A_646 = tpu.memref_slice %arg6[%dma_start3A_643, %dma_start3A_644, %dma_start3A_645] : memref<2x32x512xf32, #tpu.memory_space<vmem>> -> memref<1x32x512xf32, #tpu.memory_space<vmem>>
    %dma_start3A_647 = tpu.memref_squeeze %dma_start3A_646 : memref<1x32x512xf32, #tpu.memory_space<vmem>> -> memref<32x512xf32, #tpu.memory_space<vmem>>
    %dma_start3A_648 = arith.constant 0 : i32
    %dma_start3A_649 = tpu.memref_slice %arg4[%add3A_642, %add3A_524, %dma_start3A_648] : memref<64x512x512xf32, #tpu.memory_space<hbm>> -> memref<1x32x512xf32, #tpu.memory_space<hbm>>
    %dma_start3A_650 = tpu.memref_squeeze %dma_start3A_649 : memref<1x32x512xf32, #tpu.memory_space<hbm>> -> memref<32x512xf32, #tpu.memory_space<hbm>>
    %dma_start3A_651 = arith.constant 0 : i32
    %dma_start3A_652 = tpu.memref_slice %arg4[%add3A_642, %add3A_524, %dma_start3A_651] : memref<64x512x512xf32, #tpu.memory_space<hbm>> -> memref<1x32x512xf32, #tpu.memory_space<hbm>>
    %dma_start3A_653 = tpu.memref_squeeze %dma_start3A_652 : memref<1x32x512xf32, #tpu.memory_space<hbm>> -> memref<32x512xf32, #tpu.memory_space<hbm>>
    %dma_start3A_654 = arith.constant 0 : i32
    %dma_start3A_655 = arith.constant 0 : i32
    %dma_start3A_656 = tpu.memref_slice %arg6[%dma_start3A_643, %dma_start3A_654, %dma_start3A_655] : memref<2x32x512xf32, #tpu.memory_space<vmem>> -> memref<1x32x512xf32, #tpu.memory_space<vmem>>
    %dma_start3A_657 = tpu.memref_squeeze %dma_start3A_656 : memref<1x32x512xf32, #tpu.memory_space<vmem>> -> memref<32x512xf32, #tpu.memory_space<vmem>>
    tpu.enqueue_dma source(%dma_start3A_657 : memref<32x512xf32, #tpu.memory_space<vmem>>) target(%dma_start3A_653 : memref<32x512xf32, #tpu.memory_space<hbm>>) target_semaphore(%arg8 : memref<!tpu.dma_semaphore, #tpu.memory_space<semaphore_mem>>)
    %mul3A_658 = arith.constant 8 : i32
    %mul3A_659 = arith.muli %select_n3A, %mul3A_658 : i32
    %add3A_660 = arith.constant 7 : i32
    %add3A_661 = arith.addi %mul3A_659, %add3A_660 : i32
    %dma_start3A_662 = arith.constant 0 : i32
    %dma_start3A_663 = arith.constant 0 : i32
    %dma_start3A_664 = arith.constant 0 : i32
    %dma_start3A_665 = tpu.memref_slice %arg6[%dma_start3A_662, %dma_start3A_663, %dma_start3A_664] : memref<2x32x512xf32, #tpu.memory_space<vmem>> -> memref<1x32x512xf32, #tpu.memory_space<vmem>>
    %dma_start3A_666 = tpu.memref_squeeze %dma_start3A_665 : memref<1x32x512xf32, #tpu.memory_space<vmem>> -> memref<32x512xf32, #tpu.memory_space<vmem>>
    %dma_start3A_667 = arith.constant 0 : i32
    %dma_start3A_668 = tpu.memref_slice %arg4[%add3A_661, %add3A_524, %dma_start3A_667] : memref<64x512x512xf32, #tpu.memory_space<hbm>> -> memref<1x32x512xf32, #tpu.memory_space<hbm>>
    %dma_start3A_669 = tpu.memref_squeeze %dma_start3A_668 : memref<1x32x512xf32, #tpu.memory_space<hbm>> -> memref<32x512xf32, #tpu.memory_space<hbm>>
    %dma_start3A_670 = arith.constant 0 : i32
    %dma_start3A_671 = tpu.memref_slice %arg4[%add3A_661, %add3A_524, %dma_start3A_670] : memref<64x512x512xf32, #tpu.memory_space<hbm>> -> memref<1x32x512xf32, #tpu.memory_space<hbm>>
    %dma_start3A_672 = tpu.memref_squeeze %dma_start3A_671 : memref<1x32x512xf32, #tpu.memory_space<hbm>> -> memref<32x512xf32, #tpu.memory_space<hbm>>
    %dma_start3A_673 = arith.constant 0 : i32
    %dma_start3A_674 = arith.constant 0 : i32
    %dma_start3A_675 = tpu.memref_slice %arg6[%dma_start3A_662, %dma_start3A_673, %dma_start3A_674] : memref<2x32x512xf32, #tpu.memory_space<vmem>> -> memref<1x32x512xf32, #tpu.memory_space<vmem>>
    %dma_start3A_676 = tpu.memref_squeeze %dma_start3A_675 : memref<1x32x512xf32, #tpu.memory_space<vmem>> -> memref<32x512xf32, #tpu.memory_space<vmem>>
    tpu.enqueue_dma source(%dma_start3A_676 : memref<32x512xf32, #tpu.memory_space<vmem>>) target(%dma_start3A_672 : memref<32x512xf32, #tpu.memory_space<hbm>>) target_semaphore(%arg8 : memref<!tpu.dma_semaphore, #tpu.memory_space<semaphore_mem>>)
    %dma_wait3A_677 = arith.constant 1 : i32
    %dma_wait3A_678 = arith.constant 0 : i32
    %dma_wait3A_679 = arith.constant 0 : i32
    %dma_wait3A_680 = tpu.memref_slice %arg6[%dma_wait3A_677, %dma_wait3A_678, %dma_wait3A_679] : memref<2x32x512xf32, #tpu.memory_space<vmem>> -> memref<1x32x512xf32, #tpu.memory_space<vmem>>
    %dma_wait3A_681 = tpu.memref_squeeze %dma_wait3A_680 : memref<1x32x512xf32, #tpu.memory_space<vmem>> -> memref<32x512xf32, #tpu.memory_space<vmem>>
    %dma_wait3A_682 = arith.constant 0 : i32
    %dma_wait3A_683 = tpu.memref_slice %arg4[%add3A_249, %add3A_245, %dma_wait3A_682] : memref<64x512x512xf32, #tpu.memory_space<hbm>> -> memref<1x32x512xf32, #tpu.memory_space<hbm>>
    %dma_wait3A_684 = tpu.memref_squeeze %dma_wait3A_683 : memref<1x32x512xf32, #tpu.memory_space<hbm>> -> memref<32x512xf32, #tpu.memory_space<hbm>>
    %dma_wait3A_685 = arith.constant 0 : i32
    %dma_wait3A_686 = tpu.memref_slice %arg4[%add3A_249, %add3A_245, %dma_wait3A_685] : memref<64x512x512xf32, #tpu.memory_space<hbm>> -> memref<1x32x512xf32, #tpu.memory_space<hbm>>
    %dma_wait3A_687 = tpu.memref_squeeze %dma_wait3A_686 : memref<1x32x512xf32, #tpu.memory_space<hbm>> -> memref<32x512xf32, #tpu.memory_space<hbm>>
    %dma_wait3A_688 = arith.constant 0 : i32
    %dma_wait3A_689 = arith.constant 0 : i32
    %dma_wait3A_690 = tpu.memref_slice %arg6[%dma_wait3A_677, %dma_wait3A_688, %dma_wait3A_689] : memref<2x32x512xf32, #tpu.memory_space<vmem>> -> memref<1x32x512xf32, #tpu.memory_space<vmem>>
    %dma_wait3A_691 = tpu.memref_squeeze %dma_wait3A_690 : memref<1x32x512xf32, #tpu.memory_space<vmem>> -> memref<32x512xf32, #tpu.memory_space<vmem>>
    tpu.wait_dma2 semaphore(%arg9 : memref<!tpu.dma_semaphore, #tpu.memory_space<semaphore_mem>>) src(%dma_wait3A_691 : memref<32x512xf32, #tpu.memory_space<vmem>>) dst(%dma_wait3A_687 : memref<32x512xf32, #tpu.memory_space<hbm>>)
    %dma_wait3A_692 = arith.constant 1 : i32
    %dma_wait3A_693 = arith.constant 0 : i32
    %dma_wait3A_694 = arith.constant 0 : i32
    %dma_wait3A_695 = tpu.memref_slice %arg6[%dma_wait3A_692, %dma_wait3A_693, %dma_wait3A_694] : memref<2x32x512xf32, #tpu.memory_space<vmem>> -> memref<1x32x512xf32, #tpu.memory_space<vmem>>
    %dma_wait3A_696 = tpu.memref_squeeze %dma_wait3A_695 : memref<1x32x512xf32, #tpu.memory_space<vmem>> -> memref<32x512xf32, #tpu.memory_space<vmem>>
    %dma_wait3A_697 = arith.constant 0 : i32
    %dma_wait3A_698 = tpu.memref_slice %arg4[%add3A_268, %add3A_245, %dma_wait3A_697] : memref<64x512x512xf32, #tpu.memory_space<hbm>> -> memref<1x32x512xf32, #tpu.memory_space<hbm>>
    %dma_wait3A_699 = tpu.memref_squeeze %dma_wait3A_698 : memref<1x32x512xf32, #tpu.memory_space<hbm>> -> memref<32x512xf32, #tpu.memory_space<hbm>>
    %dma_wait3A_700 = arith.constant 0 : i32
    %dma_wait3A_701 = tpu.memref_slice %arg4[%add3A_268, %add3A_245, %dma_wait3A_700] : memref<64x512x512xf32, #tpu.memory_space<hbm>> -> memref<1x32x512xf32, #tpu.memory_space<hbm>>
    %dma_wait3A_702 = tpu.memref_squeeze %dma_wait3A_701 : memref<1x32x512xf32, #tpu.memory_space<hbm>> -> memref<32x512xf32, #tpu.memory_space<hbm>>
    %dma_wait3A_703 = arith.constant 0 : i32
    %dma_wait3A_704 = arith.constant 0 : i32
    %dma_wait3A_705 = tpu.memref_slice %arg6[%dma_wait3A_692, %dma_wait3A_703, %dma_wait3A_704] : memref<2x32x512xf32, #tpu.memory_space<vmem>> -> memref<1x32x512xf32, #tpu.memory_space<vmem>>
    %dma_wait3A_706 = tpu.memref_squeeze %dma_wait3A_705 : memref<1x32x512xf32, #tpu.memory_space<vmem>> -> memref<32x512xf32, #tpu.memory_space<vmem>>
    tpu.wait_dma2 semaphore(%arg9 : memref<!tpu.dma_semaphore, #tpu.memory_space<semaphore_mem>>) src(%dma_wait3A_706 : memref<32x512xf32, #tpu.memory_space<vmem>>) dst(%dma_wait3A_702 : memref<32x512xf32, #tpu.memory_space<hbm>>)
    %dma_wait3A_707 = arith.constant 1 : i32
    %dma_wait3A_708 = arith.constant 0 : i32
    %dma_wait3A_709 = arith.constant 0 : i32
    %dma_wait3A_710 = tpu.memref_slice %arg6[%dma_wait3A_707, %dma_wait3A_708, %dma_wait3A_709] : memref<2x32x512xf32, #tpu.memory_space<vmem>> -> memref<1x32x512xf32, #tpu.memory_space<vmem>>
    %dma_wait3A_711 = tpu.memref_squeeze %dma_wait3A_710 : memref<1x32x512xf32, #tpu.memory_space<vmem>> -> memref<32x512xf32, #tpu.memory_space<vmem>>
    %dma_wait3A_712 = arith.constant 0 : i32
    %dma_wait3A_713 = tpu.memref_slice %arg4[%add3A_287, %add3A_245, %dma_wait3A_712] : memref<64x512x512xf32, #tpu.memory_space<hbm>> -> memref<1x32x512xf32, #tpu.memory_space<hbm>>
    %dma_wait3A_714 = tpu.memref_squeeze %dma_wait3A_713 : memref<1x32x512xf32, #tpu.memory_space<hbm>> -> memref<32x512xf32, #tpu.memory_space<hbm>>
    %dma_wait3A_715 = arith.constant 0 : i32
    %dma_wait3A_716 = tpu.memref_slice %arg4[%add3A_287, %add3A_245, %dma_wait3A_715] : memref<64x512x512xf32, #tpu.memory_space<hbm>> -> memref<1x32x512xf32, #tpu.memory_space<hbm>>
    %dma_wait3A_717 = tpu.memref_squeeze %dma_wait3A_716 : memref<1x32x512xf32, #tpu.memory_space<hbm>> -> memref<32x512xf32, #tpu.memory_space<hbm>>
    %dma_wait3A_718 = arith.constant 0 : i32
    %dma_wait3A_719 = arith.constant 0 : i32
    %dma_wait3A_720 = tpu.memref_slice %arg6[%dma_wait3A_707, %dma_wait3A_718, %dma_wait3A_719] : memref<2x32x512xf32, #tpu.memory_space<vmem>> -> memref<1x32x512xf32, #tpu.memory_space<vmem>>
    %dma_wait3A_721 = tpu.memref_squeeze %dma_wait3A_720 : memref<1x32x512xf32, #tpu.memory_space<vmem>> -> memref<32x512xf32, #tpu.memory_space<vmem>>
    tpu.wait_dma2 semaphore(%arg9 : memref<!tpu.dma_semaphore, #tpu.memory_space<semaphore_mem>>) src(%dma_wait3A_721 : memref<32x512xf32, #tpu.memory_space<vmem>>) dst(%dma_wait3A_717 : memref<32x512xf32, #tpu.memory_space<hbm>>)
    %dma_wait3A_722 = arith.constant 1 : i32
    %dma_wait3A_723 = arith.constant 0 : i32
    %dma_wait3A_724 = arith.constant 0 : i32
    %dma_wait3A_725 = tpu.memref_slice %arg6[%dma_wait3A_722, %dma_wait3A_723, %dma_wait3A_724] : memref<2x32x512xf32, #tpu.memory_space<vmem>> -> memref<1x32x512xf32, #tpu.memory_space<vmem>>
    %dma_wait3A_726 = tpu.memref_squeeze %dma_wait3A_725 : memref<1x32x512xf32, #tpu.memory_space<vmem>> -> memref<32x512xf32, #tpu.memory_space<vmem>>
    %dma_wait3A_727 = arith.constant 0 : i32
    %dma_wait3A_728 = tpu.memref_slice %arg4[%add3A_306, %add3A_245, %dma_wait3A_727] : memref<64x512x512xf32, #tpu.memory_space<hbm>> -> memref<1x32x512xf32, #tpu.memory_space<hbm>>
    %dma_wait3A_729 = tpu.memref_squeeze %dma_wait3A_728 : memref<1x32x512xf32, #tpu.memory_space<hbm>> -> memref<32x512xf32, #tpu.memory_space<hbm>>
    %dma_wait3A_730 = arith.constant 0 : i32
    %dma_wait3A_731 = tpu.memref_slice %arg4[%add3A_306, %add3A_245, %dma_wait3A_730] : memref<64x512x512xf32, #tpu.memory_space<hbm>> -> memref<1x32x512xf32, #tpu.memory_space<hbm>>
    %dma_wait3A_732 = tpu.memref_squeeze %dma_wait3A_731 : memref<1x32x512xf32, #tpu.memory_space<hbm>> -> memref<32x512xf32, #tpu.memory_space<hbm>>
    %dma_wait3A_733 = arith.constant 0 : i32
    %dma_wait3A_734 = arith.constant 0 : i32
    %dma_wait3A_735 = tpu.memref_slice %arg6[%dma_wait3A_722, %dma_wait3A_733, %dma_wait3A_734] : memref<2x32x512xf32, #tpu.memory_space<vmem>> -> memref<1x32x512xf32, #tpu.memory_space<vmem>>
    %dma_wait3A_736 = tpu.memref_squeeze %dma_wait3A_735 : memref<1x32x512xf32, #tpu.memory_space<vmem>> -> memref<32x512xf32, #tpu.memory_space<vmem>>
    tpu.wait_dma2 semaphore(%arg9 : memref<!tpu.dma_semaphore, #tpu.memory_space<semaphore_mem>>) src(%dma_wait3A_736 : memref<32x512xf32, #tpu.memory_space<vmem>>) dst(%dma_wait3A_732 : memref<32x512xf32, #tpu.memory_space<hbm>>)
    %dma_wait3A_737 = arith.constant 1 : i32
    %dma_wait3A_738 = arith.constant 0 : i32
    %dma_wait3A_739 = arith.constant 0 : i32
    %dma_wait3A_740 = tpu.memref_slice %arg6[%dma_wait3A_737, %dma_wait3A_738, %dma_wait3A_739] : memref<2x32x512xf32, #tpu.memory_space<vmem>> -> memref<1x32x512xf32, #tpu.memory_space<vmem>>
    %dma_wait3A_741 = tpu.memref_squeeze %dma_wait3A_740 : memref<1x32x512xf32, #tpu.memory_space<vmem>> -> memref<32x512xf32, #tpu.memory_space<vmem>>
    %dma_wait3A_742 = arith.constant 0 : i32
    %dma_wait3A_743 = tpu.memref_slice %arg4[%add3A_325, %add3A_245, %dma_wait3A_742] : memref<64x512x512xf32, #tpu.memory_space<hbm>> -> memref<1x32x512xf32, #tpu.memory_space<hbm>>
    %dma_wait3A_744 = tpu.memref_squeeze %dma_wait3A_743 : memref<1x32x512xf32, #tpu.memory_space<hbm>> -> memref<32x512xf32, #tpu.memory_space<hbm>>
    %dma_wait3A_745 = arith.constant 0 : i32
    %dma_wait3A_746 = tpu.memref_slice %arg4[%add3A_325, %add3A_245, %dma_wait3A_745] : memref<64x512x512xf32, #tpu.memory_space<hbm>> -> memref<1x32x512xf32, #tpu.memory_space<hbm>>
    %dma_wait3A_747 = tpu.memref_squeeze %dma_wait3A_746 : memref<1x32x512xf32, #tpu.memory_space<hbm>> -> memref<32x512xf32, #tpu.memory_space<hbm>>
    %dma_wait3A_748 = arith.constant 0 : i32
    %dma_wait3A_749 = arith.constant 0 : i32
    %dma_wait3A_750 = tpu.memref_slice %arg6[%dma_wait3A_737, %dma_wait3A_748, %dma_wait3A_749] : memref<2x32x512xf32, #tpu.memory_space<vmem>> -> memref<1x32x512xf32, #tpu.memory_space<vmem>>
    %dma_wait3A_751 = tpu.memref_squeeze %dma_wait3A_750 : memref<1x32x512xf32, #tpu.memory_space<vmem>> -> memref<32x512xf32, #tpu.memory_space<vmem>>
    tpu.wait_dma2 semaphore(%arg9 : memref<!tpu.dma_semaphore, #tpu.memory_space<semaphore_mem>>) src(%dma_wait3A_751 : memref<32x512xf32, #tpu.memory_space<vmem>>) dst(%dma_wait3A_747 : memref<32x512xf32, #tpu.memory_space<hbm>>)
    %dma_wait3A_752 = arith.constant 1 : i32
    %dma_wait3A_753 = arith.constant 0 : i32
    %dma_wait3A_754 = arith.constant 0 : i32
    %dma_wait3A_755 = tpu.memref_slice %arg6[%dma_wait3A_752, %dma_wait3A_753, %dma_wait3A_754] : memref<2x32x512xf32, #tpu.memory_space<vmem>> -> memref<1x32x512xf32, #tpu.memory_space<vmem>>
    %dma_wait3A_756 = tpu.memref_squeeze %dma_wait3A_755 : memref<1x32x512xf32, #tpu.memory_space<vmem>> -> memref<32x512xf32, #tpu.memory_space<vmem>>
    %dma_wait3A_757 = arith.constant 0 : i32
    %dma_wait3A_758 = tpu.memref_slice %arg4[%add3A_344, %add3A_245, %dma_wait3A_757] : memref<64x512x512xf32, #tpu.memory_space<hbm>> -> memref<1x32x512xf32, #tpu.memory_space<hbm>>
    %dma_wait3A_759 = tpu.memref_squeeze %dma_wait3A_758 : memref<1x32x512xf32, #tpu.memory_space<hbm>> -> memref<32x512xf32, #tpu.memory_space<hbm>>
    %dma_wait3A_760 = arith.constant 0 : i32
    %dma_wait3A_761 = tpu.memref_slice %arg4[%add3A_344, %add3A_245, %dma_wait3A_760] : memref<64x512x512xf32, #tpu.memory_space<hbm>> -> memref<1x32x512xf32, #tpu.memory_space<hbm>>
    %dma_wait3A_762 = tpu.memref_squeeze %dma_wait3A_761 : memref<1x32x512xf32, #tpu.memory_space<hbm>> -> memref<32x512xf32, #tpu.memory_space<hbm>>
    %dma_wait3A_763 = arith.constant 0 : i32
    %dma_wait3A_764 = arith.constant 0 : i32
    %dma_wait3A_765 = tpu.memref_slice %arg6[%dma_wait3A_752, %dma_wait3A_763, %dma_wait3A_764] : memref<2x32x512xf32, #tpu.memory_space<vmem>> -> memref<1x32x512xf32, #tpu.memory_space<vmem>>
    %dma_wait3A_766 = tpu.memref_squeeze %dma_wait3A_765 : memref<1x32x512xf32, #tpu.memory_space<vmem>> -> memref<32x512xf32, #tpu.memory_space<vmem>>
    tpu.wait_dma2 semaphore(%arg9 : memref<!tpu.dma_semaphore, #tpu.memory_space<semaphore_mem>>) src(%dma_wait3A_766 : memref<32x512xf32, #tpu.memory_space<vmem>>) dst(%dma_wait3A_762 : memref<32x512xf32, #tpu.memory_space<hbm>>)
    %dma_wait3A_767 = arith.constant 1 : i32
    %dma_wait3A_768 = arith.constant 0 : i32
    %dma_wait3A_769 = arith.constant 0 : i32
    %dma_wait3A_770 = tpu.memref_slice %arg6[%dma_wait3A_767, %dma_wait3A_768, %dma_wait3A_769] : memref<2x32x512xf32, #tpu.memory_space<vmem>> -> memref<1x32x512xf32, #tpu.memory_space<vmem>>
    %dma_wait3A_771 = tpu.memref_squeeze %dma_wait3A_770 : memref<1x32x512xf32, #tpu.memory_space<vmem>> -> memref<32x512xf32, #tpu.memory_space<vmem>>
    %dma_wait3A_772 = arith.constant 0 : i32
    %dma_wait3A_773 = tpu.memref_slice %arg4[%add3A_363, %add3A_245, %dma_wait3A_772] : memref<64x512x512xf32, #tpu.memory_space<hbm>> -> memref<1x32x512xf32, #tpu.memory_space<hbm>>
    %dma_wait3A_774 = tpu.memref_squeeze %dma_wait3A_773 : memref<1x32x512xf32, #tpu.memory_space<hbm>> -> memref<32x512xf32, #tpu.memory_space<hbm>>
    %dma_wait3A_775 = arith.constant 0 : i32
    %dma_wait3A_776 = tpu.memref_slice %arg4[%add3A_363, %add3A_245, %dma_wait3A_775] : memref<64x512x512xf32, #tpu.memory_space<hbm>> -> memref<1x32x512xf32, #tpu.memory_space<hbm>>
    %dma_wait3A_777 = tpu.memref_squeeze %dma_wait3A_776 : memref<1x32x512xf32, #tpu.memory_space<hbm>> -> memref<32x512xf32, #tpu.memory_space<hbm>>
    %dma_wait3A_778 = arith.constant 0 : i32
    %dma_wait3A_779 = arith.constant 0 : i32
    %dma_wait3A_780 = tpu.memref_slice %arg6[%dma_wait3A_767, %dma_wait3A_778, %dma_wait3A_779] : memref<2x32x512xf32, #tpu.memory_space<vmem>> -> memref<1x32x512xf32, #tpu.memory_space<vmem>>
    %dma_wait3A_781 = tpu.memref_squeeze %dma_wait3A_780 : memref<1x32x512xf32, #tpu.memory_space<vmem>> -> memref<32x512xf32, #tpu.memory_space<vmem>>
    tpu.wait_dma2 semaphore(%arg9 : memref<!tpu.dma_semaphore, #tpu.memory_space<semaphore_mem>>) src(%dma_wait3A_781 : memref<32x512xf32, #tpu.memory_space<vmem>>) dst(%dma_wait3A_777 : memref<32x512xf32, #tpu.memory_space<hbm>>)
    %dma_wait3A_782 = arith.constant 1 : i32
    %dma_wait3A_783 = arith.constant 0 : i32
    %dma_wait3A_784 = arith.constant 0 : i32
    %dma_wait3A_785 = tpu.memref_slice %arg6[%dma_wait3A_782, %dma_wait3A_783, %dma_wait3A_784] : memref<2x32x512xf32, #tpu.memory_space<vmem>> -> memref<1x32x512xf32, #tpu.memory_space<vmem>>
    %dma_wait3A_786 = tpu.memref_squeeze %dma_wait3A_785 : memref<1x32x512xf32, #tpu.memory_space<vmem>> -> memref<32x512xf32, #tpu.memory_space<vmem>>
    %dma_wait3A_787 = arith.constant 0 : i32
    %dma_wait3A_788 = tpu.memref_slice %arg4[%add3A_382, %add3A_245, %dma_wait3A_787] : memref<64x512x512xf32, #tpu.memory_space<hbm>> -> memref<1x32x512xf32, #tpu.memory_space<hbm>>
    %dma_wait3A_789 = tpu.memref_squeeze %dma_wait3A_788 : memref<1x32x512xf32, #tpu.memory_space<hbm>> -> memref<32x512xf32, #tpu.memory_space<hbm>>
    %dma_wait3A_790 = arith.constant 0 : i32
    %dma_wait3A_791 = tpu.memref_slice %arg4[%add3A_382, %add3A_245, %dma_wait3A_790] : memref<64x512x512xf32, #tpu.memory_space<hbm>> -> memref<1x32x512xf32, #tpu.memory_space<hbm>>
    %dma_wait3A_792 = tpu.memref_squeeze %dma_wait3A_791 : memref<1x32x512xf32, #tpu.memory_space<hbm>> -> memref<32x512xf32, #tpu.memory_space<hbm>>
    %dma_wait3A_793 = arith.constant 0 : i32
    %dma_wait3A_794 = arith.constant 0 : i32
    %dma_wait3A_795 = tpu.memref_slice %arg6[%dma_wait3A_782, %dma_wait3A_793, %dma_wait3A_794] : memref<2x32x512xf32, #tpu.memory_space<vmem>> -> memref<1x32x512xf32, #tpu.memory_space<vmem>>
    %dma_wait3A_796 = tpu.memref_squeeze %dma_wait3A_795 : memref<1x32x512xf32, #tpu.memory_space<vmem>> -> memref<32x512xf32, #tpu.memory_space<vmem>>
    tpu.wait_dma2 semaphore(%arg9 : memref<!tpu.dma_semaphore, #tpu.memory_space<semaphore_mem>>) src(%dma_wait3A_796 : memref<32x512xf32, #tpu.memory_space<vmem>>) dst(%dma_wait3A_792 : memref<32x512xf32, #tpu.memory_space<hbm>>)
    %scan3A_797 = arith.constant 0 : i32
    %scan3A_798 = arith.constant 32 : i32
    %scan3A_799 = arith.addi %scan3A_797, %scan3A_798 : i32
    %scan3A_800 = arith.constant 1 : i32
    scf.for %scan3A_1196 = %scan3A_797 to %scan3A_799 step %scan3A_800  : i32 {
      %mul3A_1197 = arith.constant 1 : i32
      %mul3A_1198 = arith.muli %scan3A_1196, %mul3A_1197 : i32
      %add3A_1199 = arith.constant 0 : i32
      %add3A_1200 = arith.addi %add3A_1199, %mul3A_1198 : i32
      %add3A_1201 = arith.constant 96 : i32
      %add3A_1202 = arith.addi %mul3A_32, %add3A_1201 : i32
      %add3A_1203 = arith.addi %add3A_1202, %add3A_1200 : i32
      %sub3A_1204 = arith.constant 1 : i32
      %sub3A_1205 = arith.subi %add3A_1203, %sub3A_1204 : i32
      %sub3A_1206 = arith.subi %sub3A_1205, %max3A_35 : i32
      %broadcast_in_dim3A_1207 = vector.broadcast %sub3A_1206 : i32 to vector<16xi32>
      %sub3A_1208 = arith.constant 1 : i32
      %sub3A_1209 = vector.broadcast %sub3A_1208 : i32 to vector<16xi32>
      %sub3A_1210 = arith.subi %iota3A, %sub3A_1209 : vector<16xi32>
      %scan3A_1211 = arith.constant 0 : i32
      %scan3A_1212 = arith.constant 4 : i32
      %scan3A_1213 = arith.addi %scan3A_1211, %scan3A_1212 : i32
      %scan3A_1214 = arith.constant 1 : i32
      scf.for %scan3A_1228 = %scan3A_1211 to %scan3A_1213 step %scan3A_1214  : i32 {
        %mul3A_1229 = arith.constant 1 : i32
        %mul3A_1230 = arith.muli %scan3A_1228, %mul3A_1229 : i32
        %add3A_1231 = arith.constant 0 : i32
        %add3A_1232 = arith.addi %add3A_1231, %mul3A_1230 : i32
        %mul3A_1233 = arith.constant 128 : i32
        %mul3A_1234 = arith.muli %add3A_1232, %mul3A_1233 : i32
        %add3A_1235 = arith.constant 0 : i32
        %add3A_1236 = arith.addi %mul3A_1234, %add3A_1235 : i32
        %add3A_1237 = vector.broadcast %add3A_1236 : i32 to vector<16xi32>
        %add3A_1238 = arith.addi %sub3A_1210, %add3A_1237 : vector<16xi32>
        %max3A_1239 = arith.constant 0 : i32
        %max3A_1240 = vector.broadcast %max3A_1239 : i32 to vector<16xi32>
        %max3A_1241 = arith.maxsi %add3A_1238, %max3A_1240 : vector<16xi32>
        %gather3A_1242 = tpu.vector_load_idx %arg5[%broadcast_in_dim3A_1207, %max3A_1241] : memref<128x511xi32, #tpu.memory_space<vmem>>[vector<16xi32>, vector<16xi32>], vector<16xi32>,
        %add3A_1243 = arith.constant 16 : i32
        %add3A_1244 = arith.addi %mul3A_1234, %add3A_1243 : i32
        %add3A_1245 = vector.broadcast %add3A_1244 : i32 to vector<16xi32>
        %add3A_1246 = arith.addi %sub3A_1210, %add3A_1245 : vector<16xi32>
        %max3A_1247 = arith.constant 0 : i32
        %max3A_1248 = vector.broadcast %max3A_1247 : i32 to vector<16xi32>
        %max3A_1249 = arith.maxsi %add3A_1246, %max3A_1248 : vector<16xi32>
        %gather3A_1250 = tpu.vector_load_idx %arg5[%broadcast_in_dim3A_1207, %max3A_1249] : memref<128x511xi32, #tpu.memory_space<vmem>>[vector<16xi32>, vector<16xi32>], vector<16xi32>,
        %add3A_1251 = arith.constant 32 : i32
        %add3A_1252 = arith.addi %mul3A_1234, %add3A_1251 : i32
        %add3A_1253 = vector.broadcast %add3A_1252 : i32 to vector<16xi32>
        %add3A_1254 = arith.addi %sub3A_1210, %add3A_1253 : vector<16xi32>
        %max3A_1255 = arith.constant 0 : i32
        %max3A_1256 = vector.broadcast %max3A_1255 : i32 to vector<16xi32>
        %max3A_1257 = arith.maxsi %add3A_1254, %max3A_1256 : vector<16xi32>
        %gather3A_1258 = tpu.vector_load_idx %arg5[%broadcast_in_dim3A_1207, %max3A_1257] : memref<128x511xi32, #tpu.memory_space<vmem>>[vector<16xi32>, vector<16xi32>], vector<16xi32>,
        %add3A_1259 = arith.constant 48 : i32
        %add3A_1260 = arith.addi %mul3A_1234, %add3A_1259 : i32
        %add3A_1261 = vector.broadcast %add3A_1260 : i32 to vector<16xi32>
        %add3A_1262 = arith.addi %sub3A_1210, %add3A_1261 : vector<16xi32>
        %max3A_1263 = arith.constant 0 : i32
        %max3A_1264 = vector.broadcast %max3A_1263 : i32 to vector<16xi32>
        %max3A_1265 = arith.maxsi %add3A_1262, %max3A_1264 : vector<16xi32>
        %gather3A_1266 = tpu.vector_load_idx %arg5[%broadcast_in_dim3A_1207, %max3A_1265] : memref<128x511xi32, #tpu.memory_space<vmem>>[vector<16xi32>, vector<16xi32>], vector<16xi32>,
        %add3A_1267 = arith.constant 64 : i32
        %add3A_1268 = arith.addi %mul3A_1234, %add3A_1267 : i32
        %add3A_1269 = vector.broadcast %add3A_1268 : i32 to vector<16xi32>
        %add3A_1270 = arith.addi %sub3A_1210, %add3A_1269 : vector<16xi32>
        %max3A_1271 = arith.constant 0 : i32
        %max3A_1272 = vector.broadcast %max3A_1271 : i32 to vector<16xi32>
        %max3A_1273 = arith.maxsi %add3A_1270, %max3A_1272 : vector<16xi32>
        %gather3A_1274 = tpu.vector_load_idx %arg5[%broadcast_in_dim3A_1207, %max3A_1273] : memref<128x511xi32, #tpu.memory_space<vmem>>[vector<16xi32>, vector<16xi32>], vector<16xi32>,
        %add3A_1275 = arith.constant 80 : i32
        %add3A_1276 = arith.addi %mul3A_1234, %add3A_1275 : i32
        %add3A_1277 = vector.broadcast %add3A_1276 : i32 to vector<16xi32>
        %add3A_1278 = arith.addi %sub3A_1210, %add3A_1277 : vector<16xi32>
        %max3A_1279 = arith.constant 0 : i32
        %max3A_1280 = vector.broadcast %max3A_1279 : i32 to vector<16xi32>
        %max3A_1281 = arith.maxsi %add3A_1278, %max3A_1280 : vector<16xi32>
        %gather3A_1282 = tpu.vector_load_idx %arg5[%broadcast_in_dim3A_1207, %max3A_1281] : memref<128x511xi32, #tpu.memory_space<vmem>>[vector<16xi32>, vector<16xi32>], vector<16xi32>,
        %add3A_1283 = arith.constant 96 : i32
        %add3A_1284 = arith.addi %mul3A_1234, %add3A_1283 : i32
        %add3A_1285 = vector.broadcast %add3A_1284 : i32 to vector<16xi32>
        %add3A_1286 = arith.addi %sub3A_1210, %add3A_1285 : vector<16xi32>
        %max3A_1287 = arith.constant 0 : i32
        %max3A_1288 = vector.broadcast %max3A_1287 : i32 to vector<16xi32>
        %max3A_1289 = arith.maxsi %add3A_1286, %max3A_1288 : vector<16xi32>
        %gather3A_1290 = tpu.vector_load_idx %arg5[%broadcast_in_dim3A_1207, %max3A_1289] : memref<128x511xi32, #tpu.memory_space<vmem>>[vector<16xi32>, vector<16xi32>], vector<16xi32>,
        %add3A_1291 = arith.constant 112 : i32
        %add3A_1292 = arith.addi %mul3A_1234, %add3A_1291 : i32
        %add3A_1293 = vector.broadcast %add3A_1292 : i32 to vector<16xi32>
        %add3A_1294 = arith.addi %sub3A_1210, %add3A_1293 : vector<16xi32>
        %max3A_1295 = arith.constant 0 : i32
        %max3A_1296 = vector.broadcast %max3A_1295 : i32 to vector<16xi32>
        %max3A_1297 = arith.maxsi %add3A_1294, %max3A_1296 : vector<16xi32>
        %gather3A_1298 = tpu.vector_load_idx %arg5[%broadcast_in_dim3A_1207, %max3A_1297] : memref<128x511xi32, #tpu.memory_space<vmem>>[vector<16xi32>, vector<16xi32>], vector<16xi32>,
        %gather3A_1299 = tpu.vector_load_idx %arg7[%gather3A_1242] : memref<512xf32, #tpu.memory_space<vmem>>[vector<16xi32>], vector<16xf32>,
        %add3A_1300 = arith.constant 0 : i32
        %add3A_1301 = arith.addi %mul3A_1234, %add3A_1300 : i32
        %swap3A_1302 = arith.constant 1 : i32
        %swap3A_1303 = arith.index_cast %swap3A_1302 : i32 to index
        %swap3A_1304 = arith.index_cast %add3A_1200 : i32 to index
        %swap3A_1305 = arith.index_cast %add3A_1301 : i32 to index
        %swap3A_1306 = tpu.vector_load %arg6[%swap3A_1303, %swap3A_1304, %swap3A_1305] {strides = array<i32>} : memref<2x32x512xf32, #tpu.memory_space<vmem>>, vector<16xf32>,
        tpu.vector_store %arg6[%swap3A_1303, %swap3A_1304, %swap3A_1305], %gather3A_1299 {strides = array<i32>} : memref<2x32x512xf32, #tpu.memory_space<vmem>>, vector<16xf32>,
        %gather3A_1307 = tpu.vector_load_idx %arg7[%gather3A_1250] : memref<512xf32, #tpu.memory_space<vmem>>[vector<16xi32>], vector<16xf32>,
        %add3A_1308 = arith.constant 16 : i32
        %add3A_1309 = arith.addi %mul3A_1234, %add3A_1308 : i32
        %swap3A_1310 = arith.constant 1 : i32
        %swap3A_1311 = arith.index_cast %swap3A_1310 : i32 to index
        %swap3A_1312 = arith.index_cast %add3A_1200 : i32 to index
        %swap3A_1313 = arith.index_cast %add3A_1309 : i32 to index
        %swap3A_1314 = tpu.vector_load %arg6[%swap3A_1311, %swap3A_1312, %swap3A_1313] {strides = array<i32>} : memref<2x32x512xf32, #tpu.memory_space<vmem>>, vector<16xf32>,
        tpu.vector_store %arg6[%swap3A_1311, %swap3A_1312, %swap3A_1313], %gather3A_1307 {strides = array<i32>} : memref<2x32x512xf32, #tpu.memory_space<vmem>>, vector<16xf32>,
        %gather3A_1315 = tpu.vector_load_idx %arg7[%gather3A_1258] : memref<512xf32, #tpu.memory_space<vmem>>[vector<16xi32>], vector<16xf32>,
        %add3A_1316 = arith.constant 32 : i32
        %add3A_1317 = arith.addi %mul3A_1234, %add3A_1316 : i32
        %swap3A_1318 = arith.constant 1 : i32
        %swap3A_1319 = arith.index_cast %swap3A_1318 : i32 to index
        %swap3A_1320 = arith.index_cast %add3A_1200 : i32 to index
        %swap3A_1321 = arith.index_cast %add3A_1317 : i32 to index
        %swap3A_1322 = tpu.vector_load %arg6[%swap3A_1319, %swap3A_1320, %swap3A_1321] {strides = array<i32>} : memref<2x32x512xf32, #tpu.memory_space<vmem>>, vector<16xf32>,
        tpu.vector_store %arg6[%swap3A_1319, %swap3A_1320, %swap3A_1321], %gather3A_1315 {strides = array<i32>} : memref<2x32x512xf32, #tpu.memory_space<vmem>>, vector<16xf32>,
        %gather3A_1323 = tpu.vector_load_idx %arg7[%gather3A_1266] : memref<512xf32, #tpu.memory_space<vmem>>[vector<16xi32>], vector<16xf32>,
        %add3A_1324 = arith.constant 48 : i32
        %add3A_1325 = arith.addi %mul3A_1234, %add3A_1324 : i32
        %swap3A_1326 = arith.constant 1 : i32
        %swap3A_1327 = arith.index_cast %swap3A_1326 : i32 to index
        %swap3A_1328 = arith.index_cast %add3A_1200 : i32 to index
        %swap3A_1329 = arith.index_cast %add3A_1325 : i32 to index
        %swap3A_1330 = tpu.vector_load %arg6[%swap3A_1327, %swap3A_1328, %swap3A_1329] {strides = array<i32>} : memref<2x32x512xf32, #tpu.memory_space<vmem>>, vector<16xf32>,
        tpu.vector_store %arg6[%swap3A_1327, %swap3A_1328, %swap3A_1329], %gather3A_1323 {strides = array<i32>} : memref<2x32x512xf32, #tpu.memory_space<vmem>>, vector<16xf32>,
        %gather3A_1331 = tpu.vector_load_idx %arg7[%gather3A_1274] : memref<512xf32, #tpu.memory_space<vmem>>[vector<16xi32>], vector<16xf32>,
        %add3A_1332 = arith.constant 64 : i32
        %add3A_1333 = arith.addi %mul3A_1234, %add3A_1332 : i32
        %swap3A_1334 = arith.constant 1 : i32
        %swap3A_1335 = arith.index_cast %swap3A_1334 : i32 to index
        %swap3A_1336 = arith.index_cast %add3A_1200 : i32 to index
        %swap3A_1337 = arith.index_cast %add3A_1333 : i32 to index
        %swap3A_1338 = tpu.vector_load %arg6[%swap3A_1335, %swap3A_1336, %swap3A_1337] {strides = array<i32>} : memref<2x32x512xf32, #tpu.memory_space<vmem>>, vector<16xf32>,
        tpu.vector_store %arg6[%swap3A_1335, %swap3A_1336, %swap3A_1337], %gather3A_1331 {strides = array<i32>} : memref<2x32x512xf32, #tpu.memory_space<vmem>>, vector<16xf32>,
        %gather3A_1339 = tpu.vector_load_idx %arg7[%gather3A_1282] : memref<512xf32, #tpu.memory_space<vmem>>[vector<16xi32>], vector<16xf32>,
        %add3A_1340 = arith.constant 80 : i32
        %add3A_1341 = arith.addi %mul3A_1234, %add3A_1340 : i32
        %swap3A_1342 = arith.constant 1 : i32
        %swap3A_1343 = arith.index_cast %swap3A_1342 : i32 to index
        %swap3A_1344 = arith.index_cast %add3A_1200 : i32 to index
        %swap3A_1345 = arith.index_cast %add3A_1341 : i32 to index
        %swap3A_1346 = tpu.vector_load %arg6[%swap3A_1343, %swap3A_1344, %swap3A_1345] {strides = array<i32>} : memref<2x32x512xf32, #tpu.memory_space<vmem>>, vector<16xf32>,
        tpu.vector_store %arg6[%swap3A_1343, %swap3A_1344, %swap3A_1345], %gather3A_1339 {strides = array<i32>} : memref<2x32x512xf32, #tpu.memory_space<vmem>>, vector<16xf32>,
        %gather3A_1347 = tpu.vector_load_idx %arg7[%gather3A_1290] : memref<512xf32, #tpu.memory_space<vmem>>[vector<16xi32>], vector<16xf32>,
        %add3A_1348 = arith.constant 96 : i32
        %add3A_1349 = arith.addi %mul3A_1234, %add3A_1348 : i32
        %swap3A_1350 = arith.constant 1 : i32
        %swap3A_1351 = arith.index_cast %swap3A_1350 : i32 to index
        %swap3A_1352 = arith.index_cast %add3A_1200 : i32 to index
        %swap3A_1353 = arith.index_cast %add3A_1349 : i32 to index
        %swap3A_1354 = tpu.vector_load %arg6[%swap3A_1351, %swap3A_1352, %swap3A_1353] {strides = array<i32>} : memref<2x32x512xf32, #tpu.memory_space<vmem>>, vector<16xf32>,
        tpu.vector_store %arg6[%swap3A_1351, %swap3A_1352, %swap3A_1353], %gather3A_1347 {strides = array<i32>} : memref<2x32x512xf32, #tpu.memory_space<vmem>>, vector<16xf32>,
        %gather3A_1355 = tpu.vector_load_idx %arg7[%gather3A_1298] : memref<512xf32, #tpu.memory_space<vmem>>[vector<16xi32>], vector<16xf32>,
        %add3A_1356 = arith.constant 112 : i32
        %add3A_1357 = arith.addi %mul3A_1234, %add3A_1356 : i32
        %swap3A_1358 = arith.constant 1 : i32
        %swap3A_1359 = arith.index_cast %swap3A_1358 : i32 to index
        %swap3A_1360 = arith.index_cast %add3A_1200 : i32 to index
        %swap3A_1361 = arith.index_cast %add3A_1357 : i32 to index
        %swap3A_1362 = tpu.vector_load %arg6[%swap3A_1359, %swap3A_1360, %swap3A_1361] {strides = array<i32>} : memref<2x32x512xf32, #tpu.memory_space<vmem>>, vector<16xf32>,
        tpu.vector_store %arg6[%swap3A_1359, %swap3A_1360, %swap3A_1361], %gather3A_1355 {strides = array<i32>} : memref<2x32x512xf32, #tpu.memory_space<vmem>>, vector<16xf32>,
      }
      %scan3A_1215 = arith.constant 4 : i32
      %get3A = arith.constant 1 : i32
      %get3A_1216 = arith.index_cast %get3A : i32 to index
      %get3A_1217 = arith.index_cast %add3A_1200 : i32 to index
      %get3A_1218 = arith.constant 0 : index
      %get3A_1219 = tpu.vector_load %arg6[%get3A_1216, %get3A_1217, %get3A_1218] {strides = array<i32>} : memref<2x32x512xf32, #tpu.memory_space<vmem>>, vector<16xf32>,
      %eq3A_1220 = arith.constant 0 : i32
      %eq3A_1221 = vector.broadcast %eq3A_1220 : i32 to vector<16xi32>
      %eq3A_1222 = arith.cmpi eq, %iota3A, %eq3A_1221 : vector<16xi32>
      %select_n3A_1223 = arith.select %eq3A_1222, %gather3A, %get3A_1219 : vector<16xi1>, vector<16xf32>
      %swap3A = arith.constant 1 : i32
      %swap3A_1224 = arith.index_cast %swap3A : i32 to index
      %swap3A_1225 = arith.index_cast %add3A_1200 : i32 to index
      %swap3A_1226 = arith.constant 0 : index
      %swap3A_1227 = tpu.vector_load %arg6[%swap3A_1224, %swap3A_1225, %swap3A_1226] {strides = array<i32>} : memref<2x32x512xf32, #tpu.memory_space<vmem>>, vector<16xf32>,
      tpu.vector_store %arg6[%swap3A_1224, %swap3A_1225, %swap3A_1226], %select_n3A_1223 {strides = array<i32>} : memref<2x32x512xf32, #tpu.memory_space<vmem>>, vector<16xf32>,
    }
    %scan3A_801 = arith.constant 32 : i32
    %add3A_802 = arith.constant 96 : i32
    %add3A_803 = arith.addi %mul3A_32, %add3A_802 : i32
    %mul3A_804 = arith.constant 8 : i32
    %mul3A_805 = arith.muli %select_n3A, %mul3A_804 : i32
    %add3A_806 = arith.constant 0 : i32
    %add3A_807 = arith.addi %mul3A_805, %add3A_806 : i32
    %dma_start3A_808 = arith.constant 1 : i32
    %dma_start3A_809 = arith.constant 0 : i32
    %dma_start3A_810 = arith.constant 0 : i32
    %dma_start3A_811 = tpu.memref_slice %arg6[%dma_start3A_808, %dma_start3A_809, %dma_start3A_810] : memref<2x32x512xf32, #tpu.memory_space<vmem>> -> memref<1x32x512xf32, #tpu.memory_space<vmem>>
    %dma_start3A_812 = tpu.memref_squeeze %dma_start3A_811 : memref<1x32x512xf32, #tpu.memory_space<vmem>> -> memref<32x512xf32, #tpu.memory_space<vmem>>
    %dma_start3A_813 = arith.constant 0 : i32
    %dma_start3A_814 = tpu.memref_slice %arg4[%add3A_807, %add3A_803, %dma_start3A_813] : memref<64x512x512xf32, #tpu.memory_space<hbm>> -> memref<1x32x512xf32, #tpu.memory_space<hbm>>
    %dma_start3A_815 = tpu.memref_squeeze %dma_start3A_814 : memref<1x32x512xf32, #tpu.memory_space<hbm>> -> memref<32x512xf32, #tpu.memory_space<hbm>>
    %dma_start3A_816 = arith.constant 0 : i32
    %dma_start3A_817 = tpu.memref_slice %arg4[%add3A_807, %add3A_803, %dma_start3A_816] : memref<64x512x512xf32, #tpu.memory_space<hbm>> -> memref<1x32x512xf32, #tpu.memory_space<hbm>>
    %dma_start3A_818 = tpu.memref_squeeze %dma_start3A_817 : memref<1x32x512xf32, #tpu.memory_space<hbm>> -> memref<32x512xf32, #tpu.memory_space<hbm>>
    %dma_start3A_819 = arith.constant 0 : i32
    %dma_start3A_820 = arith.constant 0 : i32
    %dma_start3A_821 = tpu.memref_slice %arg6[%dma_start3A_808, %dma_start3A_819, %dma_start3A_820] : memref<2x32x512xf32, #tpu.memory_space<vmem>> -> memref<1x32x512xf32, #tpu.memory_space<vmem>>
    %dma_start3A_822 = tpu.memref_squeeze %dma_start3A_821 : memref<1x32x512xf32, #tpu.memory_space<vmem>> -> memref<32x512xf32, #tpu.memory_space<vmem>>
    tpu.enqueue_dma source(%dma_start3A_822 : memref<32x512xf32, #tpu.memory_space<vmem>>) target(%dma_start3A_818 : memref<32x512xf32, #tpu.memory_space<hbm>>) target_semaphore(%arg9 : memref<!tpu.dma_semaphore, #tpu.memory_space<semaphore_mem>>)
    %mul3A_823 = arith.constant 8 : i32
    %mul3A_824 = arith.muli %select_n3A, %mul3A_823 : i32
    %add3A_825 = arith.constant 1 : i32
    %add3A_826 = arith.addi %mul3A_824, %add3A_825 : i32
    %dma_start3A_827 = arith.constant 1 : i32
    %dma_start3A_828 = arith.constant 0 : i32
    %dma_start3A_829 = arith.constant 0 : i32
    %dma_start3A_830 = tpu.memref_slice %arg6[%dma_start3A_827, %dma_start3A_828, %dma_start3A_829] : memref<2x32x512xf32, #tpu.memory_space<vmem>> -> memref<1x32x512xf32, #tpu.memory_space<vmem>>
    %dma_start3A_831 = tpu.memref_squeeze %dma_start3A_830 : memref<1x32x512xf32, #tpu.memory_space<vmem>> -> memref<32x512xf32, #tpu.memory_space<vmem>>
    %dma_start3A_832 = arith.constant 0 : i32
    %dma_start3A_833 = tpu.memref_slice %arg4[%add3A_826, %add3A_803, %dma_start3A_832] : memref<64x512x512xf32, #tpu.memory_space<hbm>> -> memref<1x32x512xf32, #tpu.memory_space<hbm>>
    %dma_start3A_834 = tpu.memref_squeeze %dma_start3A_833 : memref<1x32x512xf32, #tpu.memory_space<hbm>> -> memref<32x512xf32, #tpu.memory_space<hbm>>
    %dma_start3A_835 = arith.constant 0 : i32
    %dma_start3A_836 = tpu.memref_slice %arg4[%add3A_826, %add3A_803, %dma_start3A_835] : memref<64x512x512xf32, #tpu.memory_space<hbm>> -> memref<1x32x512xf32, #tpu.memory_space<hbm>>
    %dma_start3A_837 = tpu.memref_squeeze %dma_start3A_836 : memref<1x32x512xf32, #tpu.memory_space<hbm>> -> memref<32x512xf32, #tpu.memory_space<hbm>>
    %dma_start3A_838 = arith.constant 0 : i32
    %dma_start3A_839 = arith.constant 0 : i32
    %dma_start3A_840 = tpu.memref_slice %arg6[%dma_start3A_827, %dma_start3A_838, %dma_start3A_839] : memref<2x32x512xf32, #tpu.memory_space<vmem>> -> memref<1x32x512xf32, #tpu.memory_space<vmem>>
    %dma_start3A_841 = tpu.memref_squeeze %dma_start3A_840 : memref<1x32x512xf32, #tpu.memory_space<vmem>> -> memref<32x512xf32, #tpu.memory_space<vmem>>
    tpu.enqueue_dma source(%dma_start3A_841 : memref<32x512xf32, #tpu.memory_space<vmem>>) target(%dma_start3A_837 : memref<32x512xf32, #tpu.memory_space<hbm>>) target_semaphore(%arg9 : memref<!tpu.dma_semaphore, #tpu.memory_space<semaphore_mem>>)
    %mul3A_842 = arith.constant 8 : i32
    %mul3A_843 = arith.muli %select_n3A, %mul3A_842 : i32
    %add3A_844 = arith.constant 2 : i32
    %add3A_845 = arith.addi %mul3A_843, %add3A_844 : i32
    %dma_start3A_846 = arith.constant 1 : i32
    %dma_start3A_847 = arith.constant 0 : i32
    %dma_start3A_848 = arith.constant 0 : i32
    %dma_start3A_849 = tpu.memref_slice %arg6[%dma_start3A_846, %dma_start3A_847, %dma_start3A_848] : memref<2x32x512xf32, #tpu.memory_space<vmem>> -> memref<1x32x512xf32, #tpu.memory_space<vmem>>
    %dma_start3A_850 = tpu.memref_squeeze %dma_start3A_849 : memref<1x32x512xf32, #tpu.memory_space<vmem>> -> memref<32x512xf32, #tpu.memory_space<vmem>>
    %dma_start3A_851 = arith.constant 0 : i32
    %dma_start3A_852 = tpu.memref_slice %arg4[%add3A_845, %add3A_803, %dma_start3A_851] : memref<64x512x512xf32, #tpu.memory_space<hbm>> -> memref<1x32x512xf32, #tpu.memory_space<hbm>>
    %dma_start3A_853 = tpu.memref_squeeze %dma_start3A_852 : memref<1x32x512xf32, #tpu.memory_space<hbm>> -> memref<32x512xf32, #tpu.memory_space<hbm>>
    %dma_start3A_854 = arith.constant 0 : i32
    %dma_start3A_855 = tpu.memref_slice %arg4[%add3A_845, %add3A_803, %dma_start3A_854] : memref<64x512x512xf32, #tpu.memory_space<hbm>> -> memref<1x32x512xf32, #tpu.memory_space<hbm>>
    %dma_start3A_856 = tpu.memref_squeeze %dma_start3A_855 : memref<1x32x512xf32, #tpu.memory_space<hbm>> -> memref<32x512xf32, #tpu.memory_space<hbm>>
    %dma_start3A_857 = arith.constant 0 : i32
    %dma_start3A_858 = arith.constant 0 : i32
    %dma_start3A_859 = tpu.memref_slice %arg6[%dma_start3A_846, %dma_start3A_857, %dma_start3A_858] : memref<2x32x512xf32, #tpu.memory_space<vmem>> -> memref<1x32x512xf32, #tpu.memory_space<vmem>>
    %dma_start3A_860 = tpu.memref_squeeze %dma_start3A_859 : memref<1x32x512xf32, #tpu.memory_space<vmem>> -> memref<32x512xf32, #tpu.memory_space<vmem>>
    tpu.enqueue_dma source(%dma_start3A_860 : memref<32x512xf32, #tpu.memory_space<vmem>>) target(%dma_start3A_856 : memref<32x512xf32, #tpu.memory_space<hbm>>) target_semaphore(%arg9 : memref<!tpu.dma_semaphore, #tpu.memory_space<semaphore_mem>>)
    %mul3A_861 = arith.constant 8 : i32
    %mul3A_862 = arith.muli %select_n3A, %mul3A_861 : i32
    %add3A_863 = arith.constant 3 : i32
    %add3A_864 = arith.addi %mul3A_862, %add3A_863 : i32
    %dma_start3A_865 = arith.constant 1 : i32
    %dma_start3A_866 = arith.constant 0 : i32
    %dma_start3A_867 = arith.constant 0 : i32
    %dma_start3A_868 = tpu.memref_slice %arg6[%dma_start3A_865, %dma_start3A_866, %dma_start3A_867] : memref<2x32x512xf32, #tpu.memory_space<vmem>> -> memref<1x32x512xf32, #tpu.memory_space<vmem>>
    %dma_start3A_869 = tpu.memref_squeeze %dma_start3A_868 : memref<1x32x512xf32, #tpu.memory_space<vmem>> -> memref<32x512xf32, #tpu.memory_space<vmem>>
    %dma_start3A_870 = arith.constant 0 : i32
    %dma_start3A_871 = tpu.memref_slice %arg4[%add3A_864, %add3A_803, %dma_start3A_870] : memref<64x512x512xf32, #tpu.memory_space<hbm>> -> memref<1x32x512xf32, #tpu.memory_space<hbm>>
    %dma_start3A_872 = tpu.memref_squeeze %dma_start3A_871 : memref<1x32x512xf32, #tpu.memory_space<hbm>> -> memref<32x512xf32, #tpu.memory_space<hbm>>
    %dma_start3A_873 = arith.constant 0 : i32
    %dma_start3A_874 = tpu.memref_slice %arg4[%add3A_864, %add3A_803, %dma_start3A_873] : memref<64x512x512xf32, #tpu.memory_space<hbm>> -> memref<1x32x512xf32, #tpu.memory_space<hbm>>
    %dma_start3A_875 = tpu.memref_squeeze %dma_start3A_874 : memref<1x32x512xf32, #tpu.memory_space<hbm>> -> memref<32x512xf32, #tpu.memory_space<hbm>>
    %dma_start3A_876 = arith.constant 0 : i32
    %dma_start3A_877 = arith.constant 0 : i32
    %dma_start3A_878 = tpu.memref_slice %arg6[%dma_start3A_865, %dma_start3A_876, %dma_start3A_877] : memref<2x32x512xf32, #tpu.memory_space<vmem>> -> memref<1x32x512xf32, #tpu.memory_space<vmem>>
    %dma_start3A_879 = tpu.memref_squeeze %dma_start3A_878 : memref<1x32x512xf32, #tpu.memory_space<vmem>> -> memref<32x512xf32, #tpu.memory_space<vmem>>
    tpu.enqueue_dma source(%dma_start3A_879 : memref<32x512xf32, #tpu.memory_space<vmem>>) target(%dma_start3A_875 : memref<32x512xf32, #tpu.memory_space<hbm>>) target_semaphore(%arg9 : memref<!tpu.dma_semaphore, #tpu.memory_space<semaphore_mem>>)
    %mul3A_880 = arith.constant 8 : i32
    %mul3A_881 = arith.muli %select_n3A, %mul3A_880 : i32
    %add3A_882 = arith.constant 4 : i32
    %add3A_883 = arith.addi %mul3A_881, %add3A_882 : i32
    %dma_start3A_884 = arith.constant 1 : i32
    %dma_start3A_885 = arith.constant 0 : i32
    %dma_start3A_886 = arith.constant 0 : i32
    %dma_start3A_887 = tpu.memref_slice %arg6[%dma_start3A_884, %dma_start3A_885, %dma_start3A_886] : memref<2x32x512xf32, #tpu.memory_space<vmem>> -> memref<1x32x512xf32, #tpu.memory_space<vmem>>
    %dma_start3A_888 = tpu.memref_squeeze %dma_start3A_887 : memref<1x32x512xf32, #tpu.memory_space<vmem>> -> memref<32x512xf32, #tpu.memory_space<vmem>>
    %dma_start3A_889 = arith.constant 0 : i32
    %dma_start3A_890 = tpu.memref_slice %arg4[%add3A_883, %add3A_803, %dma_start3A_889] : memref<64x512x512xf32, #tpu.memory_space<hbm>> -> memref<1x32x512xf32, #tpu.memory_space<hbm>>
    %dma_start3A_891 = tpu.memref_squeeze %dma_start3A_890 : memref<1x32x512xf32, #tpu.memory_space<hbm>> -> memref<32x512xf32, #tpu.memory_space<hbm>>
    %dma_start3A_892 = arith.constant 0 : i32
    %dma_start3A_893 = tpu.memref_slice %arg4[%add3A_883, %add3A_803, %dma_start3A_892] : memref<64x512x512xf32, #tpu.memory_space<hbm>> -> memref<1x32x512xf32, #tpu.memory_space<hbm>>
    %dma_start3A_894 = tpu.memref_squeeze %dma_start3A_893 : memref<1x32x512xf32, #tpu.memory_space<hbm>> -> memref<32x512xf32, #tpu.memory_space<hbm>>
    %dma_start3A_895 = arith.constant 0 : i32
    %dma_start3A_896 = arith.constant 0 : i32
    %dma_start3A_897 = tpu.memref_slice %arg6[%dma_start3A_884, %dma_start3A_895, %dma_start3A_896] : memref<2x32x512xf32, #tpu.memory_space<vmem>> -> memref<1x32x512xf32, #tpu.memory_space<vmem>>
    %dma_start3A_898 = tpu.memref_squeeze %dma_start3A_897 : memref<1x32x512xf32, #tpu.memory_space<vmem>> -> memref<32x512xf32, #tpu.memory_space<vmem>>
    tpu.enqueue_dma source(%dma_start3A_898 : memref<32x512xf32, #tpu.memory_space<vmem>>) target(%dma_start3A_894 : memref<32x512xf32, #tpu.memory_space<hbm>>) target_semaphore(%arg9 : memref<!tpu.dma_semaphore, #tpu.memory_space<semaphore_mem>>)
    %mul3A_899 = arith.constant 8 : i32
    %mul3A_900 = arith.muli %select_n3A, %mul3A_899 : i32
    %add3A_901 = arith.constant 5 : i32
    %add3A_902 = arith.addi %mul3A_900, %add3A_901 : i32
    %dma_start3A_903 = arith.constant 1 : i32
    %dma_start3A_904 = arith.constant 0 : i32
    %dma_start3A_905 = arith.constant 0 : i32
    %dma_start3A_906 = tpu.memref_slice %arg6[%dma_start3A_903, %dma_start3A_904, %dma_start3A_905] : memref<2x32x512xf32, #tpu.memory_space<vmem>> -> memref<1x32x512xf32, #tpu.memory_space<vmem>>
    %dma_start3A_907 = tpu.memref_squeeze %dma_start3A_906 : memref<1x32x512xf32, #tpu.memory_space<vmem>> -> memref<32x512xf32, #tpu.memory_space<vmem>>
    %dma_start3A_908 = arith.constant 0 : i32
    %dma_start3A_909 = tpu.memref_slice %arg4[%add3A_902, %add3A_803, %dma_start3A_908] : memref<64x512x512xf32, #tpu.memory_space<hbm>> -> memref<1x32x512xf32, #tpu.memory_space<hbm>>
    %dma_start3A_910 = tpu.memref_squeeze %dma_start3A_909 : memref<1x32x512xf32, #tpu.memory_space<hbm>> -> memref<32x512xf32, #tpu.memory_space<hbm>>
    %dma_start3A_911 = arith.constant 0 : i32
    %dma_start3A_912 = tpu.memref_slice %arg4[%add3A_902, %add3A_803, %dma_start3A_911] : memref<64x512x512xf32, #tpu.memory_space<hbm>> -> memref<1x32x512xf32, #tpu.memory_space<hbm>>
    %dma_start3A_913 = tpu.memref_squeeze %dma_start3A_912 : memref<1x32x512xf32, #tpu.memory_space<hbm>> -> memref<32x512xf32, #tpu.memory_space<hbm>>
    %dma_start3A_914 = arith.constant 0 : i32
    %dma_start3A_915 = arith.constant 0 : i32
    %dma_start3A_916 = tpu.memref_slice %arg6[%dma_start3A_903, %dma_start3A_914, %dma_start3A_915] : memref<2x32x512xf32, #tpu.memory_space<vmem>> -> memref<1x32x512xf32, #tpu.memory_space<vmem>>
    %dma_start3A_917 = tpu.memref_squeeze %dma_start3A_916 : memref<1x32x512xf32, #tpu.memory_space<vmem>> -> memref<32x512xf32, #tpu.memory_space<vmem>>
    tpu.enqueue_dma source(%dma_start3A_917 : memref<32x512xf32, #tpu.memory_space<vmem>>) target(%dma_start3A_913 : memref<32x512xf32, #tpu.memory_space<hbm>>) target_semaphore(%arg9 : memref<!tpu.dma_semaphore, #tpu.memory_space<semaphore_mem>>)
    %mul3A_918 = arith.constant 8 : i32
    %mul3A_919 = arith.muli %select_n3A, %mul3A_918 : i32
    %add3A_920 = arith.constant 6 : i32
    %add3A_921 = arith.addi %mul3A_919, %add3A_920 : i32
    %dma_start3A_922 = arith.constant 1 : i32
    %dma_start3A_923 = arith.constant 0 : i32
    %dma_start3A_924 = arith.constant 0 : i32
    %dma_start3A_925 = tpu.memref_slice %arg6[%dma_start3A_922, %dma_start3A_923, %dma_start3A_924] : memref<2x32x512xf32, #tpu.memory_space<vmem>> -> memref<1x32x512xf32, #tpu.memory_space<vmem>>
    %dma_start3A_926 = tpu.memref_squeeze %dma_start3A_925 : memref<1x32x512xf32, #tpu.memory_space<vmem>> -> memref<32x512xf32, #tpu.memory_space<vmem>>
    %dma_start3A_927 = arith.constant 0 : i32
    %dma_start3A_928 = tpu.memref_slice %arg4[%add3A_921, %add3A_803, %dma_start3A_927] : memref<64x512x512xf32, #tpu.memory_space<hbm>> -> memref<1x32x512xf32, #tpu.memory_space<hbm>>
    %dma_start3A_929 = tpu.memref_squeeze %dma_start3A_928 : memref<1x32x512xf32, #tpu.memory_space<hbm>> -> memref<32x512xf32, #tpu.memory_space<hbm>>
    %dma_start3A_930 = arith.constant 0 : i32
    %dma_start3A_931 = tpu.memref_slice %arg4[%add3A_921, %add3A_803, %dma_start3A_930] : memref<64x512x512xf32, #tpu.memory_space<hbm>> -> memref<1x32x512xf32, #tpu.memory_space<hbm>>
    %dma_start3A_932 = tpu.memref_squeeze %dma_start3A_931 : memref<1x32x512xf32, #tpu.memory_space<hbm>> -> memref<32x512xf32, #tpu.memory_space<hbm>>
    %dma_start3A_933 = arith.constant 0 : i32
    %dma_start3A_934 = arith.constant 0 : i32
    %dma_start3A_935 = tpu.memref_slice %arg6[%dma_start3A_922, %dma_start3A_933, %dma_start3A_934] : memref<2x32x512xf32, #tpu.memory_space<vmem>> -> memref<1x32x512xf32, #tpu.memory_space<vmem>>
    %dma_start3A_936 = tpu.memref_squeeze %dma_start3A_935 : memref<1x32x512xf32, #tpu.memory_space<vmem>> -> memref<32x512xf32, #tpu.memory_space<vmem>>
    tpu.enqueue_dma source(%dma_start3A_936 : memref<32x512xf32, #tpu.memory_space<vmem>>) target(%dma_start3A_932 : memref<32x512xf32, #tpu.memory_space<hbm>>) target_semaphore(%arg9 : memref<!tpu.dma_semaphore, #tpu.memory_space<semaphore_mem>>)
    %mul3A_937 = arith.constant 8 : i32
    %mul3A_938 = arith.muli %select_n3A, %mul3A_937 : i32
    %add3A_939 = arith.constant 7 : i32
    %add3A_940 = arith.addi %mul3A_938, %add3A_939 : i32
    %dma_start3A_941 = arith.constant 1 : i32
    %dma_start3A_942 = arith.constant 0 : i32
    %dma_start3A_943 = arith.constant 0 : i32
    %dma_start3A_944 = tpu.memref_slice %arg6[%dma_start3A_941, %dma_start3A_942, %dma_start3A_943] : memref<2x32x512xf32, #tpu.memory_space<vmem>> -> memref<1x32x512xf32, #tpu.memory_space<vmem>>
    %dma_start3A_945 = tpu.memref_squeeze %dma_start3A_944 : memref<1x32x512xf32, #tpu.memory_space<vmem>> -> memref<32x512xf32, #tpu.memory_space<vmem>>
    %dma_start3A_946 = arith.constant 0 : i32
    %dma_start3A_947 = tpu.memref_slice %arg4[%add3A_940, %add3A_803, %dma_start3A_946] : memref<64x512x512xf32, #tpu.memory_space<hbm>> -> memref<1x32x512xf32, #tpu.memory_space<hbm>>
    %dma_start3A_948 = tpu.memref_squeeze %dma_start3A_947 : memref<1x32x512xf32, #tpu.memory_space<hbm>> -> memref<32x512xf32, #tpu.memory_space<hbm>>
    %dma_start3A_949 = arith.constant 0 : i32
    %dma_start3A_950 = tpu.memref_slice %arg4[%add3A_940, %add3A_803, %dma_start3A_949] : memref<64x512x512xf32, #tpu.memory_space<hbm>> -> memref<1x32x512xf32, #tpu.memory_space<hbm>>
    %dma_start3A_951 = tpu.memref_squeeze %dma_start3A_950 : memref<1x32x512xf32, #tpu.memory_space<hbm>> -> memref<32x512xf32, #tpu.memory_space<hbm>>
    %dma_start3A_952 = arith.constant 0 : i32
    %dma_start3A_953 = arith.constant 0 : i32
    %dma_start3A_954 = tpu.memref_slice %arg6[%dma_start3A_941, %dma_start3A_952, %dma_start3A_953] : memref<2x32x512xf32, #tpu.memory_space<vmem>> -> memref<1x32x512xf32, #tpu.memory_space<vmem>>
    %dma_start3A_955 = tpu.memref_squeeze %dma_start3A_954 : memref<1x32x512xf32, #tpu.memory_space<vmem>> -> memref<32x512xf32, #tpu.memory_space<vmem>>
    tpu.enqueue_dma source(%dma_start3A_955 : memref<32x512xf32, #tpu.memory_space<vmem>>) target(%dma_start3A_951 : memref<32x512xf32, #tpu.memory_space<hbm>>) target_semaphore(%arg9 : memref<!tpu.dma_semaphore, #tpu.memory_space<semaphore_mem>>)
    %dma_wait3A_956 = arith.constant 0 : i32
    %dma_wait3A_957 = arith.constant 0 : i32
    %dma_wait3A_958 = arith.constant 0 : i32
    %dma_wait3A_959 = tpu.memref_slice %arg6[%dma_wait3A_956, %dma_wait3A_957, %dma_wait3A_958] : memref<2x32x512xf32, #tpu.memory_space<vmem>> -> memref<1x32x512xf32, #tpu.memory_space<vmem>>
    %dma_wait3A_960 = tpu.memref_squeeze %dma_wait3A_959 : memref<1x32x512xf32, #tpu.memory_space<vmem>> -> memref<32x512xf32, #tpu.memory_space<vmem>>
    %dma_wait3A_961 = arith.constant 0 : i32
    %dma_wait3A_962 = tpu.memref_slice %arg4[%add3A_528, %add3A_524, %dma_wait3A_961] : memref<64x512x512xf32, #tpu.memory_space<hbm>> -> memref<1x32x512xf32, #tpu.memory_space<hbm>>
    %dma_wait3A_963 = tpu.memref_squeeze %dma_wait3A_962 : memref<1x32x512xf32, #tpu.memory_space<hbm>> -> memref<32x512xf32, #tpu.memory_space<hbm>>
    %dma_wait3A_964 = arith.constant 0 : i32
    %dma_wait3A_965 = tpu.memref_slice %arg4[%add3A_528, %add3A_524, %dma_wait3A_964] : memref<64x512x512xf32, #tpu.memory_space<hbm>> -> memref<1x32x512xf32, #tpu.memory_space<hbm>>
    %dma_wait3A_966 = tpu.memref_squeeze %dma_wait3A_965 : memref<1x32x512xf32, #tpu.memory_space<hbm>> -> memref<32x512xf32, #tpu.memory_space<hbm>>
    %dma_wait3A_967 = arith.constant 0 : i32
    %dma_wait3A_968 = arith.constant 0 : i32
    %dma_wait3A_969 = tpu.memref_slice %arg6[%dma_wait3A_956, %dma_wait3A_967, %dma_wait3A_968] : memref<2x32x512xf32, #tpu.memory_space<vmem>> -> memref<1x32x512xf32, #tpu.memory_space<vmem>>
    %dma_wait3A_970 = tpu.memref_squeeze %dma_wait3A_969 : memref<1x32x512xf32, #tpu.memory_space<vmem>> -> memref<32x512xf32, #tpu.memory_space<vmem>>
    tpu.wait_dma2 semaphore(%arg8 : memref<!tpu.dma_semaphore, #tpu.memory_space<semaphore_mem>>) src(%dma_wait3A_970 : memref<32x512xf32, #tpu.memory_space<vmem>>) dst(%dma_wait3A_966 : memref<32x512xf32, #tpu.memory_space<hbm>>)
    %dma_wait3A_971 = arith.constant 0 : i32
    %dma_wait3A_972 = arith.constant 0 : i32
    %dma_wait3A_973 = arith.constant 0 : i32
    %dma_wait3A_974 = tpu.memref_slice %arg6[%dma_wait3A_971, %dma_wait3A_972, %dma_wait3A_973] : memref<2x32x512xf32, #tpu.memory_space<vmem>> -> memref<1x32x512xf32, #tpu.memory_space<vmem>>
    %dma_wait3A_975 = tpu.memref_squeeze %dma_wait3A_974 : memref<1x32x512xf32, #tpu.memory_space<vmem>> -> memref<32x512xf32, #tpu.memory_space<vmem>>
    %dma_wait3A_976 = arith.constant 0 : i32
    %dma_wait3A_977 = tpu.memref_slice %arg4[%add3A_547, %add3A_524, %dma_wait3A_976] : memref<64x512x512xf32, #tpu.memory_space<hbm>> -> memref<1x32x512xf32, #tpu.memory_space<hbm>>
    %dma_wait3A_978 = tpu.memref_squeeze %dma_wait3A_977 : memref<1x32x512xf32, #tpu.memory_space<hbm>> -> memref<32x512xf32, #tpu.memory_space<hbm>>
    %dma_wait3A_979 = arith.constant 0 : i32
    %dma_wait3A_980 = tpu.memref_slice %arg4[%add3A_547, %add3A_524, %dma_wait3A_979] : memref<64x512x512xf32, #tpu.memory_space<hbm>> -> memref<1x32x512xf32, #tpu.memory_space<hbm>>
    %dma_wait3A_981 = tpu.memref_squeeze %dma_wait3A_980 : memref<1x32x512xf32, #tpu.memory_space<hbm>> -> memref<32x512xf32, #tpu.memory_space<hbm>>
    %dma_wait3A_982 = arith.constant 0 : i32
    %dma_wait3A_983 = arith.constant 0 : i32
    %dma_wait3A_984 = tpu.memref_slice %arg6[%dma_wait3A_971, %dma_wait3A_982, %dma_wait3A_983] : memref<2x32x512xf32, #tpu.memory_space<vmem>> -> memref<1x32x512xf32, #tpu.memory_space<vmem>>
    %dma_wait3A_985 = tpu.memref_squeeze %dma_wait3A_984 : memref<1x32x512xf32, #tpu.memory_space<vmem>> -> memref<32x512xf32, #tpu.memory_space<vmem>>
    tpu.wait_dma2 semaphore(%arg8 : memref<!tpu.dma_semaphore, #tpu.memory_space<semaphore_mem>>) src(%dma_wait3A_985 : memref<32x512xf32, #tpu.memory_space<vmem>>) dst(%dma_wait3A_981 : memref<32x512xf32, #tpu.memory_space<hbm>>)
    %dma_wait3A_986 = arith.constant 0 : i32
    %dma_wait3A_987 = arith.constant 0 : i32
    %dma_wait3A_988 = arith.constant 0 : i32
    %dma_wait3A_989 = tpu.memref_slice %arg6[%dma_wait3A_986, %dma_wait3A_987, %dma_wait3A_988] : memref<2x32x512xf32, #tpu.memory_space<vmem>> -> memref<1x32x512xf32, #tpu.memory_space<vmem>>
    %dma_wait3A_990 = tpu.memref_squeeze %dma_wait3A_989 : memref<1x32x512xf32, #tpu.memory_space<vmem>> -> memref<32x512xf32, #tpu.memory_space<vmem>>
    %dma_wait3A_991 = arith.constant 0 : i32
    %dma_wait3A_992 = tpu.memref_slice %arg4[%add3A_566, %add3A_524, %dma_wait3A_991] : memref<64x512x512xf32, #tpu.memory_space<hbm>> -> memref<1x32x512xf32, #tpu.memory_space<hbm>>
    %dma_wait3A_993 = tpu.memref_squeeze %dma_wait3A_992 : memref<1x32x512xf32, #tpu.memory_space<hbm>> -> memref<32x512xf32, #tpu.memory_space<hbm>>
    %dma_wait3A_994 = arith.constant 0 : i32
    %dma_wait3A_995 = tpu.memref_slice %arg4[%add3A_566, %add3A_524, %dma_wait3A_994] : memref<64x512x512xf32, #tpu.memory_space<hbm>> -> memref<1x32x512xf32, #tpu.memory_space<hbm>>
    %dma_wait3A_996 = tpu.memref_squeeze %dma_wait3A_995 : memref<1x32x512xf32, #tpu.memory_space<hbm>> -> memref<32x512xf32, #tpu.memory_space<hbm>>
    %dma_wait3A_997 = arith.constant 0 : i32
    %dma_wait3A_998 = arith.constant 0 : i32
    %dma_wait3A_999 = tpu.memref_slice %arg6[%dma_wait3A_986, %dma_wait3A_997, %dma_wait3A_998] : memref<2x32x512xf32, #tpu.memory_space<vmem>> -> memref<1x32x512xf32, #tpu.memory_space<vmem>>
    %dma_wait3A_1000 = tpu.memref_squeeze %dma_wait3A_999 : memref<1x32x512xf32, #tpu.memory_space<vmem>> -> memref<32x512xf32, #tpu.memory_space<vmem>>
    tpu.wait_dma2 semaphore(%arg8 : memref<!tpu.dma_semaphore, #tpu.memory_space<semaphore_mem>>) src(%dma_wait3A_1000 : memref<32x512xf32, #tpu.memory_space<vmem>>) dst(%dma_wait3A_996 : memref<32x512xf32, #tpu.memory_space<hbm>>)
    %dma_wait3A_1001 = arith.constant 0 : i32
    %dma_wait3A_1002 = arith.constant 0 : i32
    %dma_wait3A_1003 = arith.constant 0 : i32
    %dma_wait3A_1004 = tpu.memref_slice %arg6[%dma_wait3A_1001, %dma_wait3A_1002, %dma_wait3A_1003] : memref<2x32x512xf32, #tpu.memory_space<vmem>> -> memref<1x32x512xf32, #tpu.memory_space<vmem>>
    %dma_wait3A_1005 = tpu.memref_squeeze %dma_wait3A_1004 : memref<1x32x512xf32, #tpu.memory_space<vmem>> -> memref<32x512xf32, #tpu.memory_space<vmem>>
    %dma_wait3A_1006 = arith.constant 0 : i32
    %dma_wait3A_1007 = tpu.memref_slice %arg4[%add3A_585, %add3A_524, %dma_wait3A_1006] : memref<64x512x512xf32, #tpu.memory_space<hbm>> -> memref<1x32x512xf32, #tpu.memory_space<hbm>>
    %dma_wait3A_1008 = tpu.memref_squeeze %dma_wait3A_1007 : memref<1x32x512xf32, #tpu.memory_space<hbm>> -> memref<32x512xf32, #tpu.memory_space<hbm>>
    %dma_wait3A_1009 = arith.constant 0 : i32
    %dma_wait3A_1010 = tpu.memref_slice %arg4[%add3A_585, %add3A_524, %dma_wait3A_1009] : memref<64x512x512xf32, #tpu.memory_space<hbm>> -> memref<1x32x512xf32, #tpu.memory_space<hbm>>
    %dma_wait3A_1011 = tpu.memref_squeeze %dma_wait3A_1010 : memref<1x32x512xf32, #tpu.memory_space<hbm>> -> memref<32x512xf32, #tpu.memory_space<hbm>>
    %dma_wait3A_1012 = arith.constant 0 : i32
    %dma_wait3A_1013 = arith.constant 0 : i32
    %dma_wait3A_1014 = tpu.memref_slice %arg6[%dma_wait3A_1001, %dma_wait3A_1012, %dma_wait3A_1013] : memref<2x32x512xf32, #tpu.memory_space<vmem>> -> memref<1x32x512xf32, #tpu.memory_space<vmem>>
    %dma_wait3A_1015 = tpu.memref_squeeze %dma_wait3A_1014 : memref<1x32x512xf32, #tpu.memory_space<vmem>> -> memref<32x512xf32, #tpu.memory_space<vmem>>
    tpu.wait_dma2 semaphore(%arg8 : memref<!tpu.dma_semaphore, #tpu.memory_space<semaphore_mem>>) src(%dma_wait3A_1015 : memref<32x512xf32, #tpu.memory_space<vmem>>) dst(%dma_wait3A_1011 : memref<32x512xf32, #tpu.memory_space<hbm>>)
    %dma_wait3A_1016 = arith.constant 0 : i32
    %dma_wait3A_1017 = arith.constant 0 : i32
    %dma_wait3A_1018 = arith.constant 0 : i32
    %dma_wait3A_1019 = tpu.memref_slice %arg6[%dma_wait3A_1016, %dma_wait3A_1017, %dma_wait3A_1018] : memref<2x32x512xf32, #tpu.memory_space<vmem>> -> memref<1x32x512xf32, #tpu.memory_space<vmem>>
    %dma_wait3A_1020 = tpu.memref_squeeze %dma_wait3A_1019 : memref<1x32x512xf32, #tpu.memory_space<vmem>> -> memref<32x512xf32, #tpu.memory_space<vmem>>
    %dma_wait3A_1021 = arith.constant 0 : i32
    %dma_wait3A_1022 = tpu.memref_slice %arg4[%add3A_604, %add3A_524, %dma_wait3A_1021] : memref<64x512x512xf32, #tpu.memory_space<hbm>> -> memref<1x32x512xf32, #tpu.memory_space<hbm>>
    %dma_wait3A_1023 = tpu.memref_squeeze %dma_wait3A_1022 : memref<1x32x512xf32, #tpu.memory_space<hbm>> -> memref<32x512xf32, #tpu.memory_space<hbm>>
    %dma_wait3A_1024 = arith.constant 0 : i32
    %dma_wait3A_1025 = tpu.memref_slice %arg4[%add3A_604, %add3A_524, %dma_wait3A_1024] : memref<64x512x512xf32, #tpu.memory_space<hbm>> -> memref<1x32x512xf32, #tpu.memory_space<hbm>>
    %dma_wait3A_1026 = tpu.memref_squeeze %dma_wait3A_1025 : memref<1x32x512xf32, #tpu.memory_space<hbm>> -> memref<32x512xf32, #tpu.memory_space<hbm>>
    %dma_wait3A_1027 = arith.constant 0 : i32
    %dma_wait3A_1028 = arith.constant 0 : i32
    %dma_wait3A_1029 = tpu.memref_slice %arg6[%dma_wait3A_1016, %dma_wait3A_1027, %dma_wait3A_1028] : memref<2x32x512xf32, #tpu.memory_space<vmem>> -> memref<1x32x512xf32, #tpu.memory_space<vmem>>
    %dma_wait3A_1030 = tpu.memref_squeeze %dma_wait3A_1029 : memref<1x32x512xf32, #tpu.memory_space<vmem>> -> memref<32x512xf32, #tpu.memory_space<vmem>>
    tpu.wait_dma2 semaphore(%arg8 : memref<!tpu.dma_semaphore, #tpu.memory_space<semaphore_mem>>) src(%dma_wait3A_1030 : memref<32x512xf32, #tpu.memory_space<vmem>>) dst(%dma_wait3A_1026 : memref<32x512xf32, #tpu.memory_space<hbm>>)
    %dma_wait3A_1031 = arith.constant 0 : i32
    %dma_wait3A_1032 = arith.constant 0 : i32
    %dma_wait3A_1033 = arith.constant 0 : i32
    %dma_wait3A_1034 = tpu.memref_slice %arg6[%dma_wait3A_1031, %dma_wait3A_1032, %dma_wait3A_1033] : memref<2x32x512xf32, #tpu.memory_space<vmem>> -> memref<1x32x512xf32, #tpu.memory_space<vmem>>
    %dma_wait3A_1035 = tpu.memref_squeeze %dma_wait3A_1034 : memref<1x32x512xf32, #tpu.memory_space<vmem>> -> memref<32x512xf32, #tpu.memory_space<vmem>>
    %dma_wait3A_1036 = arith.constant 0 : i32
    %dma_wait3A_1037 = tpu.memref_slice %arg4[%add3A_623, %add3A_524, %dma_wait3A_1036] : memref<64x512x512xf32, #tpu.memory_space<hbm>> -> memref<1x32x512xf32, #tpu.memory_space<hbm>>
    %dma_wait3A_1038 = tpu.memref_squeeze %dma_wait3A_1037 : memref<1x32x512xf32, #tpu.memory_space<hbm>> -> memref<32x512xf32, #tpu.memory_space<hbm>>
    %dma_wait3A_1039 = arith.constant 0 : i32
    %dma_wait3A_1040 = tpu.memref_slice %arg4[%add3A_623, %add3A_524, %dma_wait3A_1039] : memref<64x512x512xf32, #tpu.memory_space<hbm>> -> memref<1x32x512xf32, #tpu.memory_space<hbm>>
    %dma_wait3A_1041 = tpu.memref_squeeze %dma_wait3A_1040 : memref<1x32x512xf32, #tpu.memory_space<hbm>> -> memref<32x512xf32, #tpu.memory_space<hbm>>
    %dma_wait3A_1042 = arith.constant 0 : i32
    %dma_wait3A_1043 = arith.constant 0 : i32
    %dma_wait3A_1044 = tpu.memref_slice %arg6[%dma_wait3A_1031, %dma_wait3A_1042, %dma_wait3A_1043] : memref<2x32x512xf32, #tpu.memory_space<vmem>> -> memref<1x32x512xf32, #tpu.memory_space<vmem>>
    %dma_wait3A_1045 = tpu.memref_squeeze %dma_wait3A_1044 : memref<1x32x512xf32, #tpu.memory_space<vmem>> -> memref<32x512xf32, #tpu.memory_space<vmem>>
    tpu.wait_dma2 semaphore(%arg8 : memref<!tpu.dma_semaphore, #tpu.memory_space<semaphore_mem>>) src(%dma_wait3A_1045 : memref<32x512xf32, #tpu.memory_space<vmem>>) dst(%dma_wait3A_1041 : memref<32x512xf32, #tpu.memory_space<hbm>>)
    %dma_wait3A_1046 = arith.constant 0 : i32
    %dma_wait3A_1047 = arith.constant 0 : i32
    %dma_wait3A_1048 = arith.constant 0 : i32
    %dma_wait3A_1049 = tpu.memref_slice %arg6[%dma_wait3A_1046, %dma_wait3A_1047, %dma_wait3A_1048] : memref<2x32x512xf32, #tpu.memory_space<vmem>> -> memref<1x32x512xf32, #tpu.memory_space<vmem>>
    %dma_wait3A_1050 = tpu.memref_squeeze %dma_wait3A_1049 : memref<1x32x512xf32, #tpu.memory_space<vmem>> -> memref<32x512xf32, #tpu.memory_space<vmem>>
    %dma_wait3A_1051 = arith.constant 0 : i32
    %dma_wait3A_1052 = tpu.memref_slice %arg4[%add3A_642, %add3A_524, %dma_wait3A_1051] : memref<64x512x512xf32, #tpu.memory_space<hbm>> -> memref<1x32x512xf32, #tpu.memory_space<hbm>>
    %dma_wait3A_1053 = tpu.memref_squeeze %dma_wait3A_1052 : memref<1x32x512xf32, #tpu.memory_space<hbm>> -> memref<32x512xf32, #tpu.memory_space<hbm>>
    %dma_wait3A_1054 = arith.constant 0 : i32
    %dma_wait3A_1055 = tpu.memref_slice %arg4[%add3A_642, %add3A_524, %dma_wait3A_1054] : memref<64x512x512xf32, #tpu.memory_space<hbm>> -> memref<1x32x512xf32, #tpu.memory_space<hbm>>
    %dma_wait3A_1056 = tpu.memref_squeeze %dma_wait3A_1055 : memref<1x32x512xf32, #tpu.memory_space<hbm>> -> memref<32x512xf32, #tpu.memory_space<hbm>>
    %dma_wait3A_1057 = arith.constant 0 : i32
    %dma_wait3A_1058 = arith.constant 0 : i32
    %dma_wait3A_1059 = tpu.memref_slice %arg6[%dma_wait3A_1046, %dma_wait3A_1057, %dma_wait3A_1058] : memref<2x32x512xf32, #tpu.memory_space<vmem>> -> memref<1x32x512xf32, #tpu.memory_space<vmem>>
    %dma_wait3A_1060 = tpu.memref_squeeze %dma_wait3A_1059 : memref<1x32x512xf32, #tpu.memory_space<vmem>> -> memref<32x512xf32, #tpu.memory_space<vmem>>
    tpu.wait_dma2 semaphore(%arg8 : memref<!tpu.dma_semaphore, #tpu.memory_space<semaphore_mem>>) src(%dma_wait3A_1060 : memref<32x512xf32, #tpu.memory_space<vmem>>) dst(%dma_wait3A_1056 : memref<32x512xf32, #tpu.memory_space<hbm>>)
    %dma_wait3A_1061 = arith.constant 0 : i32
    %dma_wait3A_1062 = arith.constant 0 : i32
    %dma_wait3A_1063 = arith.constant 0 : i32
    %dma_wait3A_1064 = tpu.memref_slice %arg6[%dma_wait3A_1061, %dma_wait3A_1062, %dma_wait3A_1063] : memref<2x32x512xf32, #tpu.memory_space<vmem>> -> memref<1x32x512xf32, #tpu.memory_space<vmem>>
    %dma_wait3A_1065 = tpu.memref_squeeze %dma_wait3A_1064 : memref<1x32x512xf32, #tpu.memory_space<vmem>> -> memref<32x512xf32, #tpu.memory_space<vmem>>
    %dma_wait3A_1066 = arith.constant 0 : i32
    %dma_wait3A_1067 = tpu.memref_slice %arg4[%add3A_661, %add3A_524, %dma_wait3A_1066] : memref<64x512x512xf32, #tpu.memory_space<hbm>> -> memref<1x32x512xf32, #tpu.memory_space<hbm>>
    %dma_wait3A_1068 = tpu.memref_squeeze %dma_wait3A_1067 : memref<1x32x512xf32, #tpu.memory_space<hbm>> -> memref<32x512xf32, #tpu.memory_space<hbm>>
    %dma_wait3A_1069 = arith.constant 0 : i32
    %dma_wait3A_1070 = tpu.memref_slice %arg4[%add3A_661, %add3A_524, %dma_wait3A_1069] : memref<64x512x512xf32, #tpu.memory_space<hbm>> -> memref<1x32x512xf32, #tpu.memory_space<hbm>>
    %dma_wait3A_1071 = tpu.memref_squeeze %dma_wait3A_1070 : memref<1x32x512xf32, #tpu.memory_space<hbm>> -> memref<32x512xf32, #tpu.memory_space<hbm>>
    %dma_wait3A_1072 = arith.constant 0 : i32
    %dma_wait3A_1073 = arith.constant 0 : i32
    %dma_wait3A_1074 = tpu.memref_slice %arg6[%dma_wait3A_1061, %dma_wait3A_1072, %dma_wait3A_1073] : memref<2x32x512xf32, #tpu.memory_space<vmem>> -> memref<1x32x512xf32, #tpu.memory_space<vmem>>
    %dma_wait3A_1075 = tpu.memref_squeeze %dma_wait3A_1074 : memref<1x32x512xf32, #tpu.memory_space<vmem>> -> memref<32x512xf32, #tpu.memory_space<vmem>>
    tpu.wait_dma2 semaphore(%arg8 : memref<!tpu.dma_semaphore, #tpu.memory_space<semaphore_mem>>) src(%dma_wait3A_1075 : memref<32x512xf32, #tpu.memory_space<vmem>>) dst(%dma_wait3A_1071 : memref<32x512xf32, #tpu.memory_space<hbm>>)
    %dma_wait3A_1076 = arith.constant 1 : i32
    %dma_wait3A_1077 = arith.constant 0 : i32
    %dma_wait3A_1078 = arith.constant 0 : i32
    %dma_wait3A_1079 = tpu.memref_slice %arg6[%dma_wait3A_1076, %dma_wait3A_1077, %dma_wait3A_1078] : memref<2x32x512xf32, #tpu.memory_space<vmem>> -> memref<1x32x512xf32, #tpu.memory_space<vmem>>
    %dma_wait3A_1080 = tpu.memref_squeeze %dma_wait3A_1079 : memref<1x32x512xf32, #tpu.memory_space<vmem>> -> memref<32x512xf32, #tpu.memory_space<vmem>>
    %dma_wait3A_1081 = arith.constant 0 : i32
    %dma_wait3A_1082 = tpu.memref_slice %arg4[%add3A_807, %add3A_803, %dma_wait3A_1081] : memref<64x512x512xf32, #tpu.memory_space<hbm>> -> memref<1x32x512xf32, #tpu.memory_space<hbm>>
    %dma_wait3A_1083 = tpu.memref_squeeze %dma_wait3A_1082 : memref<1x32x512xf32, #tpu.memory_space<hbm>> -> memref<32x512xf32, #tpu.memory_space<hbm>>
    %dma_wait3A_1084 = arith.constant 0 : i32
    %dma_wait3A_1085 = tpu.memref_slice %arg4[%add3A_807, %add3A_803, %dma_wait3A_1084] : memref<64x512x512xf32, #tpu.memory_space<hbm>> -> memref<1x32x512xf32, #tpu.memory_space<hbm>>
    %dma_wait3A_1086 = tpu.memref_squeeze %dma_wait3A_1085 : memref<1x32x512xf32, #tpu.memory_space<hbm>> -> memref<32x512xf32, #tpu.memory_space<hbm>>
    %dma_wait3A_1087 = arith.constant 0 : i32
    %dma_wait3A_1088 = arith.constant 0 : i32
    %dma_wait3A_1089 = tpu.memref_slice %arg6[%dma_wait3A_1076, %dma_wait3A_1087, %dma_wait3A_1088] : memref<2x32x512xf32, #tpu.memory_space<vmem>> -> memref<1x32x512xf32, #tpu.memory_space<vmem>>
    %dma_wait3A_1090 = tpu.memref_squeeze %dma_wait3A_1089 : memref<1x32x512xf32, #tpu.memory_space<vmem>> -> memref<32x512xf32, #tpu.memory_space<vmem>>
    tpu.wait_dma2 semaphore(%arg9 : memref<!tpu.dma_semaphore, #tpu.memory_space<semaphore_mem>>) src(%dma_wait3A_1090 : memref<32x512xf32, #tpu.memory_space<vmem>>) dst(%dma_wait3A_1086 : memref<32x512xf32, #tpu.memory_space<hbm>>)
    %dma_wait3A_1091 = arith.constant 1 : i32
    %dma_wait3A_1092 = arith.constant 0 : i32
    %dma_wait3A_1093 = arith.constant 0 : i32
    %dma_wait3A_1094 = tpu.memref_slice %arg6[%dma_wait3A_1091, %dma_wait3A_1092, %dma_wait3A_1093] : memref<2x32x512xf32, #tpu.memory_space<vmem>> -> memref<1x32x512xf32, #tpu.memory_space<vmem>>
    %dma_wait3A_1095 = tpu.memref_squeeze %dma_wait3A_1094 : memref<1x32x512xf32, #tpu.memory_space<vmem>> -> memref<32x512xf32, #tpu.memory_space<vmem>>
    %dma_wait3A_1096 = arith.constant 0 : i32
    %dma_wait3A_1097 = tpu.memref_slice %arg4[%add3A_826, %add3A_803, %dma_wait3A_1096] : memref<64x512x512xf32, #tpu.memory_space<hbm>> -> memref<1x32x512xf32, #tpu.memory_space<hbm>>
    %dma_wait3A_1098 = tpu.memref_squeeze %dma_wait3A_1097 : memref<1x32x512xf32, #tpu.memory_space<hbm>> -> memref<32x512xf32, #tpu.memory_space<hbm>>
    %dma_wait3A_1099 = arith.constant 0 : i32
    %dma_wait3A_1100 = tpu.memref_slice %arg4[%add3A_826, %add3A_803, %dma_wait3A_1099] : memref<64x512x512xf32, #tpu.memory_space<hbm>> -> memref<1x32x512xf32, #tpu.memory_space<hbm>>
    %dma_wait3A_1101 = tpu.memref_squeeze %dma_wait3A_1100 : memref<1x32x512xf32, #tpu.memory_space<hbm>> -> memref<32x512xf32, #tpu.memory_space<hbm>>
    %dma_wait3A_1102 = arith.constant 0 : i32
    %dma_wait3A_1103 = arith.constant 0 : i32
    %dma_wait3A_1104 = tpu.memref_slice %arg6[%dma_wait3A_1091, %dma_wait3A_1102, %dma_wait3A_1103] : memref<2x32x512xf32, #tpu.memory_space<vmem>> -> memref<1x32x512xf32, #tpu.memory_space<vmem>>
    %dma_wait3A_1105 = tpu.memref_squeeze %dma_wait3A_1104 : memref<1x32x512xf32, #tpu.memory_space<vmem>> -> memref<32x512xf32, #tpu.memory_space<vmem>>
    tpu.wait_dma2 semaphore(%arg9 : memref<!tpu.dma_semaphore, #tpu.memory_space<semaphore_mem>>) src(%dma_wait3A_1105 : memref<32x512xf32, #tpu.memory_space<vmem>>) dst(%dma_wait3A_1101 : memref<32x512xf32, #tpu.memory_space<hbm>>)
    %dma_wait3A_1106 = arith.constant 1 : i32
    %dma_wait3A_1107 = arith.constant 0 : i32
    %dma_wait3A_1108 = arith.constant 0 : i32
    %dma_wait3A_1109 = tpu.memref_slice %arg6[%dma_wait3A_1106, %dma_wait3A_1107, %dma_wait3A_1108] : memref<2x32x512xf32, #tpu.memory_space<vmem>> -> memref<1x32x512xf32, #tpu.memory_space<vmem>>
    %dma_wait3A_1110 = tpu.memref_squeeze %dma_wait3A_1109 : memref<1x32x512xf32, #tpu.memory_space<vmem>> -> memref<32x512xf32, #tpu.memory_space<vmem>>
    %dma_wait3A_1111 = arith.constant 0 : i32
    %dma_wait3A_1112 = tpu.memref_slice %arg4[%add3A_845, %add3A_803, %dma_wait3A_1111] : memref<64x512x512xf32, #tpu.memory_space<hbm>> -> memref<1x32x512xf32, #tpu.memory_space<hbm>>
    %dma_wait3A_1113 = tpu.memref_squeeze %dma_wait3A_1112 : memref<1x32x512xf32, #tpu.memory_space<hbm>> -> memref<32x512xf32, #tpu.memory_space<hbm>>
    %dma_wait3A_1114 = arith.constant 0 : i32
    %dma_wait3A_1115 = tpu.memref_slice %arg4[%add3A_845, %add3A_803, %dma_wait3A_1114] : memref<64x512x512xf32, #tpu.memory_space<hbm>> -> memref<1x32x512xf32, #tpu.memory_space<hbm>>
    %dma_wait3A_1116 = tpu.memref_squeeze %dma_wait3A_1115 : memref<1x32x512xf32, #tpu.memory_space<hbm>> -> memref<32x512xf32, #tpu.memory_space<hbm>>
    %dma_wait3A_1117 = arith.constant 0 : i32
    %dma_wait3A_1118 = arith.constant 0 : i32
    %dma_wait3A_1119 = tpu.memref_slice %arg6[%dma_wait3A_1106, %dma_wait3A_1117, %dma_wait3A_1118] : memref<2x32x512xf32, #tpu.memory_space<vmem>> -> memref<1x32x512xf32, #tpu.memory_space<vmem>>
    %dma_wait3A_1120 = tpu.memref_squeeze %dma_wait3A_1119 : memref<1x32x512xf32, #tpu.memory_space<vmem>> -> memref<32x512xf32, #tpu.memory_space<vmem>>
    tpu.wait_dma2 semaphore(%arg9 : memref<!tpu.dma_semaphore, #tpu.memory_space<semaphore_mem>>) src(%dma_wait3A_1120 : memref<32x512xf32, #tpu.memory_space<vmem>>) dst(%dma_wait3A_1116 : memref<32x512xf32, #tpu.memory_space<hbm>>)
    %dma_wait3A_1121 = arith.constant 1 : i32
    %dma_wait3A_1122 = arith.constant 0 : i32
    %dma_wait3A_1123 = arith.constant 0 : i32
    %dma_wait3A_1124 = tpu.memref_slice %arg6[%dma_wait3A_1121, %dma_wait3A_1122, %dma_wait3A_1123] : memref<2x32x512xf32, #tpu.memory_space<vmem>> -> memref<1x32x512xf32, #tpu.memory_space<vmem>>
    %dma_wait3A_1125 = tpu.memref_squeeze %dma_wait3A_1124 : memref<1x32x512xf32, #tpu.memory_space<vmem>> -> memref<32x512xf32, #tpu.memory_space<vmem>>
    %dma_wait3A_1126 = arith.constant 0 : i32
    %dma_wait3A_1127 = tpu.memref_slice %arg4[%add3A_864, %add3A_803, %dma_wait3A_1126] : memref<64x512x512xf32, #tpu.memory_space<hbm>> -> memref<1x32x512xf32, #tpu.memory_space<hbm>>
    %dma_wait3A_1128 = tpu.memref_squeeze %dma_wait3A_1127 : memref<1x32x512xf32, #tpu.memory_space<hbm>> -> memref<32x512xf32, #tpu.memory_space<hbm>>
    %dma_wait3A_1129 = arith.constant 0 : i32
    %dma_wait3A_1130 = tpu.memref_slice %arg4[%add3A_864, %add3A_803, %dma_wait3A_1129] : memref<64x512x512xf32, #tpu.memory_space<hbm>> -> memref<1x32x512xf32, #tpu.memory_space<hbm>>
    %dma_wait3A_1131 = tpu.memref_squeeze %dma_wait3A_1130 : memref<1x32x512xf32, #tpu.memory_space<hbm>> -> memref<32x512xf32, #tpu.memory_space<hbm>>
    %dma_wait3A_1132 = arith.constant 0 : i32
    %dma_wait3A_1133 = arith.constant 0 : i32
    %dma_wait3A_1134 = tpu.memref_slice %arg6[%dma_wait3A_1121, %dma_wait3A_1132, %dma_wait3A_1133] : memref<2x32x512xf32, #tpu.memory_space<vmem>> -> memref<1x32x512xf32, #tpu.memory_space<vmem>>
    %dma_wait3A_1135 = tpu.memref_squeeze %dma_wait3A_1134 : memref<1x32x512xf32, #tpu.memory_space<vmem>> -> memref<32x512xf32, #tpu.memory_space<vmem>>
    tpu.wait_dma2 semaphore(%arg9 : memref<!tpu.dma_semaphore, #tpu.memory_space<semaphore_mem>>) src(%dma_wait3A_1135 : memref<32x512xf32, #tpu.memory_space<vmem>>) dst(%dma_wait3A_1131 : memref<32x512xf32, #tpu.memory_space<hbm>>)
    %dma_wait3A_1136 = arith.constant 1 : i32
    %dma_wait3A_1137 = arith.constant 0 : i32
    %dma_wait3A_1138 = arith.constant 0 : i32
    %dma_wait3A_1139 = tpu.memref_slice %arg6[%dma_wait3A_1136, %dma_wait3A_1137, %dma_wait3A_1138] : memref<2x32x512xf32, #tpu.memory_space<vmem>> -> memref<1x32x512xf32, #tpu.memory_space<vmem>>
    %dma_wait3A_1140 = tpu.memref_squeeze %dma_wait3A_1139 : memref<1x32x512xf32, #tpu.memory_space<vmem>> -> memref<32x512xf32, #tpu.memory_space<vmem>>
    %dma_wait3A_1141 = arith.constant 0 : i32
    %dma_wait3A_1142 = tpu.memref_slice %arg4[%add3A_883, %add3A_803, %dma_wait3A_1141] : memref<64x512x512xf32, #tpu.memory_space<hbm>> -> memref<1x32x512xf32, #tpu.memory_space<hbm>>
    %dma_wait3A_1143 = tpu.memref_squeeze %dma_wait3A_1142 : memref<1x32x512xf32, #tpu.memory_space<hbm>> -> memref<32x512xf32, #tpu.memory_space<hbm>>
    %dma_wait3A_1144 = arith.constant 0 : i32
    %dma_wait3A_1145 = tpu.memref_slice %arg4[%add3A_883, %add3A_803, %dma_wait3A_1144] : memref<64x512x512xf32, #tpu.memory_space<hbm>> -> memref<1x32x512xf32, #tpu.memory_space<hbm>>
    %dma_wait3A_1146 = tpu.memref_squeeze %dma_wait3A_1145 : memref<1x32x512xf32, #tpu.memory_space<hbm>> -> memref<32x512xf32, #tpu.memory_space<hbm>>
    %dma_wait3A_1147 = arith.constant 0 : i32
    %dma_wait3A_1148 = arith.constant 0 : i32
    %dma_wait3A_1149 = tpu.memref_slice %arg6[%dma_wait3A_1136, %dma_wait3A_1147, %dma_wait3A_1148] : memref<2x32x512xf32, #tpu.memory_space<vmem>> -> memref<1x32x512xf32, #tpu.memory_space<vmem>>
    %dma_wait3A_1150 = tpu.memref_squeeze %dma_wait3A_1149 : memref<1x32x512xf32, #tpu.memory_space<vmem>> -> memref<32x512xf32, #tpu.memory_space<vmem>>
    tpu.wait_dma2 semaphore(%arg9 : memref<!tpu.dma_semaphore, #tpu.memory_space<semaphore_mem>>) src(%dma_wait3A_1150 : memref<32x512xf32, #tpu.memory_space<vmem>>) dst(%dma_wait3A_1146 : memref<32x512xf32, #tpu.memory_space<hbm>>)
    %dma_wait3A_1151 = arith.constant 1 : i32
    %dma_wait3A_1152 = arith.constant 0 : i32
    %dma_wait3A_1153 = arith.constant 0 : i32
    %dma_wait3A_1154 = tpu.memref_slice %arg6[%dma_wait3A_1151, %dma_wait3A_1152, %dma_wait3A_1153] : memref<2x32x512xf32, #tpu.memory_space<vmem>> -> memref<1x32x512xf32, #tpu.memory_space<vmem>>
    %dma_wait3A_1155 = tpu.memref_squeeze %dma_wait3A_1154 : memref<1x32x512xf32, #tpu.memory_space<vmem>> -> memref<32x512xf32, #tpu.memory_space<vmem>>
    %dma_wait3A_1156 = arith.constant 0 : i32
    %dma_wait3A_1157 = tpu.memref_slice %arg4[%add3A_902, %add3A_803, %dma_wait3A_1156] : memref<64x512x512xf32, #tpu.memory_space<hbm>> -> memref<1x32x512xf32, #tpu.memory_space<hbm>>
    %dma_wait3A_1158 = tpu.memref_squeeze %dma_wait3A_1157 : memref<1x32x512xf32, #tpu.memory_space<hbm>> -> memref<32x512xf32, #tpu.memory_space<hbm>>
    %dma_wait3A_1159 = arith.constant 0 : i32
    %dma_wait3A_1160 = tpu.memref_slice %arg4[%add3A_902, %add3A_803, %dma_wait3A_1159] : memref<64x512x512xf32, #tpu.memory_space<hbm>> -> memref<1x32x512xf32, #tpu.memory_space<hbm>>
    %dma_wait3A_1161 = tpu.memref_squeeze %dma_wait3A_1160 : memref<1x32x512xf32, #tpu.memory_space<hbm>> -> memref<32x512xf32, #tpu.memory_space<hbm>>
    %dma_wait3A_1162 = arith.constant 0 : i32
    %dma_wait3A_1163 = arith.constant 0 : i32
    %dma_wait3A_1164 = tpu.memref_slice %arg6[%dma_wait3A_1151, %dma_wait3A_1162, %dma_wait3A_1163] : memref<2x32x512xf32, #tpu.memory_space<vmem>> -> memref<1x32x512xf32, #tpu.memory_space<vmem>>
    %dma_wait3A_1165 = tpu.memref_squeeze %dma_wait3A_1164 : memref<1x32x512xf32, #tpu.memory_space<vmem>> -> memref<32x512xf32, #tpu.memory_space<vmem>>
    tpu.wait_dma2 semaphore(%arg9 : memref<!tpu.dma_semaphore, #tpu.memory_space<semaphore_mem>>) src(%dma_wait3A_1165 : memref<32x512xf32, #tpu.memory_space<vmem>>) dst(%dma_wait3A_1161 : memref<32x512xf32, #tpu.memory_space<hbm>>)
    %dma_wait3A_1166 = arith.constant 1 : i32
    %dma_wait3A_1167 = arith.constant 0 : i32
    %dma_wait3A_1168 = arith.constant 0 : i32
    %dma_wait3A_1169 = tpu.memref_slice %arg6[%dma_wait3A_1166, %dma_wait3A_1167, %dma_wait3A_1168] : memref<2x32x512xf32, #tpu.memory_space<vmem>> -> memref<1x32x512xf32, #tpu.memory_space<vmem>>
    %dma_wait3A_1170 = tpu.memref_squeeze %dma_wait3A_1169 : memref<1x32x512xf32, #tpu.memory_space<vmem>> -> memref<32x512xf32, #tpu.memory_space<vmem>>
    %dma_wait3A_1171 = arith.constant 0 : i32
    %dma_wait3A_1172 = tpu.memref_slice %arg4[%add3A_921, %add3A_803, %dma_wait3A_1171] : memref<64x512x512xf32, #tpu.memory_space<hbm>> -> memref<1x32x512xf32, #tpu.memory_space<hbm>>
    %dma_wait3A_1173 = tpu.memref_squeeze %dma_wait3A_1172 : memref<1x32x512xf32, #tpu.memory_space<hbm>> -> memref<32x512xf32, #tpu.memory_space<hbm>>
    %dma_wait3A_1174 = arith.constant 0 : i32
    %dma_wait3A_1175 = tpu.memref_slice %arg4[%add3A_921, %add3A_803, %dma_wait3A_1174] : memref<64x512x512xf32, #tpu.memory_space<hbm>> -> memref<1x32x512xf32, #tpu.memory_space<hbm>>
    %dma_wait3A_1176 = tpu.memref_squeeze %dma_wait3A_1175 : memref<1x32x512xf32, #tpu.memory_space<hbm>> -> memref<32x512xf32, #tpu.memory_space<hbm>>
    %dma_wait3A_1177 = arith.constant 0 : i32
    %dma_wait3A_1178 = arith.constant 0 : i32
    %dma_wait3A_1179 = tpu.memref_slice %arg6[%dma_wait3A_1166, %dma_wait3A_1177, %dma_wait3A_1178] : memref<2x32x512xf32, #tpu.memory_space<vmem>> -> memref<1x32x512xf32, #tpu.memory_space<vmem>>
    %dma_wait3A_1180 = tpu.memref_squeeze %dma_wait3A_1179 : memref<1x32x512xf32, #tpu.memory_space<vmem>> -> memref<32x512xf32, #tpu.memory_space<vmem>>
    tpu.wait_dma2 semaphore(%arg9 : memref<!tpu.dma_semaphore, #tpu.memory_space<semaphore_mem>>) src(%dma_wait3A_1180 : memref<32x512xf32, #tpu.memory_space<vmem>>) dst(%dma_wait3A_1176 : memref<32x512xf32, #tpu.memory_space<hbm>>)
    %dma_wait3A_1181 = arith.constant 1 : i32
    %dma_wait3A_1182 = arith.constant 0 : i32
    %dma_wait3A_1183 = arith.constant 0 : i32
    %dma_wait3A_1184 = tpu.memref_slice %arg6[%dma_wait3A_1181, %dma_wait3A_1182, %dma_wait3A_1183] : memref<2x32x512xf32, #tpu.memory_space<vmem>> -> memref<1x32x512xf32, #tpu.memory_space<vmem>>
    %dma_wait3A_1185 = tpu.memref_squeeze %dma_wait3A_1184 : memref<1x32x512xf32, #tpu.memory_space<vmem>> -> memref<32x512xf32, #tpu.memory_space<vmem>>
    %dma_wait3A_1186 = arith.constant 0 : i32
    %dma_wait3A_1187 = tpu.memref_slice %arg4[%add3A_940, %add3A_803, %dma_wait3A_1186] : memref<64x512x512xf32, #tpu.memory_space<hbm>> -> memref<1x32x512xf32, #tpu.memory_space<hbm>>
    %dma_wait3A_1188 = tpu.memref_squeeze %dma_wait3A_1187 : memref<1x32x512xf32, #tpu.memory_space<hbm>> -> memref<32x512xf32, #tpu.memory_space<hbm>>
    %dma_wait3A_1189 = arith.constant 0 : i32
    %dma_wait3A_1190 = tpu.memref_slice %arg4[%add3A_940, %add3A_803, %dma_wait3A_1189] : memref<64x512x512xf32, #tpu.memory_space<hbm>> -> memref<1x32x512xf32, #tpu.memory_space<hbm>>
    %dma_wait3A_1191 = tpu.memref_squeeze %dma_wait3A_1190 : memref<1x32x512xf32, #tpu.memory_space<hbm>> -> memref<32x512xf32, #tpu.memory_space<hbm>>
    %dma_wait3A_1192 = arith.constant 0 : i32
    %dma_wait3A_1193 = arith.constant 0 : i32
    %dma_wait3A_1194 = tpu.memref_slice %arg6[%dma_wait3A_1181, %dma_wait3A_1192, %dma_wait3A_1193] : memref<2x32x512xf32, #tpu.memory_space<vmem>> -> memref<1x32x512xf32, #tpu.memory_space<vmem>>
    %dma_wait3A_1195 = tpu.memref_squeeze %dma_wait3A_1194 : memref<1x32x512xf32, #tpu.memory_space<vmem>> -> memref<32x512xf32, #tpu.memory_space<vmem>>
    tpu.wait_dma2 semaphore(%arg9 : memref<!tpu.dma_semaphore, #tpu.memory_space<semaphore_mem>>) src(%dma_wait3A_1195 : memref<32x512xf32, #tpu.memory_space<vmem>>) dst(%dma_wait3A_1191 : memref<32x512xf32, #tpu.memory_space<hbm>>)
    return
  }
}

</mosaic_0001>

<sc_bundles>
// kernel: kernel.3.cloned.1.call-start
scs
__scs_entry_jumppad:
0x0: {  	(pc) =	sbr.rel $0x88, $3  }
0x1: {  	(tag) =	ssettag $0x0;
	lr =	simm.s32 $0x1  }
0x2: {  	[smem:$0x3F9F] =	sst lr;
	_ =	strace $0xD0000000  }
0x3: {  	_ = 	snop  }
0x4: {  	_ = 	snop  }
0x5: {  	_ = 	snop  }
0x6: {  	_ = 	snop  }
0x7: {  	_ = 	snop  }
__scs_overlays_trampoline_lowered:
0x8: {  	[smem:$0x3FAE] =	sst s0  }
0x9: {  	[smem:$0x3FAF] =	sst s1  }
0xa: {  	[smem:$0x3FB0] =	sst s2  }
0xb: {  	[smem:$0x3FB1] =	sst s3  }
0xc: {  	[smem:$0x3FB2] =	sst s4  }
0xd: {  	[smem:$0x3FB3] =	sst s5  }
0xe: {  	[smem:$0x3FB4] =	sst s6  }
0xf: {  	[smem:$0x3FB5] =	sst s7  }
0x10: {  	[smem:$0x3FB6] =	sst s8  }
0x11: {  	[smem:$0x3FB7] =	sst s9;
	s0 =	simm.s32 @!p0 $0x0  }
0x12: {  	s1 =	sld [smem:$0x3F9D];
	s0 =	simm.s32 @p0 $0x1  }
0x13: {  	[smem:$0x3FB8] =	sst s0;
	s0 =	simm.s32 @!p1 $0x0  }
0x14: {  	s2 =	sld [smem:$0x3F9C];
	s0 =	simm.s32 @p1 $0x1  }
0x15: {  	[smem:$0x3FB9] =	sst s0;
	s0 =	simm.s32 @!p2 $0x0  }
0x16: {  	s3 =	sld [smem:$0x3FDB];
	s0 =	simm.s32 @p2 $0x1  }
0x17: {  	s4 =	simm.s32 $0x1BF5;
	[smem:$0x3FBB] =	sst s0  }
0x18: {  	s0 =	sld [smem:$0x3F9E];
	_ =	swait.ge [sflag:s4], $0x0  }
0x19: {  	s7 =	sld [smem:$0x3F9F]  }
0x1a: {  	s8 =	sadd.s32 $0xFFFFE003, lr  }
0x1b: {  	s9 =	sadd.s32 $0xFFFFFEF7, lr;
	s5 =	simm.s32 $0xFFFFFFFF;
	p2 =	slt.u32 s8, $0xFFFFF086  }
0x1c: {  	p1 =	slt.u32 s9, $0xF7A;
	s5 =	simm.s32 @!p2 $0x0  }
0x1d: {  	s5 =	simm.s32 @p1 $0x1;
	p0 =	seq.s32 s7, s2  }
0x1e: {  	s7 =	smul.u32 @!p0 $0xF7A, s2;
	p2 =	seq.s32 @!p0 s5, $0x0  }
0x1f: {  	s9 =	smul.u32 $0xF7A, s1;
	s8 =	simm.s32 @!p0 $0x1BF5;
	p2 =	por !p2, p0  }
0x20: {  	[sflag:s8] =	ssyncset.s32 @!p0 $0xFFFFF086;
	s6 =	sadd.s32 @!p0 s3, s7;
	s7 =	simm.s32 @!p0 $0x108  }
0x21: {  	s3 =	sadd.s32 s3, s9;
	s6 =	sadd.s32 @!p0 $0x88, s6;
	s7 =	simm.s32 @p2 $0x1082  }
0x22: {  	[simem:s7], [sflag:s8] =	dma.local @!p0 [hbm:s6], $0xF7A  }
0x23: {  	s9 =	sor.u32 $0xD0000000, s2;
	s6 =	simm.s32 $0x108;
	_ =	swait.ge @!p0 [sflag:s8], $0x0  }
0x24: {  	s3 =	sadd.s32 $0x88, s3;
	s6 =	simm.s32 @!p1 $0x1082;
	[sflag:s4] =	ssyncset.s32 $0xFFFFF086  }
0x25: {  	[simem:s6], [sflag:s4] =	dma.local [hbm:s3], $0xF7A  }
0x26: {  	[smem:$0x3F9F] =	sst s1;
	(tag) =	ssettag s2;
	_ =	strace s9  }
0x27: {  	s1 =	sld [smem:$0x3FAF]  }
0x28: {  	s2 =	sld [smem:$0x3FB0]  }
0x29: {  	s4 =	sld [smem:$0x3FB2]  }
0x2a: {  	p0 =	seq.s32 s5, $0x0;
	s5 =	sld [smem:$0x3FB3]  }
0x2b: {  	s6 =	sld [smem:$0x3FB4]  }
0x2c: {  	s7 =	sld [smem:$0x3FB5]  }
0x2d: {  	s3 =	simm.s32 $0x108;
	s8 =	sld [smem:$0x3FB6]  }
0x2e: {  	s3 =	simm.s32 @!p0 $0x1082;
	s9 =	sld [smem:$0x3FB7]  }
0x2f: {  	lr =	sadd.s32 s0, s3;
	s0 =	sld [smem:$0x3FAE]  }
0x30: {  	s3 =	sld [smem:$0x3FB1]  }
0x31: {  	[smem:$0x3FBA] =	sst s10  }
0x32: {  	s10 =	sld [smem:$0x3FB8];
	_ =	sdelay $0x3  }
0x33: {  	p0 =	seq.s32 s10, $0x1;
	s10 =	sld [smem:$0x3FBA];
	_ =	sdelay $0x3  }
0x34: {  	[smem:$0x3FBA] =	sst s10  }
0x35: {  	s10 =	sld [smem:$0x3FB9];
	_ =	sdelay $0x3  }
0x36: {  	p1 =	seq.s32 s10, $0x1;
	s10 =	sld [smem:$0x3FBA];
	_ =	sdelay $0x3  }
0x37: {  	[smem:$0x3FBA] =	sst s10  }
0x38: {  	s10 =	sld [smem:$0x3FBB]  }
0x39: {  	_ = 	snop;
	(pc) =	sbr.ind lr, $3  }
0x3a: {  	_ = 	snop  }
0x3b: {  	_ = 	snop  }
0x3c: {  	p2 =	seq.s32 s10, $0x1;
	s10 =	sld [smem:$0x3FBA]  }
0x3d: {  	_ =	shalt  }
0x3e: {  	_ =	shalt  }
0x3f: {  	_ =	shalt  }
0x40: {  	_ =	shalt  }
0x41: {  	_ =	shalt  }
0x42: {  	_ =	shalt  }
0x43: {  	_ =	shalt  }
0x44: {  	_ =	shalt  }
0x45: {  	_ =	shalt  }
0x46: {  	_ =	shalt  }
0x47: {  	_ =	shalt  }
0x48: {  	_ =	shalt  }
0x49: {  	_ =	shalt  }
0x4a: {  	_ =	shalt  }
0x4b: {  	_ =	shalt  }
0x4c: {  	_ =	shalt  }
0x4d: {  	_ =	shalt  }
0x4e: {  	_ =	shalt  }
0x4f: {  	_ =	shalt  }
0x50: {  	_ =	shalt  }
0x51: {  	_ =	shalt  }
0x52: {  	_ =	shalt  }
0x53: {  	_ =	shalt  }
0x54: {  	_ =	shalt  }
0x55: {  	_ =	shalt  }
0x56: {  	_ =	shalt  }
0x57: {  	_ =	shalt  }
0x58: {  	_ =	shalt  }
0x59: {  	_ =	shalt  }
0x5a: {  	_ =	shalt  }
0x5b: {  	_ =	shalt  }
0x5c: {  	_ =	shalt  }
0x5d: {  	_ =	shalt  }
0x5e: {  	_ =	shalt  }
0x5f: {  	_ =	shalt  }
0x60: {  	_ =	shalt  }
0x61: {  	_ =	shalt  }
0x62: {  	_ =	shalt  }
0x63: {  	_ =	shalt  }
0x64: {  	_ =	shalt  }
0x65: {  	_ =	shalt  }
0x66: {  	_ =	shalt  }
0x67: {  	_ =	shalt  }
0x68: {  	_ =	shalt  }
0x69: {  	_ =	shalt  }
0x6a: {  	_ =	shalt  }
0x6b: {  	_ =	shalt  }
0x6c: {  	_ =	shalt  }
0x6d: {  	_ =	shalt  }
0x6e: {  	_ =	shalt  }
0x6f: {  	_ =	shalt  }
0x70: {  	_ =	shalt  }
0x71: {  	_ =	shalt  }
0x72: {  	_ =	shalt  }
0x73: {  	_ =	shalt  }
0x74: {  	_ =	shalt  }
0x75: {  	_ =	shalt  }
0x76: {  	_ =	shalt  }
0x77: {  	_ =	shalt  }
0x78: {  	_ =	shalt  }
0x79: {  	_ =	shalt  }
0x7a: {  	_ =	shalt  }
0x7b: {  	_ =	shalt  }
0x7c: {  	_ =	shalt  }
0x7d: {  	_ =	shalt  }
0x7e: {  	_ =	shalt  }
0x7f: {  	_ =	shalt  }
0x80: {  	_ =	shalt  }
0x81: {  	_ =	shalt  }
0x82: {  	_ =	shalt  }
0x83: {  	_ =	shalt  }
0x84: {  	_ =	shalt  }
0x85: {  	_ =	shalt  }
0x86: {  	_ =	shalt  }
0x87: {  	_ =	shalt  }
.Lfunc_end0:
.L_simem_size_0:
called_computation_lowered:
.L_overlay_start_0:
0x88: {  	s2 =	sld [smem:$0x3FD9]  }
0x89: {  	s3 =	sld [smem:$0x3FFE];
	_ =	sdelay $0x1  }
0x8a: {  	s1 =	srdreg.scid  }
0x8b: {  	s0 =	sand.u32 $0x1, s1  }
0x8c: {  	s18 =	sshll.u32 s0, $0xA;
	s2 =	sadd.s32 s3, s2  }
0x8d: {  	s2 =	sadd.s32 s2, s18  }
0x8e: {  	[smem:$0x3FC6] =	sst s2  }
0x8f: {  	_ = 	snop  }
0x90: {  	s2 =	sld [smem:$0x3FC9]  }
0x91: {  	s19 =	sld [smem:$0x3FC8]  }
0x92: {  	s4 =	sld [smem:$0x3FD0];
	(tm) =	ssettm $0x1  }
0x93: {  	s5 =	sld [smem:$0x3FFB];
	_ =	sdelay $0x3  }
0x94: {  	_ =	strace s5  }
0x95: {  	s5 =	sld [smem:$0x3FFC];
	_ =	sdelay $0x3  }
0x96: {  	_ =	strace s5  }
0x97: {  	s5 =	sld [smem:$0x3FFD];
	_ =	sdelay $0x3  }
0x98: {  	_ =	strace s5  }
0x99: {  	_ =	strace $0x8FFFFFFF  }
0x9a: {  	s20 =	sld [smem:$0x3FDB];
	_ =	sdelay $0x1  }
0x9b: {  	s6 =	simm.s32 $_scs_section_size  }
0x9c: {  	s7 =	simm.s32 $_size__tile_overlayer_lowered;
	s8 =	simm.s32 $_tile_overlayer_lowered  }
0x9d: {  	s23 =	simm.s32 $0x1BFF;
	s22 =	sshll.u32 s8, $0x1;
	s5 =	sadd.s32 s6, s20  }
0x9e: {  	s9 =	simm.s32 $0x0;
	s21 =	sshll.u32 s7, $0x1;
	s7 =	sadd.s32 s22, s5  }
0x9f: {  	[timem:s9], [sflag:s23] =	dma.local [hbm:s7], s21  }
0xa0: {  	_ =	swait.ge [sflag:s23], s21  }
0xa1: {  	s6 =	ssub.s32 $0x0, s21;
	[sflag:s23] =	ssyncset.done $0x0  }
0xa2: {  	[sflag:s23] =	ssyncadd.s32 s6;
	_ =	sdelay $0x1  }
0xa3: {  	s24 =	simm.s32 $0x1B8B  }
0xa4: {  	_ =	swait.ge [sflag:s24], $0x1  }
0xa5: {  	[sflag:s24] =	ssyncset.done $0x0  }
0xa6: {  	s25 =	simm.s32 $0x1B8E;
	[sflag:s24] =	ssyncadd.s32 $0xFFFFFFFF  }
0xa7: {  	s26 =	simm.s32 $execute0_lowered;
	[smem:$0x3FD2] =	sst s25  }
0xa8: {  	s6 =	sshll.u32 s26, $0x1;
	_ =	strace $0x80000046;
	[dreg:$0x1] =	wrdreg $0xFFFFFFFF  }
0xa9: {  	s28 =	simm.s32 $_size_execute0_lowered;
	s5 =	sadd.s32 s5, s6;
	[dreg:$0x0] =	wrdreg $0x0  }
0xaa: {  	s6 =	sshll.u32 s28, $0x1;
	[dreg:$0x2] =	wrdreg s5  }
0xab: {  	[dreg:$0x3] =	wrdreg s6  }
0xac: {  	[dreg:$0x4] =	wrdreg $0xC0  }
0xad: {  	_ =	task [dreg:s9], $0x5FFFF  }
0xae: {  	[dreg:$0x1] =	wrdreg $0xFFFFFFFF  }
0xaf: {  	[dreg:$0x0] =	wrdreg $0x60  }
0xb0: {  	[dreg:$0x2] =	wrdreg s2  }
0xb1: {  	[dreg:$0x3] =	wrdreg s19  }
0xb2: {  	[dreg:$0x4] =	wrdreg s4  }
0xb3: {  	[dreg:$0x5] =	wrdreg $0x9  }
0xb4: {  	_ =	task.clear_ibuf [dreg:s9], $0x6FFFF;
	_ =	strace $0x90000046  }
0xb5: {  	s29 =	simm.s32 $0x9;
	_ =	strace $0x80000048  }
0xb6: {  	_ =	swait.ge [sflag:s29], $0x1  }
0xb7: {  	[sflag:s29] =	ssyncadd.s32 $0xFFFFFFFF  }
0xb8: {  	_ =	strace $0x90000048  }
0xb9: {  	_ =	sfence  }
0xba: {  	s30 =	sld [smem:$0x0];
	_ =	sdelay $0x2  }
0xbb: {  	s31 =	sshll.u32 s1, $0xD;
	s1 =	sshrl.u32 s1, $0x2  }
0xbc: {  	s3 =	sand.u32 $0x4000, s31;
	s1 =	sadd.s32 s1, s30  }
0xbd: {  	s0 =	sor.u32 s3, s0;
	s1 =	sshll.u32 s1, $0x11  }
0xbe: {  	s0 =	sor.u32 s1, s0  }
0xbf: {  	s0 =	sadd.s32 $0x8F2B, s0  }
0xc0: {  	[sflag:s0] =	ssyncadd.remote.s32 $0x1  }
0xc1: {  	_ =	sfence.sel $0xFFFF  }
0xc2: {  	[dreg:$0x0] =	wrdreg $0xFFFFFFFF;
	(pc) =	sbr.abs _section_cstart, $3  }
0xc3: {  	[dreg:$0x1] =	wrdreg $0xFFFFFFFF  }
0xc4: {  	_ =	task.clear_ibuf [dreg:s9], $0x2FFFF;
	_ =	strace $0x9FFFFFFF  }
0xc5: {  	(tm) =	ssettm $0x7FFFFFFF  }
tec
execute0_lowered:
.L_overlay_start_1:
0x0: {  	(tag) =	ssettag $0x1  }
0x1: {  	s2 =	stileid.u32  }
0x2: {  	s0 =	srdreg.scid;
	s1 =	sshll.u32 s2, $0x1  }
0x3: {  	s3 =	sand.u32 $0x1, s0;
	s15 =	sand.u32 $0x2, s1  }
0x4: {  	s16 =	rddreg [dreg:$0x0];
	s21 =	sor.u32 s3, s15  }
0x5: {  	s4 =	sshrl.u32 s2, $0x1;
	s3 =	ssub.s32 $0x2, s3;
	s1 =	sshll.u32 s21, $0x7  }
0x6: {  	s5 =	sshll.u32 s4, $0x7;
	s7 =	sshrl.u32 s3, $0x1;
	s2 =	smax.u32 s1, $0x1  }
0x7: {  	s9 =	sshll.u32 s21, $0x10;
	s17 =	ssub.s32 s3, s7;
	s6 =	sshll.u32 s2, $0xC  }
0x8: {  	s19 =	sor.u32 $0x4000, s9;
	s20 =	sor.u32 $0x8000, s9;
	s5 =	sor.u32 s5, s6  }
0x9: {  	[smem:$0x7FD] =	sst s17;
	s8 =	sadd.s32 $0xFFFFF000, s5;
	s5 =	sadd.s32 $0x17000, s5  }
0xa: {  	s18 =	sshrl.u32 s8, $0x3;
	s5 =	sshrl.u32 s5, $0x3;
	s8 =	sshll.u32 s4, $0x15  }
0xb: {  	s3 =	sadd.s32 s16, s18;
	s4 =	sadd.s32 s16, s5;
	s10 =	sor.u32 $0x40000, s8  }
0xc: {  	s11 =	sor.u32 $0x80000, s8;
	s13 =	sor.u32 $0xC0000, s8;
	s14 =	sor.u32 $0x100000, s8  }
0xd: {  	s15 =	sor.u32 $0x140000, s8;
	s16 =	sor.u32 $0x180000, s8;
	s17 =	sor.u32 $0x1C0000, s8  }
0xe: {  	s22 =	sor.u32 s8, s19;
	s30 =	sor.u32 s8, s20;
	s0 =	sor.u32 s8, s9  }
0xf: {  	s25 =	sor.u32 s10, s19;
	s23 =	sor.u32 s11, s19;
	s31 =	sor.u32 s17, s19  }
0x10: {  	s24 =	sor.u32 s13, s19;
	s5 =	sor.u32 s11, s20;
	[smem:$0x7F2] =	sst s31  }
0x11: {  	s29 =	sor.u32 s14, s19;
	s6 =	sor.u32 s13, s20;
	[smem:$0x7F3] =	sst s5  }
0x12: {  	s26 =	sor.u32 s15, s19;
	s12 =	sor.u32 s14, s20;
	[smem:$0x7F4] =	sst s6  }
0x13: {  	s28 =	sor.u32 s16, s19;
	s18 =	sor.u32 s15, s20;
	[smem:$0x7F5] =	sst s12  }
0x14: {  	s19 =	sor.u32 s16, s20;
	s7 =	sor.u32 s13, s9;
	[smem:$0x7F6] =	sst s18  }
0x15: {  	s0 =	sshrl.u32 s0, $0x3;
	s31 =	sor.u32 s10, s20;
	[smem:$0x7F7] =	sst s19  }
0x16: {  	s20 =	sor.u32 s17, s20;
	s5 =	sor.u32 s10, s9;
	s6 =	sor.u32 s11, s9  }
0x17: {  	s12 =	sor.u32 s14, s9;
	s18 =	sor.u32 s15, s9;
	s19 =	sor.u32 s16, s9  }
0x18: {  	[smem:$0x7F8] =	sst s20;
	s20 =	sor.u32 s17, s9;
	s9 =	sor.u32 $0xC000, s9  }
0x19: {  	s8 =	sor.u32 s8, s9;
	s10 =	sor.u32 s10, s9;
	s11 =	sor.u32 s11, s9  }
0x1a: {  	s13 =	sor.u32 s13, s9;
	s14 =	sor.u32 s14, s9;
	s15 =	sor.u32 s15, s9  }
0x1b: {  	s16 =	sor.u32 s16, s9;
	s9 =	sor.u32 s17, s9;
	s17 =	rddreg [dreg:$0x2]  }
0x1c: {  	s28 =	sshrl.u32 s28, $0x3;
	s5 =	sshrl.u32 s5, $0x3;
	s0 =	sadd.s32 s17, s0  }
0x1d: {  	s6 =	sshrl.u32 s6, $0x3;
	s5 =	sadd.s32 s17, s5;
	[dreg:$0x4] =	wrdreg s0  }
0x1e: {  	s6 =	sadd.s32 s17, s6;
	[dreg:$0x5] =	wrdreg s5;
	s5 =	sshrl.u32 s7, $0x3  }
0x1f: {  	[dreg:$0x6] =	wrdreg s6;
	s6 =	sshrl.u32 s12, $0x3;
	s0 =	sadd.s32 s17, s5  }
0x20: {  	s7 =	sshrl.u32 s18, $0x3;
	s12 =	sadd.s32 s17, s6;
	[dreg:$0x7] =	wrdreg s0  }
0x21: {  	s18 =	sadd.s32 s17, s7;
	s5 =	sshrl.u32 s19, $0x3;
	[dreg:$0x8] =	wrdreg s12  }
0x22: {  	s6 =	sshrl.u32 s20, $0x3;
	s7 =	sshrl.u32 s22, $0x3;
	[dreg:$0x9] =	wrdreg s18  }
0x23: {  	s22 =	sshrl.u32 s24, $0x3;
	s18 =	sadd.s32 s17, s7;
	s7 =	sld [smem:$0x7F2]  }
0x24: {  	s0 =	sadd.s32 s17, s5;
	s24 =	sadd.s32 s17, s22;
	s22 =	sld [smem:$0x7F3]  }
0x25: {  	s12 =	sadd.s32 s17, s6;
	s6 =	sadd.s32 s17, s28;
	s28 =	sld [smem:$0x7F6]  }
0x26: {  	[dreg:$0xa] =	wrdreg s0  }
0x27: {  	s20 =	sshrl.u32 s23, $0x3;
	[dreg:$0xb] =	wrdreg s12  }
0x28: {  	s23 =	sadd.s32 s17, s20;
	[dreg:$0xc] =	wrdreg s18  }
0x29: {  	s26 =	sshrl.u32 s26, $0x3;
	[dreg:$0xe] =	wrdreg s23  }
0x2a: {  	s5 =	sadd.s32 s17, s26;
	[dreg:$0xf] =	wrdreg s24  }
0x2b: {  	[dreg:$0x11] =	wrdreg s5  }
0x2c: {  	[dreg:$0x12] =	wrdreg s6  }
0x2d: {  	s23 =	sld [smem:$0x7F4]  }
0x2e: {  	s19 =	sshrl.u32 s25, $0x3;
	s24 =	sld [smem:$0x7F5]  }
0x2f: {  	s25 =	sshrl.u32 s29, $0x3;
	s12 =	sshrl.u32 s30, $0x3;
	s30 =	sld [smem:$0x7F7]  }
0x30: {  	s0 =	sadd.s32 s17, s19;
	s18 =	sshrl.u32 s31, $0x3;
	s31 =	sld [smem:$0x7F8]  }
0x31: {  	[dreg:$0xd] =	wrdreg s0;
	s0 =	sadd.s32 s17, s25  }
0x32: {  	s19 =	sadd.s32 s17, s12;
	[dreg:$0x10] =	wrdreg s0  }
0x33: {  	s10 =	sshrl.u32 s10, $0x3;
	s20 =	sadd.s32 s17, s18;
	[dreg:$0x14] =	wrdreg s19  }
0x34: {  	s12 =	sshrl.u32 s11, $0x3;
	s18 =	sadd.s32 s17, s10;
	[dreg:$0x15] =	wrdreg s20  }
0x35: {  	s0 =	sshrl.u32 s7, $0x3;
	[dreg:$0x1d] =	wrdreg s18;
	s19 =	sadd.s32 s17, s12  }
0x36: {  	s0 =	sadd.s32 s17, s0;
	s5 =	sshrl.u32 s23, $0x3;
	[dreg:$0x1e] =	wrdreg s19  }
0x37: {  	s6 =	sshrl.u32 s24, $0x3;
	[dreg:$0x13] =	wrdreg s0;
	s25 =	sadd.s32 s17, s5  }
0x38: {  	s0 =	sshrl.u32 s22, $0x3;
	s26 =	sadd.s32 s17, s6;
	[dreg:$0x17] =	wrdreg s25  }
0x39: {  	s5 =	sshrl.u32 s30, $0x3;
	s0 =	sadd.s32 s17, s0;
	[dreg:$0x18] =	wrdreg s26  }
0x3a: {  	s6 =	sshrl.u32 s31, $0x3;
	s5 =	sadd.s32 s17, s5;
	[dreg:$0x16] =	wrdreg s0  }
0x3b: {  	s22 =	sshrl.u32 s14, $0x3;
	s7 =	sadd.s32 s17, s6;
	[dreg:$0x1a] =	wrdreg s5  }
0x3c: {  	s23 =	sshrl.u32 s15, $0x3;
	s24 =	sadd.s32 s17, s22;
	[dreg:$0x1b] =	wrdreg s7  }
0x3d: {  	s25 =	sadd.s32 s17, s23;
	s0 =	sshrl.u32 s28, $0x3;
	[smem:$0x7F9] =	sst s24  }
0x3e: {  	[smem:$0x7FA] =	sst s25;
	s28 =	sshrl.u32 s9, $0x3;
	s0 =	sadd.s32 s17, s0  }
0x3f: {  	s8 =	sshrl.u32 s8, $0x3;
	s30 =	sadd.s32 s17, s28;
	[dreg:$0x19] =	wrdreg s0  }
0x40: {  	p1 =	seq.s32 s21, $0x0;
	s0 =	sadd.s32 s17, s8;
	[smem:$0x7FC] =	sst s30  }
0x41: {  	s20 =	sshrl.u32 s13, $0x3;
	s8 =	simm.s32 $0x0;
	[dreg:$0x1c] =	wrdreg s0  }
0x42: {  	s26 =	sshrl.u32 s16, $0x3;
	s0 =	sadd.s32 s17, s20;
	[smem:$0x7FF] =	sst s8  }
0x43: {  	p0 =	sne.s32 s21, $0x0;
	[dreg:$0x1f] =	wrdreg s0;
	s0 =	sadd.s32 s17, s26  }
0x44: {  	s21 =	simm.s32 $0x3;
	s11 =	simm.s32 $0x1;
	[smem:$0x7FB] =	sst s0  }
0x45: {  	s11 =	simm.s32 @!p1 $0x0;
	s13 =	simm.s32 $0x1;
	_ =	strace $0x80000047  }
0x46: {  	s18 =	simm.s32 $0x80;
	s29 =	sshll.u32 s11, $0x9;
	s31 =	sld [smem:$0x7FD]  }
0x47: {  	s19 =	simm.s32 $0x1000;
	s14 =	ssub.s32 s1, s2;
	s16 =	simm.s32 $0x18000  }
0x48: {  	v1 =	vlaneseq.u32;
	s22 =	simm.s32 $0x14000;
	s23 =	simm.s32 $0x2;
	s24 =	simm.s32 $0x0  }
0x49: {  	v0 =	vimm.s32 $0x1;
	vm0 =	vmmov $0x1;
	v1 =	vadd.s32 $0xFFFFFFFF, v1;
	s20 =	simm.s32 $0x10000;
	s17 =	simm.s32 $0x4;
	s12 =	smax.u32 s31, $0x1  }
.LBB2_1:
0x4a: {  	s0 =	rddreg [dreg:$0x1]  }
0x4b: {  	[tilespmem:s16], [sflag:$0x4] =	stream.linear.gather [hbm4b:s0+s8], $0x200, $0x38;
	[tilespmem:$0x18200] =	vst v63  }
0x4c: {  	_ =	swait.ge [sflag:s17], $0x200  }
0x4d: {  	[sflag:s17] =	ssyncset.done $0x0  }
0x4e: {  	[sflag:s17] =	ssyncadd.s32 $0xFFFFFE00  }
0x4f: {  	[tilespmem:s8], [sflag:$0x4] =	stream.strided.gather [hbm4b:s3+s18], $0x400, s19, s18, $0x38;
	[tilespmem:$0x18200] =	vst v63  }
0x50: {  	s28 =	sadd.s32 $0x80, s3;
	s5 =	simm.s32 $0x400  }
0x51: {  	[tilespmem:s5], [sflag:$0x4] =	stream.strided.gather [hbm4b:s28+s18], $0x400, s19, s18, $0x38;
	[tilespmem:$0x18200] =	vst v63  }
0x52: {  	s30 =	sadd.s32 $0x100, s3;
	s31 =	simm.s32 $0x800  }
0x53: {  	[tilespmem:s31], [sflag:$0x4] =	stream.strided.gather [hbm4b:s30+s18], $0x400, s19, s18, $0x38;
	[tilespmem:$0x18200] =	vst v63  }
0x54: {  	s6 =	simm.s32 $0xC00;
	s5 =	sadd.s32 $0x180, s3  }
0x55: {  	[tilespmem:s6], [sflag:$0x4] =	stream.strided.gather [hbm4b:s5+s18], $0x400, s19, s18, $0x38;
	[tilespmem:$0x18200] =	vst v63  }
0x56: {  	s7 =	sadd.s32 $0x1000, s3  }
0x57: {  	[tilespmem:s19], [sflag:$0x4] =	stream.strided.gather [hbm4b:s7+s18], $0x400, s19, s18, $0x38;
	[tilespmem:$0x18200] =	vst v63  }
0x58: {  	s9 =	sadd.s32 $0x1080, s3;
	s10 =	simm.s32 $0x1400  }
0x59: {  	[tilespmem:s10], [sflag:$0x4] =	stream.strided.gather [hbm4b:s9+s18], $0x400, s19, s18, $0x38;
	[tilespmem:$0x18200] =	vst v63  }
0x5a: {  	s15 =	sadd.s32 $0x1100, s3;
	s25 =	simm.s32 $0x1800  }
0x5b: {  	[tilespmem:s25], [sflag:$0x4] =	stream.strided.gather [hbm4b:s15+s18], $0x400, s19, s18, $0x38;
	[tilespmem:$0x18200] =	vst v63  }
0x5c: {  	s26 =	sadd.s32 $0x1180, s3;
	s28 =	simm.s32 $0x1C00  }
0x5d: {  	[tilespmem:s28], [sflag:$0x4] =	stream.strided.gather [hbm4b:s26+s18], $0x400, s19, s18, $0x38;
	[tilespmem:$0x18200] =	vst v63  }
0x5e: {  	s30 =	sadd.s32 $0x2000, s3;
	s31 =	simm.s32 $0x2000  }
0x5f: {  	[tilespmem:s31], [sflag:$0x4] =	stream.strided.gather [hbm4b:s30+s18], $0x400, s19, s18, $0x38;
	[tilespmem:$0x18200] =	vst v63  }
0x60: {  	s6 =	sadd.s32 $0x2080, s3;
	s7 =	simm.s32 $0x2400  }
0x61: {  	[tilespmem:s7], [sflag:$0x4] =	stream.strided.gather [hbm4b:s6+s18], $0x400, s19, s18, $0x38;
	[tilespmem:$0x18200] =	vst v63  }
0x62: {  	s9 =	sadd.s32 $0x2100, s3;
	s10 =	simm.s32 $0x2800  }
0x63: {  	[tilespmem:s10], [sflag:$0x4] =	stream.strided.gather [hbm4b:s9+s18], $0x400, s19, s18, $0x38;
	[tilespmem:$0x18200] =	vst v63  }
0x64: {  	s15 =	sadd.s32 $0x2180, s3;
	s25 =	simm.s32 $0x2C00  }
0x65: {  	[tilespmem:s25], [sflag:$0x4] =	stream.strided.gather [hbm4b:s15+s18], $0x400, s19, s18, $0x38;
	[tilespmem:$0x18200] =	vst v63  }
0x66: {  	_ =	swait.ge [sflag:s17], $0x3000  }
0x67: {  	s0 =	simm.s32 $0x1000;
	s26 =	simm.s32 $0x3000;
	[sflag:s17] =	ssyncset.done $0x0  }
0x68: {  	s31 =	simm.s32 $0x3800;
	s15 =	sadd.s32 $0x0, s4;
	[sflag:s17] =	ssyncadd.s32 $0xFFFFD000  }
0x69: {  	[tilespmem:s26], [sflag:$0x3] =	stream.strided.gather [hbm4b:s15+s18], $0x400, s19, s18, $0x38;
	[tilespmem:$0x18200] =	vst v63  }
0x6a: {  	s25 =	simm.s32 $0x3400;
	s28 =	sadd.s32 $0x80, s15;
	s30 =	sadd.s32 $0x100, s15  }
0x6b: {  	[tilespmem:s25], [sflag:$0x3] =	stream.strided.gather [hbm4b:s28+s18], $0x400, s19, s18, $0x38;
	[tilespmem:$0x18200] =	vst v63  }
0x6c: {  	s26 =	simm.s32 $0x3C00;
	s25 =	sadd.s32 $0x180, s15;
	s15 =	simm.s32 $0x4000  }
0x6d: {  	[tilespmem:s31], [sflag:$0x3] =	stream.strided.gather [hbm4b:s30+s18], $0x400, s19, s18, $0x38;
	[tilespmem:$0x18200] =	vst v63  }
.LBB2_2:
0x6e: {  	[tilespmem:s26], [sflag:$0x3] =	stream.strided.gather [hbm4b:s25+s18], $0x400, s19, s18, $0x38;
	[tilespmem:$0x18200] =	vst v63  }
0x6f: {  	s25 =	sadd.s32 s0, s4;
	p1 =	sne.s32 s0, $0xC000;
	s0 =	sadd.s32 $0x1000, s0  }
0x70: {  	[tilespmem:s15], [sflag:$0x3] =	stream.strided.gather [hbm4b:s25+s18], $0x400, s19, s18, $0x38;
	[tilespmem:$0x18200] =	vst v63  }
.Ltmp0:
0x71: {  	s28 =	sadd.s32 $0x400, s15;
	s26 =	sadd.s32 $0x80, s25;
	(pc) =	sbr.rel @p1 .LBB2_2-.Ltmp0, $4  }
0x72: {  	[tilespmem:s28], [sflag:$0x3] =	stream.strided.gather [hbm4b:s26+s18], $0x400, s19, s18, $0x38;
	[tilespmem:$0x18200] =	vst v63  }
0x73: {  	s26 =	sadd.s32 $0x100, s25;
	s28 =	sadd.s32 $0x800, s15  }
0x74: {  	[tilespmem:s28], [sflag:$0x3] =	stream.strided.gather [hbm4b:s26+s18], $0x400, s19, s18, $0x38;
	[tilespmem:$0x18200] =	vst v63  }
0x75: {  	s25 =	sadd.s32 $0x180, s25;
	s26 =	sadd.s32 $0xC00, s15;
	s15 =	sadd.s32 $0x1000, s15  }
0x76: {  	_ =	sdelay $0x2  }
0x77: {  	[tilespmem:s26], [sflag:$0x3] =	stream.strided.gather [hbm4b:s25+s18], $0x400, s19, s18, $0x38;
	[tilespmem:$0x18200] =	vst v63  }
0x78: {  	v2 =	vld.idx.msk [tilespmem:v0+s16+$0x0], $0xffff;
	_ =	sdelay $0x4  }
0x79: {  	[tilespmem:$0x10000] =	vst @!p0 v2  }
0x7a: {  	[tilespmem:$0x10010] =	vst @!p0 v2  }
0x7b: {  	[tilespmem:$0x10020] =	vst @!p0 v2  }
0x7c: {  	[tilespmem:$0x10030] =	vst @!p0 v2  }
0x7d: {  	[tilespmem:$0x10040] =	vst @!p0 v2  }
0x7e: {  	[tilespmem:$0x10050] =	vst @!p0 v2  }
0x7f: {  	[tilespmem:$0x10060] =	vst @!p0 v2  }
0x80: {  	[tilespmem:$0x10070] =	vst @!p0 v2  }
0x81: {  	[tilespmem:$0x10400] =	vst @!p0 v2  }
0x82: {  	[tilespmem:$0x10410] =	vst @!p0 v2  }
0x83: {  	[tilespmem:$0x10420] =	vst @!p0 v2  }
0x84: {  	[tilespmem:$0x10430] =	vst @!p0 v2  }
0x85: {  	[tilespmem:$0x10440] =	vst @!p0 v2  }
0x86: {  	[tilespmem:$0x10450] =	vst @!p0 v2  }
0x87: {  	[tilespmem:$0x10460] =	vst @!p0 v2  }
0x88: {  	[tilespmem:$0x10470] =	vst @!p0 v2  }
0x89: {  	[tilespmem:$0x10800] =	vst @!p0 v2  }
0x8a: {  	[tilespmem:$0x10810] =	vst @!p0 v2  }
0x8b: {  	[tilespmem:$0x10820] =	vst @!p0 v2  }
0x8c: {  	[tilespmem:$0x10830] =	vst @!p0 v2  }
0x8d: {  	[tilespmem:$0x10840] =	vst @!p0 v2  }
0x8e: {  	[tilespmem:$0x10850] =	vst @!p0 v2  }
0x8f: {  	[tilespmem:$0x10860] =	vst @!p0 v2  }
0x90: {  	[tilespmem:$0x10870] =	vst @!p0 v2  }
0x91: {  	[tilespmem:$0x10C00] =	vst @!p0 v2  }
0x92: {  	[tilespmem:$0x10C10] =	vst @!p0 v2  }
0x93: {  	[tilespmem:$0x10C20] =	vst @!p0 v2  }
0x94: {  	[tilespmem:$0x10C30] =	vst @!p0 v2  }
0x95: {  	[tilespmem:$0x10C40] =	vst @!p0 v2  }
0x96: {  	[tilespmem:$0x10C50] =	vst @!p0 v2  }
0x97: {  	s25 =	simm.s32 @!p0 $0x1F;
	s26 =	simm.s32 $0x0;
	[tilespmem:$0x10C60] =	vst @!p0 v2  }
0x98: {  	s28 =	smov.u32 s11;
	s15 =	smov.u32 s29;
	s25 =	simm.s32 @p0 $0x20;
	[tilespmem:$0x10C70] =	vst @!p0 v2  }
.LBB2_4:
0x99: {  	s0 =	sadd.s32 s11, s26;
	s31 =	simm.s32 $0x20;
	s5 =	simm.s32 $0x50  }
0x9a: {  	s6 =	simm.s32 $0x0;
	s7 =	simm.s32 $0x10;
	s10 =	simm.s32 $0x60;
	v6 =	vadd.s32 s31, v1;
	v9 =	vadd.s32 s5, v1  }
0x9b: {  	s30 =	sadd.s32 s0, s14;
	s31 =	simm.s32 $0x40;
	v10 =	vadd.s32 s6, v1;
	v11 =	vadd.s32 s7, v1;
	v12 =	vadd.s32 s10, v1  }
0x9c: {  	v3 =	vmov s30;
	v8 =	vadd.s32 s31, v1;
	vm2 =	vgt.s32 v6, $0x0  }
0x9d: {  	s30 =	simm.s32 $0x70;
	vm5 =	vgt.s32 v9, $0x0;
	vm6 =	vgt.s32 v12, $0x0;
	v4 =	vshll.u32 v3, $0x9  }
0x9e: {  	v3 =	vshll.u32 v3, $0x7;
	v5 =	vadd.s32 s30, v1;
	vm4 =	vgt.s32 v8, $0x0  }
0x9f: {  	v6 =	vnsel vm2, $0x0, v6;
	v9 =	vnsel vm5, $0x0, v9;
	v12 =	vnsel vm6, $0x0, v12  }
0xa0: {  	s30 =	simm.s32 $0x30;
	v4 =	vand.u32 $0xFFFFF000, v4;
	v3 =	vand.u32 $0x380, v3;
	vm1 =	vgt.s32 v5, $0x0  }
0xa1: {  	v7 =	vadd.s32 s30, v1;
	v5 =	vnsel vm1, $0x0, v5;
	vm1 =	vgt.s32 v10, $0x0  }
0xa2: {  	v8 =	vnsel vm4, $0x0, v8;
	v17 =	vand.u32 $0x7F, v9;
	v10 =	vnsel vm1, $0x0, v10  }
0xa3: {  	v18 =	vand.u32 $0x7F, v12;
	v9 =	vshll.u32 v9, $0x3;
	v13 =	vshll.u32 v10, $0x3  }
0xa4: {  	v12 =	vshll.u32 v12, $0x3;
	vm3 =	vgt.s32 v7, $0x0;
	v13 =	vand.u32 $0xFFFFFC00, v13  }
0xa5: {  	v16 =	vand.u32 $0x7F, v8;
	v10 =	vand.u32 $0x7F, v10;
	v13 =	vadd.s32 v4, v13  }
0xa6: {  	v8 =	vshll.u32 v8, $0x3;
	v9 =	vand.u32 $0xFFFFFC00, v9;
	v10 =	vor.u32 v10, v13  }
0xa7: {  	v12 =	vand.u32 $0xFFFFFC00, v12;
	vm1 =	vgt.s32 v11, $0x0;
	v10 =	vor.u32 v3, v10  }
0xa8: {  	v14 =	vand.u32 $0x7F, v5;
	v5 =	vshll.u32 v5, $0x3;
	v11 =	vnsel vm1, $0x0, v11  }
0xa9: {  	v7 =	vnsel vm3, $0x0, v7;
	v8 =	vand.u32 $0xFFFFFC00, v8;
	v19 =	vshll.u32 v11, $0x3  }
0xaa: {  	v9 =	vadd.s32 v4, v9;
	v12 =	vadd.s32 v4, v12;
	v19 =	vand.u32 $0xFFFFFC00, v19  }
0xab: {  	v15 =	vand.u32 $0x7F, v7;
	v11 =	vand.u32 $0x7F, v11;
	v19 =	vadd.s32 v4, v19  }
0xac: {  	v5 =	vand.u32 $0xFFFFFC00, v5;
	v7 =	vshll.u32 v7, $0x3;
	v11 =	vor.u32 v11, v19;
	v10 =	vld.idx.msk [tilespmem:v10+s8+$0x0], $0xffff  }
0xad: {  	v8 =	vadd.s32 v4, v8;
	v9 =	vor.u32 v17, v9;
	v11 =	vor.u32 v3, v11  }
0xae: {  	v12 =	vor.u32 v18, v12;
	v7 =	vand.u32 $0xFFFFFC00, v7;
	v9 =	vor.u32 v3, v9  }
0xaf: {  	v8 =	vor.u32 v16, v8;
	v13 =	vand.u32 $0x7F, v6;
	v6 =	vshll.u32 v6, $0x3  }
0xb0: {  	v5 =	vadd.s32 v4, v5;
	v12 =	vor.u32 v3, v12;
	v6 =	vand.u32 $0xFFFFFC00, v6  }
0xb1: {  	v8 =	vor.u32 v3, v8;
	v5 =	vor.u32 v14, v5;
	v6 =	vadd.s32 v4, v6  }
0xb2: {  	v7 =	vadd.s32 v4, v7;
	v5 =	vor.u32 v3, v5;
	v6 =	vor.u32 v13, v6;
	v11 =	vld.idx.msk [tilespmem:v11+s8+$0x0], $0xffff  }
0xb3: {  	v7 =	vor.u32 v15, v7;
	v9 =	vld.idx.msk [tilespmem:v9+s8+$0x0], $0xffff;
	v6 =	vor.u32 v3, v6  }
0xb4: {  	s9 =	sshll.u32 s15, $0x2;
	s10 =	sand.u32 $0x7, s28;
	v7 =	vor.u32 v3, v7;
	v10 =	vld.idx.msk [tilespmem:v10+s16+$0x0], $0xffff  }
0xb5: {  	s5 =	sand.u32 $0xFFFFC000, s9;
	s6 =	sshll.u32 s10, $0x9;
	v12 =	vld.idx.msk [tilespmem:v12+s8+$0x0], $0xffff  }
0xb6: {  	s5 =	sor.u32 s6, s5;
	v8 =	vld.idx.msk [tilespmem:v8+s8+$0x0], $0xffff  }
0xb7: {  	s5 =	sshrl.u32 s5, $0x2;
	v5 =	vld.idx.msk [tilespmem:v5+s8+$0x0], $0xffff  }
0xb8: {  	s30 =	sadd.s32 $0x10040, s5;
	v6 =	vld.idx.msk [tilespmem:v6+s8+$0x0], $0xffff  }
0xb9: {  	v7 =	vld.idx.msk [tilespmem:v7+s8+$0x0], $0xffff;
	[tilespmem:s30+$0xFFFFFFC0] =	vst v10  }
0xba: {  	v10 =	vld.idx.msk [tilespmem:v11+s16+$0x0], $0xffff;
	_ =	sdelay $0x4  }
0xbb: {  	[tilespmem:s30+$0xFFFFFFD0] =	vst v10  }
0xbc: {  	v6 =	vld.idx.msk [tilespmem:v6+s16+$0x0], $0xffff;
	_ =	sdelay $0x4  }
0xbd: {  	[tilespmem:s30+$0xFFFFFFE0] =	vst v6  }
0xbe: {  	v6 =	vld.idx.msk [tilespmem:v7+s16+$0x0], $0xffff;
	_ =	sdelay $0x4  }
0xbf: {  	[tilespmem:s30+$0xFFFFFFF0] =	vst v6  }
0xc0: {  	v6 =	vld.idx.msk [tilespmem:v8+s16+$0x0], $0xffff;
	_ =	sdelay $0x4  }
0xc1: {  	[tilespmem:s30+$0x0] =	vst v6  }
0xc2: {  	v7 =	vld.idx.msk [tilespmem:v9+s16+$0x0], $0xffff;
	_ =	sdelay $0x1  }
0xc3: {  	s7 =	sshll.u32 s0, $0x9;
	s0 =	sshll.u32 s0, $0x7;
	s9 =	simm.s32 $0xF0  }
0xc4: {  	s0 =	sand.u32 $0x380, s0;
	s10 =	simm.s32 $0xA0;
	s5 =	sand.u32 $0xFFFFF000, s7;
	v13 =	vadd.s32 s9, v1  }
0xc5: {  	s7 =	simm.s32 $0xB0;
	s9 =	simm.s32 $0x80;
	vm1 =	vgt.s32 v13, $0x0;
	v6 =	vadd.s32 s10, v1;
	s10 =	simm.s32 $0xC0  }
0xc6: {  	s31 =	simm.s32 $0xD0;
	s6 =	simm.s32 $0x90;
	v14 =	vadd.s32 s9, v1;
	v11 =	vadd.s32 s7, v1;
	v9 =	vadd.s32 s10, v1;
	s10 =	simm.s32 $0xE0;
	[tilespmem:s30+$0x10] =	vst v7  }
0xc7: {  	v8 =	vadd.s32 s6, v1;
	v10 =	vadd.s32 s10, v1;
	v7 =	vadd.s32 s31, v1;
	s31 =	sor.u32 s0, s5;
	s0 =	simm.s32 $0x170;
	v12 =	vld.idx.msk [tilespmem:v12+s16+$0x0], $0xffff  }
.LBB2_5:
0xc8: {  	p1 =	sne.s32 s0, $0x1F0;
	vm2 =	vgt.s32 v6, $0x0;
	vm3 =	vgt.s32 v11, $0x0;
	v13 =	vnsel vm1, $0x0, v13  }
0xc9: {  	vm1 =	vgt.s32 v14, $0x0;
	vm4 =	vgt.s32 v9, $0x0;
	vm5 =	vgt.s32 v7, $0x0  }
0xca: {  	vm6 =	vgt.s32 v10, $0x0;
	v14 =	vnsel vm1, $0x0, v14;
	vm1 =	vgt.s32 v8, $0x0  }
0xcb: {  	v16 =	vand.u32 $0x7F, v13;
	v13 =	vshll.u32 v13, $0x3;
	v15 =	vshll.u32 v14, $0x3  }
0xcc: {  	v6 =	vnsel vm2, $0x0, v6;
	v11 =	vnsel vm3, $0x0, v11;
	v15 =	vand.u32 $0xFFFFFC00, v15;
	[tilespmem:s30+$0x20] =	vst v12  }
0xcd: {  	v9 =	vnsel vm4, $0x0, v9;
	v12 =	vand.u32 $0x7F, v14;
	v14 =	vadd.s32 v4, v15;
	v5 =	vld.idx.msk [tilespmem:v5+s16+$0x0], $0xffff  }
0xce: {  	v7 =	vnsel vm5, $0x0, v7;
	v10 =	vnsel vm6, $0x0, v10;
	v12 =	vor.u32 v12, v14  }
0xcf: {  	v8 =	vnsel vm1, $0x0, v8;
	v14 =	vand.u32 $0x7F, v6;
	v12 =	vor.u32 v3, v12  }
0xd0: {  	v17 =	vand.u32 $0x7F, v9;
	v18 =	vand.u32 $0x7F, v7;
	v15 =	vand.u32 $0x7F, v11  }
0xd1: {  	v19 =	vand.u32 $0x7F, v10;
	v13 =	vand.u32 $0xFFFFFC00, v13;
	v6 =	vshll.u32 v6, $0x3  }
0xd2: {  	v9 =	vshll.u32 v9, $0x3;
	v20 =	vshll.u32 v8, $0x3;
	v11 =	vshll.u32 v11, $0x3  }
0xd3: {  	v7 =	vshll.u32 v7, $0x3;
	v10 =	vshll.u32 v10, $0x3;
	v20 =	vand.u32 $0xFFFFFC00, v20;
	[tilespmem:s30+$0x30] =	vst v5  }
0xd4: {  	v8 =	vand.u32 $0x7F, v8;
	v6 =	vand.u32 $0xFFFFFC00, v6;
	v5 =	vld.idx.msk [tilespmem:v12+s8+$0x0], $0xffff;
	v12 =	vadd.s32 v4, v20  }
0xd5: {  	v9 =	vand.u32 $0xFFFFFC00, v9;
	v11 =	vand.u32 $0xFFFFFC00, v11;
	v8 =	vor.u32 v8, v12  }
0xd6: {  	v7 =	vand.u32 $0xFFFFFC00, v7;
	v6 =	vadd.s32 v4, v6;
	v8 =	vor.u32 v3, v8  }
0xd7: {  	v10 =	vand.u32 $0xFFFFFC00, v10;
	v11 =	vadd.s32 v4, v11;
	v6 =	vor.u32 v14, v6  }
0xd8: {  	v9 =	vadd.s32 v4, v9;
	v11 =	vor.u32 v15, v11;
	v6 =	vor.u32 v3, v6  }
0xd9: {  	v7 =	vadd.s32 v4, v7;
	v9 =	vor.u32 v17, v9;
	v11 =	vor.u32 v3, v11  }
0xda: {  	v10 =	vadd.s32 v4, v10;
	v7 =	vor.u32 v18, v7;
	v9 =	vor.u32 v3, v9  }
0xdb: {  	v10 =	vor.u32 v19, v10;
	v7 =	vor.u32 v3, v7;
	v12 =	vadd.s32 v4, v13;
	v8 =	vld.idx.msk [tilespmem:v8+s8+$0x0], $0xffff  }
0xdc: {  	v10 =	vor.u32 v3, v10;
	v12 =	vor.u32 v16, v12;
	v13 =	vld.idx.msk [tilespmem:v5+s16+$0x0], $0xffff  }
0xdd: {  	v5 =	vor.u32 v3, v12;
	v6 =	vld.idx.msk [tilespmem:v6+s8+$0x0], $0xffff  }
0xde: {  	v11 =	vld.idx.msk [tilespmem:v11+s8+$0x0], $0xffff  }
0xdf: {  	v9 =	vld.idx.msk [tilespmem:v9+s8+$0x0], $0xffff  }
0xe0: {  	v7 =	vld.idx.msk [tilespmem:v7+s8+$0x0], $0xffff  }
0xe1: {  	s30 =	sadd.s32 $0x400, s30;
	v10 =	vld.idx.msk [tilespmem:v10+s8+$0x0], $0xffff  }
0xe2: {  	v5 =	vld.idx.msk [tilespmem:v5+s8+$0x0], $0xffff;
	[tilespmem:s30+$0xFFFFFFC0] =	vst v13  }
0xe3: {  	v8 =	vld.idx.msk [tilespmem:v8+s16+$0x0], $0xffff;
	_ =	sdelay $0x5  }
0xe4: {  	[tilespmem:s30+$0xFFFFFFD0] =	vst v8  }
0xe5: {  	v6 =	vld.idx.msk [tilespmem:v6+s16+$0x0], $0xffff;
	_ =	sdelay $0x5  }
0xe6: {  	[tilespmem:s30+$0xFFFFFFE0] =	vst v6  }
0xe7: {  	v6 =	vld.idx.msk [tilespmem:v11+s16+$0x0], $0xffff;
	_ =	sdelay $0x5  }
0xe8: {  	[tilespmem:s30+$0xFFFFFFF0] =	vst v6  }
0xe9: {  	v6 =	vld.idx.msk [tilespmem:v9+s16+$0x0], $0xffff;
	_ =	sdelay $0x5  }
0xea: {  	[tilespmem:s30+$0x0] =	vst v6  }
0xeb: {  	v7 =	vld.idx.msk [tilespmem:v7+s16+$0x0], $0xffff;
	_ =	sdelay $0x3  }
.Ltmp1:
0xec: {  	(pc) =	sbr.rel @p1 .LBB2_5-.Ltmp1, $4  }
0xed: {  	s5 =	sadd.s32 $0xFFFFFFB0, s0;
	v13 =	vadd.s32 s0, v1  }
0xee: {  	s6 =	sadd.s32 $0xFFFFFFD0, s0;
	s7 =	sadd.s32 $0xFFFFFFE0, s0;
	vm1 =	vgt.s32 v13, $0x0;
	v6 =	vadd.s32 s5, v1;
	s5 =	sadd.s32 $0xFFFFFFC0, s0;
	[tilespmem:s30+$0x10] =	vst v7  }
0xef: {  	s9 =	sadd.s32 $0xFFFFFF90, s0;
	s10 =	sadd.s32 $0xFFFFFFA0, s0;
	v9 =	vadd.s32 s6, v1;
	v11 =	vadd.s32 s5, v1;
	s5 =	sadd.s32 $0xFFFFFFF0, s0;
	v7 =	vadd.s32 s7, v1;
	v12 =	vld.idx.msk [tilespmem:v10+s16+$0x0], $0xffff  }
0xf0: {  	v14 =	vadd.s32 s9, v1;
	v8 =	vadd.s32 s10, v1;
	s0 =	sadd.s32 $0x80, s0;
	v10 =	vadd.s32 s5, v1  }
0xf1: {  	vm2 =	vgt.s32 v6, $0x0;
	vm3 =	vgt.s32 v11, $0x0;
	v13 =	vnsel vm1, $0x0, v13  }
0xf2: {  	vm1 =	vgt.s32 v14, $0x0;
	vm4 =	vgt.s32 v9, $0x0;
	vm5 =	vgt.s32 v7, $0x0  }
0xf3: {  	vm6 =	vgt.s32 v10, $0x0;
	v14 =	vnsel vm1, $0x0, v14;
	vm1 =	vgt.s32 v8, $0x0  }
0xf4: {  	v16 =	vand.u32 $0x7F, v13;
	v13 =	vshll.u32 v13, $0x3;
	v6 =	vnsel vm2, $0x0, v6  }
0xf5: {  	v11 =	vnsel vm3, $0x0, v11;
	v9 =	vnsel vm4, $0x0, v9;
	v15 =	vshll.u32 v14, $0x3  }
0xf6: {  	v7 =	vnsel vm5, $0x0, v7;
	v10 =	vnsel vm6, $0x0, v10;
	v15 =	vand.u32 $0xFFFFFC00, v15  }
0xf7: {  	v57 =	vand.u32 $0x7F, v14;
	v8 =	vnsel vm1, $0x0, v8;
	[tilespmem:s30+$0x20] =	vst v12;
	v58 =	vadd.s32 v4, v15  }
0xf8: {  	v59 =	vand.u32 $0x7F, v6;
	v60 =	vand.u32 $0x7F, v11;
	v5 =	vld.idx.msk [tilespmem:v5+s16+$0x0], $0xffff;
	v12 =	vor.u32 v57, v58  }
0xf9: {  	v17 =	vand.u32 $0x7F, v9;
	v18 =	vand.u32 $0x7F, v7;
	v12 =	vor.u32 v3, v12  }
0xfa: {  	v6 =	vshll.u32 v6, $0x3;
	v19 =	vand.u32 $0x7F, v10;
	v13 =	vand.u32 $0xFFFFFC00, v13  }
0xfb: {  	v11 =	vshll.u32 v11, $0x3;
	v9 =	vshll.u32 v9, $0x3;
	v20 =	vshll.u32 v8, $0x3  }
0xfc: {  	v7 =	vshll.u32 v7, $0x3;
	v10 =	vshll.u32 v10, $0x3;
	v20 =	vand.u32 $0xFFFFFC00, v20  }
0xfd: {  	v8 =	vand.u32 $0x7F, v8;
	v6 =	vand.u32 $0xFFFFFC00, v6;
	v61 =	vadd.s32 v4, v20;
	[tilespmem:s30+$0x30] =	vst v5  }
0xfe: {  	v11 =	vand.u32 $0xFFFFFC00, v11;
	v6 =	vadd.s32 v4, v6;
	v8 =	vor.u32 v8, v61;
	v5 =	vld.idx.msk [tilespmem:v12+s8+$0x0], $0xffff  }
0xff: {  	v9 =	vand.u32 $0xFFFFFC00, v9;
	v6 =	vor.u32 v59, v6;
	v8 =	vor.u32 v3, v8  }
0x100: {  	v7 =	vand.u32 $0xFFFFFC00, v7;
	v11 =	vadd.s32 v4, v11;
	v6 =	vor.u32 v3, v6  }
0x101: {  	v10 =	vand.u32 $0xFFFFFC00, v10;
	v9 =	vadd.s32 v4, v9;
	v11 =	vor.u32 v60, v11  }
0x102: {  	v7 =	vadd.s32 v4, v7;
	v9 =	vor.u32 v17, v9;
	v11 =	vor.u32 v3, v11  }
0x103: {  	v10 =	vadd.s32 v4, v10;
	v7 =	vor.u32 v18, v7;
	v9 =	vor.u32 v3, v9  }
0x104: {  	v62 =	vadd.s32 v4, v13;
	v10 =	vor.u32 v19, v10;
	v7 =	vor.u32 v3, v7;
	v8 =	vld.idx.msk [tilespmem:v8+s8+$0x0], $0xffff  }
0x105: {  	v4 =	vor.u32 v16, v62;
	v10 =	vor.u32 v3, v10;
	v6 =	vld.idx.msk [tilespmem:v6+s8+$0x0], $0xffff  }
0x106: {  	v3 =	vor.u32 v3, v4;
	v5 =	vld.idx.msk [tilespmem:v5+s16+$0x0], $0xffff  }
0x107: {  	v63 =	vld.idx.msk [tilespmem:v11+s8+$0x0], $0xffff  }
0x108: {  	v9 =	vld.idx.msk [tilespmem:v9+s8+$0x0], $0xffff  }
0x109: {  	v7 =	vld.idx.msk [tilespmem:v7+s8+$0x0], $0xffff  }
0x10a: {  	s0 =	sadd.s32 $0x400, s30;
	v10 =	vld.idx.msk [tilespmem:v10+s8+$0x0], $0xffff  }
0x10b: {  	v3 =	vld.idx.msk [tilespmem:v3+s8+$0x0], $0xffff;
	[tilespmem:s0+$0xFFFFFFC0] =	vst v5  }
0x10c: {  	v5 =	vld.idx.msk [tilespmem:v8+s16+$0x0], $0xffff;
	_ =	sdelay $0x4  }
0x10d: {  	[tilespmem:s0+$0xFFFFFFD0] =	vst v5  }
0x10e: {  	v5 =	vld.idx.msk [tilespmem:v6+s16+$0x0], $0xffff;
	_ =	sdelay $0x4  }
0x10f: {  	[tilespmem:s0+$0xFFFFFFE0] =	vst v5  }
0x110: {  	v4 =	vld.idx.msk [tilespmem:v63+s16+$0x0], $0xffff;
	_ =	sdelay $0x4  }
0x111: {  	[tilespmem:s0+$0xFFFFFFF0] =	vst v4  }
0x112: {  	v4 =	vld.idx.msk [tilespmem:v9+s16+$0x0], $0xffff;
	_ =	sdelay $0x4  }
0x113: {  	[tilespmem:s0+$0x0] =	vst v4  }
0x114: {  	v4 =	vld.idx.msk [tilespmem:v7+s16+$0x0], $0xffff;
	_ =	sdelay $0x4  }
0x115: {  	[tilespmem:s0+$0x10] =	vst v4  }
0x116: {  	v4 =	vld.idx.msk [tilespmem:v10+s16+$0x0], $0xffff;
	_ =	sdelay $0x4  }
0x117: {  	[tilespmem:s0+$0x20] =	vst v4  }
0x118: {  	v3 =	vld.idx.msk [tilespmem:v3+s16+$0x0], $0xffff;
	_ =	sdelay $0x4  }
0x119: {  	[tilespmem:s0+$0x30] =	vst v3  }
0x11a: {  	s26 =	sadd.s32 $0x1, s26;
	v3 =	vld [tilespmem:s31+$0x10000]  }
0x11b: {  	p1 =	sne.s32 s26, s25  }
.Ltmp2:
0x11c: {  	_ = 	snop;
	(pc) =	sbr.rel @p1 .LBB2_4-.Ltmp2, $3  }
0x11d: {  	_ =	sdelay $0x1  }
0x11e: {  	v3 =	vsel vm0, v2, v3  }
0x11f: {  	s15 =	sadd.s32 $0x200, s15;
	s28 =	sadd.s32 $0x1, s28;
	[tilespmem:s31+$0x10000] =	vst v3  }
0x120: {  	s25 =	simm.s32 $0x0;
	s0 =	rddreg [dreg:$0x4]  }
0x121: {  	[hbm4b:s0+s25] =	stream.linear.scatter [tilespmem:s20], [sflag:$0x1], $0x4000, $0x38;
	[tilespmem:$0x18200] =	vst v63  }
0x122: {  	s7 =	rddreg [dreg:$0x5]  }
0x123: {  	[hbm4b:s7+s25] =	stream.linear.scatter [tilespmem:s20], [sflag:$0x1], $0x4000, $0x38;
	[tilespmem:$0x18200] =	vst v63  }
0x124: {  	s9 =	rddreg [dreg:$0x6]  }
0x125: {  	[hbm4b:s9+s25] =	stream.linear.scatter [tilespmem:s20], [sflag:$0x1], $0x4000, $0x38;
	[tilespmem:$0x18200] =	vst v63  }
0x126: {  	s10 =	rddreg [dreg:$0x7]  }
0x127: {  	[hbm4b:s10+s25] =	stream.linear.scatter [tilespmem:s20], [sflag:$0x1], $0x4000, $0x38;
	[tilespmem:$0x18200] =	vst v63  }
0x128: {  	s15 =	rddreg [dreg:$0x8]  }
0x129: {  	[hbm4b:s15+s25] =	stream.linear.scatter [tilespmem:s20], [sflag:$0x1], $0x4000, $0x38;
	[tilespmem:$0x18200] =	vst v63  }
0x12a: {  	s26 =	rddreg [dreg:$0x9]  }
0x12b: {  	[hbm4b:s26+s25] =	stream.linear.scatter [tilespmem:s20], [sflag:$0x1], $0x4000, $0x38;
	[tilespmem:$0x18200] =	vst v63  }
0x12c: {  	s30 =	rddreg [dreg:$0xa]  }
0x12d: {  	[hbm4b:s30+s25] =	stream.linear.scatter [tilespmem:s20], [sflag:$0x1], $0x4000, $0x38;
	[tilespmem:$0x18200] =	vst v63  }
0x12e: {  	s31 =	rddreg [dreg:$0xb]  }
0x12f: {  	[hbm4b:s31+s25] =	stream.linear.scatter [tilespmem:s20], [sflag:$0x1], $0x4000, $0x38;
	[tilespmem:$0x18200] =	vst v63  }
0x130: {  	_ =	swait.ge [sflag:s21], $0xD000  }
0x131: {  	[sflag:s21] =	ssyncset.done $0x0  }
0x132: {  	s28 =	simm.s32 $0x0;
	s26 =	simm.s32 $0x0;
	[sflag:s21] =	ssyncadd.s32 $0xFFFF3000  }
.LBB2_8:
0x133: {  	s9 =	simm.s32 $0x70;
	s5 =	simm.s32 $0x20  }
0x134: {  	s10 =	simm.s32 $0x30;
	s15 =	simm.s32 $0x40;
	s6 =	simm.s32 $0x50;
	v5 =	vadd.s32 s9, v1;
	v6 =	vadd.s32 s5, v1  }
0x135: {  	s7 =	simm.s32 $0x0;
	s31 =	simm.s32 $0x60;
	v7 =	vadd.s32 s10, v1;
	v8 =	vadd.s32 s15, v1;
	v9 =	vadd.s32 s6, v1  }
0x136: {  	s0 =	sor.u32 s28, s1;
	s9 =	simm.s32 $0x10;
	v10 =	vadd.s32 s7, v1;
	v12 =	vadd.s32 s31, v1;
	vm1 =	vgt.s32 v5, $0x0  }
0x137: {  	s0 =	ssub.s32 s0, s2;
	v11 =	vadd.s32 s9, v1;
	vm2 =	vgt.s32 v6, $0x0;
	vm3 =	vgt.s32 v7, $0x0  }
0x138: {  	s0 =	sadd.s32 $0x20, s0;
	vm4 =	vgt.s32 v8, $0x0;
	vm5 =	vgt.s32 v9, $0x0;
	vm6 =	vgt.s32 v12, $0x0  }
0x139: {  	v3 =	vmov s0;
	v5 =	vnsel vm1, $0x0, v5;
	vm1 =	vgt.s32 v10, $0x0  }
0x13a: {  	v6 =	vnsel vm2, $0x0, v6;
	v7 =	vnsel vm3, $0x0, v7;
	v8 =	vnsel vm4, $0x0, v8  }
0x13b: {  	v9 =	vnsel vm5, $0x0, v9;
	v12 =	vnsel vm6, $0x0, v12;
	v4 =	vshll.u32 v3, $0x9  }
0x13c: {  	v3 =	vshll.u32 v3, $0x7;
	v10 =	vnsel vm1, $0x0, v10;
	vm1 =	vgt.s32 v11, $0x0  }
0x13d: {  	v14 =	vand.u32 $0x7F, v5;
	v5 =	vshll.u32 v5, $0x3;
	v13 =	vshll.u32 v10, $0x3  }
0x13e: {  	v15 =	vand.u32 $0x7F, v7;
	v4 =	vand.u32 $0xFFFFF000, v4;
	v13 =	vand.u32 $0xFFFFFC00, v13  }
0x13f: {  	v16 =	vand.u32 $0x7F, v8;
	v10 =	vand.u32 $0x7F, v10;
	v13 =	vadd.s32 v4, v13  }
0x140: {  	v17 =	vand.u32 $0x7F, v9;
	v3 =	vand.u32 $0x380, v3;
	v10 =	vor.u32 v10, v13  }
0x141: {  	v18 =	vand.u32 $0x7F, v12;
	v7 =	vshll.u32 v7, $0x3;
	v10 =	vor.u32 v3, v10  }
0x142: {  	v8 =	vshll.u32 v8, $0x3;
	v9 =	vshll.u32 v9, $0x3;
	v11 =	vnsel vm1, $0x0, v11  }
0x143: {  	v12 =	vshll.u32 v12, $0x3;
	v5 =	vand.u32 $0xFFFFFC00, v5;
	v19 =	vshll.u32 v11, $0x3  }
0x144: {  	v7 =	vand.u32 $0xFFFFFC00, v7;
	v8 =	vand.u32 $0xFFFFFC00, v8;
	v19 =	vand.u32 $0xFFFFFC00, v19  }
0x145: {  	v9 =	vand.u32 $0xFFFFFC00, v9;
	v11 =	vand.u32 $0x7F, v11;
	v19 =	vadd.s32 v4, v19  }
0x146: {  	v12 =	vand.u32 $0xFFFFFC00, v12;
	v7 =	vadd.s32 v4, v7;
	v11 =	vor.u32 v11, v19;
	v10 =	vld.idx.msk [tilespmem:v10+s8+$0x0], $0xffff  }
0x147: {  	v8 =	vadd.s32 v4, v8;
	v7 =	vor.u32 v15, v7;
	v11 =	vor.u32 v3, v11  }
0x148: {  	v9 =	vadd.s32 v4, v9;
	v12 =	vadd.s32 v4, v12;
	v7 =	vor.u32 v3, v7  }
0x149: {  	v8 =	vor.u32 v16, v8;
	v13 =	vand.u32 $0x7F, v6;
	v6 =	vshll.u32 v6, $0x3  }
0x14a: {  	v9 =	vor.u32 v17, v9;
	v8 =	vor.u32 v3, v8;
	v6 =	vand.u32 $0xFFFFFC00, v6  }
0x14b: {  	v12 =	vor.u32 v18, v12;
	v9 =	vor.u32 v3, v9;
	v6 =	vadd.s32 v4, v6  }
0x14c: {  	v5 =	vadd.s32 v4, v5;
	v12 =	vor.u32 v3, v12;
	v6 =	vor.u32 v13, v6;
	v11 =	vld.idx.msk [tilespmem:v11+s8+$0x0], $0xffff  }
0x14d: {  	v5 =	vor.u32 v14, v5;
	v6 =	vor.u32 v3, v6;
	v7 =	vld.idx.msk [tilespmem:v7+s8+$0x0], $0xffff  }
0x14e: {  	s5 =	sshll.u32 s26, $0x2;
	s6 =	sand.u32 $0x7, s25;
	v5 =	vor.u32 v3, v5;
	v10 =	vld.idx.msk [tilespmem:v10+s16+$0x0], $0xffff  }
0x14f: {  	s0 =	sand.u32 $0xFFFFC000, s5;
	s5 =	sshll.u32 s6, $0x9;
	v8 =	vld.idx.msk [tilespmem:v8+s8+$0x0], $0xffff  }
0x150: {  	s0 =	sor.u32 s5, s0;
	v9 =	vld.idx.msk [tilespmem:v9+s8+$0x0], $0xffff  }
0x151: {  	s0 =	sshrl.u32 s0, $0x2;
	v12 =	vld.idx.msk [tilespmem:v12+s8+$0x0], $0xffff  }
0x152: {  	s15 =	sadd.s32 $0x14000, s0;
	v6 =	vld.idx.msk [tilespmem:v6+s8+$0x0], $0xffff  }
0x153: {  	v5 =	vld.idx.msk [tilespmem:v5+s8+$0x0], $0xffff;
	[tilespmem:s15+$0x0] =	vst v10  }
0x154: {  	v10 =	vld.idx.msk [tilespmem:v11+s16+$0x0], $0xffff;
	_ =	sdelay $0x4  }
0x155: {  	[tilespmem:s15+$0x10] =	vst v10  }
0x156: {  	v6 =	vld.idx.msk [tilespmem:v6+s16+$0x0], $0xffff;
	_ =	sdelay $0x4  }
0x157: {  	[tilespmem:s15+$0x20] =	vst v6  }
0x158: {  	v6 =	vld.idx.msk [tilespmem:v7+s16+$0x0], $0xffff;
	_ =	sdelay $0x4  }
0x159: {  	[tilespmem:s15+$0x30] =	vst v6  }
0x15a: {  	v6 =	vld.idx.msk [tilespmem:v8+s16+$0x0], $0xffff;
	_ =	sdelay $0x4  }
0x15b: {  	[tilespmem:s15+$0x40] =	vst v6  }
0x15c: {  	v7 =	vld.idx.msk [tilespmem:v9+s16+$0x0], $0xffff  }
0x15d: {  	s7 =	sshll.u32 s28, $0x9  }
0x15e: {  	s10 =	simm.s32 $0xF0;
	s31 =	simm.s32 $0xA0;
	s9 =	sshll.u32 s28, $0x7  }
0x15f: {  	s6 =	simm.s32 $0xB0;
	s5 =	sand.u32 $0x380, s9;
	s9 =	simm.s32 $0x80  }
0x160: {  	s0 =	sand.u32 $0x3000, s7;
	s7 =	simm.s32 $0xC0;
	v14 =	vadd.s32 s9, v1;
	v13 =	vadd.s32 s10, v1;
	v6 =	vadd.s32 s31, v1;
	s31 =	simm.s32 $0xD0  }
0x161: {  	s0 =	sor.u32 s5, s0;
	s10 =	simm.s32 $0x90;
	vm1 =	vgt.s32 v13, $0x0;
	v11 =	vadd.s32 s6, v1;
	[tilespmem:s15+$0x50] =	vst v7;
	v7 =	vadd.s32 s31, v1;
	s31 =	simm.s32 $0xE0  }
0x162: {  	s30 =	sor.u32 $0x14000, s0;
	s0 =	simm.s32 $0x170;
	v8 =	vadd.s32 s10, v1;
	v9 =	vadd.s32 s7, v1;
	v12 =	vld.idx.msk [tilespmem:v12+s16+$0x0], $0xffff;
	v10 =	vadd.s32 s31, v1  }
.LBB2_9:
0x163: {  	p1 =	sne.s32 s0, $0x1F0;
	vm2 =	vgt.s32 v6, $0x0;
	vm3 =	vgt.s32 v11, $0x0;
	v13 =	vnsel vm1, $0x0, v13  }
0x164: {  	vm1 =	vgt.s32 v14, $0x0;
	vm4 =	vgt.s32 v9, $0x0;
	vm5 =	vgt.s32 v7, $0x0  }
0x165: {  	vm6 =	vgt.s32 v10, $0x0;
	v14 =	vnsel vm1, $0x0, v14;
	vm1 =	vgt.s32 v8, $0x0  }
0x166: {  	v16 =	vand.u32 $0x7F, v13;
	v13 =	vshll.u32 v13, $0x3;
	v15 =	vshll.u32 v14, $0x3  }
0x167: {  	v6 =	vnsel vm2, $0x0, v6;
	v11 =	vnsel vm3, $0x0, v11;
	v15 =	vand.u32 $0xFFFFFC00, v15;
	[tilespmem:s15+$0x60] =	vst v12  }
0x168: {  	v9 =	vnsel vm4, $0x0, v9;
	v12 =	vand.u32 $0x7F, v14;
	v14 =	vadd.s32 v4, v15;
	v5 =	vld.idx.msk [tilespmem:v5+s16+$0x0], $0xffff  }
0x169: {  	v7 =	vnsel vm5, $0x0, v7;
	v10 =	vnsel vm6, $0x0, v10;
	v12 =	vor.u32 v12, v14  }
0x16a: {  	v8 =	vnsel vm1, $0x0, v8;
	v14 =	vand.u32 $0x7F, v6;
	v12 =	vor.u32 v3, v12  }
0x16b: {  	v17 =	vand.u32 $0x7F, v9;
	v18 =	vand.u32 $0x7F, v7;
	v15 =	vand.u32 $0x7F, v11  }
0x16c: {  	v19 =	vand.u32 $0x7F, v10;
	v13 =	vand.u32 $0xFFFFFC00, v13;
	v6 =	vshll.u32 v6, $0x3  }
0x16d: {  	v9 =	vshll.u32 v9, $0x3;
	v20 =	vshll.u32 v8, $0x3;
	v11 =	vshll.u32 v11, $0x3  }
0x16e: {  	v7 =	vshll.u32 v7, $0x3;
	v10 =	vshll.u32 v10, $0x3;
	v20 =	vand.u32 $0xFFFFFC00, v20;
	[tilespmem:s15+$0x70] =	vst v5  }
0x16f: {  	v8 =	vand.u32 $0x7F, v8;
	v6 =	vand.u32 $0xFFFFFC00, v6;
	v5 =	vld.idx.msk [tilespmem:v12+s8+$0x0], $0xffff;
	v12 =	vadd.s32 v4, v20  }
0x170: {  	v9 =	vand.u32 $0xFFFFFC00, v9;
	v11 =	vand.u32 $0xFFFFFC00, v11;
	v8 =	vor.u32 v8, v12  }
0x171: {  	v7 =	vand.u32 $0xFFFFFC00, v7;
	v6 =	vadd.s32 v4, v6;
	v8 =	vor.u32 v3, v8  }
0x172: {  	v10 =	vand.u32 $0xFFFFFC00, v10;
	v11 =	vadd.s32 v4, v11;
	v6 =	vor.u32 v14, v6  }
0x173: {  	v9 =	vadd.s32 v4, v9;
	v11 =	vor.u32 v15, v11;
	v6 =	vor.u32 v3, v6  }
0x174: {  	v7 =	vadd.s32 v4, v7;
	v9 =	vor.u32 v17, v9;
	v11 =	vor.u32 v3, v11  }
0x175: {  	v10 =	vadd.s32 v4, v10;
	v7 =	vor.u32 v18, v7;
	v9 =	vor.u32 v3, v9  }
0x176: {  	v10 =	vor.u32 v19, v10;
	v7 =	vor.u32 v3, v7;
	v12 =	vadd.s32 v4, v13;
	v8 =	vld.idx.msk [tilespmem:v8+s8+$0x0], $0xffff  }
0x177: {  	v10 =	vor.u32 v3, v10;
	v12 =	vor.u32 v16, v12;
	v13 =	vld.idx.msk [tilespmem:v5+s16+$0x0], $0xffff  }
0x178: {  	v5 =	vor.u32 v3, v12;
	v6 =	vld.idx.msk [tilespmem:v6+s8+$0x0], $0xffff  }
0x179: {  	v11 =	vld.idx.msk [tilespmem:v11+s8+$0x0], $0xffff  }
0x17a: {  	v9 =	vld.idx.msk [tilespmem:v9+s8+$0x0], $0xffff  }
0x17b: {  	v7 =	vld.idx.msk [tilespmem:v7+s8+$0x0], $0xffff  }
0x17c: {  	s15 =	sadd.s32 $0x400, s15;
	v10 =	vld.idx.msk [tilespmem:v10+s8+$0x0], $0xffff  }
0x17d: {  	v5 =	vld.idx.msk [tilespmem:v5+s8+$0x0], $0xffff;
	[tilespmem:s15+$0x0] =	vst v13  }
0x17e: {  	v8 =	vld.idx.msk [tilespmem:v8+s16+$0x0], $0xffff;
	_ =	sdelay $0x5  }
0x17f: {  	[tilespmem:s15+$0x10] =	vst v8  }
0x180: {  	v6 =	vld.idx.msk [tilespmem:v6+s16+$0x0], $0xffff;
	_ =	sdelay $0x5  }
0x181: {  	[tilespmem:s15+$0x20] =	vst v6  }
0x182: {  	v6 =	vld.idx.msk [tilespmem:v11+s16+$0x0], $0xffff;
	_ =	sdelay $0x5  }
0x183: {  	[tilespmem:s15+$0x30] =	vst v6  }
0x184: {  	v6 =	vld.idx.msk [tilespmem:v9+s16+$0x0], $0xffff;
	_ =	sdelay $0x5  }
0x185: {  	[tilespmem:s15+$0x40] =	vst v6  }
0x186: {  	v7 =	vld.idx.msk [tilespmem:v7+s16+$0x0], $0xffff;
	_ =	sdelay $0x3  }
.Ltmp3:
0x187: {  	(pc) =	sbr.rel @p1 .LBB2_9-.Ltmp3, $4  }
0x188: {  	s5 =	sadd.s32 $0xFFFFFFB0, s0;
	v13 =	vadd.s32 s0, v1  }
0x189: {  	s6 =	sadd.s32 $0xFFFFFFD0, s0;
	s7 =	sadd.s32 $0xFFFFFFE0, s0;
	vm1 =	vgt.s32 v13, $0x0;
	v6 =	vadd.s32 s5, v1;
	s5 =	sadd.s32 $0xFFFFFFC0, s0;
	[tilespmem:s15+$0x50] =	vst v7  }
0x18a: {  	s9 =	sadd.s32 $0xFFFFFF90, s0;
	s10 =	sadd.s32 $0xFFFFFFA0, s0;
	v9 =	vadd.s32 s6, v1;
	v11 =	vadd.s32 s5, v1;
	s5 =	sadd.s32 $0xFFFFFFF0, s0;
	v7 =	vadd.s32 s7, v1;
	v12 =	vld.idx.msk [tilespmem:v10+s16+$0x0], $0xffff  }
0x18b: {  	v14 =	vadd.s32 s9, v1;
	v8 =	vadd.s32 s10, v1;
	s0 =	sadd.s32 $0x80, s0;
	v10 =	vadd.s32 s5, v1  }
0x18c: {  	vm2 =	vgt.s32 v6, $0x0;
	vm3 =	vgt.s32 v11, $0x0;
	v13 =	vnsel vm1, $0x0, v13  }
0x18d: {  	vm1 =	vgt.s32 v14, $0x0;
	vm4 =	vgt.s32 v9, $0x0;
	vm5 =	vgt.s32 v7, $0x0  }
0x18e: {  	vm6 =	vgt.s32 v10, $0x0;
	v14 =	vnsel vm1, $0x0, v14;
	vm1 =	vgt.s32 v8, $0x0  }
0x18f: {  	v16 =	vand.u32 $0x7F, v13;
	v13 =	vshll.u32 v13, $0x3;
	v6 =	vnsel vm2, $0x0, v6  }
0x190: {  	v11 =	vnsel vm3, $0x0, v11;
	v9 =	vnsel vm4, $0x0, v9;
	v15 =	vshll.u32 v14, $0x3  }
0x191: {  	v7 =	vnsel vm5, $0x0, v7;
	v10 =	vnsel vm6, $0x0, v10;
	v15 =	vand.u32 $0xFFFFFC00, v15  }
0x192: {  	v57 =	vand.u32 $0x7F, v14;
	v8 =	vnsel vm1, $0x0, v8;
	[tilespmem:s15+$0x60] =	vst v12;
	v58 =	vadd.s32 v4, v15  }
0x193: {  	v59 =	vand.u32 $0x7F, v6;
	v60 =	vand.u32 $0x7F, v11;
	v5 =	vld.idx.msk [tilespmem:v5+s16+$0x0], $0xffff;
	v12 =	vor.u32 v57, v58  }
0x194: {  	v17 =	vand.u32 $0x7F, v9;
	v18 =	vand.u32 $0x7F, v7;
	v12 =	vor.u32 v3, v12  }
0x195: {  	v6 =	vshll.u32 v6, $0x3;
	v19 =	vand.u32 $0x7F, v10;
	v13 =	vand.u32 $0xFFFFFC00, v13  }
0x196: {  	v11 =	vshll.u32 v11, $0x3;
	v9 =	vshll.u32 v9, $0x3;
	v20 =	vshll.u32 v8, $0x3  }
0x197: {  	v7 =	vshll.u32 v7, $0x3;
	v10 =	vshll.u32 v10, $0x3;
	v20 =	vand.u32 $0xFFFFFC00, v20  }
0x198: {  	v8 =	vand.u32 $0x7F, v8;
	v6 =	vand.u32 $0xFFFFFC00, v6;
	v61 =	vadd.s32 v4, v20;
	[tilespmem:s15+$0x70] =	vst v5  }
0x199: {  	v11 =	vand.u32 $0xFFFFFC00, v11;
	v6 =	vadd.s32 v4, v6;
	v8 =	vor.u32 v8, v61;
	v5 =	vld.idx.msk [tilespmem:v12+s8+$0x0], $0xffff  }
0x19a: {  	v9 =	vand.u32 $0xFFFFFC00, v9;
	v6 =	vor.u32 v59, v6;
	v8 =	vor.u32 v3, v8  }
0x19b: {  	v7 =	vand.u32 $0xFFFFFC00, v7;
	v11 =	vadd.s32 v4, v11;
	v6 =	vor.u32 v3, v6  }
0x19c: {  	v10 =	vand.u32 $0xFFFFFC00, v10;
	v9 =	vadd.s32 v4, v9;
	v11 =	vor.u32 v60, v11  }
0x19d: {  	v7 =	vadd.s32 v4, v7;
	v9 =	vor.u32 v17, v9;
	v11 =	vor.u32 v3, v11  }
0x19e: {  	v10 =	vadd.s32 v4, v10;
	v7 =	vor.u32 v18, v7;
	v9 =	vor.u32 v3, v9  }
0x19f: {  	v62 =	vadd.s32 v4, v13;
	v10 =	vor.u32 v19, v10;
	v7 =	vor.u32 v3, v7;
	v8 =	vld.idx.msk [tilespmem:v8+s8+$0x0], $0xffff  }
0x1a0: {  	v4 =	vor.u32 v16, v62;
	v10 =	vor.u32 v3, v10;
	v6 =	vld.idx.msk [tilespmem:v6+s8+$0x0], $0xffff  }
0x1a1: {  	v3 =	vor.u32 v3, v4;
	v5 =	vld.idx.msk [tilespmem:v5+s16+$0x0], $0xffff  }
0x1a2: {  	v63 =	vld.idx.msk [tilespmem:v11+s8+$0x0], $0xffff  }
0x1a3: {  	v9 =	vld.idx.msk [tilespmem:v9+s8+$0x0], $0xffff  }
0x1a4: {  	v7 =	vld.idx.msk [tilespmem:v7+s8+$0x0], $0xffff  }
0x1a5: {  	s0 =	sadd.s32 $0x400, s15;
	v10 =	vld.idx.msk [tilespmem:v10+s8+$0x0], $0xffff  }
0x1a6: {  	v3 =	vld.idx.msk [tilespmem:v3+s8+$0x0], $0xffff;
	[tilespmem:s0+$0x0] =	vst v5  }
0x1a7: {  	v5 =	vld.idx.msk [tilespmem:v8+s16+$0x0], $0xffff;
	_ =	sdelay $0x4  }
0x1a8: {  	[tilespmem:s0+$0x10] =	vst v5  }
0x1a9: {  	v5 =	vld.idx.msk [tilespmem:v6+s16+$0x0], $0xffff;
	_ =	sdelay $0x4  }
0x1aa: {  	[tilespmem:s0+$0x20] =	vst v5  }
0x1ab: {  	v4 =	vld.idx.msk [tilespmem:v63+s16+$0x0], $0xffff;
	_ =	sdelay $0x4  }
0x1ac: {  	[tilespmem:s0+$0x30] =	vst v4  }
0x1ad: {  	v4 =	vld.idx.msk [tilespmem:v9+s16+$0x0], $0xffff;
	_ =	sdelay $0x4  }
0x1ae: {  	[tilespmem:s0+$0x40] =	vst v4  }
0x1af: {  	v4 =	vld.idx.msk [tilespmem:v7+s16+$0x0], $0xffff;
	_ =	sdelay $0x4  }
0x1b0: {  	[tilespmem:s0+$0x50] =	vst v4  }
0x1b1: {  	v4 =	vld.idx.msk [tilespmem:v10+s16+$0x0], $0xffff;
	_ =	sdelay $0x4  }
0x1b2: {  	[tilespmem:s0+$0x60] =	vst v4  }
0x1b3: {  	v3 =	vld.idx.msk [tilespmem:v3+s16+$0x0], $0xffff;
	_ =	sdelay $0x4  }
0x1b4: {  	[tilespmem:s0+$0x70] =	vst v3  }
0x1b5: {  	s28 =	sadd.s32 $0x1, s28;
	v3 =	vld [tilespmem:s30+$0x0]  }
0x1b6: {  	p1 =	sne.s32 s28, $0x20  }
.Ltmp4:
0x1b7: {  	_ = 	snop;
	(pc) =	sbr.rel @p1 .LBB2_8-.Ltmp4, $3  }
0x1b8: {  	_ =	sdelay $0x1  }
0x1b9: {  	v3 =	vsel vm0, v2, v3  }
0x1ba: {  	s26 =	sadd.s32 $0x200, s26;
	s25 =	sadd.s32 $0x1, s25;
	[tilespmem:s30+$0x0] =	vst v3  }
0x1bb: {  	s25 =	simm.s32 $0x0;
	s0 =	rddreg [dreg:$0xc]  }
0x1bc: {  	[hbm4b:s0+s25] =	stream.linear.scatter [tilespmem:s22], [sflag:$0x2], $0x4000, $0x38;
	[tilespmem:$0x18200] =	vst v63  }
0x1bd: {  	s7 =	rddreg [dreg:$0xd]  }
0x1be: {  	[hbm4b:s7+s25] =	stream.linear.scatter [tilespmem:s22], [sflag:$0x2], $0x4000, $0x38;
	[tilespmem:$0x18200] =	vst v63  }
0x1bf: {  	s9 =	rddreg [dreg:$0xe]  }
0x1c0: {  	[hbm4b:s9+s25] =	stream.linear.scatter [tilespmem:s22], [sflag:$0x2], $0x4000, $0x38;
	[tilespmem:$0x18200] =	vst v63  }
0x1c1: {  	s10 =	rddreg [dreg:$0xf]  }
0x1c2: {  	[hbm4b:s10+s25] =	stream.linear.scatter [tilespmem:s22], [sflag:$0x2], $0x4000, $0x38;
	[tilespmem:$0x18200] =	vst v63  }
0x1c3: {  	s15 =	rddreg [dreg:$0x10]  }
0x1c4: {  	[hbm4b:s15+s25] =	stream.linear.scatter [tilespmem:s22], [sflag:$0x2], $0x4000, $0x38;
	[tilespmem:$0x18200] =	vst v63  }
0x1c5: {  	s26 =	rddreg [dreg:$0x11]  }
0x1c6: {  	[hbm4b:s26+s25] =	stream.linear.scatter [tilespmem:s22], [sflag:$0x2], $0x4000, $0x38;
	[tilespmem:$0x18200] =	vst v63  }
0x1c7: {  	s30 =	rddreg [dreg:$0x12]  }
0x1c8: {  	[hbm4b:s30+s25] =	stream.linear.scatter [tilespmem:s22], [sflag:$0x2], $0x4000, $0x38;
	[tilespmem:$0x18200] =	vst v63  }
0x1c9: {  	s31 =	rddreg [dreg:$0x13]  }
0x1ca: {  	[hbm4b:s31+s25] =	stream.linear.scatter [tilespmem:s22], [sflag:$0x2], $0x4000, $0x38;
	[tilespmem:$0x18200] =	vst v63  }
0x1cb: {  	_ =	swait.ge [sflag:s13], $0x4000  }
0x1cc: {  	[sflag:s13] =	ssyncset.done $0x0  }
0x1cd: {  	[sflag:s13] =	ssyncadd.s32 $0xFFFFC000  }
0x1ce: {  	_ =	swait.ge [sflag:s13], $0x4000  }
0x1cf: {  	[sflag:s13] =	ssyncset.done $0x0  }
0x1d0: {  	[sflag:s13] =	ssyncadd.s32 $0xFFFFC000  }
0x1d1: {  	_ =	swait.ge [sflag:s13], $0x4000  }
0x1d2: {  	[sflag:s13] =	ssyncset.done $0x0  }
0x1d3: {  	[sflag:s13] =	ssyncadd.s32 $0xFFFFC000  }
0x1d4: {  	_ =	swait.ge [sflag:s13], $0x4000  }
0x1d5: {  	[sflag:s13] =	ssyncset.done $0x0  }
0x1d6: {  	[sflag:s13] =	ssyncadd.s32 $0xFFFFC000  }
0x1d7: {  	_ =	swait.ge [sflag:s13], $0x4000  }
0x1d8: {  	[sflag:s13] =	ssyncset.done $0x0  }
0x1d9: {  	[sflag:s13] =	ssyncadd.s32 $0xFFFFC000  }
0x1da: {  	_ =	swait.ge [sflag:s13], $0x4000  }
0x1db: {  	[sflag:s13] =	ssyncset.done $0x0  }
0x1dc: {  	[sflag:s13] =	ssyncadd.s32 $0xFFFFC000  }
0x1dd: {  	_ =	swait.ge [sflag:s13], $0x4000  }
0x1de: {  	[sflag:s13] =	ssyncset.done $0x0  }
0x1df: {  	[sflag:s13] =	ssyncadd.s32 $0xFFFFC000  }
0x1e0: {  	_ =	swait.ge [sflag:s13], $0x4000  }
0x1e1: {  	[sflag:s13] =	ssyncset.done $0x0  }
0x1e2: {  	s28 =	simm.s32 $0x0;
	s26 =	simm.s32 $0x0;
	[sflag:s13] =	ssyncadd.s32 $0xFFFFC000  }
.LBB2_12:
0x1e3: {  	s9 =	simm.s32 $0x70;
	s5 =	simm.s32 $0x20  }
0x1e4: {  	s10 =	simm.s32 $0x30;
	s15 =	simm.s32 $0x40;
	s6 =	simm.s32 $0x50;
	v5 =	vadd.s32 s9, v1;
	v6 =	vadd.s32 s5, v1  }
0x1e5: {  	s7 =	simm.s32 $0x0;
	s31 =	simm.s32 $0x60;
	v7 =	vadd.s32 s10, v1;
	v8 =	vadd.s32 s15, v1;
	v9 =	vadd.s32 s6, v1  }
0x1e6: {  	s0 =	sor.u32 s28, s1;
	s9 =	simm.s32 $0x10;
	v10 =	vadd.s32 s7, v1;
	v12 =	vadd.s32 s31, v1;
	vm1 =	vgt.s32 v5, $0x0  }
0x1e7: {  	s0 =	ssub.s32 s0, s2;
	v11 =	vadd.s32 s9, v1;
	vm2 =	vgt.s32 v6, $0x0;
	vm3 =	vgt.s32 v7, $0x0  }
0x1e8: {  	s0 =	sadd.s32 $0x40, s0;
	vm4 =	vgt.s32 v8, $0x0;
	vm5 =	vgt.s32 v9, $0x0;
	vm6 =	vgt.s32 v12, $0x0  }
0x1e9: {  	v3 =	vmov s0;
	v5 =	vnsel vm1, $0x0, v5;
	vm1 =	vgt.s32 v10, $0x0  }
0x1ea: {  	v6 =	vnsel vm2, $0x0, v6;
	v7 =	vnsel vm3, $0x0, v7;
	v8 =	vnsel vm4, $0x0, v8  }
0x1eb: {  	v9 =	vnsel vm5, $0x0, v9;
	v12 =	vnsel vm6, $0x0, v12;
	v4 =	vshll.u32 v3, $0x9  }
0x1ec: {  	v3 =	vshll.u32 v3, $0x7;
	v10 =	vnsel vm1, $0x0, v10;
	vm1 =	vgt.s32 v11, $0x0  }
0x1ed: {  	v14 =	vand.u32 $0x7F, v5;
	v5 =	vshll.u32 v5, $0x3;
	v13 =	vshll.u32 v10, $0x3  }
0x1ee: {  	v15 =	vand.u32 $0x7F, v7;
	v4 =	vand.u32 $0xFFFFF000, v4;
	v13 =	vand.u32 $0xFFFFFC00, v13  }
0x1ef: {  	v16 =	vand.u32 $0x7F, v8;
	v10 =	vand.u32 $0x7F, v10;
	v13 =	vadd.s32 v4, v13  }
0x1f0: {  	v17 =	vand.u32 $0x7F, v9;
	v3 =	vand.u32 $0x380, v3;
	v10 =	vor.u32 v10, v13  }
0x1f1: {  	v18 =	vand.u32 $0x7F, v12;
	v7 =	vshll.u32 v7, $0x3;
	v10 =	vor.u32 v3, v10  }
0x1f2: {  	v8 =	vshll.u32 v8, $0x3;
	v9 =	vshll.u32 v9, $0x3;
	v11 =	vnsel vm1, $0x0, v11  }
0x1f3: {  	v12 =	vshll.u32 v12, $0x3;
	v5 =	vand.u32 $0xFFFFFC00, v5;
	v19 =	vshll.u32 v11, $0x3  }
0x1f4: {  	v7 =	vand.u32 $0xFFFFFC00, v7;
	v8 =	vand.u32 $0xFFFFFC00, v8;
	v19 =	vand.u32 $0xFFFFFC00, v19  }
0x1f5: {  	v9 =	vand.u32 $0xFFFFFC00, v9;
	v11 =	vand.u32 $0x7F, v11;
	v19 =	vadd.s32 v4, v19  }
0x1f6: {  	v12 =	vand.u32 $0xFFFFFC00, v12;
	v7 =	vadd.s32 v4, v7;
	v11 =	vor.u32 v11, v19;
	v10 =	vld.idx.msk [tilespmem:v10+s8+$0x0], $0xffff  }
0x1f7: {  	v8 =	vadd.s32 v4, v8;
	v7 =	vor.u32 v15, v7;
	v11 =	vor.u32 v3, v11  }
0x1f8: {  	v9 =	vadd.s32 v4, v9;
	v12 =	vadd.s32 v4, v12;
	v7 =	vor.u32 v3, v7  }
0x1f9: {  	v8 =	vor.u32 v16, v8;
	v13 =	vand.u32 $0x7F, v6;
	v6 =	vshll.u32 v6, $0x3  }
0x1fa: {  	v9 =	vor.u32 v17, v9;
	v8 =	vor.u32 v3, v8;
	v6 =	vand.u32 $0xFFFFFC00, v6  }
0x1fb: {  	v12 =	vor.u32 v18, v12;
	v9 =	vor.u32 v3, v9;
	v6 =	vadd.s32 v4, v6  }
0x1fc: {  	v5 =	vadd.s32 v4, v5;
	v12 =	vor.u32 v3, v12;
	v6 =	vor.u32 v13, v6;
	v11 =	vld.idx.msk [tilespmem:v11+s8+$0x0], $0xffff  }
0x1fd: {  	v5 =	vor.u32 v14, v5;
	v6 =	vor.u32 v3, v6;
	v7 =	vld.idx.msk [tilespmem:v7+s8+$0x0], $0xffff  }
0x1fe: {  	s5 =	sshll.u32 s26, $0x2;
	s6 =	sand.u32 $0x7, s25;
	v5 =	vor.u32 v3, v5;
	v10 =	vld.idx.msk [tilespmem:v10+s16+$0x0], $0xffff  }
0x1ff: {  	s0 =	sand.u32 $0xFFFFC000, s5;
	s5 =	sshll.u32 s6, $0x9;
	v8 =	vld.idx.msk [tilespmem:v8+s8+$0x0], $0xffff  }
0x200: {  	s0 =	sor.u32 s5, s0;
	v9 =	vld.idx.msk [tilespmem:v9+s8+$0x0], $0xffff  }
0x201: {  	s0 =	sshrl.u32 s0, $0x2;
	v12 =	vld.idx.msk [tilespmem:v12+s8+$0x0], $0xffff  }
0x202: {  	s15 =	sadd.s32 $0x10040, s0;
	v6 =	vld.idx.msk [tilespmem:v6+s8+$0x0], $0xffff  }
0x203: {  	v5 =	vld.idx.msk [tilespmem:v5+s8+$0x0], $0xffff;
	[tilespmem:s15+$0xFFFFFFC0] =	vst v10  }
0x204: {  	v10 =	vld.idx.msk [tilespmem:v11+s16+$0x0], $0xffff;
	_ =	sdelay $0x4  }
0x205: {  	[tilespmem:s15+$0xFFFFFFD0] =	vst v10  }
0x206: {  	v6 =	vld.idx.msk [tilespmem:v6+s16+$0x0], $0xffff;
	_ =	sdelay $0x4  }
0x207: {  	[tilespmem:s15+$0xFFFFFFE0] =	vst v6  }
0x208: {  	v6 =	vld.idx.msk [tilespmem:v7+s16+$0x0], $0xffff;
	_ =	sdelay $0x4  }
0x209: {  	[tilespmem:s15+$0xFFFFFFF0] =	vst v6  }
0x20a: {  	v6 =	vld.idx.msk [tilespmem:v8+s16+$0x0], $0xffff;
	_ =	sdelay $0x4  }
0x20b: {  	[tilespmem:s15+$0x0] =	vst v6  }
0x20c: {  	v7 =	vld.idx.msk [tilespmem:v9+s16+$0x0], $0xffff  }
0x20d: {  	s7 =	sshll.u32 s28, $0x9  }
0x20e: {  	s10 =	simm.s32 $0xF0;
	s31 =	simm.s32 $0xA0;
	s9 =	sshll.u32 s28, $0x7  }
0x20f: {  	s6 =	simm.s32 $0xB0;
	s5 =	sand.u32 $0x380, s9;
	s9 =	simm.s32 $0x80  }
0x210: {  	s0 =	sand.u32 $0x3000, s7;
	s7 =	simm.s32 $0xC0;
	v14 =	vadd.s32 s9, v1;
	v13 =	vadd.s32 s10, v1;
	v6 =	vadd.s32 s31, v1;
	s31 =	simm.s32 $0xD0  }
0x211: {  	s0 =	sor.u32 s5, s0;
	s10 =	simm.s32 $0x90;
	vm1 =	vgt.s32 v13, $0x0;
	v11 =	vadd.s32 s6, v1;
	[tilespmem:s15+$0x10] =	vst v7;
	v7 =	vadd.s32 s31, v1;
	s31 =	simm.s32 $0xE0  }
0x212: {  	s30 =	sor.u32 $0x10000, s0;
	s0 =	simm.s32 $0x170;
	v8 =	vadd.s32 s10, v1;
	v9 =	vadd.s32 s7, v1;
	v12 =	vld.idx.msk [tilespmem:v12+s16+$0x0], $0xffff;
	v10 =	vadd.s32 s31, v1  }
.LBB2_13:
0x213: {  	p1 =	sne.s32 s0, $0x1F0;
	vm2 =	vgt.s32 v6, $0x0;
	vm3 =	vgt.s32 v11, $0x0;
	v13 =	vnsel vm1, $0x0, v13  }
0x214: {  	vm1 =	vgt.s32 v14, $0x0;
	vm4 =	vgt.s32 v9, $0x0;
	vm5 =	vgt.s32 v7, $0x0  }
0x215: {  	vm6 =	vgt.s32 v10, $0x0;
	v14 =	vnsel vm1, $0x0, v14;
	vm1 =	vgt.s32 v8, $0x0  }
0x216: {  	v16 =	vand.u32 $0x7F, v13;
	v13 =	vshll.u32 v13, $0x3;
	v15 =	vshll.u32 v14, $0x3  }
0x217: {  	v6 =	vnsel vm2, $0x0, v6;
	v11 =	vnsel vm3, $0x0, v11;
	v15 =	vand.u32 $0xFFFFFC00, v15;
	[tilespmem:s15+$0x20] =	vst v12  }
0x218: {  	v9 =	vnsel vm4, $0x0, v9;
	v12 =	vand.u32 $0x7F, v14;
	v14 =	vadd.s32 v4, v15;
	v5 =	vld.idx.msk [tilespmem:v5+s16+$0x0], $0xffff  }
0x219: {  	v7 =	vnsel vm5, $0x0, v7;
	v10 =	vnsel vm6, $0x0, v10;
	v12 =	vor.u32 v12, v14  }
0x21a: {  	v8 =	vnsel vm1, $0x0, v8;
	v14 =	vand.u32 $0x7F, v6;
	v12 =	vor.u32 v3, v12  }
0x21b: {  	v17 =	vand.u32 $0x7F, v9;
	v18 =	vand.u32 $0x7F, v7;
	v15 =	vand.u32 $0x7F, v11  }
0x21c: {  	v19 =	vand.u32 $0x7F, v10;
	v13 =	vand.u32 $0xFFFFFC00, v13;
	v6 =	vshll.u32 v6, $0x3  }
0x21d: {  	v9 =	vshll.u32 v9, $0x3;
	v20 =	vshll.u32 v8, $0x3;
	v11 =	vshll.u32 v11, $0x3  }
0x21e: {  	v7 =	vshll.u32 v7, $0x3;
	v10 =	vshll.u32 v10, $0x3;
	v20 =	vand.u32 $0xFFFFFC00, v20;
	[tilespmem:s15+$0x30] =	vst v5  }
0x21f: {  	v8 =	vand.u32 $0x7F, v8;
	v6 =	vand.u32 $0xFFFFFC00, v6;
	v5 =	vld.idx.msk [tilespmem:v12+s8+$0x0], $0xffff;
	v12 =	vadd.s32 v4, v20  }
0x220: {  	v9 =	vand.u32 $0xFFFFFC00, v9;
	v11 =	vand.u32 $0xFFFFFC00, v11;
	v8 =	vor.u32 v8, v12  }
0x221: {  	v7 =	vand.u32 $0xFFFFFC00, v7;
	v6 =	vadd.s32 v4, v6;
	v8 =	vor.u32 v3, v8  }
0x222: {  	v10 =	vand.u32 $0xFFFFFC00, v10;
	v11 =	vadd.s32 v4, v11;
	v6 =	vor.u32 v14, v6  }
0x223: {  	v9 =	vadd.s32 v4, v9;
	v11 =	vor.u32 v15, v11;
	v6 =	vor.u32 v3, v6  }
0x224: {  	v7 =	vadd.s32 v4, v7;
	v9 =	vor.u32 v17, v9;
	v11 =	vor.u32 v3, v11  }
0x225: {  	v10 =	vadd.s32 v4, v10;
	v7 =	vor.u32 v18, v7;
	v9 =	vor.u32 v3, v9  }
0x226: {  	v10 =	vor.u32 v19, v10;
	v7 =	vor.u32 v3, v7;
	v12 =	vadd.s32 v4, v13;
	v8 =	vld.idx.msk [tilespmem:v8+s8+$0x0], $0xffff  }
0x227: {  	v10 =	vor.u32 v3, v10;
	v12 =	vor.u32 v16, v12;
	v13 =	vld.idx.msk [tilespmem:v5+s16+$0x0], $0xffff  }
0x228: {  	v5 =	vor.u32 v3, v12;
	v6 =	vld.idx.msk [tilespmem:v6+s8+$0x0], $0xffff  }
0x229: {  	v11 =	vld.idx.msk [tilespmem:v11+s8+$0x0], $0xffff  }
0x22a: {  	v9 =	vld.idx.msk [tilespmem:v9+s8+$0x0], $0xffff  }
0x22b: {  	v7 =	vld.idx.msk [tilespmem:v7+s8+$0x0], $0xffff  }
0x22c: {  	s15 =	sadd.s32 $0x400, s15;
	v10 =	vld.idx.msk [tilespmem:v10+s8+$0x0], $0xffff  }
0x22d: {  	v5 =	vld.idx.msk [tilespmem:v5+s8+$0x0], $0xffff;
	[tilespmem:s15+$0xFFFFFFC0] =	vst v13  }
0x22e: {  	v8 =	vld.idx.msk [tilespmem:v8+s16+$0x0], $0xffff;
	_ =	sdelay $0x5  }
0x22f: {  	[tilespmem:s15+$0xFFFFFFD0] =	vst v8  }
0x230: {  	v6 =	vld.idx.msk [tilespmem:v6+s16+$0x0], $0xffff;
	_ =	sdelay $0x5  }
0x231: {  	[tilespmem:s15+$0xFFFFFFE0] =	vst v6  }
0x232: {  	v6 =	vld.idx.msk [tilespmem:v11+s16+$0x0], $0xffff;
	_ =	sdelay $0x5  }
0x233: {  	[tilespmem:s15+$0xFFFFFFF0] =	vst v6  }
0x234: {  	v6 =	vld.idx.msk [tilespmem:v9+s16+$0x0], $0xffff;
	_ =	sdelay $0x5  }
0x235: {  	[tilespmem:s15+$0x0] =	vst v6  }
0x236: {  	v7 =	vld.idx.msk [tilespmem:v7+s16+$0x0], $0xffff;
	_ =	sdelay $0x3  }
.Ltmp5:
0x237: {  	(pc) =	sbr.rel @p1 .LBB2_13-.Ltmp5, $4  }
0x238: {  	s5 =	sadd.s32 $0xFFFFFFB0, s0;
	v13 =	vadd.s32 s0, v1  }
0x239: {  	s6 =	sadd.s32 $0xFFFFFFD0, s0;
	s7 =	sadd.s32 $0xFFFFFFE0, s0;
	vm1 =	vgt.s32 v13, $0x0;
	v6 =	vadd.s32 s5, v1;
	s5 =	sadd.s32 $0xFFFFFFC0, s0;
	[tilespmem:s15+$0x10] =	vst v7  }
0x23a: {  	s9 =	sadd.s32 $0xFFFFFF90, s0;
	s10 =	sadd.s32 $0xFFFFFFA0, s0;
	v9 =	vadd.s32 s6, v1;
	v11 =	vadd.s32 s5, v1;
	s5 =	sadd.s32 $0xFFFFFFF0, s0;
	v7 =	vadd.s32 s7, v1;
	v12 =	vld.idx.msk [tilespmem:v10+s16+$0x0], $0xffff  }
0x23b: {  	v14 =	vadd.s32 s9, v1;
	v8 =	vadd.s32 s10, v1;
	s0 =	sadd.s32 $0x80, s0;
	v10 =	vadd.s32 s5, v1  }
0x23c: {  	vm2 =	vgt.s32 v6, $0x0;
	vm3 =	vgt.s32 v11, $0x0;
	v13 =	vnsel vm1, $0x0, v13  }
0x23d: {  	vm1 =	vgt.s32 v14, $0x0;
	vm4 =	vgt.s32 v9, $0x0;
	vm5 =	vgt.s32 v7, $0x0  }
0x23e: {  	vm6 =	vgt.s32 v10, $0x0;
	v14 =	vnsel vm1, $0x0, v14;
	vm1 =	vgt.s32 v8, $0x0  }
0x23f: {  	v16 =	vand.u32 $0x7F, v13;
	v13 =	vshll.u32 v13, $0x3;
	v6 =	vnsel vm2, $0x0, v6  }
0x240: {  	v11 =	vnsel vm3, $0x0, v11;
	v9 =	vnsel vm4, $0x0, v9;
	v15 =	vshll.u32 v14, $0x3  }
0x241: {  	v7 =	vnsel vm5, $0x0, v7;
	v10 =	vnsel vm6, $0x0, v10;
	v15 =	vand.u32 $0xFFFFFC00, v15  }
0x242: {  	v57 =	vand.u32 $0x7F, v14;
	v8 =	vnsel vm1, $0x0, v8;
	[tilespmem:s15+$0x20] =	vst v12;
	v58 =	vadd.s32 v4, v15  }
0x243: {  	v59 =	vand.u32 $0x7F, v6;
	v60 =	vand.u32 $0x7F, v11;
	v5 =	vld.idx.msk [tilespmem:v5+s16+$0x0], $0xffff;
	v12 =	vor.u32 v57, v58  }
0x244: {  	v17 =	vand.u32 $0x7F, v9;
	v18 =	vand.u32 $0x7F, v7;
	v12 =	vor.u32 v3, v12  }
0x245: {  	v6 =	vshll.u32 v6, $0x3;
	v19 =	vand.u32 $0x7F, v10;
	v13 =	vand.u32 $0xFFFFFC00, v13  }
0x246: {  	v11 =	vshll.u32 v11, $0x3;
	v9 =	vshll.u32 v9, $0x3;
	v20 =	vshll.u32 v8, $0x3  }
0x247: {  	v7 =	vshll.u32 v7, $0x3;
	v10 =	vshll.u32 v10, $0x3;
	v20 =	vand.u32 $0xFFFFFC00, v20  }
0x248: {  	v8 =	vand.u32 $0x7F, v8;
	v6 =	vand.u32 $0xFFFFFC00, v6;
	v61 =	vadd.s32 v4, v20;
	[tilespmem:s15+$0x30] =	vst v5  }
0x249: {  	v11 =	vand.u32 $0xFFFFFC00, v11;
	v6 =	vadd.s32 v4, v6;
	v8 =	vor.u32 v8, v61;
	v5 =	vld.idx.msk [tilespmem:v12+s8+$0x0], $0xffff  }
0x24a: {  	v9 =	vand.u32 $0xFFFFFC00, v9;
	v6 =	vor.u32 v59, v6;
	v8 =	vor.u32 v3, v8  }
0x24b: {  	v7 =	vand.u32 $0xFFFFFC00, v7;
	v11 =	vadd.s32 v4, v11;
	v6 =	vor.u32 v3, v6  }
0x24c: {  	v10 =	vand.u32 $0xFFFFFC00, v10;
	v9 =	vadd.s32 v4, v9;
	v11 =	vor.u32 v60, v11  }
0x24d: {  	v7 =	vadd.s32 v4, v7;
	v9 =	vor.u32 v17, v9;
	v11 =	vor.u32 v3, v11  }
0x24e: {  	v10 =	vadd.s32 v4, v10;
	v7 =	vor.u32 v18, v7;
	v9 =	vor.u32 v3, v9  }
0x24f: {  	v62 =	vadd.s32 v4, v13;
	v10 =	vor.u32 v19, v10;
	v7 =	vor.u32 v3, v7;
	v8 =	vld.idx.msk [tilespmem:v8+s8+$0x0], $0xffff  }
0x250: {  	v4 =	vor.u32 v16, v62;
	v10 =	vor.u32 v3, v10;
	v6 =	vld.idx.msk [tilespmem:v6+s8+$0x0], $0xffff  }
0x251: {  	v3 =	vor.u32 v3, v4;
	v5 =	vld.idx.msk [tilespmem:v5+s16+$0x0], $0xffff  }
0x252: {  	v63 =	vld.idx.msk [tilespmem:v11+s8+$0x0], $0xffff  }
0x253: {  	v9 =	vld.idx.msk [tilespmem:v9+s8+$0x0], $0xffff  }
0x254: {  	v7 =	vld.idx.msk [tilespmem:v7+s8+$0x0], $0xffff  }
0x255: {  	s0 =	sadd.s32 $0x400, s15;
	v10 =	vld.idx.msk [tilespmem:v10+s8+$0x0], $0xffff  }
0x256: {  	v3 =	vld.idx.msk [tilespmem:v3+s8+$0x0], $0xffff;
	[tilespmem:s0+$0xFFFFFFC0] =	vst v5  }
0x257: {  	v5 =	vld.idx.msk [tilespmem:v8+s16+$0x0], $0xffff;
	_ =	sdelay $0x4  }
0x258: {  	[tilespmem:s0+$0xFFFFFFD0] =	vst v5  }
0x259: {  	v5 =	vld.idx.msk [tilespmem:v6+s16+$0x0], $0xffff;
	_ =	sdelay $0x4  }
0x25a: {  	[tilespmem:s0+$0xFFFFFFE0] =	vst v5  }
0x25b: {  	v4 =	vld.idx.msk [tilespmem:v63+s16+$0x0], $0xffff;
	_ =	sdelay $0x4  }
0x25c: {  	[tilespmem:s0+$0xFFFFFFF0] =	vst v4  }
0x25d: {  	v4 =	vld.idx.msk [tilespmem:v9+s16+$0x0], $0xffff;
	_ =	sdelay $0x4  }
0x25e: {  	[tilespmem:s0+$0x0] =	vst v4  }
0x25f: {  	v4 =	vld.idx.msk [tilespmem:v7+s16+$0x0], $0xffff;
	_ =	sdelay $0x4  }
0x260: {  	[tilespmem:s0+$0x10] =	vst v4  }
0x261: {  	v4 =	vld.idx.msk [tilespmem:v10+s16+$0x0], $0xffff;
	_ =	sdelay $0x4  }
0x262: {  	[tilespmem:s0+$0x20] =	vst v4  }
0x263: {  	v3 =	vld.idx.msk [tilespmem:v3+s16+$0x0], $0xffff;
	_ =	sdelay $0x4  }
0x264: {  	[tilespmem:s0+$0x30] =	vst v3  }
0x265: {  	s28 =	sadd.s32 $0x1, s28;
	v3 =	vld [tilespmem:s30+$0x0]  }
0x266: {  	p1 =	sne.s32 s28, $0x20  }
.Ltmp6:
0x267: {  	_ = 	snop;
	(pc) =	sbr.rel @p1 .LBB2_12-.Ltmp6, $3  }
0x268: {  	_ =	sdelay $0x1  }
0x269: {  	v3 =	vsel vm0, v2, v3  }
0x26a: {  	s26 =	sadd.s32 $0x200, s26;
	s25 =	sadd.s32 $0x1, s25;
	[tilespmem:s30+$0x0] =	vst v3  }
0x26b: {  	s25 =	simm.s32 $0x0;
	s0 =	rddreg [dreg:$0x14]  }
0x26c: {  	[hbm4b:s0+s25] =	stream.linear.scatter [tilespmem:s20], [sflag:$0x1], $0x4000, $0x38;
	[tilespmem:$0x18200] =	vst v63  }
0x26d: {  	s7 =	rddreg [dreg:$0x15]  }
0x26e: {  	[hbm4b:s7+s25] =	stream.linear.scatter [tilespmem:s20], [sflag:$0x1], $0x4000, $0x38;
	[tilespmem:$0x18200] =	vst v63  }
0x26f: {  	s9 =	rddreg [dreg:$0x16]  }
0x270: {  	[hbm4b:s9+s25] =	stream.linear.scatter [tilespmem:s20], [sflag:$0x1], $0x4000, $0x38;
	[tilespmem:$0x18200] =	vst v63  }
0x271: {  	s10 =	rddreg [dreg:$0x17]  }
0x272: {  	[hbm4b:s10+s25] =	stream.linear.scatter [tilespmem:s20], [sflag:$0x1], $0x4000, $0x38;
	[tilespmem:$0x18200] =	vst v63  }
0x273: {  	s15 =	rddreg [dreg:$0x18]  }
0x274: {  	[hbm4b:s15+s25] =	stream.linear.scatter [tilespmem:s20], [sflag:$0x1], $0x4000, $0x38;
	[tilespmem:$0x18200] =	vst v63  }
0x275: {  	s26 =	rddreg [dreg:$0x19]  }
0x276: {  	[hbm4b:s26+s25] =	stream.linear.scatter [tilespmem:s20], [sflag:$0x1], $0x4000, $0x38;
	[tilespmem:$0x18200] =	vst v63  }
0x277: {  	s30 =	rddreg [dreg:$0x1a]  }
0x278: {  	[hbm4b:s30+s25] =	stream.linear.scatter [tilespmem:s20], [sflag:$0x1], $0x4000, $0x38;
	[tilespmem:$0x18200] =	vst v63  }
0x279: {  	s31 =	rddreg [dreg:$0x1b]  }
0x27a: {  	[hbm4b:s31+s25] =	stream.linear.scatter [tilespmem:s20], [sflag:$0x1], $0x4000, $0x38;
	[tilespmem:$0x18200] =	vst v63  }
0x27b: {  	_ =	swait.ge [sflag:s23], $0x4000  }
0x27c: {  	[sflag:s23] =	ssyncset.done $0x0  }
0x27d: {  	[sflag:s23] =	ssyncadd.s32 $0xFFFFC000  }
0x27e: {  	_ =	swait.ge [sflag:s23], $0x4000  }
0x27f: {  	[sflag:s23] =	ssyncset.done $0x0  }
0x280: {  	[sflag:s23] =	ssyncadd.s32 $0xFFFFC000  }
0x281: {  	_ =	swait.ge [sflag:s23], $0x4000  }
0x282: {  	[sflag:s23] =	ssyncset.done $0x0  }
0x283: {  	[sflag:s23] =	ssyncadd.s32 $0xFFFFC000  }
0x284: {  	_ =	swait.ge [sflag:s23], $0x4000  }
0x285: {  	[sflag:s23] =	ssyncset.done $0x0  }
0x286: {  	[sflag:s23] =	ssyncadd.s32 $0xFFFFC000  }
0x287: {  	_ =	swait.ge [sflag:s23], $0x4000  }
0x288: {  	[sflag:s23] =	ssyncset.done $0x0  }
0x289: {  	[sflag:s23] =	ssyncadd.s32 $0xFFFFC000  }
0x28a: {  	_ =	swait.ge [sflag:s23], $0x4000  }
0x28b: {  	[sflag:s23] =	ssyncset.done $0x0  }
0x28c: {  	[sflag:s23] =	ssyncadd.s32 $0xFFFFC000  }
0x28d: {  	_ =	swait.ge [sflag:s23], $0x4000  }
0x28e: {  	[sflag:s23] =	ssyncset.done $0x0  }
0x28f: {  	[sflag:s23] =	ssyncadd.s32 $0xFFFFC000  }
0x290: {  	_ =	swait.ge [sflag:s23], $0x4000  }
0x291: {  	[sflag:s23] =	ssyncset.done $0x0  }
0x292: {  	s28 =	simm.s32 $0x0;
	s26 =	simm.s32 $0x0;
	[sflag:s23] =	ssyncadd.s32 $0xFFFFC000  }
.LBB2_16:
0x293: {  	s9 =	simm.s32 $0x70;
	s5 =	simm.s32 $0x20  }
0x294: {  	s10 =	simm.s32 $0x30;
	s15 =	simm.s32 $0x40;
	s6 =	simm.s32 $0x50;
	v5 =	vadd.s32 s9, v1;
	v6 =	vadd.s32 s5, v1  }
0x295: {  	s7 =	simm.s32 $0x0;
	s31 =	simm.s32 $0x60;
	v7 =	vadd.s32 s10, v1;
	v8 =	vadd.s32 s15, v1;
	v9 =	vadd.s32 s6, v1  }
0x296: {  	s0 =	sor.u32 s28, s1;
	s9 =	simm.s32 $0x10;
	v10 =	vadd.s32 s7, v1;
	v12 =	vadd.s32 s31, v1;
	vm1 =	vgt.s32 v5, $0x0  }
0x297: {  	s0 =	ssub.s32 s0, s2;
	v11 =	vadd.s32 s9, v1;
	vm2 =	vgt.s32 v6, $0x0;
	vm3 =	vgt.s32 v7, $0x0  }
0x298: {  	s0 =	sadd.s32 $0x60, s0;
	vm4 =	vgt.s32 v8, $0x0;
	vm5 =	vgt.s32 v9, $0x0;
	vm6 =	vgt.s32 v12, $0x0  }
0x299: {  	v3 =	vmov s0;
	v5 =	vnsel vm1, $0x0, v5;
	vm1 =	vgt.s32 v10, $0x0  }
0x29a: {  	v6 =	vnsel vm2, $0x0, v6;
	v7 =	vnsel vm3, $0x0, v7;
	v8 =	vnsel vm4, $0x0, v8  }
0x29b: {  	v9 =	vnsel vm5, $0x0, v9;
	v12 =	vnsel vm6, $0x0, v12;
	v4 =	vshll.u32 v3, $0x9  }
0x29c: {  	v3 =	vshll.u32 v3, $0x7;
	v10 =	vnsel vm1, $0x0, v10;
	vm1 =	vgt.s32 v11, $0x0  }
0x29d: {  	v14 =	vand.u32 $0x7F, v5;
	v5 =	vshll.u32 v5, $0x3;
	v13 =	vshll.u32 v10, $0x3  }
0x29e: {  	v15 =	vand.u32 $0x7F, v7;
	v4 =	vand.u32 $0xFFFFF000, v4;
	v13 =	vand.u32 $0xFFFFFC00, v13  }
0x29f: {  	v16 =	vand.u32 $0x7F, v8;
	v10 =	vand.u32 $0x7F, v10;
	v13 =	vadd.s32 v4, v13  }
0x2a0: {  	v17 =	vand.u32 $0x7F, v9;
	v3 =	vand.u32 $0x380, v3;
	v10 =	vor.u32 v10, v13  }
0x2a1: {  	v18 =	vand.u32 $0x7F, v12;
	v7 =	vshll.u32 v7, $0x3;
	v10 =	vor.u32 v3, v10  }
0x2a2: {  	v8 =	vshll.u32 v8, $0x3;
	v9 =	vshll.u32 v9, $0x3;
	v11 =	vnsel vm1, $0x0, v11  }
0x2a3: {  	v12 =	vshll.u32 v12, $0x3;
	v5 =	vand.u32 $0xFFFFFC00, v5;
	v19 =	vshll.u32 v11, $0x3  }
0x2a4: {  	v7 =	vand.u32 $0xFFFFFC00, v7;
	v8 =	vand.u32 $0xFFFFFC00, v8;
	v19 =	vand.u32 $0xFFFFFC00, v19  }
0x2a5: {  	v9 =	vand.u32 $0xFFFFFC00, v9;
	v11 =	vand.u32 $0x7F, v11;
	v19 =	vadd.s32 v4, v19  }
0x2a6: {  	v12 =	vand.u32 $0xFFFFFC00, v12;
	v7 =	vadd.s32 v4, v7;
	v11 =	vor.u32 v11, v19;
	v10 =	vld.idx.msk [tilespmem:v10+s8+$0x0], $0xffff  }
0x2a7: {  	v8 =	vadd.s32 v4, v8;
	v7 =	vor.u32 v15, v7;
	v11 =	vor.u32 v3, v11  }
0x2a8: {  	v9 =	vadd.s32 v4, v9;
	v12 =	vadd.s32 v4, v12;
	v7 =	vor.u32 v3, v7  }
0x2a9: {  	v8 =	vor.u32 v16, v8;
	v13 =	vand.u32 $0x7F, v6;
	v6 =	vshll.u32 v6, $0x3  }
0x2aa: {  	v9 =	vor.u32 v17, v9;
	v8 =	vor.u32 v3, v8;
	v6 =	vand.u32 $0xFFFFFC00, v6  }
0x2ab: {  	v12 =	vor.u32 v18, v12;
	v9 =	vor.u32 v3, v9;
	v6 =	vadd.s32 v4, v6  }
0x2ac: {  	v5 =	vadd.s32 v4, v5;
	v12 =	vor.u32 v3, v12;
	v6 =	vor.u32 v13, v6;
	v11 =	vld.idx.msk [tilespmem:v11+s8+$0x0], $0xffff  }
0x2ad: {  	v5 =	vor.u32 v14, v5;
	v6 =	vor.u32 v3, v6;
	v7 =	vld.idx.msk [tilespmem:v7+s8+$0x0], $0xffff  }
0x2ae: {  	s5 =	sshll.u32 s26, $0x2;
	s6 =	sand.u32 $0x7, s25;
	v5 =	vor.u32 v3, v5;
	v10 =	vld.idx.msk [tilespmem:v10+s16+$0x0], $0xffff  }
0x2af: {  	s0 =	sand.u32 $0xFFFFC000, s5;
	s5 =	sshll.u32 s6, $0x9;
	v8 =	vld.idx.msk [tilespmem:v8+s8+$0x0], $0xffff  }
0x2b0: {  	s0 =	sor.u32 s5, s0;
	v9 =	vld.idx.msk [tilespmem:v9+s8+$0x0], $0xffff  }
0x2b1: {  	s0 =	sshrl.u32 s0, $0x2;
	v12 =	vld.idx.msk [tilespmem:v12+s8+$0x0], $0xffff  }
0x2b2: {  	s15 =	sadd.s32 $0x14000, s0;
	v6 =	vld.idx.msk [tilespmem:v6+s8+$0x0], $0xffff  }
0x2b3: {  	v5 =	vld.idx.msk [tilespmem:v5+s8+$0x0], $0xffff;
	[tilespmem:s15+$0x0] =	vst v10  }
0x2b4: {  	v10 =	vld.idx.msk [tilespmem:v11+s16+$0x0], $0xffff;
	_ =	sdelay $0x4  }
0x2b5: {  	[tilespmem:s15+$0x10] =	vst v10  }
0x2b6: {  	v6 =	vld.idx.msk [tilespmem:v6+s16+$0x0], $0xffff;
	_ =	sdelay $0x4  }
0x2b7: {  	[tilespmem:s15+$0x20] =	vst v6  }
0x2b8: {  	v6 =	vld.idx.msk [tilespmem:v7+s16+$0x0], $0xffff;
	_ =	sdelay $0x4  }
0x2b9: {  	[tilespmem:s15+$0x30] =	vst v6  }
0x2ba: {  	v6 =	vld.idx.msk [tilespmem:v8+s16+$0x0], $0xffff;
	_ =	sdelay $0x4  }
0x2bb: {  	[tilespmem:s15+$0x40] =	vst v6  }
0x2bc: {  	v7 =	vld.idx.msk [tilespmem:v9+s16+$0x0], $0xffff  }
0x2bd: {  	s7 =	sshll.u32 s28, $0x9  }
0x2be: {  	s10 =	simm.s32 $0xF0;
	s31 =	simm.s32 $0xA0;
	s9 =	sshll.u32 s28, $0x7  }
0x2bf: {  	s6 =	simm.s32 $0xB0;
	s5 =	sand.u32 $0x380, s9;
	s9 =	simm.s32 $0x80  }
0x2c0: {  	s0 =	sand.u32 $0x3000, s7;
	s7 =	simm.s32 $0xC0;
	v14 =	vadd.s32 s9, v1;
	v13 =	vadd.s32 s10, v1;
	v6 =	vadd.s32 s31, v1;
	s31 =	simm.s32 $0xD0  }
0x2c1: {  	s0 =	sor.u32 s5, s0;
	s10 =	simm.s32 $0x90;
	vm1 =	vgt.s32 v13, $0x0;
	v11 =	vadd.s32 s6, v1;
	[tilespmem:s15+$0x50] =	vst v7;
	v7 =	vadd.s32 s31, v1;
	s31 =	simm.s32 $0xE0  }
0x2c2: {  	s30 =	sor.u32 $0x14000, s0;
	s0 =	simm.s32 $0x170;
	v8 =	vadd.s32 s10, v1;
	v9 =	vadd.s32 s7, v1;
	v12 =	vld.idx.msk [tilespmem:v12+s16+$0x0], $0xffff;
	v10 =	vadd.s32 s31, v1  }
.LBB2_17:
0x2c3: {  	p1 =	sne.s32 s0, $0x1F0;
	vm2 =	vgt.s32 v6, $0x0;
	vm3 =	vgt.s32 v11, $0x0;
	v13 =	vnsel vm1, $0x0, v13  }
0x2c4: {  	vm1 =	vgt.s32 v14, $0x0;
	vm4 =	vgt.s32 v9, $0x0;
	vm5 =	vgt.s32 v7, $0x0  }
0x2c5: {  	vm6 =	vgt.s32 v10, $0x0;
	v14 =	vnsel vm1, $0x0, v14;
	vm1 =	vgt.s32 v8, $0x0  }
0x2c6: {  	v16 =	vand.u32 $0x7F, v13;
	v13 =	vshll.u32 v13, $0x3;
	v15 =	vshll.u32 v14, $0x3  }
0x2c7: {  	v6 =	vnsel vm2, $0x0, v6;
	v11 =	vnsel vm3, $0x0, v11;
	v15 =	vand.u32 $0xFFFFFC00, v15;
	[tilespmem:s15+$0x60] =	vst v12  }
0x2c8: {  	v9 =	vnsel vm4, $0x0, v9;
	v12 =	vand.u32 $0x7F, v14;
	v14 =	vadd.s32 v4, v15;
	v5 =	vld.idx.msk [tilespmem:v5+s16+$0x0], $0xffff  }
0x2c9: {  	v7 =	vnsel vm5, $0x0, v7;
	v10 =	vnsel vm6, $0x0, v10;
	v12 =	vor.u32 v12, v14  }
0x2ca: {  	v8 =	vnsel vm1, $0x0, v8;
	v14 =	vand.u32 $0x7F, v6;
	v12 =	vor.u32 v3, v12  }
0x2cb: {  	v17 =	vand.u32 $0x7F, v9;
	v18 =	vand.u32 $0x7F, v7;
	v15 =	vand.u32 $0x7F, v11  }
0x2cc: {  	v19 =	vand.u32 $0x7F, v10;
	v13 =	vand.u32 $0xFFFFFC00, v13;
	v6 =	vshll.u32 v6, $0x3  }
0x2cd: {  	v9 =	vshll.u32 v9, $0x3;
	v20 =	vshll.u32 v8, $0x3;
	v11 =	vshll.u32 v11, $0x3  }
0x2ce: {  	v7 =	vshll.u32 v7, $0x3;
	v10 =	vshll.u32 v10, $0x3;
	v20 =	vand.u32 $0xFFFFFC00, v20;
	[tilespmem:s15+$0x70] =	vst v5  }
0x2cf: {  	v8 =	vand.u32 $0x7F, v8;
	v6 =	vand.u32 $0xFFFFFC00, v6;
	v5 =	vld.idx.msk [tilespmem:v12+s8+$0x0], $0xffff;
	v12 =	vadd.s32 v4, v20  }
0x2d0: {  	v9 =	vand.u32 $0xFFFFFC00, v9;
	v11 =	vand.u32 $0xFFFFFC00, v11;
	v8 =	vor.u32 v8, v12  }
0x2d1: {  	v7 =	vand.u32 $0xFFFFFC00, v7;
	v6 =	vadd.s32 v4, v6;
	v8 =	vor.u32 v3, v8  }
0x2d2: {  	v10 =	vand.u32 $0xFFFFFC00, v10;
	v11 =	vadd.s32 v4, v11;
	v6 =	vor.u32 v14, v6  }
0x2d3: {  	v9 =	vadd.s32 v4, v9;
	v11 =	vor.u32 v15, v11;
	v6 =	vor.u32 v3, v6  }
0x2d4: {  	v7 =	vadd.s32 v4, v7;
	v9 =	vor.u32 v17, v9;
	v11 =	vor.u32 v3, v11  }
0x2d5: {  	v10 =	vadd.s32 v4, v10;
	v7 =	vor.u32 v18, v7;
	v9 =	vor.u32 v3, v9  }
0x2d6: {  	v10 =	vor.u32 v19, v10;
	v7 =	vor.u32 v3, v7;
	v12 =	vadd.s32 v4, v13;
	v8 =	vld.idx.msk [tilespmem:v8+s8+$0x0], $0xffff  }
0x2d7: {  	v10 =	vor.u32 v3, v10;
	v12 =	vor.u32 v16, v12;
	v13 =	vld.idx.msk [tilespmem:v5+s16+$0x0], $0xffff  }
0x2d8: {  	v5 =	vor.u32 v3, v12;
	v6 =	vld.idx.msk [tilespmem:v6+s8+$0x0], $0xffff  }
0x2d9: {  	v11 =	vld.idx.msk [tilespmem:v11+s8+$0x0], $0xffff  }
0x2da: {  	v9 =	vld.idx.msk [tilespmem:v9+s8+$0x0], $0xffff  }
0x2db: {  	v7 =	vld.idx.msk [tilespmem:v7+s8+$0x0], $0xffff  }
0x2dc: {  	s15 =	sadd.s32 $0x400, s15;
	v10 =	vld.idx.msk [tilespmem:v10+s8+$0x0], $0xffff  }
0x2dd: {  	v5 =	vld.idx.msk [tilespmem:v5+s8+$0x0], $0xffff;
	[tilespmem:s15+$0x0] =	vst v13  }
0x2de: {  	v8 =	vld.idx.msk [tilespmem:v8+s16+$0x0], $0xffff;
	_ =	sdelay $0x5  }
0x2df: {  	[tilespmem:s15+$0x10] =	vst v8  }
0x2e0: {  	v6 =	vld.idx.msk [tilespmem:v6+s16+$0x0], $0xffff;
	_ =	sdelay $0x5  }
0x2e1: {  	[tilespmem:s15+$0x20] =	vst v6  }
0x2e2: {  	v6 =	vld.idx.msk [tilespmem:v11+s16+$0x0], $0xffff;
	_ =	sdelay $0x5  }
0x2e3: {  	[tilespmem:s15+$0x30] =	vst v6  }
0x2e4: {  	v6 =	vld.idx.msk [tilespmem:v9+s16+$0x0], $0xffff;
	_ =	sdelay $0x5  }
0x2e5: {  	[tilespmem:s15+$0x40] =	vst v6  }
0x2e6: {  	v7 =	vld.idx.msk [tilespmem:v7+s16+$0x0], $0xffff;
	_ =	sdelay $0x3  }
.Ltmp7:
0x2e7: {  	(pc) =	sbr.rel @p1 .LBB2_17-.Ltmp7, $4  }
0x2e8: {  	s5 =	sadd.s32 $0xFFFFFFB0, s0;
	v13 =	vadd.s32 s0, v1  }
0x2e9: {  	s6 =	sadd.s32 $0xFFFFFFD0, s0;
	s7 =	sadd.s32 $0xFFFFFFE0, s0;
	vm1 =	vgt.s32 v13, $0x0;
	v6 =	vadd.s32 s5, v1;
	s5 =	sadd.s32 $0xFFFFFFC0, s0;
	[tilespmem:s15+$0x50] =	vst v7  }
0x2ea: {  	s9 =	sadd.s32 $0xFFFFFF90, s0;
	s10 =	sadd.s32 $0xFFFFFFA0, s0;
	v9 =	vadd.s32 s6, v1;
	v11 =	vadd.s32 s5, v1;
	s5 =	sadd.s32 $0xFFFFFFF0, s0;
	v7 =	vadd.s32 s7, v1;
	v12 =	vld.idx.msk [tilespmem:v10+s16+$0x0], $0xffff  }
0x2eb: {  	v14 =	vadd.s32 s9, v1;
	v8 =	vadd.s32 s10, v1;
	s0 =	sadd.s32 $0x80, s0;
	v10 =	vadd.s32 s5, v1  }
0x2ec: {  	vm2 =	vgt.s32 v6, $0x0;
	vm3 =	vgt.s32 v11, $0x0;
	v13 =	vnsel vm1, $0x0, v13  }
0x2ed: {  	vm1 =	vgt.s32 v14, $0x0;
	vm4 =	vgt.s32 v9, $0x0;
	vm5 =	vgt.s32 v7, $0x0  }
0x2ee: {  	vm6 =	vgt.s32 v10, $0x0;
	v14 =	vnsel vm1, $0x0, v14;
	vm1 =	vgt.s32 v8, $0x0  }
0x2ef: {  	v16 =	vand.u32 $0x7F, v13;
	v13 =	vshll.u32 v13, $0x3;
	v6 =	vnsel vm2, $0x0, v6  }
0x2f0: {  	v11 =	vnsel vm3, $0x0, v11;
	v9 =	vnsel vm4, $0x0, v9;
	v15 =	vshll.u32 v14, $0x3  }
0x2f1: {  	v7 =	vnsel vm5, $0x0, v7;
	v10 =	vnsel vm6, $0x0, v10;
	v15 =	vand.u32 $0xFFFFFC00, v15  }
0x2f2: {  	v57 =	vand.u32 $0x7F, v14;
	v8 =	vnsel vm1, $0x0, v8;
	[tilespmem:s15+$0x60] =	vst v12;
	v58 =	vadd.s32 v4, v15  }
0x2f3: {  	v59 =	vand.u32 $0x7F, v6;
	v60 =	vand.u32 $0x7F, v11;
	v5 =	vld.idx.msk [tilespmem:v5+s16+$0x0], $0xffff;
	v12 =	vor.u32 v57, v58  }
0x2f4: {  	v17 =	vand.u32 $0x7F, v9;
	v18 =	vand.u32 $0x7F, v7;
	v12 =	vor.u32 v3, v12  }
0x2f5: {  	v6 =	vshll.u32 v6, $0x3;
	v19 =	vand.u32 $0x7F, v10;
	v13 =	vand.u32 $0xFFFFFC00, v13  }
0x2f6: {  	v11 =	vshll.u32 v11, $0x3;
	v9 =	vshll.u32 v9, $0x3;
	v20 =	vshll.u32 v8, $0x3  }
0x2f7: {  	v7 =	vshll.u32 v7, $0x3;
	v10 =	vshll.u32 v10, $0x3;
	v20 =	vand.u32 $0xFFFFFC00, v20  }
0x2f8: {  	v8 =	vand.u32 $0x7F, v8;
	v6 =	vand.u32 $0xFFFFFC00, v6;
	v61 =	vadd.s32 v4, v20;
	[tilespmem:s15+$0x70] =	vst v5  }
0x2f9: {  	v11 =	vand.u32 $0xFFFFFC00, v11;
	v6 =	vadd.s32 v4, v6;
	v8 =	vor.u32 v8, v61;
	v5 =	vld.idx.msk [tilespmem:v12+s8+$0x0], $0xffff  }
0x2fa: {  	v9 =	vand.u32 $0xFFFFFC00, v9;
	v6 =	vor.u32 v59, v6;
	v8 =	vor.u32 v3, v8  }
0x2fb: {  	v7 =	vand.u32 $0xFFFFFC00, v7;
	v11 =	vadd.s32 v4, v11;
	v6 =	vor.u32 v3, v6  }
0x2fc: {  	v10 =	vand.u32 $0xFFFFFC00, v10;
	v9 =	vadd.s32 v4, v9;
	v11 =	vor.u32 v60, v11  }
0x2fd: {  	v7 =	vadd.s32 v4, v7;
	v9 =	vor.u32 v17, v9;
	v11 =	vor.u32 v3, v11  }
0x2fe: {  	v10 =	vadd.s32 v4, v10;
	v7 =	vor.u32 v18, v7;
	v9 =	vor.u32 v3, v9  }
0x2ff: {  	v62 =	vadd.s32 v4, v13;
	v10 =	vor.u32 v19, v10;
	v7 =	vor.u32 v3, v7;
	v8 =	vld.idx.msk [tilespmem:v8+s8+$0x0], $0xffff  }
0x300: {  	v4 =	vor.u32 v16, v62;
	v10 =	vor.u32 v3, v10;
	v6 =	vld.idx.msk [tilespmem:v6+s8+$0x0], $0xffff  }
0x301: {  	v3 =	vor.u32 v3, v4;
	v5 =	vld.idx.msk [tilespmem:v5+s16+$0x0], $0xffff  }
0x302: {  	v63 =	vld.idx.msk [tilespmem:v11+s8+$0x0], $0xffff  }
0x303: {  	v9 =	vld.idx.msk [tilespmem:v9+s8+$0x0], $0xffff  }
0x304: {  	v7 =	vld.idx.msk [tilespmem:v7+s8+$0x0], $0xffff  }
0x305: {  	s0 =	sadd.s32 $0x400, s15;
	v10 =	vld.idx.msk [tilespmem:v10+s8+$0x0], $0xffff  }
0x306: {  	v3 =	vld.idx.msk [tilespmem:v3+s8+$0x0], $0xffff;
	[tilespmem:s0+$0x0] =	vst v5  }
0x307: {  	v5 =	vld.idx.msk [tilespmem:v8+s16+$0x0], $0xffff;
	_ =	sdelay $0x4  }
0x308: {  	[tilespmem:s0+$0x10] =	vst v5  }
0x309: {  	v5 =	vld.idx.msk [tilespmem:v6+s16+$0x0], $0xffff;
	_ =	sdelay $0x4  }
0x30a: {  	[tilespmem:s0+$0x20] =	vst v5  }
0x30b: {  	v4 =	vld.idx.msk [tilespmem:v63+s16+$0x0], $0xffff;
	_ =	sdelay $0x4  }
0x30c: {  	[tilespmem:s0+$0x30] =	vst v4  }
0x30d: {  	v4 =	vld.idx.msk [tilespmem:v9+s16+$0x0], $0xffff;
	_ =	sdelay $0x4  }
0x30e: {  	[tilespmem:s0+$0x40] =	vst v4  }
0x30f: {  	v4 =	vld.idx.msk [tilespmem:v7+s16+$0x0], $0xffff;
	_ =	sdelay $0x4  }
0x310: {  	[tilespmem:s0+$0x50] =	vst v4  }
0x311: {  	v4 =	vld.idx.msk [tilespmem:v10+s16+$0x0], $0xffff;
	_ =	sdelay $0x4  }
0x312: {  	[tilespmem:s0+$0x60] =	vst v4  }
0x313: {  	v3 =	vld.idx.msk [tilespmem:v3+s16+$0x0], $0xffff;
	_ =	sdelay $0x4  }
0x314: {  	[tilespmem:s0+$0x70] =	vst v3  }
0x315: {  	s28 =	sadd.s32 $0x1, s28;
	v3 =	vld [tilespmem:s30+$0x0]  }
0x316: {  	p1 =	sne.s32 s28, $0x20  }
.Ltmp8:
0x317: {  	_ = 	snop;
	(pc) =	sbr.rel @p1 .LBB2_16-.Ltmp8, $3  }
0x318: {  	_ =	sdelay $0x1  }
0x319: {  	v3 =	vsel vm0, v2, v3  }
0x31a: {  	s26 =	sadd.s32 $0x200, s26;
	s25 =	sadd.s32 $0x1, s25;
	[tilespmem:s30+$0x0] =	vst v3  }
0x31b: {  	s0 =	rddreg [dreg:$0x1c]  }
0x31c: {  	s10 =	rddreg [dreg:$0x1d]  }
0x31d: {  	[hbm4b:s0+s8] =	stream.linear.scatter [tilespmem:s22], [sflag:$0x2], $0x4000, $0x38;
	[tilespmem:$0x18200] =	vst v63  }
0x31e: {  	s15 =	rddreg [dreg:$0x1e]  }
0x31f: {  	[hbm4b:s10+s8] =	stream.linear.scatter [tilespmem:s22], [sflag:$0x2], $0x4000, $0x38;
	[tilespmem:$0x18200] =	vst v63  }
0x320: {  	s25 =	rddreg [dreg:$0x1f]  }
0x321: {  	[hbm4b:s15+s8] =	stream.linear.scatter [tilespmem:s22], [sflag:$0x2], $0x4000, $0x38;
	[tilespmem:$0x18200] =	vst v63  }
0x322: {  	s26 =	sld [smem:$0x7F9]  }
0x323: {  	[hbm4b:s25+s8] =	stream.linear.scatter [tilespmem:s22], [sflag:$0x2], $0x4000, $0x38;
	[tilespmem:$0x18200] =	vst v63  }
0x324: {  	s28 =	sld [smem:$0x7FA]  }
0x325: {  	[hbm4b:s26+s8] =	stream.linear.scatter [tilespmem:s22], [sflag:$0x2], $0x4000, $0x38;
	[tilespmem:$0x18200] =	vst v63  }
0x326: {  	s30 =	sld [smem:$0x7FB]  }
0x327: {  	[hbm4b:s28+s8] =	stream.linear.scatter [tilespmem:s22], [sflag:$0x2], $0x4000, $0x38;
	[tilespmem:$0x18200] =	vst v63  }
0x328: {  	s31 =	sld [smem:$0x7FC]  }
0x329: {  	[hbm4b:s30+s8] =	stream.linear.scatter [tilespmem:s22], [sflag:$0x2], $0x4000, $0x38;
	[tilespmem:$0x18200] =	vst v63  }
0x32a: {  	_ = 	snop  }
0x32b: {  	[hbm4b:s31+s8] =	stream.linear.scatter [tilespmem:s22], [sflag:$0x2], $0x4000, $0x38;
	[tilespmem:$0x18200] =	vst v63  }
0x32c: {  	_ =	swait.ge [sflag:s13], $0x4000  }
0x32d: {  	[sflag:s13] =	ssyncset.done $0x0  }
0x32e: {  	[sflag:s13] =	ssyncadd.s32 $0xFFFFC000  }
0x32f: {  	_ =	swait.ge [sflag:s13], $0x4000  }
0x330: {  	[sflag:s13] =	ssyncset.done $0x0  }
0x331: {  	[sflag:s13] =	ssyncadd.s32 $0xFFFFC000  }
0x332: {  	_ =	swait.ge [sflag:s13], $0x4000  }
0x333: {  	[sflag:s13] =	ssyncset.done $0x0  }
0x334: {  	[sflag:s13] =	ssyncadd.s32 $0xFFFFC000  }
0x335: {  	_ =	swait.ge [sflag:s13], $0x4000  }
0x336: {  	[sflag:s13] =	ssyncset.done $0x0  }
0x337: {  	[sflag:s13] =	ssyncadd.s32 $0xFFFFC000  }
0x338: {  	_ =	swait.ge [sflag:s13], $0x4000  }
0x339: {  	[sflag:s13] =	ssyncset.done $0x0  }
0x33a: {  	[sflag:s13] =	ssyncadd.s32 $0xFFFFC000  }
0x33b: {  	_ =	swait.ge [sflag:s13], $0x4000  }
0x33c: {  	[sflag:s13] =	ssyncset.done $0x0  }
0x33d: {  	[sflag:s13] =	ssyncadd.s32 $0xFFFFC000  }
0x33e: {  	_ =	swait.ge [sflag:s13], $0x4000  }
0x33f: {  	[sflag:s13] =	ssyncset.done $0x0  }
0x340: {  	[sflag:s13] =	ssyncadd.s32 $0xFFFFC000  }
0x341: {  	_ =	swait.ge [sflag:s13], $0x4000  }
0x342: {  	[sflag:s13] =	ssyncset.done $0x0  }
0x343: {  	[sflag:s13] =	ssyncadd.s32 $0xFFFFC000  }
0x344: {  	_ =	swait.ge [sflag:s23], $0x4000  }
0x345: {  	[sflag:s23] =	ssyncset.done $0x0  }
0x346: {  	[sflag:s23] =	ssyncadd.s32 $0xFFFFC000  }
0x347: {  	_ =	swait.ge [sflag:s23], $0x4000  }
0x348: {  	[sflag:s23] =	ssyncset.done $0x0  }
0x349: {  	[sflag:s23] =	ssyncadd.s32 $0xFFFFC000  }
0x34a: {  	_ =	swait.ge [sflag:s23], $0x4000  }
0x34b: {  	[sflag:s23] =	ssyncset.done $0x0  }
0x34c: {  	[sflag:s23] =	ssyncadd.s32 $0xFFFFC000  }
0x34d: {  	_ =	swait.ge [sflag:s23], $0x4000  }
0x34e: {  	[sflag:s23] =	ssyncset.done $0x0  }
0x34f: {  	[sflag:s23] =	ssyncadd.s32 $0xFFFFC000  }
0x350: {  	_ =	swait.ge [sflag:s23], $0x4000  }
0x351: {  	[sflag:s23] =	ssyncset.done $0x0  }
0x352: {  	[sflag:s23] =	ssyncadd.s32 $0xFFFFC000  }
0x353: {  	_ =	swait.ge [sflag:s23], $0x4000  }
0x354: {  	[sflag:s23] =	ssyncset.done $0x0  }
0x355: {  	s24 =	sadd.s32 $0x1, s24;
	[sflag:s23] =	ssyncadd.s32 $0xFFFFC000  }
0x356: {  	p1 =	sne.s32 s24, s12;
	_ =	swait.ge [sflag:s23], $0x4000  }
.Ltmp9:
0x357: {  	[sflag:s23] =	ssyncset.done $0x0;
	(pc) =	sbr.rel @p1 .LBB2_1-.Ltmp9, $4  }
0x358: {  	[sflag:s23] =	ssyncadd.s32 $0xFFFFC000  }
0x359: {  	_ =	swait.ge [sflag:s23], $0x4000  }
0x35a: {  	[sflag:s23] =	ssyncset.done $0x0  }
0x35b: {  	[sflag:s23] =	ssyncadd.s32 $0xFFFFC000  }
0x35c: {  	_ =	sfence.sel $0x180000  }
0x35d: {  	[bflag:$0x0] =	sbarrier.arrive $0xFFFF  }
0x35e: {  	_ =	strace $0x90000047  }
0x35f: {  	s0 =	stileid.u32;
	[bflag:$0x2] =	sbarrier.arrive $0xFFFF  }
0x360: {  	p0 =	sne.s32 s0, $0x0;
	s0 =	rddreg [dreg:$0x3]  }
0x361: {  	s0 =	sadd.s32 @!p0 $0x100000, s0  }
0x362: {  	[sflag:s0] =	ssyncadd.tile.s32 @!p0 $0x1;
	_ =	shalt  }
.Lfunc_end2:
_tile_overlayer_lowered:
.L_overlay_start_2:
0x363: {  	(tag) =	ssettag $0x2  }
0x364: {  	s0 =	rddreg [dreg:$0x0];
	s2 =	stileid.u32  }
0x365: {  	s1 =	rddreg [dreg:$0x1];
	p0 =	sne.s32 s2, $0x0  }
0x366: {  	s3 =	rddreg [dreg:$0x2];
	[bflag:$0x3] =	sbarrier.arrive $0xFFFF;
	s2 =	simm.s32 @!p0 $0x1C04  }
0x367: {  	[timem:s3], [sflag:s2] =	dma.local @!p0 [hbm:s0], s1  }
0x368: {  	s0 =	simm.s32 @!p0 $0x4  }
0x369: {  	_ =	swait.ge @!p0 [sflag:s0], s1  }
0x36a: {  	s1 =	ssub.s32 @!p0 $0x0, s1;
	[sflag:s0] =	ssyncset.done @!p0 $0x0  }
0x36b: {  	[sflag:s0] =	ssyncadd.s32 @!p0 s1  }
0x36c: {  	[bflag:$0x3] =	sbarrier.arrive $0xFFFF  }
0x36d: {  	_ =	shalt  }

</sc_bundles>
